<compile_context>
chip_gen: v7x
topology: tpu7x:2x2x1
jax: 0.10.2.dev20260603
libtpu: 0.0.44.dev20260713+nightly
codegen_flags: <defaults>
</compile_context>

<pallas_src>
import functools

import jax
import jax.numpy as jnp
from jax import lax
from jax.experimental import pallas as pl
from jax.experimental.pallas import tpu as pltpu
from jax.experimental.pallas import tpu_sc as plsc

B, C, H, W = 8, 96, 112, 112
K = 2
NH, NW_ = H * K, W * K
PLANES = B * C
LANES = 16

RIN = 56
ROUT = RIN * K
SPLITS = H // RIN
UNITS = PLANES * SPLITS
N_WORKERS = 32
PER_WORKER = UNITS // N_WORKERS
RIN_H = RIN // 2
ROUT_H = ROUT // 2

_mesh = plsc.VectorSubcoreMesh(core_axis_name="c", subcore_axis_name="s")


def _zero_fill(out_v):
    zero = jnp.zeros((LANES,), jnp.float32)

    @plsc.parallel_loop(0, ROUT)
    def _(r):
        for t in range(NW_ // LANES):
            out_v[r, pl.ds(t * LANES, LANES)] = zero


def _scatter_rows(in_v, out_v, i_lo, i_hi):
    two_iota = lax.iota(jnp.int32, LANES) * 2

    @plsc.parallel_loop(i_lo, i_hi, unroll=2)
    def _(i):
        row_idx = jnp.full((LANES,), 2 * i + 1, jnp.int32)
        for q in range(W // LANES):
            x = in_v[i, pl.ds(q * LANES, LANES)]
            col_idx = two_iota + (2 * q * LANES + 1)
            plsc.store_scatter(out_v, [row_idx, col_idx], x)


@functools.partial(
    pl.kernel,
    out_type=jax.ShapeDtypeStruct((B, C, NH, NW_), jnp.float32),
    mesh=_mesh,
    scratch_types=[
        pltpu.VMEM((RIN, W), jnp.float32),
        pltpu.VMEM((RIN, W), jnp.float32),
        pltpu.VMEM((ROUT, NW_), jnp.float32),
        pltpu.VMEM((ROUT, NW_), jnp.float32),
        pltpu.SemaphoreType.DMA,
        pltpu.SemaphoreType.DMA,
        pltpu.SemaphoreType.DMA,
        pltpu.SemaphoreType.DMA,
        pltpu.SemaphoreType.DMA,
        pltpu.SemaphoreType.DMA,
    ],
    compiler_params=pltpu.CompilerParams(
        needs_layout_passes=False, use_tc_tiling_on_sc=True),
)
def _unpool_sc(in_hbm, out_hbm, in_v0, in_v1, out_v0, out_v1,
               sem_i0, sem_i1, sem_o00, sem_o01, sem_o10, sem_o11):
    wid = lax.axis_index("s") * 2 + lax.axis_index("c")
    base_unit = wid * PER_WORKER

    in_v = [in_v0, in_v1]
    out_v = [out_v0, out_v1]
    sem_i = [sem_i0, sem_i1]
    sem_o = [[sem_o00, sem_o01], [sem_o10, sem_o11]]

    def in_slice(p):
        unit = base_unit + p
        plane = unit // SPLITS
        half = unit % SPLITS
        return in_hbm.at[plane // C, plane % C, pl.ds(half * RIN, RIN)]

    def out_slice(p, hs):
        unit = base_unit + p
        plane = unit // SPLITS
        half = unit % SPLITS
        return out_hbm.at[plane // C, plane % C,
                          pl.ds(half * ROUT + hs * ROUT_H, ROUT_H)]

    def out_half(u, hs):
        return out_v[u].at[pl.ds(hs * ROUT_H, ROUT_H)]

    def process_unit(p, u, first):
        nxt = jnp.minimum(p + 1, PER_WORKER - 1)
        pltpu.async_copy(in_slice(nxt), in_v[1 - u], sem_i[1 - u])
        pltpu.make_async_copy(in_slice(p), in_v[u], sem_i[u]).wait()
        for hs in range(2):
            if not first:
                pltpu.make_async_copy(
                    out_half(u, hs), out_slice(p, hs), sem_o[u][hs]).wait()
            _scatter_rows(in_v[u], out_v[u], hs * RIN_H, (hs + 1) * RIN_H)
            pltpu.async_copy(out_half(u, hs), out_slice(p, hs), sem_o[u][hs])

    pltpu.async_copy(in_slice(0), in_v[0], sem_i[0])
    _zero_fill(out_v[0])
    _zero_fill(out_v[1])
    process_unit(jnp.int32(0), 0, True)
    process_unit(jnp.int32(1), 1, True)

    def pair_body(g, carry):
        process_unit(2 * g, 0, False)
        process_unit(2 * g + 1, 1, False)
        return carry

    lax.fori_loop(1, PER_WORKER // 2, pair_body, 0)

    pltpu.make_async_copy(
        in_slice(PER_WORKER - 1), in_v[0], sem_i[0]).wait()
    for u in range(2):
        p_last = PER_WORKER - 2 + u
        for hs in range(2):
            pltpu.make_async_copy(
                out_half(u, hs),
                out_slice(jnp.int32(p_last), hs), sem_o[u][hs]).wait()


def kernel(input):
    return _unpool_sc(input)

# --- scband reference (transcript-rebuilt; emitter-appended) ---
"""Pipeline reference for scband-corner2d-max-unpool-16338055594562 (READ-ONLY COPY).

The authoritative reference and input builder live on the scoring server;
editing this copy changes nothing except your own understanding.
"""

import jax, jax.numpy as jnp
import numpy as np

KERNEL_SIZE = 2

def _corner_indexes(height, width, k):
    new_h = height * k
    new_w = width * k
    idx = np.array([i * new_w + j
                    for i in range(k - 1, new_h, k)
                    for j in range(k - 1, new_w, k)], dtype=np.int64)
    return idx  # length height*width


def setup_inputs(seed: int = 0) -> dict:
    key = jax.random.key(seed)
    x = jax.random.normal(key, (8, 96, 112, 112), dtype=jnp.float32)
    return {"input": x}


def reference(input):
    k = KERNEL_SIZE
    b, c, h, w = input.shape
    assert h % k == 0 and w % k == 0, 'Invalid kernel size.'
    new_h = h * k
    new_w = w * k
    idx = jnp.asarray(_corner_indexes(h, w, k))  # [h*w] flat positions in output
    flat_in = input.reshape(b, c, h * w)
    out_flat = jnp.zeros((b, c, new_h * new_w), dtype=input.dtype)
    # scatter-overwrite: place each pooled value at the bottom-right corner of its cell
    out_flat = out_flat.at[:, :, idx].set(flat_in)
    return out_flat.reshape(b, c, new_h, new_w)

if __name__ == "__main__":
    import jax
    _d = setup_inputs()
    print(jax.jit(kernel)(*tuple(_d.values())))

</pallas_src>

<mosaic_0001>
#map = affine_map<(d0, d1) -> (0, 0, 0, 0)>
module attributes {stable_mosaic.version = 14 : i64} {
  func.func @_unpool_sc(%arg0: i32, %arg1: i32, %arg2: memref<8x96x112x112xf32, #tpu.memory_space<hbm>>, %arg3: memref<8x96x224x224xf32, #tpu.memory_space<hbm>>, %arg4: memref<56x112xf32, #tpu.memory_space<vmem>>, %arg5: memref<56x112xf32, #tpu.memory_space<vmem>>, %arg6: memref<112x224xf32, #tpu.memory_space<vmem>>, %arg7: memref<112x224xf32, #tpu.memory_space<vmem>>, %arg8: memref<!tpu.dma_semaphore, #tpu.memory_space<semaphore_mem>>, %arg9: memref<!tpu.dma_semaphore, #tpu.memory_space<semaphore_mem>>, %arg10: memref<!tpu.dma_semaphore, #tpu.memory_space<semaphore_mem>>, %arg11: memref<!tpu.dma_semaphore, #tpu.memory_space<semaphore_mem>>, %arg12: memref<!tpu.dma_semaphore, #tpu.memory_space<semaphore_mem>>, %arg13: memref<!tpu.dma_semaphore, #tpu.memory_space<semaphore_mem>>) attributes {dimension_semantics = [#tpu.dimension_semantics<core_parallel>, #tpu.dimension_semantics<subcore_parallel>], iteration_bounds = array<i64: 2, 16>, scalar_prefetch = 0 : i64, scratch_operands = 10 : i64, tpu.core_type = #tpu.core_type<sc_vector_subcore>, window_params = [{transform_indices = #map}, {transform_indices = #map}]} {
    %mul3A = arith.constant 2 : i32
    %mul3A_0 = arith.muli %arg1, %mul3A : i32
    %add3A = arith.addi %mul3A_0, %arg0 : i32
    %mul3A_1 = arith.constant 48 : i32
    %mul3A_2 = arith.muli %add3A, %mul3A_1 : i32
    %add3A_3 = arith.constant 0 : i32
    %add3A_4 = arith.addi %mul3A_2, %add3A_3 : i32
    %jit3A = arith.constant 2 : i32
    %div3A = arith.divsi %add3A_4, %jit3A : i32
    %sign3A = arith.constant 0 : i32
    %sign3A_5 = arith.cmpi sgt, %add3A_4, %sign3A : i32
    %sign3A_6 = arith.extui %sign3A_5 : i1 to i32
    %sign3A_7 = arith.constant 0 : i32
    %sign3A_8 = arith.cmpi slt, %add3A_4, %sign3A_7 : i32
    %sign3A_9 = arith.extui %sign3A_8 : i1 to i32
    %sign3A_10 = arith.subi %sign3A_6, %sign3A_9 : i32
    %sign3A_11 = arith.constant 0 : i32
    %sign3A_12 = arith.cmpi sgt, %jit3A, %sign3A_11 : i32
    %sign3A_13 = arith.extui %sign3A_12 : i1 to i32
    %sign3A_14 = arith.constant 0 : i32
    %sign3A_15 = arith.cmpi slt, %jit3A, %sign3A_14 : i32
    %sign3A_16 = arith.extui %sign3A_15 : i1 to i32
    %sign3A_17 = arith.subi %sign3A_13, %sign3A_16 : i32
    %ne3A = arith.cmpi ne, %sign3A_10, %sign3A_17 : i32
    %rem3A = arith.remsi %add3A_4, %jit3A : i32
    %ne3A_18 = arith.constant 0 : i32
    %ne3A_19 = arith.cmpi ne, %rem3A, %ne3A_18 : i32
    %and3A = arith.andi %ne3A, %ne3A_19 : i1
    %sub3A = arith.constant 1 : i32
    %sub3A_20 = arith.subi %div3A, %sub3A : i32
    %select_n3A = arith.select %and3A, %sub3A_20, %div3A : i32
    %jit3A_21 = arith.constant 2 : i32
    %eq3A = arith.constant 0 : i32
    %eq3A_22 = arith.cmpi eq, %jit3A_21, %eq3A : i32
    %jit3A_23 = arith.constant 1 : i32
    %select_n3A_24 = arith.select %eq3A_22, %jit3A_23, %jit3A_21 : i32
    %rem3A_25 = arith.remsi %add3A_4, %select_n3A_24 : i32
    %ne3A_26 = arith.constant 0 : i32
    %ne3A_27 = arith.cmpi ne, %rem3A_25, %ne3A_26 : i32
    %lt3A = arith.constant 0 : i32
    %lt3A_28 = arith.cmpi slt, %rem3A_25, %lt3A : i32
    %lt3A_29 = arith.constant 0 : i32
    %lt3A_30 = arith.cmpi slt, %select_n3A_24, %lt3A_29 : i32
    %ne3A_31 = arith.xori %lt3A_28, %lt3A_30 : i1
    %and3A_32 = arith.andi %ne3A_31, %ne3A_27 : i1
    %add3A_33 = arith.addi %rem3A_25, %select_n3A_24 : i32
    %select_n3A_34 = arith.select %and3A_32, %add3A_33, %rem3A_25 : i32
    %jit3A_35 = arith.constant 96 : i32
    %div3A_36 = arith.divsi %select_n3A, %jit3A_35 : i32
    %sign3A_37 = arith.constant 0 : i32
    %sign3A_38 = arith.cmpi sgt, %select_n3A, %sign3A_37 : i32
    %sign3A_39 = arith.extui %sign3A_38 : i1 to i32
    %sign3A_40 = arith.constant 0 : i32
    %sign3A_41 = arith.cmpi slt, %select_n3A, %sign3A_40 : i32
    %sign3A_42 = arith.extui %sign3A_41 : i1 to i32
    %sign3A_43 = arith.subi %sign3A_39, %sign3A_42 : i32
    %sign3A_44 = arith.constant 0 : i32
    %sign3A_45 = arith.cmpi sgt, %jit3A_35, %sign3A_44 : i32
    %sign3A_46 = arith.extui %sign3A_45 : i1 to i32
    %sign3A_47 = arith.constant 0 : i32
    %sign3A_48 = arith.cmpi slt, %jit3A_35, %sign3A_47 : i32
    %sign3A_49 = arith.extui %sign3A_48 : i1 to i32
    %sign3A_50 = arith.subi %sign3A_46, %sign3A_49 : i32
    %ne3A_51 = arith.cmpi ne, %sign3A_43, %sign3A_50 : i32
    %rem3A_52 = arith.remsi %select_n3A, %jit3A_35 : i32
    %ne3A_53 = arith.constant 0 : i32
    %ne3A_54 = arith.cmpi ne, %rem3A_52, %ne3A_53 : i32
    %and3A_55 = arith.andi %ne3A_51, %ne3A_54 : i1
    %sub3A_56 = arith.constant 1 : i32
    %sub3A_57 = arith.subi %div3A_36, %sub3A_56 : i32
    %select_n3A_58 = arith.select %and3A_55, %sub3A_57, %div3A_36 : i32
    %jit3A_59 = arith.constant 96 : i32
    %eq3A_60 = arith.constant 0 : i32
    %eq3A_61 = arith.cmpi eq, %jit3A_59, %eq3A_60 : i32
    %jit3A_62 = arith.constant 1 : i32
    %select_n3A_63 = arith.select %eq3A_61, %jit3A_62, %jit3A_59 : i32
    %rem3A_64 = arith.remsi %select_n3A, %select_n3A_63 : i32
    %ne3A_65 = arith.constant 0 : i32
    %ne3A_66 = arith.cmpi ne, %rem3A_64, %ne3A_65 : i32
    %lt3A_67 = arith.constant 0 : i32
    %lt3A_68 = arith.cmpi slt, %rem3A_64, %lt3A_67 : i32
    %lt3A_69 = arith.constant 0 : i32
    %lt3A_70 = arith.cmpi slt, %select_n3A_63, %lt3A_69 : i32
    %ne3A_71 = arith.xori %lt3A_68, %lt3A_70 : i1
    %and3A_72 = arith.andi %ne3A_71, %ne3A_66 : i1
    %add3A_73 = arith.addi %rem3A_64, %select_n3A_63 : i32
    %select_n3A_74 = arith.select %and3A_72, %add3A_73, %rem3A_64 : i32
    %mul3A_75 = arith.constant 56 : i32
    %mul3A_76 = arith.muli %select_n3A_34, %mul3A_75 : i32
    %dma_start3A = arith.constant 0 : i32
    %dma_start3A_77 = tpu.memref_slice %arg2[%select_n3A_58, %select_n3A_74, %mul3A_76, %dma_start3A] : memref<8x96x112x112xf32, #tpu.memory_space<hbm>> -> memref<1x1x56x112xf32, #tpu.memory_space<hbm>>
    %dma_start3A_78 = tpu.memref_squeeze %dma_start3A_77 : memref<1x1x56x112xf32, #tpu.memory_space<hbm>> -> memref<56x112xf32, #tpu.memory_space<hbm>>
    %dma_start3A_79 = arith.constant 0 : i32
    %dma_start3A_80 = tpu.memref_slice %arg2[%select_n3A_58, %select_n3A_74, %mul3A_76, %dma_start3A_79] : memref<8x96x112x112xf32, #tpu.memory_space<hbm>> -> memref<1x1x56x112xf32, #tpu.memory_space<hbm>>
    %dma_start3A_81 = tpu.memref_squeeze %dma_start3A_80 : memref<1x1x56x112xf32, #tpu.memory_space<hbm>> -> memref<56x112xf32, #tpu.memory_space<hbm>>
    tpu.enqueue_dma source(%dma_start3A_81 : memref<56x112xf32, #tpu.memory_space<hbm>>) target(%arg4 : memref<56x112xf32, #tpu.memory_space<vmem>>) target_semaphore(%arg8 : memref<!tpu.dma_semaphore, #tpu.memory_space<semaphore_mem>>)
    %broadcast_in_dim3A = arith.constant 0.000000e+00 : f32
    %broadcast_in_dim3A_82 = vector.broadcast %broadcast_in_dim3A : f32 to vector<16xf32>
    %parallel_loop3A = arith.constant 0 : i32
    %parallel_loop3A_83 = arith.constant 112 : i32
    %parallel_loop3A_84 = arith.constant 1 : i32
    scf.for %parallel_loop3A_1362 = %parallel_loop3A to %parallel_loop3A_83 step %parallel_loop3A_84  : i32 {
      %parallel_loop3A_1363 = arith.index_cast %parallel_loop3A_1362 : i32 to index
      %parallel_loop3A_1364 = arith.constant 0 : index
      %parallel_loop3A_1365 = tpu.vector_load %arg6[%parallel_loop3A_1363, %parallel_loop3A_1364] {strides = array<i32>} : memref<112x224xf32, #tpu.memory_space<vmem>>, vector<16xf32>,
      tpu.vector_store %arg6[%parallel_loop3A_1363, %parallel_loop3A_1364], %broadcast_in_dim3A_82 {strides = array<i32>} : memref<112x224xf32, #tpu.memory_space<vmem>>, vector<16xf32>,
      %parallel_loop3A_1366 = arith.index_cast %parallel_loop3A_1362 : i32 to index
      %parallel_loop3A_1367 = arith.constant 16 : index
      %parallel_loop3A_1368 = tpu.vector_load %arg6[%parallel_loop3A_1366, %parallel_loop3A_1367] {strides = array<i32>} : memref<112x224xf32, #tpu.memory_space<vmem>>, vector<16xf32>,
      tpu.vector_store %arg6[%parallel_loop3A_1366, %parallel_loop3A_1367], %broadcast_in_dim3A_82 {strides = array<i32>} : memref<112x224xf32, #tpu.memory_space<vmem>>, vector<16xf32>,
      %parallel_loop3A_1369 = arith.index_cast %parallel_loop3A_1362 : i32 to index
      %parallel_loop3A_1370 = arith.constant 32 : index
      %parallel_loop3A_1371 = tpu.vector_load %arg6[%parallel_loop3A_1369, %parallel_loop3A_1370] {strides = array<i32>} : memref<112x224xf32, #tpu.memory_space<vmem>>, vector<16xf32>,
      tpu.vector_store %arg6[%parallel_loop3A_1369, %parallel_loop3A_1370], %broadcast_in_dim3A_82 {strides = array<i32>} : memref<112x224xf32, #tpu.memory_space<vmem>>, vector<16xf32>,
      %parallel_loop3A_1372 = arith.index_cast %parallel_loop3A_1362 : i32 to index
      %parallel_loop3A_1373 = arith.constant 48 : index
      %parallel_loop3A_1374 = tpu.vector_load %arg6[%parallel_loop3A_1372, %parallel_loop3A_1373] {strides = array<i32>} : memref<112x224xf32, #tpu.memory_space<vmem>>, vector<16xf32>,
      tpu.vector_store %arg6[%parallel_loop3A_1372, %parallel_loop3A_1373], %broadcast_in_dim3A_82 {strides = array<i32>} : memref<112x224xf32, #tpu.memory_space<vmem>>, vector<16xf32>,
      %parallel_loop3A_1375 = arith.index_cast %parallel_loop3A_1362 : i32 to index
      %parallel_loop3A_1376 = arith.constant 64 : index
      %parallel_loop3A_1377 = tpu.vector_load %arg6[%parallel_loop3A_1375, %parallel_loop3A_1376] {strides = array<i32>} : memref<112x224xf32, #tpu.memory_space<vmem>>, vector<16xf32>,
      tpu.vector_store %arg6[%parallel_loop3A_1375, %parallel_loop3A_1376], %broadcast_in_dim3A_82 {strides = array<i32>} : memref<112x224xf32, #tpu.memory_space<vmem>>, vector<16xf32>,
      %parallel_loop3A_1378 = arith.index_cast %parallel_loop3A_1362 : i32 to index
      %parallel_loop3A_1379 = arith.constant 80 : index
      %parallel_loop3A_1380 = tpu.vector_load %arg6[%parallel_loop3A_1378, %parallel_loop3A_1379] {strides = array<i32>} : memref<112x224xf32, #tpu.memory_space<vmem>>, vector<16xf32>,
      tpu.vector_store %arg6[%parallel_loop3A_1378, %parallel_loop3A_1379], %broadcast_in_dim3A_82 {strides = array<i32>} : memref<112x224xf32, #tpu.memory_space<vmem>>, vector<16xf32>,
      %parallel_loop3A_1381 = arith.index_cast %parallel_loop3A_1362 : i32 to index
      %parallel_loop3A_1382 = arith.constant 96 : index
      %parallel_loop3A_1383 = tpu.vector_load %arg6[%parallel_loop3A_1381, %parallel_loop3A_1382] {strides = array<i32>} : memref<112x224xf32, #tpu.memory_space<vmem>>, vector<16xf32>,
      tpu.vector_store %arg6[%parallel_loop3A_1381, %parallel_loop3A_1382], %broadcast_in_dim3A_82 {strides = array<i32>} : memref<112x224xf32, #tpu.memory_space<vmem>>, vector<16xf32>,
      %parallel_loop3A_1384 = arith.index_cast %parallel_loop3A_1362 : i32 to index
      %parallel_loop3A_1385 = arith.constant 112 : index
      %parallel_loop3A_1386 = tpu.vector_load %arg6[%parallel_loop3A_1384, %parallel_loop3A_1385] {strides = array<i32>} : memref<112x224xf32, #tpu.memory_space<vmem>>, vector<16xf32>,
      tpu.vector_store %arg6[%parallel_loop3A_1384, %parallel_loop3A_1385], %broadcast_in_dim3A_82 {strides = array<i32>} : memref<112x224xf32, #tpu.memory_space<vmem>>, vector<16xf32>,
      %parallel_loop3A_1387 = arith.index_cast %parallel_loop3A_1362 : i32 to index
      %parallel_loop3A_1388 = arith.constant 128 : index
      %parallel_loop3A_1389 = tpu.vector_load %arg6[%parallel_loop3A_1387, %parallel_loop3A_1388] {strides = array<i32>} : memref<112x224xf32, #tpu.memory_space<vmem>>, vector<16xf32>,
      tpu.vector_store %arg6[%parallel_loop3A_1387, %parallel_loop3A_1388], %broadcast_in_dim3A_82 {strides = array<i32>} : memref<112x224xf32, #tpu.memory_space<vmem>>, vector<16xf32>,
      %parallel_loop3A_1390 = arith.index_cast %parallel_loop3A_1362 : i32 to index
      %parallel_loop3A_1391 = arith.constant 144 : index
      %parallel_loop3A_1392 = tpu.vector_load %arg6[%parallel_loop3A_1390, %parallel_loop3A_1391] {strides = array<i32>} : memref<112x224xf32, #tpu.memory_space<vmem>>, vector<16xf32>,
      tpu.vector_store %arg6[%parallel_loop3A_1390, %parallel_loop3A_1391], %broadcast_in_dim3A_82 {strides = array<i32>} : memref<112x224xf32, #tpu.memory_space<vmem>>, vector<16xf32>,
      %parallel_loop3A_1393 = arith.index_cast %parallel_loop3A_1362 : i32 to index
      %parallel_loop3A_1394 = arith.constant 160 : index
      %parallel_loop3A_1395 = tpu.vector_load %arg6[%parallel_loop3A_1393, %parallel_loop3A_1394] {strides = array<i32>} : memref<112x224xf32, #tpu.memory_space<vmem>>, vector<16xf32>,
      tpu.vector_store %arg6[%parallel_loop3A_1393, %parallel_loop3A_1394], %broadcast_in_dim3A_82 {strides = array<i32>} : memref<112x224xf32, #tpu.memory_space<vmem>>, vector<16xf32>,
      %parallel_loop3A_1396 = arith.index_cast %parallel_loop3A_1362 : i32 to index
      %parallel_loop3A_1397 = arith.constant 176 : index
      %parallel_loop3A_1398 = tpu.vector_load %arg6[%parallel_loop3A_1396, %parallel_loop3A_1397] {strides = array<i32>} : memref<112x224xf32, #tpu.memory_space<vmem>>, vector<16xf32>,
      tpu.vector_store %arg6[%parallel_loop3A_1396, %parallel_loop3A_1397], %broadcast_in_dim3A_82 {strides = array<i32>} : memref<112x224xf32, #tpu.memory_space<vmem>>, vector<16xf32>,
      %parallel_loop3A_1399 = arith.index_cast %parallel_loop3A_1362 : i32 to index
      %parallel_loop3A_1400 = arith.constant 192 : index
      %parallel_loop3A_1401 = tpu.vector_load %arg6[%parallel_loop3A_1399, %parallel_loop3A_1400] {strides = array<i32>} : memref<112x224xf32, #tpu.memory_space<vmem>>, vector<16xf32>,
      tpu.vector_store %arg6[%parallel_loop3A_1399, %parallel_loop3A_1400], %broadcast_in_dim3A_82 {strides = array<i32>} : memref<112x224xf32, #tpu.memory_space<vmem>>, vector<16xf32>,
      %parallel_loop3A_1402 = arith.index_cast %parallel_loop3A_1362 : i32 to index
      %parallel_loop3A_1403 = arith.constant 208 : index
      %parallel_loop3A_1404 = tpu.vector_load %arg6[%parallel_loop3A_1402, %parallel_loop3A_1403] {strides = array<i32>} : memref<112x224xf32, #tpu.memory_space<vmem>>, vector<16xf32>,
      tpu.vector_store %arg6[%parallel_loop3A_1402, %parallel_loop3A_1403], %broadcast_in_dim3A_82 {strides = array<i32>} : memref<112x224xf32, #tpu.memory_space<vmem>>, vector<16xf32>,
    } {sc.loop_unroll_factor = 1 : i64, sc.parallel_access}
    %broadcast_in_dim3A_85 = arith.constant 0.000000e+00 : f32
    %broadcast_in_dim3A_86 = vector.broadcast %broadcast_in_dim3A_85 : f32 to vector<16xf32>
    %parallel_loop3A_87 = arith.constant 0 : i32
    %parallel_loop3A_88 = arith.constant 112 : i32
    %parallel_loop3A_89 = arith.constant 1 : i32
    scf.for %parallel_loop3A_1362 = %parallel_loop3A_87 to %parallel_loop3A_88 step %parallel_loop3A_89  : i32 {
      %parallel_loop3A_1363 = arith.index_cast %parallel_loop3A_1362 : i32 to index
      %parallel_loop3A_1364 = arith.constant 0 : index
      %parallel_loop3A_1365 = tpu.vector_load %arg7[%parallel_loop3A_1363, %parallel_loop3A_1364] {strides = array<i32>} : memref<112x224xf32, #tpu.memory_space<vmem>>, vector<16xf32>,
      tpu.vector_store %arg7[%parallel_loop3A_1363, %parallel_loop3A_1364], %broadcast_in_dim3A_86 {strides = array<i32>} : memref<112x224xf32, #tpu.memory_space<vmem>>, vector<16xf32>,
      %parallel_loop3A_1366 = arith.index_cast %parallel_loop3A_1362 : i32 to index
      %parallel_loop3A_1367 = arith.constant 16 : index
      %parallel_loop3A_1368 = tpu.vector_load %arg7[%parallel_loop3A_1366, %parallel_loop3A_1367] {strides = array<i32>} : memref<112x224xf32, #tpu.memory_space<vmem>>, vector<16xf32>,
      tpu.vector_store %arg7[%parallel_loop3A_1366, %parallel_loop3A_1367], %broadcast_in_dim3A_86 {strides = array<i32>} : memref<112x224xf32, #tpu.memory_space<vmem>>, vector<16xf32>,
      %parallel_loop3A_1369 = arith.index_cast %parallel_loop3A_1362 : i32 to index
      %parallel_loop3A_1370 = arith.constant 32 : index
      %parallel_loop3A_1371 = tpu.vector_load %arg7[%parallel_loop3A_1369, %parallel_loop3A_1370] {strides = array<i32>} : memref<112x224xf32, #tpu.memory_space<vmem>>, vector<16xf32>,
      tpu.vector_store %arg7[%parallel_loop3A_1369, %parallel_loop3A_1370], %broadcast_in_dim3A_86 {strides = array<i32>} : memref<112x224xf32, #tpu.memory_space<vmem>>, vector<16xf32>,
      %parallel_loop3A_1372 = arith.index_cast %parallel_loop3A_1362 : i32 to index
      %parallel_loop3A_1373 = arith.constant 48 : index
      %parallel_loop3A_1374 = tpu.vector_load %arg7[%parallel_loop3A_1372, %parallel_loop3A_1373] {strides = array<i32>} : memref<112x224xf32, #tpu.memory_space<vmem>>, vector<16xf32>,
      tpu.vector_store %arg7[%parallel_loop3A_1372, %parallel_loop3A_1373], %broadcast_in_dim3A_86 {strides = array<i32>} : memref<112x224xf32, #tpu.memory_space<vmem>>, vector<16xf32>,
      %parallel_loop3A_1375 = arith.index_cast %parallel_loop3A_1362 : i32 to index
      %parallel_loop3A_1376 = arith.constant 64 : index
      %parallel_loop3A_1377 = tpu.vector_load %arg7[%parallel_loop3A_1375, %parallel_loop3A_1376] {strides = array<i32>} : memref<112x224xf32, #tpu.memory_space<vmem>>, vector<16xf32>,
      tpu.vector_store %arg7[%parallel_loop3A_1375, %parallel_loop3A_1376], %broadcast_in_dim3A_86 {strides = array<i32>} : memref<112x224xf32, #tpu.memory_space<vmem>>, vector<16xf32>,
      %parallel_loop3A_1378 = arith.index_cast %parallel_loop3A_1362 : i32 to index
      %parallel_loop3A_1379 = arith.constant 80 : index
      %parallel_loop3A_1380 = tpu.vector_load %arg7[%parallel_loop3A_1378, %parallel_loop3A_1379] {strides = array<i32>} : memref<112x224xf32, #tpu.memory_space<vmem>>, vector<16xf32>,
      tpu.vector_store %arg7[%parallel_loop3A_1378, %parallel_loop3A_1379], %broadcast_in_dim3A_86 {strides = array<i32>} : memref<112x224xf32, #tpu.memory_space<vmem>>, vector<16xf32>,
      %parallel_loop3A_1381 = arith.index_cast %parallel_loop3A_1362 : i32 to index
      %parallel_loop3A_1382 = arith.constant 96 : index
      %parallel_loop3A_1383 = tpu.vector_load %arg7[%parallel_loop3A_1381, %parallel_loop3A_1382] {strides = array<i32>} : memref<112x224xf32, #tpu.memory_space<vmem>>, vector<16xf32>,
      tpu.vector_store %arg7[%parallel_loop3A_1381, %parallel_loop3A_1382], %broadcast_in_dim3A_86 {strides = array<i32>} : memref<112x224xf32, #tpu.memory_space<vmem>>, vector<16xf32>,
      %parallel_loop3A_1384 = arith.index_cast %parallel_loop3A_1362 : i32 to index
      %parallel_loop3A_1385 = arith.constant 112 : index
      %parallel_loop3A_1386 = tpu.vector_load %arg7[%parallel_loop3A_1384, %parallel_loop3A_1385] {strides = array<i32>} : memref<112x224xf32, #tpu.memory_space<vmem>>, vector<16xf32>,
      tpu.vector_store %arg7[%parallel_loop3A_1384, %parallel_loop3A_1385], %broadcast_in_dim3A_86 {strides = array<i32>} : memref<112x224xf32, #tpu.memory_space<vmem>>, vector<16xf32>,
      %parallel_loop3A_1387 = arith.index_cast %parallel_loop3A_1362 : i32 to index
      %parallel_loop3A_1388 = arith.constant 128 : index
      %parallel_loop3A_1389 = tpu.vector_load %arg7[%parallel_loop3A_1387, %parallel_loop3A_1388] {strides = array<i32>} : memref<112x224xf32, #tpu.memory_space<vmem>>, vector<16xf32>,
      tpu.vector_store %arg7[%parallel_loop3A_1387, %parallel_loop3A_1388], %broadcast_in_dim3A_86 {strides = array<i32>} : memref<112x224xf32, #tpu.memory_space<vmem>>, vector<16xf32>,
      %parallel_loop3A_1390 = arith.index_cast %parallel_loop3A_1362 : i32 to index
      %parallel_loop3A_1391 = arith.constant 144 : index
      %parallel_loop3A_1392 = tpu.vector_load %arg7[%parallel_loop3A_1390, %parallel_loop3A_1391] {strides = array<i32>} : memref<112x224xf32, #tpu.memory_space<vmem>>, vector<16xf32>,
      tpu.vector_store %arg7[%parallel_loop3A_1390, %parallel_loop3A_1391], %broadcast_in_dim3A_86 {strides = array<i32>} : memref<112x224xf32, #tpu.memory_space<vmem>>, vector<16xf32>,
      %parallel_loop3A_1393 = arith.index_cast %parallel_loop3A_1362 : i32 to index
      %parallel_loop3A_1394 = arith.constant 160 : index
      %parallel_loop3A_1395 = tpu.vector_load %arg7[%parallel_loop3A_1393, %parallel_loop3A_1394] {strides = array<i32>} : memref<112x224xf32, #tpu.memory_space<vmem>>, vector<16xf32>,
      tpu.vector_store %arg7[%parallel_loop3A_1393, %parallel_loop3A_1394], %broadcast_in_dim3A_86 {strides = array<i32>} : memref<112x224xf32, #tpu.memory_space<vmem>>, vector<16xf32>,
      %parallel_loop3A_1396 = arith.index_cast %parallel_loop3A_1362 : i32 to index
      %parallel_loop3A_1397 = arith.constant 176 : index
      %parallel_loop3A_1398 = tpu.vector_load %arg7[%parallel_loop3A_1396, %parallel_loop3A_1397] {strides = array<i32>} : memref<112x224xf32, #tpu.memory_space<vmem>>, vector<16xf32>,
      tpu.vector_store %arg7[%parallel_loop3A_1396, %parallel_loop3A_1397], %broadcast_in_dim3A_86 {strides = array<i32>} : memref<112x224xf32, #tpu.memory_space<vmem>>, vector<16xf32>,
      %parallel_loop3A_1399 = arith.index_cast %parallel_loop3A_1362 : i32 to index
      %parallel_loop3A_1400 = arith.constant 192 : index
      %parallel_loop3A_1401 = tpu.vector_load %arg7[%parallel_loop3A_1399, %parallel_loop3A_1400] {strides = array<i32>} : memref<112x224xf32, #tpu.memory_space<vmem>>, vector<16xf32>,
      tpu.vector_store %arg7[%parallel_loop3A_1399, %parallel_loop3A_1400], %broadcast_in_dim3A_86 {strides = array<i32>} : memref<112x224xf32, #tpu.memory_space<vmem>>, vector<16xf32>,
      %parallel_loop3A_1402 = arith.index_cast %parallel_loop3A_1362 : i32 to index
      %parallel_loop3A_1403 = arith.constant 208 : index
      %parallel_loop3A_1404 = tpu.vector_load %arg7[%parallel_loop3A_1402, %parallel_loop3A_1403] {strides = array<i32>} : memref<112x224xf32, #tpu.memory_space<vmem>>, vector<16xf32>,
      tpu.vector_store %arg7[%parallel_loop3A_1402, %parallel_loop3A_1403], %broadcast_in_dim3A_86 {strides = array<i32>} : memref<112x224xf32, #tpu.memory_space<vmem>>, vector<16xf32>,
    } {sc.loop_unroll_factor = 1 : i64, sc.parallel_access}
    %add3A_90 = arith.constant 0 : i32
    %add3A_91 = arith.constant 1 : i32
    %add3A_92 = arith.addi %add3A_90, %add3A_91 : i32
    %min3A = arith.constant 47 : i32
    %min3A_93 = arith.minsi %add3A_92, %min3A : i32
    %add3A_94 = arith.addi %mul3A_2, %min3A_93 : i32
    %jit3A_95 = arith.constant 2 : i32
    %div3A_96 = arith.divsi %add3A_94, %jit3A_95 : i32
    %sign3A_97 = arith.constant 0 : i32
    %sign3A_98 = arith.cmpi sgt, %add3A_94, %sign3A_97 : i32
    %sign3A_99 = arith.extui %sign3A_98 : i1 to i32
    %sign3A_100 = arith.constant 0 : i32
    %sign3A_101 = arith.cmpi slt, %add3A_94, %sign3A_100 : i32
    %sign3A_102 = arith.extui %sign3A_101 : i1 to i32
    %sign3A_103 = arith.subi %sign3A_99, %sign3A_102 : i32
    %sign3A_104 = arith.constant 0 : i32
    %sign3A_105 = arith.cmpi sgt, %jit3A_95, %sign3A_104 : i32
    %sign3A_106 = arith.extui %sign3A_105 : i1 to i32
    %sign3A_107 = arith.constant 0 : i32
    %sign3A_108 = arith.cmpi slt, %jit3A_95, %sign3A_107 : i32
    %sign3A_109 = arith.extui %sign3A_108 : i1 to i32
    %sign3A_110 = arith.subi %sign3A_106, %sign3A_109 : i32
    %ne3A_111 = arith.cmpi ne, %sign3A_103, %sign3A_110 : i32
    %rem3A_112 = arith.remsi %add3A_94, %jit3A_95 : i32
    %ne3A_113 = arith.constant 0 : i32
    %ne3A_114 = arith.cmpi ne, %rem3A_112, %ne3A_113 : i32
    %and3A_115 = arith.andi %ne3A_111, %ne3A_114 : i1
    %sub3A_116 = arith.constant 1 : i32
    %sub3A_117 = arith.subi %div3A_96, %sub3A_116 : i32
    %select_n3A_118 = arith.select %and3A_115, %sub3A_117, %div3A_96 : i32
    %jit3A_119 = arith.constant 2 : i32
    %eq3A_120 = arith.constant 0 : i32
    %eq3A_121 = arith.cmpi eq, %jit3A_119, %eq3A_120 : i32
    %jit3A_122 = arith.constant 1 : i32
    %select_n3A_123 = arith.select %eq3A_121, %jit3A_122, %jit3A_119 : i32
    %rem3A_124 = arith.remsi %add3A_94, %select_n3A_123 : i32
    %ne3A_125 = arith.constant 0 : i32
    %ne3A_126 = arith.cmpi ne, %rem3A_124, %ne3A_125 : i32
    %lt3A_127 = arith.constant 0 : i32
    %lt3A_128 = arith.cmpi slt, %rem3A_124, %lt3A_127 : i32
    %lt3A_129 = arith.constant 0 : i32
    %lt3A_130 = arith.cmpi slt, %select_n3A_123, %lt3A_129 : i32
    %ne3A_131 = arith.xori %lt3A_128, %lt3A_130 : i1
    %and3A_132 = arith.andi %ne3A_131, %ne3A_126 : i1
    %add3A_133 = arith.addi %rem3A_124, %select_n3A_123 : i32
    %select_n3A_134 = arith.select %and3A_132, %add3A_133, %rem3A_124 : i32
    %jit3A_135 = arith.constant 96 : i32
    %div3A_136 = arith.divsi %select_n3A_118, %jit3A_135 : i32
    %sign3A_137 = arith.constant 0 : i32
    %sign3A_138 = arith.cmpi sgt, %select_n3A_118, %sign3A_137 : i32
    %sign3A_139 = arith.extui %sign3A_138 : i1 to i32
    %sign3A_140 = arith.constant 0 : i32
    %sign3A_141 = arith.cmpi slt, %select_n3A_118, %sign3A_140 : i32
    %sign3A_142 = arith.extui %sign3A_141 : i1 to i32
    %sign3A_143 = arith.subi %sign3A_139, %sign3A_142 : i32
    %sign3A_144 = arith.constant 0 : i32
    %sign3A_145 = arith.cmpi sgt, %jit3A_135, %sign3A_144 : i32
    %sign3A_146 = arith.extui %sign3A_145 : i1 to i32
    %sign3A_147 = arith.constant 0 : i32
    %sign3A_148 = arith.cmpi slt, %jit3A_135, %sign3A_147 : i32
    %sign3A_149 = arith.extui %sign3A_148 : i1 to i32
    %sign3A_150 = arith.subi %sign3A_146, %sign3A_149 : i32
    %ne3A_151 = arith.cmpi ne, %sign3A_143, %sign3A_150 : i32
    %rem3A_152 = arith.remsi %select_n3A_118, %jit3A_135 : i32
    %ne3A_153 = arith.constant 0 : i32
    %ne3A_154 = arith.cmpi ne, %rem3A_152, %ne3A_153 : i32
    %and3A_155 = arith.andi %ne3A_151, %ne3A_154 : i1
    %sub3A_156 = arith.constant 1 : i32
    %sub3A_157 = arith.subi %div3A_136, %sub3A_156 : i32
    %select_n3A_158 = arith.select %and3A_155, %sub3A_157, %div3A_136 : i32
    %jit3A_159 = arith.constant 96 : i32
    %eq3A_160 = arith.constant 0 : i32
    %eq3A_161 = arith.cmpi eq, %jit3A_159, %eq3A_160 : i32
    %jit3A_162 = arith.constant 1 : i32
    %select_n3A_163 = arith.select %eq3A_161, %jit3A_162, %jit3A_159 : i32
    %rem3A_164 = arith.remsi %select_n3A_118, %select_n3A_163 : i32
    %ne3A_165 = arith.constant 0 : i32
    %ne3A_166 = arith.cmpi ne, %rem3A_164, %ne3A_165 : i32
    %lt3A_167 = arith.constant 0 : i32
    %lt3A_168 = arith.cmpi slt, %rem3A_164, %lt3A_167 : i32
    %lt3A_169 = arith.constant 0 : i32
    %lt3A_170 = arith.cmpi slt, %select_n3A_163, %lt3A_169 : i32
    %ne3A_171 = arith.xori %lt3A_168, %lt3A_170 : i1
    %and3A_172 = arith.andi %ne3A_171, %ne3A_166 : i1
    %add3A_173 = arith.addi %rem3A_164, %select_n3A_163 : i32
    %select_n3A_174 = arith.select %and3A_172, %add3A_173, %rem3A_164 : i32
    %mul3A_175 = arith.constant 56 : i32
    %mul3A_176 = arith.muli %select_n3A_134, %mul3A_175 : i32
    %dma_start3A_177 = arith.constant 0 : i32
    %dma_start3A_178 = tpu.memref_slice %arg2[%select_n3A_158, %select_n3A_174, %mul3A_176, %dma_start3A_177] : memref<8x96x112x112xf32, #tpu.memory_space<hbm>> -> memref<1x1x56x112xf32, #tpu.memory_space<hbm>>
    %dma_start3A_179 = tpu.memref_squeeze %dma_start3A_178 : memref<1x1x56x112xf32, #tpu.memory_space<hbm>> -> memref<56x112xf32, #tpu.memory_space<hbm>>
    %dma_start3A_180 = arith.constant 0 : i32
    %dma_start3A_181 = tpu.memref_slice %arg2[%select_n3A_158, %select_n3A_174, %mul3A_176, %dma_start3A_180] : memref<8x96x112x112xf32, #tpu.memory_space<hbm>> -> memref<1x1x56x112xf32, #tpu.memory_space<hbm>>
    %dma_start3A_182 = tpu.memref_squeeze %dma_start3A_181 : memref<1x1x56x112xf32, #tpu.memory_space<hbm>> -> memref<56x112xf32, #tpu.memory_space<hbm>>
    tpu.enqueue_dma source(%dma_start3A_182 : memref<56x112xf32, #tpu.memory_space<hbm>>) target(%arg5 : memref<56x112xf32, #tpu.memory_space<vmem>>) target_semaphore(%arg9 : memref<!tpu.dma_semaphore, #tpu.memory_space<semaphore_mem>>)
    %add3A_183 = arith.constant 0 : i32
    %add3A_184 = arith.addi %mul3A_2, %add3A_183 : i32
    %jit3A_185 = arith.constant 2 : i32
    %div3A_186 = arith.divsi %add3A_184, %jit3A_185 : i32
    %sign3A_187 = arith.constant 0 : i32
    %sign3A_188 = arith.cmpi sgt, %add3A_184, %sign3A_187 : i32
    %sign3A_189 = arith.extui %sign3A_188 : i1 to i32
    %sign3A_190 = arith.constant 0 : i32
    %sign3A_191 = arith.cmpi slt, %add3A_184, %sign3A_190 : i32
    %sign3A_192 = arith.extui %sign3A_191 : i1 to i32
    %sign3A_193 = arith.subi %sign3A_189, %sign3A_192 : i32
    %sign3A_194 = arith.constant 0 : i32
    %sign3A_195 = arith.cmpi sgt, %jit3A_185, %sign3A_194 : i32
    %sign3A_196 = arith.extui %sign3A_195 : i1 to i32
    %sign3A_197 = arith.constant 0 : i32
    %sign3A_198 = arith.cmpi slt, %jit3A_185, %sign3A_197 : i32
    %sign3A_199 = arith.extui %sign3A_198 : i1 to i32
    %sign3A_200 = arith.subi %sign3A_196, %sign3A_199 : i32
    %ne3A_201 = arith.cmpi ne, %sign3A_193, %sign3A_200 : i32
    %rem3A_202 = arith.remsi %add3A_184, %jit3A_185 : i32
    %ne3A_203 = arith.constant 0 : i32
    %ne3A_204 = arith.cmpi ne, %rem3A_202, %ne3A_203 : i32
    %and3A_205 = arith.andi %ne3A_201, %ne3A_204 : i1
    %sub3A_206 = arith.constant 1 : i32
    %sub3A_207 = arith.subi %div3A_186, %sub3A_206 : i32
    %select_n3A_208 = arith.select %and3A_205, %sub3A_207, %div3A_186 : i32
    %jit3A_209 = arith.constant 2 : i32
    %eq3A_210 = arith.constant 0 : i32
    %eq3A_211 = arith.cmpi eq, %jit3A_209, %eq3A_210 : i32
    %jit3A_212 = arith.constant 1 : i32
    %select_n3A_213 = arith.select %eq3A_211, %jit3A_212, %jit3A_209 : i32
    %rem3A_214 = arith.remsi %add3A_184, %select_n3A_213 : i32
    %ne3A_215 = arith.constant 0 : i32
    %ne3A_216 = arith.cmpi ne, %rem3A_214, %ne3A_215 : i32
    %lt3A_217 = arith.constant 0 : i32
    %lt3A_218 = arith.cmpi slt, %rem3A_214, %lt3A_217 : i32
    %lt3A_219 = arith.constant 0 : i32
    %lt3A_220 = arith.cmpi slt, %select_n3A_213, %lt3A_219 : i32
    %ne3A_221 = arith.xori %lt3A_218, %lt3A_220 : i1
    %and3A_222 = arith.andi %ne3A_221, %ne3A_216 : i1
    %add3A_223 = arith.addi %rem3A_214, %select_n3A_213 : i32
    %select_n3A_224 = arith.select %and3A_222, %add3A_223, %rem3A_214 : i32
    %jit3A_225 = arith.constant 96 : i32
    %div3A_226 = arith.divsi %select_n3A_208, %jit3A_225 : i32
    %sign3A_227 = arith.constant 0 : i32
    %sign3A_228 = arith.cmpi sgt, %select_n3A_208, %sign3A_227 : i32
    %sign3A_229 = arith.extui %sign3A_228 : i1 to i32
    %sign3A_230 = arith.constant 0 : i32
    %sign3A_231 = arith.cmpi slt, %select_n3A_208, %sign3A_230 : i32
    %sign3A_232 = arith.extui %sign3A_231 : i1 to i32
    %sign3A_233 = arith.subi %sign3A_229, %sign3A_232 : i32
    %sign3A_234 = arith.constant 0 : i32
    %sign3A_235 = arith.cmpi sgt, %jit3A_225, %sign3A_234 : i32
    %sign3A_236 = arith.extui %sign3A_235 : i1 to i32
    %sign3A_237 = arith.constant 0 : i32
    %sign3A_238 = arith.cmpi slt, %jit3A_225, %sign3A_237 : i32
    %sign3A_239 = arith.extui %sign3A_238 : i1 to i32
    %sign3A_240 = arith.subi %sign3A_236, %sign3A_239 : i32
    %ne3A_241 = arith.cmpi ne, %sign3A_233, %sign3A_240 : i32
    %rem3A_242 = arith.remsi %select_n3A_208, %jit3A_225 : i32
    %ne3A_243 = arith.constant 0 : i32
    %ne3A_244 = arith.cmpi ne, %rem3A_242, %ne3A_243 : i32
    %and3A_245 = arith.andi %ne3A_241, %ne3A_244 : i1
    %sub3A_246 = arith.constant 1 : i32
    %sub3A_247 = arith.subi %div3A_226, %sub3A_246 : i32
    %select_n3A_248 = arith.select %and3A_245, %sub3A_247, %div3A_226 : i32
    %jit3A_249 = arith.constant 96 : i32
    %eq3A_250 = arith.constant 0 : i32
    %eq3A_251 = arith.cmpi eq, %jit3A_249, %eq3A_250 : i32
    %jit3A_252 = arith.constant 1 : i32
    %select_n3A_253 = arith.select %eq3A_251, %jit3A_252, %jit3A_249 : i32
    %rem3A_254 = arith.remsi %select_n3A_208, %select_n3A_253 : i32
    %ne3A_255 = arith.constant 0 : i32
    %ne3A_256 = arith.cmpi ne, %rem3A_254, %ne3A_255 : i32
    %lt3A_257 = arith.constant 0 : i32
    %lt3A_258 = arith.cmpi slt, %rem3A_254, %lt3A_257 : i32
    %lt3A_259 = arith.constant 0 : i32
    %lt3A_260 = arith.cmpi slt, %select_n3A_253, %lt3A_259 : i32
    %ne3A_261 = arith.xori %lt3A_258, %lt3A_260 : i1
    %and3A_262 = arith.andi %ne3A_261, %ne3A_256 : i1
    %add3A_263 = arith.addi %rem3A_254, %select_n3A_253 : i32
    %select_n3A_264 = arith.select %and3A_262, %add3A_263, %rem3A_254 : i32
    %mul3A_265 = arith.constant 56 : i32
    %mul3A_266 = arith.muli %select_n3A_224, %mul3A_265 : i32
    %dma_wait3A = arith.constant 0 : i32
    %dma_wait3A_267 = tpu.memref_slice %arg2[%select_n3A_248, %select_n3A_264, %mul3A_266, %dma_wait3A] : memref<8x96x112x112xf32, #tpu.memory_space<hbm>> -> memref<1x1x56x112xf32, #tpu.memory_space<hbm>>
    %dma_wait3A_268 = tpu.memref_squeeze %dma_wait3A_267 : memref<1x1x56x112xf32, #tpu.memory_space<hbm>> -> memref<56x112xf32, #tpu.memory_space<hbm>>
    %dma_wait3A_269 = arith.constant 0 : i32
    %dma_wait3A_270 = tpu.memref_slice %arg2[%select_n3A_248, %select_n3A_264, %mul3A_266, %dma_wait3A_269] : memref<8x96x112x112xf32, #tpu.memory_space<hbm>> -> memref<1x1x56x112xf32, #tpu.memory_space<hbm>>
    %dma_wait3A_271 = tpu.memref_squeeze %dma_wait3A_270 : memref<1x1x56x112xf32, #tpu.memory_space<hbm>> -> memref<56x112xf32, #tpu.memory_space<hbm>>
    tpu.wait_dma2 semaphore(%arg8 : memref<!tpu.dma_semaphore, #tpu.memory_space<semaphore_mem>>) src(%dma_wait3A_271 : memref<56x112xf32, #tpu.memory_space<hbm>>) dst(%arg4 : memref<56x112xf32, #tpu.memory_space<vmem>>)
    %iota3A = tpu.iota {dimensions = array<i32: 0>} : vector<16xi32>
    %mul3A_272 = arith.constant 2 : i32
    %mul3A_273 = vector.broadcast %mul3A_272 : i32 to vector<16xi32>
    %mul3A_274 = arith.muli %iota3A, %mul3A_273 : vector<16xi32>
    %parallel_loop3A_275 = arith.constant 0 : i32
    %parallel_loop3A_276 = arith.constant 28 : i32
    %parallel_loop3A_277 = arith.constant 1 : i32
    scf.for %parallel_loop3A_1362 = %parallel_loop3A_275 to %parallel_loop3A_276 step %parallel_loop3A_277  : i32 {
      %parallel_loop3A_1363 = arith.constant 2 : i32
      %parallel_loop3A_1364 = arith.muli %parallel_loop3A_1363, %parallel_loop3A_1362 : i32
      %parallel_loop3A_1365 = arith.constant 1 : i32
      %parallel_loop3A_1366 = arith.addi %parallel_loop3A_1364, %parallel_loop3A_1365 : i32
      %parallel_loop3A_1367 = vector.broadcast %parallel_loop3A_1366 : i32 to vector<16xi32>
      %parallel_loop3A_1368 = arith.index_cast %parallel_loop3A_1362 : i32 to index
      %parallel_loop3A_1369 = arith.constant 0 : index
      %parallel_loop3A_1370 = tpu.vector_load %arg4[%parallel_loop3A_1368, %parallel_loop3A_1369] {strides = array<i32>} : memref<56x112xf32, #tpu.memory_space<vmem>>, vector<16xf32>,
      %parallel_loop3A_1371 = arith.constant 1 : i32
      %parallel_loop3A_1372 = vector.broadcast %parallel_loop3A_1371 : i32 to vector<16xi32>
      %parallel_loop3A_1373 = arith.addi %mul3A_274, %parallel_loop3A_1372 : vector<16xi32>
      tpu.vector_store_idx %arg6[%parallel_loop3A_1367, %parallel_loop3A_1373], %parallel_loop3A_1370 : memref<112x224xf32, #tpu.memory_space<vmem>>[vector<16xi32>, vector<16xi32>], vector<16xf32>,
      %parallel_loop3A_1374 = arith.index_cast %parallel_loop3A_1362 : i32 to index
      %parallel_loop3A_1375 = arith.constant 16 : index
      %parallel_loop3A_1376 = tpu.vector_load %arg4[%parallel_loop3A_1374, %parallel_loop3A_1375] {strides = array<i32>} : memref<56x112xf32, #tpu.memory_space<vmem>>, vector<16xf32>,
      %parallel_loop3A_1377 = arith.constant 33 : i32
      %parallel_loop3A_1378 = vector.broadcast %parallel_loop3A_1377 : i32 to vector<16xi32>
      %parallel_loop3A_1379 = arith.addi %mul3A_274, %parallel_loop3A_1378 : vector<16xi32>
      tpu.vector_store_idx %arg6[%parallel_loop3A_1367, %parallel_loop3A_1379], %parallel_loop3A_1376 : memref<112x224xf32, #tpu.memory_space<vmem>>[vector<16xi32>, vector<16xi32>], vector<16xf32>,
      %parallel_loop3A_1380 = arith.index_cast %parallel_loop3A_1362 : i32 to index
      %parallel_loop3A_1381 = arith.constant 32 : index
      %parallel_loop3A_1382 = tpu.vector_load %arg4[%parallel_loop3A_1380, %parallel_loop3A_1381] {strides = array<i32>} : memref<56x112xf32, #tpu.memory_space<vmem>>, vector<16xf32>,
      %parallel_loop3A_1383 = arith.constant 65 : i32
      %parallel_loop3A_1384 = vector.broadcast %parallel_loop3A_1383 : i32 to vector<16xi32>
      %parallel_loop3A_1385 = arith.addi %mul3A_274, %parallel_loop3A_1384 : vector<16xi32>
      tpu.vector_store_idx %arg6[%parallel_loop3A_1367, %parallel_loop3A_1385], %parallel_loop3A_1382 : memref<112x224xf32, #tpu.memory_space<vmem>>[vector<16xi32>, vector<16xi32>], vector<16xf32>,
      %parallel_loop3A_1386 = arith.index_cast %parallel_loop3A_1362 : i32 to index
      %parallel_loop3A_1387 = arith.constant 48 : index
      %parallel_loop3A_1388 = tpu.vector_load %arg4[%parallel_loop3A_1386, %parallel_loop3A_1387] {strides = array<i32>} : memref<56x112xf32, #tpu.memory_space<vmem>>, vector<16xf32>,
      %parallel_loop3A_1389 = arith.constant 97 : i32
      %parallel_loop3A_1390 = vector.broadcast %parallel_loop3A_1389 : i32 to vector<16xi32>
      %parallel_loop3A_1391 = arith.addi %mul3A_274, %parallel_loop3A_1390 : vector<16xi32>
      tpu.vector_store_idx %arg6[%parallel_loop3A_1367, %parallel_loop3A_1391], %parallel_loop3A_1388 : memref<112x224xf32, #tpu.memory_space<vmem>>[vector<16xi32>, vector<16xi32>], vector<16xf32>,
      %parallel_loop3A_1392 = arith.index_cast %parallel_loop3A_1362 : i32 to index
      %parallel_loop3A_1393 = arith.constant 64 : index
      %parallel_loop3A_1394 = tpu.vector_load %arg4[%parallel_loop3A_1392, %parallel_loop3A_1393] {strides = array<i32>} : memref<56x112xf32, #tpu.memory_space<vmem>>, vector<16xf32>,
      %parallel_loop3A_1395 = arith.constant 129 : i32
      %parallel_loop3A_1396 = vector.broadcast %parallel_loop3A_1395 : i32 to vector<16xi32>
      %parallel_loop3A_1397 = arith.addi %mul3A_274, %parallel_loop3A_1396 : vector<16xi32>
      tpu.vector_store_idx %arg6[%parallel_loop3A_1367, %parallel_loop3A_1397], %parallel_loop3A_1394 : memref<112x224xf32, #tpu.memory_space<vmem>>[vector<16xi32>, vector<16xi32>], vector<16xf32>,
      %parallel_loop3A_1398 = arith.index_cast %parallel_loop3A_1362 : i32 to index
      %parallel_loop3A_1399 = arith.constant 80 : index
      %parallel_loop3A_1400 = tpu.vector_load %arg4[%parallel_loop3A_1398, %parallel_loop3A_1399] {strides = array<i32>} : memref<56x112xf32, #tpu.memory_space<vmem>>, vector<16xf32>,
      %parallel_loop3A_1401 = arith.constant 161 : i32
      %parallel_loop3A_1402 = vector.broadcast %parallel_loop3A_1401 : i32 to vector<16xi32>
      %parallel_loop3A_1403 = arith.addi %mul3A_274, %parallel_loop3A_1402 : vector<16xi32>
      tpu.vector_store_idx %arg6[%parallel_loop3A_1367, %parallel_loop3A_1403], %parallel_loop3A_1400 : memref<112x224xf32, #tpu.memory_space<vmem>>[vector<16xi32>, vector<16xi32>], vector<16xf32>,
      %parallel_loop3A_1404 = arith.index_cast %parallel_loop3A_1362 : i32 to index
      %parallel_loop3A_1405 = arith.constant 96 : index
      %parallel_loop3A_1406 = tpu.vector_load %arg4[%parallel_loop3A_1404, %parallel_loop3A_1405] {strides = array<i32>} : memref<56x112xf32, #tpu.memory_space<vmem>>, vector<16xf32>,
      %parallel_loop3A_1407 = arith.constant 193 : i32
      %parallel_loop3A_1408 = vector.broadcast %parallel_loop3A_1407 : i32 to vector<16xi32>
      %parallel_loop3A_1409 = arith.addi %mul3A_274, %parallel_loop3A_1408 : vector<16xi32>
      tpu.vector_store_idx %arg6[%parallel_loop3A_1367, %parallel_loop3A_1409], %parallel_loop3A_1406 : memref<112x224xf32, #tpu.memory_space<vmem>>[vector<16xi32>, vector<16xi32>], vector<16xf32>,
    } {sc.loop_unroll_factor = 2 : i64, sc.parallel_access}
    %add3A_278 = arith.constant 0 : i32
    %add3A_279 = arith.addi %mul3A_2, %add3A_278 : i32
    %jit3A_280 = arith.constant 2 : i32
    %div3A_281 = arith.divsi %add3A_279, %jit3A_280 : i32
    %sign3A_282 = arith.constant 0 : i32
    %sign3A_283 = arith.cmpi sgt, %add3A_279, %sign3A_282 : i32
    %sign3A_284 = arith.extui %sign3A_283 : i1 to i32
    %sign3A_285 = arith.constant 0 : i32
    %sign3A_286 = arith.cmpi slt, %add3A_279, %sign3A_285 : i32
    %sign3A_287 = arith.extui %sign3A_286 : i1 to i32
    %sign3A_288 = arith.subi %sign3A_284, %sign3A_287 : i32
    %sign3A_289 = arith.constant 0 : i32
    %sign3A_290 = arith.cmpi sgt, %jit3A_280, %sign3A_289 : i32
    %sign3A_291 = arith.extui %sign3A_290 : i1 to i32
    %sign3A_292 = arith.constant 0 : i32
    %sign3A_293 = arith.cmpi slt, %jit3A_280, %sign3A_292 : i32
    %sign3A_294 = arith.extui %sign3A_293 : i1 to i32
    %sign3A_295 = arith.subi %sign3A_291, %sign3A_294 : i32
    %ne3A_296 = arith.cmpi ne, %sign3A_288, %sign3A_295 : i32
    %rem3A_297 = arith.remsi %add3A_279, %jit3A_280 : i32
    %ne3A_298 = arith.constant 0 : i32
    %ne3A_299 = arith.cmpi ne, %rem3A_297, %ne3A_298 : i32
    %and3A_300 = arith.andi %ne3A_296, %ne3A_299 : i1
    %sub3A_301 = arith.constant 1 : i32
    %sub3A_302 = arith.subi %div3A_281, %sub3A_301 : i32
    %select_n3A_303 = arith.select %and3A_300, %sub3A_302, %div3A_281 : i32
    %jit3A_304 = arith.constant 2 : i32
    %eq3A_305 = arith.constant 0 : i32
    %eq3A_306 = arith.cmpi eq, %jit3A_304, %eq3A_305 : i32
    %jit3A_307 = arith.constant 1 : i32
    %select_n3A_308 = arith.select %eq3A_306, %jit3A_307, %jit3A_304 : i32
    %rem3A_309 = arith.remsi %add3A_279, %select_n3A_308 : i32
    %ne3A_310 = arith.constant 0 : i32
    %ne3A_311 = arith.cmpi ne, %rem3A_309, %ne3A_310 : i32
    %lt3A_312 = arith.constant 0 : i32
    %lt3A_313 = arith.cmpi slt, %rem3A_309, %lt3A_312 : i32
    %lt3A_314 = arith.constant 0 : i32
    %lt3A_315 = arith.cmpi slt, %select_n3A_308, %lt3A_314 : i32
    %ne3A_316 = arith.xori %lt3A_313, %lt3A_315 : i1
    %and3A_317 = arith.andi %ne3A_316, %ne3A_311 : i1
    %add3A_318 = arith.addi %rem3A_309, %select_n3A_308 : i32
    %select_n3A_319 = arith.select %and3A_317, %add3A_318, %rem3A_309 : i32
    %jit3A_320 = arith.constant 96 : i32
    %div3A_321 = arith.divsi %select_n3A_303, %jit3A_320 : i32
    %sign3A_322 = arith.constant 0 : i32
    %sign3A_323 = arith.cmpi sgt, %select_n3A_303, %sign3A_322 : i32
    %sign3A_324 = arith.extui %sign3A_323 : i1 to i32
    %sign3A_325 = arith.constant 0 : i32
    %sign3A_326 = arith.cmpi slt, %select_n3A_303, %sign3A_325 : i32
    %sign3A_327 = arith.extui %sign3A_326 : i1 to i32
    %sign3A_328 = arith.subi %sign3A_324, %sign3A_327 : i32
    %sign3A_329 = arith.constant 0 : i32
    %sign3A_330 = arith.cmpi sgt, %jit3A_320, %sign3A_329 : i32
    %sign3A_331 = arith.extui %sign3A_330 : i1 to i32
    %sign3A_332 = arith.constant 0 : i32
    %sign3A_333 = arith.cmpi slt, %jit3A_320, %sign3A_332 : i32
    %sign3A_334 = arith.extui %sign3A_333 : i1 to i32
    %sign3A_335 = arith.subi %sign3A_331, %sign3A_334 : i32
    %ne3A_336 = arith.cmpi ne, %sign3A_328, %sign3A_335 : i32
    %rem3A_337 = arith.remsi %select_n3A_303, %jit3A_320 : i32
    %ne3A_338 = arith.constant 0 : i32
    %ne3A_339 = arith.cmpi ne, %rem3A_337, %ne3A_338 : i32
    %and3A_340 = arith.andi %ne3A_336, %ne3A_339 : i1
    %sub3A_341 = arith.constant 1 : i32
    %sub3A_342 = arith.subi %div3A_321, %sub3A_341 : i32
    %select_n3A_343 = arith.select %and3A_340, %sub3A_342, %div3A_321 : i32
    %jit3A_344 = arith.constant 96 : i32
    %eq3A_345 = arith.constant 0 : i32
    %eq3A_346 = arith.cmpi eq, %jit3A_344, %eq3A_345 : i32
    %jit3A_347 = arith.constant 1 : i32
    %select_n3A_348 = arith.select %eq3A_346, %jit3A_347, %jit3A_344 : i32
    %rem3A_349 = arith.remsi %select_n3A_303, %select_n3A_348 : i32
    %ne3A_350 = arith.constant 0 : i32
    %ne3A_351 = arith.cmpi ne, %rem3A_349, %ne3A_350 : i32
    %lt3A_352 = arith.constant 0 : i32
    %lt3A_353 = arith.cmpi slt, %rem3A_349, %lt3A_352 : i32
    %lt3A_354 = arith.constant 0 : i32
    %lt3A_355 = arith.cmpi slt, %select_n3A_348, %lt3A_354 : i32
    %ne3A_356 = arith.xori %lt3A_353, %lt3A_355 : i1
    %and3A_357 = arith.andi %ne3A_356, %ne3A_351 : i1
    %add3A_358 = arith.addi %rem3A_349, %select_n3A_348 : i32
    %select_n3A_359 = arith.select %and3A_357, %add3A_358, %rem3A_349 : i32
    %mul3A_360 = arith.constant 112 : i32
    %mul3A_361 = arith.muli %select_n3A_319, %mul3A_360 : i32
    %add3A_362 = arith.constant 0 : i32
    %add3A_363 = arith.addi %mul3A_361, %add3A_362 : i32
    %dma_start3A_364 = arith.constant 0 : i32
    %dma_start3A_365 = arith.constant 0 : i32
    %dma_start3A_366 = tpu.memref_slice %arg6[%dma_start3A_364, %dma_start3A_365] : memref<112x224xf32, #tpu.memory_space<vmem>> -> memref<56x224xf32, #tpu.memory_space<vmem>>
    %dma_start3A_367 = arith.constant 0 : i32
    %dma_start3A_368 = tpu.memref_slice %arg3[%select_n3A_343, %select_n3A_359, %add3A_363, %dma_start3A_367] : memref<8x96x224x224xf32, #tpu.memory_space<hbm>> -> memref<1x1x56x224xf32, #tpu.memory_space<hbm>>
    %dma_start3A_369 = tpu.memref_squeeze %dma_start3A_368 : memref<1x1x56x224xf32, #tpu.memory_space<hbm>> -> memref<56x224xf32, #tpu.memory_space<hbm>>
    %dma_start3A_370 = arith.constant 0 : i32
    %dma_start3A_371 = tpu.memref_slice %arg3[%select_n3A_343, %select_n3A_359, %add3A_363, %dma_start3A_370] : memref<8x96x224x224xf32, #tpu.memory_space<hbm>> -> memref<1x1x56x224xf32, #tpu.memory_space<hbm>>
    %dma_start3A_372 = tpu.memref_squeeze %dma_start3A_371 : memref<1x1x56x224xf32, #tpu.memory_space<hbm>> -> memref<56x224xf32, #tpu.memory_space<hbm>>
    %dma_start3A_373 = arith.constant 0 : i32
    %dma_start3A_374 = arith.constant 0 : i32
    %dma_start3A_375 = tpu.memref_slice %arg6[%dma_start3A_373, %dma_start3A_374] : memref<112x224xf32, #tpu.memory_space<vmem>> -> memref<56x224xf32, #tpu.memory_space<vmem>>
    tpu.enqueue_dma source(%dma_start3A_375 : memref<56x224xf32, #tpu.memory_space<vmem>>) target(%dma_start3A_372 : memref<56x224xf32, #tpu.memory_space<hbm>>) target_semaphore(%arg10 : memref<!tpu.dma_semaphore, #tpu.memory_space<semaphore_mem>>)
    %iota3A_376 = tpu.iota {dimensions = array<i32: 0>} : vector<16xi32>
    %mul3A_377 = arith.constant 2 : i32
    %mul3A_378 = vector.broadcast %mul3A_377 : i32 to vector<16xi32>
    %mul3A_379 = arith.muli %iota3A_376, %mul3A_378 : vector<16xi32>
    %parallel_loop3A_380 = arith.constant 28 : i32
    %parallel_loop3A_381 = arith.constant 56 : i32
    %parallel_loop3A_382 = arith.constant 1 : i32
    scf.for %parallel_loop3A_1362 = %parallel_loop3A_380 to %parallel_loop3A_381 step %parallel_loop3A_382  : i32 {
      %parallel_loop3A_1363 = arith.constant 2 : i32
      %parallel_loop3A_1364 = arith.muli %parallel_loop3A_1363, %parallel_loop3A_1362 : i32
      %parallel_loop3A_1365 = arith.constant 1 : i32
      %parallel_loop3A_1366 = arith.addi %parallel_loop3A_1364, %parallel_loop3A_1365 : i32
      %parallel_loop3A_1367 = vector.broadcast %parallel_loop3A_1366 : i32 to vector<16xi32>
      %parallel_loop3A_1368 = arith.index_cast %parallel_loop3A_1362 : i32 to index
      %parallel_loop3A_1369 = arith.constant 0 : index
      %parallel_loop3A_1370 = tpu.vector_load %arg4[%parallel_loop3A_1368, %parallel_loop3A_1369] {strides = array<i32>} : memref<56x112xf32, #tpu.memory_space<vmem>>, vector<16xf32>,
      %parallel_loop3A_1371 = arith.constant 1 : i32
      %parallel_loop3A_1372 = vector.broadcast %parallel_loop3A_1371 : i32 to vector<16xi32>
      %parallel_loop3A_1373 = arith.addi %mul3A_379, %parallel_loop3A_1372 : vector<16xi32>
      tpu.vector_store_idx %arg6[%parallel_loop3A_1367, %parallel_loop3A_1373], %parallel_loop3A_1370 : memref<112x224xf32, #tpu.memory_space<vmem>>[vector<16xi32>, vector<16xi32>], vector<16xf32>,
      %parallel_loop3A_1374 = arith.index_cast %parallel_loop3A_1362 : i32 to index
      %parallel_loop3A_1375 = arith.constant 16 : index
      %parallel_loop3A_1376 = tpu.vector_load %arg4[%parallel_loop3A_1374, %parallel_loop3A_1375] {strides = array<i32>} : memref<56x112xf32, #tpu.memory_space<vmem>>, vector<16xf32>,
      %parallel_loop3A_1377 = arith.constant 33 : i32
      %parallel_loop3A_1378 = vector.broadcast %parallel_loop3A_1377 : i32 to vector<16xi32>
      %parallel_loop3A_1379 = arith.addi %mul3A_379, %parallel_loop3A_1378 : vector<16xi32>
      tpu.vector_store_idx %arg6[%parallel_loop3A_1367, %parallel_loop3A_1379], %parallel_loop3A_1376 : memref<112x224xf32, #tpu.memory_space<vmem>>[vector<16xi32>, vector<16xi32>], vector<16xf32>,
      %parallel_loop3A_1380 = arith.index_cast %parallel_loop3A_1362 : i32 to index
      %parallel_loop3A_1381 = arith.constant 32 : index
      %parallel_loop3A_1382 = tpu.vector_load %arg4[%parallel_loop3A_1380, %parallel_loop3A_1381] {strides = array<i32>} : memref<56x112xf32, #tpu.memory_space<vmem>>, vector<16xf32>,
      %parallel_loop3A_1383 = arith.constant 65 : i32
      %parallel_loop3A_1384 = vector.broadcast %parallel_loop3A_1383 : i32 to vector<16xi32>
      %parallel_loop3A_1385 = arith.addi %mul3A_379, %parallel_loop3A_1384 : vector<16xi32>
      tpu.vector_store_idx %arg6[%parallel_loop3A_1367, %parallel_loop3A_1385], %parallel_loop3A_1382 : memref<112x224xf32, #tpu.memory_space<vmem>>[vector<16xi32>, vector<16xi32>], vector<16xf32>,
      %parallel_loop3A_1386 = arith.index_cast %parallel_loop3A_1362 : i32 to index
      %parallel_loop3A_1387 = arith.constant 48 : index
      %parallel_loop3A_1388 = tpu.vector_load %arg4[%parallel_loop3A_1386, %parallel_loop3A_1387] {strides = array<i32>} : memref<56x112xf32, #tpu.memory_space<vmem>>, vector<16xf32>,
      %parallel_loop3A_1389 = arith.constant 97 : i32
      %parallel_loop3A_1390 = vector.broadcast %parallel_loop3A_1389 : i32 to vector<16xi32>
      %parallel_loop3A_1391 = arith.addi %mul3A_379, %parallel_loop3A_1390 : vector<16xi32>
      tpu.vector_store_idx %arg6[%parallel_loop3A_1367, %parallel_loop3A_1391], %parallel_loop3A_1388 : memref<112x224xf32, #tpu.memory_space<vmem>>[vector<16xi32>, vector<16xi32>], vector<16xf32>,
      %parallel_loop3A_1392 = arith.index_cast %parallel_loop3A_1362 : i32 to index
      %parallel_loop3A_1393 = arith.constant 64 : index
      %parallel_loop3A_1394 = tpu.vector_load %arg4[%parallel_loop3A_1392, %parallel_loop3A_1393] {strides = array<i32>} : memref<56x112xf32, #tpu.memory_space<vmem>>, vector<16xf32>,
      %parallel_loop3A_1395 = arith.constant 129 : i32
      %parallel_loop3A_1396 = vector.broadcast %parallel_loop3A_1395 : i32 to vector<16xi32>
      %parallel_loop3A_1397 = arith.addi %mul3A_379, %parallel_loop3A_1396 : vector<16xi32>
      tpu.vector_store_idx %arg6[%parallel_loop3A_1367, %parallel_loop3A_1397], %parallel_loop3A_1394 : memref<112x224xf32, #tpu.memory_space<vmem>>[vector<16xi32>, vector<16xi32>], vector<16xf32>,
      %parallel_loop3A_1398 = arith.index_cast %parallel_loop3A_1362 : i32 to index
      %parallel_loop3A_1399 = arith.constant 80 : index
      %parallel_loop3A_1400 = tpu.vector_load %arg4[%parallel_loop3A_1398, %parallel_loop3A_1399] {strides = array<i32>} : memref<56x112xf32, #tpu.memory_space<vmem>>, vector<16xf32>,
      %parallel_loop3A_1401 = arith.constant 161 : i32
      %parallel_loop3A_1402 = vector.broadcast %parallel_loop3A_1401 : i32 to vector<16xi32>
      %parallel_loop3A_1403 = arith.addi %mul3A_379, %parallel_loop3A_1402 : vector<16xi32>
      tpu.vector_store_idx %arg6[%parallel_loop3A_1367, %parallel_loop3A_1403], %parallel_loop3A_1400 : memref<112x224xf32, #tpu.memory_space<vmem>>[vector<16xi32>, vector<16xi32>], vector<16xf32>,
      %parallel_loop3A_1404 = arith.index_cast %parallel_loop3A_1362 : i32 to index
      %parallel_loop3A_1405 = arith.constant 96 : index
      %parallel_loop3A_1406 = tpu.vector_load %arg4[%parallel_loop3A_1404, %parallel_loop3A_1405] {strides = array<i32>} : memref<56x112xf32, #tpu.memory_space<vmem>>, vector<16xf32>,
      %parallel_loop3A_1407 = arith.constant 193 : i32
      %parallel_loop3A_1408 = vector.broadcast %parallel_loop3A_1407 : i32 to vector<16xi32>
      %parallel_loop3A_1409 = arith.addi %mul3A_379, %parallel_loop3A_1408 : vector<16xi32>
      tpu.vector_store_idx %arg6[%parallel_loop3A_1367, %parallel_loop3A_1409], %parallel_loop3A_1406 : memref<112x224xf32, #tpu.memory_space<vmem>>[vector<16xi32>, vector<16xi32>], vector<16xf32>,
    } {sc.loop_unroll_factor = 2 : i64, sc.parallel_access}
    %add3A_383 = arith.constant 0 : i32
    %add3A_384 = arith.addi %mul3A_2, %add3A_383 : i32
    %jit3A_385 = arith.constant 2 : i32
    %div3A_386 = arith.divsi %add3A_384, %jit3A_385 : i32
    %sign3A_387 = arith.constant 0 : i32
    %sign3A_388 = arith.cmpi sgt, %add3A_384, %sign3A_387 : i32
    %sign3A_389 = arith.extui %sign3A_388 : i1 to i32
    %sign3A_390 = arith.constant 0 : i32
    %sign3A_391 = arith.cmpi slt, %add3A_384, %sign3A_390 : i32
    %sign3A_392 = arith.extui %sign3A_391 : i1 to i32
    %sign3A_393 = arith.subi %sign3A_389, %sign3A_392 : i32
    %sign3A_394 = arith.constant 0 : i32
    %sign3A_395 = arith.cmpi sgt, %jit3A_385, %sign3A_394 : i32
    %sign3A_396 = arith.extui %sign3A_395 : i1 to i32
    %sign3A_397 = arith.constant 0 : i32
    %sign3A_398 = arith.cmpi slt, %jit3A_385, %sign3A_397 : i32
    %sign3A_399 = arith.extui %sign3A_398 : i1 to i32
    %sign3A_400 = arith.subi %sign3A_396, %sign3A_399 : i32
    %ne3A_401 = arith.cmpi ne, %sign3A_393, %sign3A_400 : i32
    %rem3A_402 = arith.remsi %add3A_384, %jit3A_385 : i32
    %ne3A_403 = arith.constant 0 : i32
    %ne3A_404 = arith.cmpi ne, %rem3A_402, %ne3A_403 : i32
    %and3A_405 = arith.andi %ne3A_401, %ne3A_404 : i1
    %sub3A_406 = arith.constant 1 : i32
    %sub3A_407 = arith.subi %div3A_386, %sub3A_406 : i32
    %select_n3A_408 = arith.select %and3A_405, %sub3A_407, %div3A_386 : i32
    %jit3A_409 = arith.constant 2 : i32
    %eq3A_410 = arith.constant 0 : i32
    %eq3A_411 = arith.cmpi eq, %jit3A_409, %eq3A_410 : i32
    %jit3A_412 = arith.constant 1 : i32
    %select_n3A_413 = arith.select %eq3A_411, %jit3A_412, %jit3A_409 : i32
    %rem3A_414 = arith.remsi %add3A_384, %select_n3A_413 : i32
    %ne3A_415 = arith.constant 0 : i32
    %ne3A_416 = arith.cmpi ne, %rem3A_414, %ne3A_415 : i32
    %lt3A_417 = arith.constant 0 : i32
    %lt3A_418 = arith.cmpi slt, %rem3A_414, %lt3A_417 : i32
    %lt3A_419 = arith.constant 0 : i32
    %lt3A_420 = arith.cmpi slt, %select_n3A_413, %lt3A_419 : i32
    %ne3A_421 = arith.xori %lt3A_418, %lt3A_420 : i1
    %and3A_422 = arith.andi %ne3A_421, %ne3A_416 : i1
    %add3A_423 = arith.addi %rem3A_414, %select_n3A_413 : i32
    %select_n3A_424 = arith.select %and3A_422, %add3A_423, %rem3A_414 : i32
    %jit3A_425 = arith.constant 96 : i32
    %div3A_426 = arith.divsi %select_n3A_408, %jit3A_425 : i32
    %sign3A_427 = arith.constant 0 : i32
    %sign3A_428 = arith.cmpi sgt, %select_n3A_408, %sign3A_427 : i32
    %sign3A_429 = arith.extui %sign3A_428 : i1 to i32
    %sign3A_430 = arith.constant 0 : i32
    %sign3A_431 = arith.cmpi slt, %select_n3A_408, %sign3A_430 : i32
    %sign3A_432 = arith.extui %sign3A_431 : i1 to i32
    %sign3A_433 = arith.subi %sign3A_429, %sign3A_432 : i32
    %sign3A_434 = arith.constant 0 : i32
    %sign3A_435 = arith.cmpi sgt, %jit3A_425, %sign3A_434 : i32
    %sign3A_436 = arith.extui %sign3A_435 : i1 to i32
    %sign3A_437 = arith.constant 0 : i32
    %sign3A_438 = arith.cmpi slt, %jit3A_425, %sign3A_437 : i32
    %sign3A_439 = arith.extui %sign3A_438 : i1 to i32
    %sign3A_440 = arith.subi %sign3A_436, %sign3A_439 : i32
    %ne3A_441 = arith.cmpi ne, %sign3A_433, %sign3A_440 : i32
    %rem3A_442 = arith.remsi %select_n3A_408, %jit3A_425 : i32
    %ne3A_443 = arith.constant 0 : i32
    %ne3A_444 = arith.cmpi ne, %rem3A_442, %ne3A_443 : i32
    %and3A_445 = arith.andi %ne3A_441, %ne3A_444 : i1
    %sub3A_446 = arith.constant 1 : i32
    %sub3A_447 = arith.subi %div3A_426, %sub3A_446 : i32
    %select_n3A_448 = arith.select %and3A_445, %sub3A_447, %div3A_426 : i32
    %jit3A_449 = arith.constant 96 : i32
    %eq3A_450 = arith.constant 0 : i32
    %eq3A_451 = arith.cmpi eq, %jit3A_449, %eq3A_450 : i32
    %jit3A_452 = arith.constant 1 : i32
    %select_n3A_453 = arith.select %eq3A_451, %jit3A_452, %jit3A_449 : i32
    %rem3A_454 = arith.remsi %select_n3A_408, %select_n3A_453 : i32
    %ne3A_455 = arith.constant 0 : i32
    %ne3A_456 = arith.cmpi ne, %rem3A_454, %ne3A_455 : i32
    %lt3A_457 = arith.constant 0 : i32
    %lt3A_458 = arith.cmpi slt, %rem3A_454, %lt3A_457 : i32
    %lt3A_459 = arith.constant 0 : i32
    %lt3A_460 = arith.cmpi slt, %select_n3A_453, %lt3A_459 : i32
    %ne3A_461 = arith.xori %lt3A_458, %lt3A_460 : i1
    %and3A_462 = arith.andi %ne3A_461, %ne3A_456 : i1
    %add3A_463 = arith.addi %rem3A_454, %select_n3A_453 : i32
    %select_n3A_464 = arith.select %and3A_462, %add3A_463, %rem3A_454 : i32
    %mul3A_465 = arith.constant 112 : i32
    %mul3A_466 = arith.muli %select_n3A_424, %mul3A_465 : i32
    %add3A_467 = arith.constant 56 : i32
    %add3A_468 = arith.addi %mul3A_466, %add3A_467 : i32
    %dma_start3A_469 = arith.constant 56 : i32
    %dma_start3A_470 = arith.constant 0 : i32
    %dma_start3A_471 = tpu.memref_slice %arg6[%dma_start3A_469, %dma_start3A_470] : memref<112x224xf32, #tpu.memory_space<vmem>> -> memref<56x224xf32, #tpu.memory_space<vmem>>
    %dma_start3A_472 = arith.constant 0 : i32
    %dma_start3A_473 = tpu.memref_slice %arg3[%select_n3A_448, %select_n3A_464, %add3A_468, %dma_start3A_472] : memref<8x96x224x224xf32, #tpu.memory_space<hbm>> -> memref<1x1x56x224xf32, #tpu.memory_space<hbm>>
    %dma_start3A_474 = tpu.memref_squeeze %dma_start3A_473 : memref<1x1x56x224xf32, #tpu.memory_space<hbm>> -> memref<56x224xf32, #tpu.memory_space<hbm>>
    %dma_start3A_475 = arith.constant 0 : i32
    %dma_start3A_476 = tpu.memref_slice %arg3[%select_n3A_448, %select_n3A_464, %add3A_468, %dma_start3A_475] : memref<8x96x224x224xf32, #tpu.memory_space<hbm>> -> memref<1x1x56x224xf32, #tpu.memory_space<hbm>>
    %dma_start3A_477 = tpu.memref_squeeze %dma_start3A_476 : memref<1x1x56x224xf32, #tpu.memory_space<hbm>> -> memref<56x224xf32, #tpu.memory_space<hbm>>
    %dma_start3A_478 = arith.constant 56 : i32
    %dma_start3A_479 = arith.constant 0 : i32
    %dma_start3A_480 = tpu.memref_slice %arg6[%dma_start3A_478, %dma_start3A_479] : memref<112x224xf32, #tpu.memory_space<vmem>> -> memref<56x224xf32, #tpu.memory_space<vmem>>
    tpu.enqueue_dma source(%dma_start3A_480 : memref<56x224xf32, #tpu.memory_space<vmem>>) target(%dma_start3A_477 : memref<56x224xf32, #tpu.memory_space<hbm>>) target_semaphore(%arg11 : memref<!tpu.dma_semaphore, #tpu.memory_space<semaphore_mem>>)
    %add3A_481 = arith.constant 1 : i32
    %add3A_482 = arith.constant 1 : i32
    %add3A_483 = arith.addi %add3A_481, %add3A_482 : i32
    %min3A_484 = arith.constant 47 : i32
    %min3A_485 = arith.minsi %add3A_483, %min3A_484 : i32
    %add3A_486 = arith.addi %mul3A_2, %min3A_485 : i32
    %jit3A_487 = arith.constant 2 : i32
    %div3A_488 = arith.divsi %add3A_486, %jit3A_487 : i32
    %sign3A_489 = arith.constant 0 : i32
    %sign3A_490 = arith.cmpi sgt, %add3A_486, %sign3A_489 : i32
    %sign3A_491 = arith.extui %sign3A_490 : i1 to i32
    %sign3A_492 = arith.constant 0 : i32
    %sign3A_493 = arith.cmpi slt, %add3A_486, %sign3A_492 : i32
    %sign3A_494 = arith.extui %sign3A_493 : i1 to i32
    %sign3A_495 = arith.subi %sign3A_491, %sign3A_494 : i32
    %sign3A_496 = arith.constant 0 : i32
    %sign3A_497 = arith.cmpi sgt, %jit3A_487, %sign3A_496 : i32
    %sign3A_498 = arith.extui %sign3A_497 : i1 to i32
    %sign3A_499 = arith.constant 0 : i32
    %sign3A_500 = arith.cmpi slt, %jit3A_487, %sign3A_499 : i32
    %sign3A_501 = arith.extui %sign3A_500 : i1 to i32
    %sign3A_502 = arith.subi %sign3A_498, %sign3A_501 : i32
    %ne3A_503 = arith.cmpi ne, %sign3A_495, %sign3A_502 : i32
    %rem3A_504 = arith.remsi %add3A_486, %jit3A_487 : i32
    %ne3A_505 = arith.constant 0 : i32
    %ne3A_506 = arith.cmpi ne, %rem3A_504, %ne3A_505 : i32
    %and3A_507 = arith.andi %ne3A_503, %ne3A_506 : i1
    %sub3A_508 = arith.constant 1 : i32
    %sub3A_509 = arith.subi %div3A_488, %sub3A_508 : i32
    %select_n3A_510 = arith.select %and3A_507, %sub3A_509, %div3A_488 : i32
    %jit3A_511 = arith.constant 2 : i32
    %eq3A_512 = arith.constant 0 : i32
    %eq3A_513 = arith.cmpi eq, %jit3A_511, %eq3A_512 : i32
    %jit3A_514 = arith.constant 1 : i32
    %select_n3A_515 = arith.select %eq3A_513, %jit3A_514, %jit3A_511 : i32
    %rem3A_516 = arith.remsi %add3A_486, %select_n3A_515 : i32
    %ne3A_517 = arith.constant 0 : i32
    %ne3A_518 = arith.cmpi ne, %rem3A_516, %ne3A_517 : i32
    %lt3A_519 = arith.constant 0 : i32
    %lt3A_520 = arith.cmpi slt, %rem3A_516, %lt3A_519 : i32
    %lt3A_521 = arith.constant 0 : i32
    %lt3A_522 = arith.cmpi slt, %select_n3A_515, %lt3A_521 : i32
    %ne3A_523 = arith.xori %lt3A_520, %lt3A_522 : i1
    %and3A_524 = arith.andi %ne3A_523, %ne3A_518 : i1
    %add3A_525 = arith.addi %rem3A_516, %select_n3A_515 : i32
    %select_n3A_526 = arith.select %and3A_524, %add3A_525, %rem3A_516 : i32
    %jit3A_527 = arith.constant 96 : i32
    %div3A_528 = arith.divsi %select_n3A_510, %jit3A_527 : i32
    %sign3A_529 = arith.constant 0 : i32
    %sign3A_530 = arith.cmpi sgt, %select_n3A_510, %sign3A_529 : i32
    %sign3A_531 = arith.extui %sign3A_530 : i1 to i32
    %sign3A_532 = arith.constant 0 : i32
    %sign3A_533 = arith.cmpi slt, %select_n3A_510, %sign3A_532 : i32
    %sign3A_534 = arith.extui %sign3A_533 : i1 to i32
    %sign3A_535 = arith.subi %sign3A_531, %sign3A_534 : i32
    %sign3A_536 = arith.constant 0 : i32
    %sign3A_537 = arith.cmpi sgt, %jit3A_527, %sign3A_536 : i32
    %sign3A_538 = arith.extui %sign3A_537 : i1 to i32
    %sign3A_539 = arith.constant 0 : i32
    %sign3A_540 = arith.cmpi slt, %jit3A_527, %sign3A_539 : i32
    %sign3A_541 = arith.extui %sign3A_540 : i1 to i32
    %sign3A_542 = arith.subi %sign3A_538, %sign3A_541 : i32
    %ne3A_543 = arith.cmpi ne, %sign3A_535, %sign3A_542 : i32
    %rem3A_544 = arith.remsi %select_n3A_510, %jit3A_527 : i32
    %ne3A_545 = arith.constant 0 : i32
    %ne3A_546 = arith.cmpi ne, %rem3A_544, %ne3A_545 : i32
    %and3A_547 = arith.andi %ne3A_543, %ne3A_546 : i1
    %sub3A_548 = arith.constant 1 : i32
    %sub3A_549 = arith.subi %div3A_528, %sub3A_548 : i32
    %select_n3A_550 = arith.select %and3A_547, %sub3A_549, %div3A_528 : i32
    %jit3A_551 = arith.constant 96 : i32
    %eq3A_552 = arith.constant 0 : i32
    %eq3A_553 = arith.cmpi eq, %jit3A_551, %eq3A_552 : i32
    %jit3A_554 = arith.constant 1 : i32
    %select_n3A_555 = arith.select %eq3A_553, %jit3A_554, %jit3A_551 : i32
    %rem3A_556 = arith.remsi %select_n3A_510, %select_n3A_555 : i32
    %ne3A_557 = arith.constant 0 : i32
    %ne3A_558 = arith.cmpi ne, %rem3A_556, %ne3A_557 : i32
    %lt3A_559 = arith.constant 0 : i32
    %lt3A_560 = arith.cmpi slt, %rem3A_556, %lt3A_559 : i32
    %lt3A_561 = arith.constant 0 : i32
    %lt3A_562 = arith.cmpi slt, %select_n3A_555, %lt3A_561 : i32
    %ne3A_563 = arith.xori %lt3A_560, %lt3A_562 : i1
    %and3A_564 = arith.andi %ne3A_563, %ne3A_558 : i1
    %add3A_565 = arith.addi %rem3A_556, %select_n3A_555 : i32
    %select_n3A_566 = arith.select %and3A_564, %add3A_565, %rem3A_556 : i32
    %mul3A_567 = arith.constant 56 : i32
    %mul3A_568 = arith.muli %select_n3A_526, %mul3A_567 : i32
    %dma_start3A_569 = arith.constant 0 : i32
    %dma_start3A_570 = tpu.memref_slice %arg2[%select_n3A_550, %select_n3A_566, %mul3A_568, %dma_start3A_569] : memref<8x96x112x112xf32, #tpu.memory_space<hbm>> -> memref<1x1x56x112xf32, #tpu.memory_space<hbm>>
    %dma_start3A_571 = tpu.memref_squeeze %dma_start3A_570 : memref<1x1x56x112xf32, #tpu.memory_space<hbm>> -> memref<56x112xf32, #tpu.memory_space<hbm>>
    %dma_start3A_572 = arith.constant 0 : i32
    %dma_start3A_573 = tpu.memref_slice %arg2[%select_n3A_550, %select_n3A_566, %mul3A_568, %dma_start3A_572] : memref<8x96x112x112xf32, #tpu.memory_space<hbm>> -> memref<1x1x56x112xf32, #tpu.memory_space<hbm>>
    %dma_start3A_574 = tpu.memref_squeeze %dma_start3A_573 : memref<1x1x56x112xf32, #tpu.memory_space<hbm>> -> memref<56x112xf32, #tpu.memory_space<hbm>>
    tpu.enqueue_dma source(%dma_start3A_574 : memref<56x112xf32, #tpu.memory_space<hbm>>) target(%arg4 : memref<56x112xf32, #tpu.memory_space<vmem>>) target_semaphore(%arg8 : memref<!tpu.dma_semaphore, #tpu.memory_space<semaphore_mem>>)
    %add3A_575 = arith.constant 1 : i32
    %add3A_576 = arith.addi %mul3A_2, %add3A_575 : i32
    %jit3A_577 = arith.constant 2 : i32
    %div3A_578 = arith.divsi %add3A_576, %jit3A_577 : i32
    %sign3A_579 = arith.constant 0 : i32
    %sign3A_580 = arith.cmpi sgt, %add3A_576, %sign3A_579 : i32
    %sign3A_581 = arith.extui %sign3A_580 : i1 to i32
    %sign3A_582 = arith.constant 0 : i32
    %sign3A_583 = arith.cmpi slt, %add3A_576, %sign3A_582 : i32
    %sign3A_584 = arith.extui %sign3A_583 : i1 to i32
    %sign3A_585 = arith.subi %sign3A_581, %sign3A_584 : i32
    %sign3A_586 = arith.constant 0 : i32
    %sign3A_587 = arith.cmpi sgt, %jit3A_577, %sign3A_586 : i32
    %sign3A_588 = arith.extui %sign3A_587 : i1 to i32
    %sign3A_589 = arith.constant 0 : i32
    %sign3A_590 = arith.cmpi slt, %jit3A_577, %sign3A_589 : i32
    %sign3A_591 = arith.extui %sign3A_590 : i1 to i32
    %sign3A_592 = arith.subi %sign3A_588, %sign3A_591 : i32
    %ne3A_593 = arith.cmpi ne, %sign3A_585, %sign3A_592 : i32
    %rem3A_594 = arith.remsi %add3A_576, %jit3A_577 : i32
    %ne3A_595 = arith.constant 0 : i32
    %ne3A_596 = arith.cmpi ne, %rem3A_594, %ne3A_595 : i32
    %and3A_597 = arith.andi %ne3A_593, %ne3A_596 : i1
    %sub3A_598 = arith.constant 1 : i32
    %sub3A_599 = arith.subi %div3A_578, %sub3A_598 : i32
    %select_n3A_600 = arith.select %and3A_597, %sub3A_599, %div3A_578 : i32
    %jit3A_601 = arith.constant 2 : i32
    %eq3A_602 = arith.constant 0 : i32
    %eq3A_603 = arith.cmpi eq, %jit3A_601, %eq3A_602 : i32
    %jit3A_604 = arith.constant 1 : i32
    %select_n3A_605 = arith.select %eq3A_603, %jit3A_604, %jit3A_601 : i32
    %rem3A_606 = arith.remsi %add3A_576, %select_n3A_605 : i32
    %ne3A_607 = arith.constant 0 : i32
    %ne3A_608 = arith.cmpi ne, %rem3A_606, %ne3A_607 : i32
    %lt3A_609 = arith.constant 0 : i32
    %lt3A_610 = arith.cmpi slt, %rem3A_606, %lt3A_609 : i32
    %lt3A_611 = arith.constant 0 : i32
    %lt3A_612 = arith.cmpi slt, %select_n3A_605, %lt3A_611 : i32
    %ne3A_613 = arith.xori %lt3A_610, %lt3A_612 : i1
    %and3A_614 = arith.andi %ne3A_613, %ne3A_608 : i1
    %add3A_615 = arith.addi %rem3A_606, %select_n3A_605 : i32
    %select_n3A_616 = arith.select %and3A_614, %add3A_615, %rem3A_606 : i32
    %jit3A_617 = arith.constant 96 : i32
    %div3A_618 = arith.divsi %select_n3A_600, %jit3A_617 : i32
    %sign3A_619 = arith.constant 0 : i32
    %sign3A_620 = arith.cmpi sgt, %select_n3A_600, %sign3A_619 : i32
    %sign3A_621 = arith.extui %sign3A_620 : i1 to i32
    %sign3A_622 = arith.constant 0 : i32
    %sign3A_623 = arith.cmpi slt, %select_n3A_600, %sign3A_622 : i32
    %sign3A_624 = arith.extui %sign3A_623 : i1 to i32
    %sign3A_625 = arith.subi %sign3A_621, %sign3A_624 : i32
    %sign3A_626 = arith.constant 0 : i32
    %sign3A_627 = arith.cmpi sgt, %jit3A_617, %sign3A_626 : i32
    %sign3A_628 = arith.extui %sign3A_627 : i1 to i32
    %sign3A_629 = arith.constant 0 : i32
    %sign3A_630 = arith.cmpi slt, %jit3A_617, %sign3A_629 : i32
    %sign3A_631 = arith.extui %sign3A_630 : i1 to i32
    %sign3A_632 = arith.subi %sign3A_628, %sign3A_631 : i32
    %ne3A_633 = arith.cmpi ne, %sign3A_625, %sign3A_632 : i32
    %rem3A_634 = arith.remsi %select_n3A_600, %jit3A_617 : i32
    %ne3A_635 = arith.constant 0 : i32
    %ne3A_636 = arith.cmpi ne, %rem3A_634, %ne3A_635 : i32
    %and3A_637 = arith.andi %ne3A_633, %ne3A_636 : i1
    %sub3A_638 = arith.constant 1 : i32
    %sub3A_639 = arith.subi %div3A_618, %sub3A_638 : i32
    %select_n3A_640 = arith.select %and3A_637, %sub3A_639, %div3A_618 : i32
    %jit3A_641 = arith.constant 96 : i32
    %eq3A_642 = arith.constant 0 : i32
    %eq3A_643 = arith.cmpi eq, %jit3A_641, %eq3A_642 : i32
    %jit3A_644 = arith.constant 1 : i32
    %select_n3A_645 = arith.select %eq3A_643, %jit3A_644, %jit3A_641 : i32
    %rem3A_646 = arith.remsi %select_n3A_600, %select_n3A_645 : i32
    %ne3A_647 = arith.constant 0 : i32
    %ne3A_648 = arith.cmpi ne, %rem3A_646, %ne3A_647 : i32
    %lt3A_649 = arith.constant 0 : i32
    %lt3A_650 = arith.cmpi slt, %rem3A_646, %lt3A_649 : i32
    %lt3A_651 = arith.constant 0 : i32
    %lt3A_652 = arith.cmpi slt, %select_n3A_645, %lt3A_651 : i32
    %ne3A_653 = arith.xori %lt3A_650, %lt3A_652 : i1
    %and3A_654 = arith.andi %ne3A_653, %ne3A_648 : i1
    %add3A_655 = arith.addi %rem3A_646, %select_n3A_645 : i32
    %select_n3A_656 = arith.select %and3A_654, %add3A_655, %rem3A_646 : i32
    %mul3A_657 = arith.constant 56 : i32
    %mul3A_658 = arith.muli %select_n3A_616, %mul3A_657 : i32
    %dma_wait3A_659 = arith.constant 0 : i32
    %dma_wait3A_660 = tpu.memref_slice %arg2[%select_n3A_640, %select_n3A_656, %mul3A_658, %dma_wait3A_659] : memref<8x96x112x112xf32, #tpu.memory_space<hbm>> -> memref<1x1x56x112xf32, #tpu.memory_space<hbm>>
    %dma_wait3A_661 = tpu.memref_squeeze %dma_wait3A_660 : memref<1x1x56x112xf32, #tpu.memory_space<hbm>> -> memref<56x112xf32, #tpu.memory_space<hbm>>
    %dma_wait3A_662 = arith.constant 0 : i32
    %dma_wait3A_663 = tpu.memref_slice %arg2[%select_n3A_640, %select_n3A_656, %mul3A_658, %dma_wait3A_662] : memref<8x96x112x112xf32, #tpu.memory_space<hbm>> -> memref<1x1x56x112xf32, #tpu.memory_space<hbm>>
    %dma_wait3A_664 = tpu.memref_squeeze %dma_wait3A_663 : memref<1x1x56x112xf32, #tpu.memory_space<hbm>> -> memref<56x112xf32, #tpu.memory_space<hbm>>
    tpu.wait_dma2 semaphore(%arg9 : memref<!tpu.dma_semaphore, #tpu.memory_space<semaphore_mem>>) src(%dma_wait3A_664 : memref<56x112xf32, #tpu.memory_space<hbm>>) dst(%arg5 : memref<56x112xf32, #tpu.memory_space<vmem>>)
    %iota3A_665 = tpu.iota {dimensions = array<i32: 0>} : vector<16xi32>
    %mul3A_666 = arith.constant 2 : i32
    %mul3A_667 = vector.broadcast %mul3A_666 : i32 to vector<16xi32>
    %mul3A_668 = arith.muli %iota3A_665, %mul3A_667 : vector<16xi32>
    %parallel_loop3A_669 = arith.constant 0 : i32
    %parallel_loop3A_670 = arith.constant 28 : i32
    %parallel_loop3A_671 = arith.constant 1 : i32
    scf.for %parallel_loop3A_1362 = %parallel_loop3A_669 to %parallel_loop3A_670 step %parallel_loop3A_671  : i32 {
      %parallel_loop3A_1363 = arith.constant 2 : i32
      %parallel_loop3A_1364 = arith.muli %parallel_loop3A_1363, %parallel_loop3A_1362 : i32
      %parallel_loop3A_1365 = arith.constant 1 : i32
      %parallel_loop3A_1366 = arith.addi %parallel_loop3A_1364, %parallel_loop3A_1365 : i32
      %parallel_loop3A_1367 = vector.broadcast %parallel_loop3A_1366 : i32 to vector<16xi32>
      %parallel_loop3A_1368 = arith.index_cast %parallel_loop3A_1362 : i32 to index
      %parallel_loop3A_1369 = arith.constant 0 : index
      %parallel_loop3A_1370 = tpu.vector_load %arg5[%parallel_loop3A_1368, %parallel_loop3A_1369] {strides = array<i32>} : memref<56x112xf32, #tpu.memory_space<vmem>>, vector<16xf32>,
      %parallel_loop3A_1371 = arith.constant 1 : i32
      %parallel_loop3A_1372 = vector.broadcast %parallel_loop3A_1371 : i32 to vector<16xi32>
      %parallel_loop3A_1373 = arith.addi %mul3A_668, %parallel_loop3A_1372 : vector<16xi32>
      tpu.vector_store_idx %arg7[%parallel_loop3A_1367, %parallel_loop3A_1373], %parallel_loop3A_1370 : memref<112x224xf32, #tpu.memory_space<vmem>>[vector<16xi32>, vector<16xi32>], vector<16xf32>,
      %parallel_loop3A_1374 = arith.index_cast %parallel_loop3A_1362 : i32 to index
      %parallel_loop3A_1375 = arith.constant 16 : index
      %parallel_loop3A_1376 = tpu.vector_load %arg5[%parallel_loop3A_1374, %parallel_loop3A_1375] {strides = array<i32>} : memref<56x112xf32, #tpu.memory_space<vmem>>, vector<16xf32>,
      %parallel_loop3A_1377 = arith.constant 33 : i32
      %parallel_loop3A_1378 = vector.broadcast %parallel_loop3A_1377 : i32 to vector<16xi32>
      %parallel_loop3A_1379 = arith.addi %mul3A_668, %parallel_loop3A_1378 : vector<16xi32>
      tpu.vector_store_idx %arg7[%parallel_loop3A_1367, %parallel_loop3A_1379], %parallel_loop3A_1376 : memref<112x224xf32, #tpu.memory_space<vmem>>[vector<16xi32>, vector<16xi32>], vector<16xf32>,
      %parallel_loop3A_1380 = arith.index_cast %parallel_loop3A_1362 : i32 to index
      %parallel_loop3A_1381 = arith.constant 32 : index
      %parallel_loop3A_1382 = tpu.vector_load %arg5[%parallel_loop3A_1380, %parallel_loop3A_1381] {strides = array<i32>} : memref<56x112xf32, #tpu.memory_space<vmem>>, vector<16xf32>,
      %parallel_loop3A_1383 = arith.constant 65 : i32
      %parallel_loop3A_1384 = vector.broadcast %parallel_loop3A_1383 : i32 to vector<16xi32>
      %parallel_loop3A_1385 = arith.addi %mul3A_668, %parallel_loop3A_1384 : vector<16xi32>
      tpu.vector_store_idx %arg7[%parallel_loop3A_1367, %parallel_loop3A_1385], %parallel_loop3A_1382 : memref<112x224xf32, #tpu.memory_space<vmem>>[vector<16xi32>, vector<16xi32>], vector<16xf32>,
      %parallel_loop3A_1386 = arith.index_cast %parallel_loop3A_1362 : i32 to index
      %parallel_loop3A_1387 = arith.constant 48 : index
      %parallel_loop3A_1388 = tpu.vector_load %arg5[%parallel_loop3A_1386, %parallel_loop3A_1387] {strides = array<i32>} : memref<56x112xf32, #tpu.memory_space<vmem>>, vector<16xf32>,
      %parallel_loop3A_1389 = arith.constant 97 : i32
      %parallel_loop3A_1390 = vector.broadcast %parallel_loop3A_1389 : i32 to vector<16xi32>
      %parallel_loop3A_1391 = arith.addi %mul3A_668, %parallel_loop3A_1390 : vector<16xi32>
      tpu.vector_store_idx %arg7[%parallel_loop3A_1367, %parallel_loop3A_1391], %parallel_loop3A_1388 : memref<112x224xf32, #tpu.memory_space<vmem>>[vector<16xi32>, vector<16xi32>], vector<16xf32>,
      %parallel_loop3A_1392 = arith.index_cast %parallel_loop3A_1362 : i32 to index
      %parallel_loop3A_1393 = arith.constant 64 : index
      %parallel_loop3A_1394 = tpu.vector_load %arg5[%parallel_loop3A_1392, %parallel_loop3A_1393] {strides = array<i32>} : memref<56x112xf32, #tpu.memory_space<vmem>>, vector<16xf32>,
      %parallel_loop3A_1395 = arith.constant 129 : i32
      %parallel_loop3A_1396 = vector.broadcast %parallel_loop3A_1395 : i32 to vector<16xi32>
      %parallel_loop3A_1397 = arith.addi %mul3A_668, %parallel_loop3A_1396 : vector<16xi32>
      tpu.vector_store_idx %arg7[%parallel_loop3A_1367, %parallel_loop3A_1397], %parallel_loop3A_1394 : memref<112x224xf32, #tpu.memory_space<vmem>>[vector<16xi32>, vector<16xi32>], vector<16xf32>,
      %parallel_loop3A_1398 = arith.index_cast %parallel_loop3A_1362 : i32 to index
      %parallel_loop3A_1399 = arith.constant 80 : index
      %parallel_loop3A_1400 = tpu.vector_load %arg5[%parallel_loop3A_1398, %parallel_loop3A_1399] {strides = array<i32>} : memref<56x112xf32, #tpu.memory_space<vmem>>, vector<16xf32>,
      %parallel_loop3A_1401 = arith.constant 161 : i32
      %parallel_loop3A_1402 = vector.broadcast %parallel_loop3A_1401 : i32 to vector<16xi32>
      %parallel_loop3A_1403 = arith.addi %mul3A_668, %parallel_loop3A_1402 : vector<16xi32>
      tpu.vector_store_idx %arg7[%parallel_loop3A_1367, %parallel_loop3A_1403], %parallel_loop3A_1400 : memref<112x224xf32, #tpu.memory_space<vmem>>[vector<16xi32>, vector<16xi32>], vector<16xf32>,
      %parallel_loop3A_1404 = arith.index_cast %parallel_loop3A_1362 : i32 to index
      %parallel_loop3A_1405 = arith.constant 96 : index
      %parallel_loop3A_1406 = tpu.vector_load %arg5[%parallel_loop3A_1404, %parallel_loop3A_1405] {strides = array<i32>} : memref<56x112xf32, #tpu.memory_space<vmem>>, vector<16xf32>,
      %parallel_loop3A_1407 = arith.constant 193 : i32
      %parallel_loop3A_1408 = vector.broadcast %parallel_loop3A_1407 : i32 to vector<16xi32>
      %parallel_loop3A_1409 = arith.addi %mul3A_668, %parallel_loop3A_1408 : vector<16xi32>
      tpu.vector_store_idx %arg7[%parallel_loop3A_1367, %parallel_loop3A_1409], %parallel_loop3A_1406 : memref<112x224xf32, #tpu.memory_space<vmem>>[vector<16xi32>, vector<16xi32>], vector<16xf32>,
    } {sc.loop_unroll_factor = 2 : i64, sc.parallel_access}
    %add3A_672 = arith.constant 1 : i32
    %add3A_673 = arith.addi %mul3A_2, %add3A_672 : i32
    %jit3A_674 = arith.constant 2 : i32
    %div3A_675 = arith.divsi %add3A_673, %jit3A_674 : i32
    %sign3A_676 = arith.constant 0 : i32
    %sign3A_677 = arith.cmpi sgt, %add3A_673, %sign3A_676 : i32
    %sign3A_678 = arith.extui %sign3A_677 : i1 to i32
    %sign3A_679 = arith.constant 0 : i32
    %sign3A_680 = arith.cmpi slt, %add3A_673, %sign3A_679 : i32
    %sign3A_681 = arith.extui %sign3A_680 : i1 to i32
    %sign3A_682 = arith.subi %sign3A_678, %sign3A_681 : i32
    %sign3A_683 = arith.constant 0 : i32
    %sign3A_684 = arith.cmpi sgt, %jit3A_674, %sign3A_683 : i32
    %sign3A_685 = arith.extui %sign3A_684 : i1 to i32
    %sign3A_686 = arith.constant 0 : i32
    %sign3A_687 = arith.cmpi slt, %jit3A_674, %sign3A_686 : i32
    %sign3A_688 = arith.extui %sign3A_687 : i1 to i32
    %sign3A_689 = arith.subi %sign3A_685, %sign3A_688 : i32
    %ne3A_690 = arith.cmpi ne, %sign3A_682, %sign3A_689 : i32
    %rem3A_691 = arith.remsi %add3A_673, %jit3A_674 : i32
    %ne3A_692 = arith.constant 0 : i32
    %ne3A_693 = arith.cmpi ne, %rem3A_691, %ne3A_692 : i32
    %and3A_694 = arith.andi %ne3A_690, %ne3A_693 : i1
    %sub3A_695 = arith.constant 1 : i32
    %sub3A_696 = arith.subi %div3A_675, %sub3A_695 : i32
    %select_n3A_697 = arith.select %and3A_694, %sub3A_696, %div3A_675 : i32
    %jit3A_698 = arith.constant 2 : i32
    %eq3A_699 = arith.constant 0 : i32
    %eq3A_700 = arith.cmpi eq, %jit3A_698, %eq3A_699 : i32
    %jit3A_701 = arith.constant 1 : i32
    %select_n3A_702 = arith.select %eq3A_700, %jit3A_701, %jit3A_698 : i32
    %rem3A_703 = arith.remsi %add3A_673, %select_n3A_702 : i32
    %ne3A_704 = arith.constant 0 : i32
    %ne3A_705 = arith.cmpi ne, %rem3A_703, %ne3A_704 : i32
    %lt3A_706 = arith.constant 0 : i32
    %lt3A_707 = arith.cmpi slt, %rem3A_703, %lt3A_706 : i32
    %lt3A_708 = arith.constant 0 : i32
    %lt3A_709 = arith.cmpi slt, %select_n3A_702, %lt3A_708 : i32
    %ne3A_710 = arith.xori %lt3A_707, %lt3A_709 : i1
    %and3A_711 = arith.andi %ne3A_710, %ne3A_705 : i1
    %add3A_712 = arith.addi %rem3A_703, %select_n3A_702 : i32
    %select_n3A_713 = arith.select %and3A_711, %add3A_712, %rem3A_703 : i32
    %jit3A_714 = arith.constant 96 : i32
    %div3A_715 = arith.divsi %select_n3A_697, %jit3A_714 : i32
    %sign3A_716 = arith.constant 0 : i32
    %sign3A_717 = arith.cmpi sgt, %select_n3A_697, %sign3A_716 : i32
    %sign3A_718 = arith.extui %sign3A_717 : i1 to i32
    %sign3A_719 = arith.constant 0 : i32
    %sign3A_720 = arith.cmpi slt, %select_n3A_697, %sign3A_719 : i32
    %sign3A_721 = arith.extui %sign3A_720 : i1 to i32
    %sign3A_722 = arith.subi %sign3A_718, %sign3A_721 : i32
    %sign3A_723 = arith.constant 0 : i32
    %sign3A_724 = arith.cmpi sgt, %jit3A_714, %sign3A_723 : i32
    %sign3A_725 = arith.extui %sign3A_724 : i1 to i32
    %sign3A_726 = arith.constant 0 : i32
    %sign3A_727 = arith.cmpi slt, %jit3A_714, %sign3A_726 : i32
    %sign3A_728 = arith.extui %sign3A_727 : i1 to i32
    %sign3A_729 = arith.subi %sign3A_725, %sign3A_728 : i32
    %ne3A_730 = arith.cmpi ne, %sign3A_722, %sign3A_729 : i32
    %rem3A_731 = arith.remsi %select_n3A_697, %jit3A_714 : i32
    %ne3A_732 = arith.constant 0 : i32
    %ne3A_733 = arith.cmpi ne, %rem3A_731, %ne3A_732 : i32
    %and3A_734 = arith.andi %ne3A_730, %ne3A_733 : i1
    %sub3A_735 = arith.constant 1 : i32
    %sub3A_736 = arith.subi %div3A_715, %sub3A_735 : i32
    %select_n3A_737 = arith.select %and3A_734, %sub3A_736, %div3A_715 : i32
    %jit3A_738 = arith.constant 96 : i32
    %eq3A_739 = arith.constant 0 : i32
    %eq3A_740 = arith.cmpi eq, %jit3A_738, %eq3A_739 : i32
    %jit3A_741 = arith.constant 1 : i32
    %select_n3A_742 = arith.select %eq3A_740, %jit3A_741, %jit3A_738 : i32
    %rem3A_743 = arith.remsi %select_n3A_697, %select_n3A_742 : i32
    %ne3A_744 = arith.constant 0 : i32
    %ne3A_745 = arith.cmpi ne, %rem3A_743, %ne3A_744 : i32
    %lt3A_746 = arith.constant 0 : i32
    %lt3A_747 = arith.cmpi slt, %rem3A_743, %lt3A_746 : i32
    %lt3A_748 = arith.constant 0 : i32
    %lt3A_749 = arith.cmpi slt, %select_n3A_742, %lt3A_748 : i32
    %ne3A_750 = arith.xori %lt3A_747, %lt3A_749 : i1
    %and3A_751 = arith.andi %ne3A_750, %ne3A_745 : i1
    %add3A_752 = arith.addi %rem3A_743, %select_n3A_742 : i32
    %select_n3A_753 = arith.select %and3A_751, %add3A_752, %rem3A_743 : i32
    %mul3A_754 = arith.constant 112 : i32
    %mul3A_755 = arith.muli %select_n3A_713, %mul3A_754 : i32
    %add3A_756 = arith.constant 0 : i32
    %add3A_757 = arith.addi %mul3A_755, %add3A_756 : i32
    %dma_start3A_758 = arith.constant 0 : i32
    %dma_start3A_759 = arith.constant 0 : i32
    %dma_start3A_760 = tpu.memref_slice %arg7[%dma_start3A_758, %dma_start3A_759] : memref<112x224xf32, #tpu.memory_space<vmem>> -> memref<56x224xf32, #tpu.memory_space<vmem>>
    %dma_start3A_761 = arith.constant 0 : i32
    %dma_start3A_762 = tpu.memref_slice %arg3[%select_n3A_737, %select_n3A_753, %add3A_757, %dma_start3A_761] : memref<8x96x224x224xf32, #tpu.memory_space<hbm>> -> memref<1x1x56x224xf32, #tpu.memory_space<hbm>>
    %dma_start3A_763 = tpu.memref_squeeze %dma_start3A_762 : memref<1x1x56x224xf32, #tpu.memory_space<hbm>> -> memref<56x224xf32, #tpu.memory_space<hbm>>
    %dma_start3A_764 = arith.constant 0 : i32
    %dma_start3A_765 = tpu.memref_slice %arg3[%select_n3A_737, %select_n3A_753, %add3A_757, %dma_start3A_764] : memref<8x96x224x224xf32, #tpu.memory_space<hbm>> -> memref<1x1x56x224xf32, #tpu.memory_space<hbm>>
    %dma_start3A_766 = tpu.memref_squeeze %dma_start3A_765 : memref<1x1x56x224xf32, #tpu.memory_space<hbm>> -> memref<56x224xf32, #tpu.memory_space<hbm>>
    %dma_start3A_767 = arith.constant 0 : i32
    %dma_start3A_768 = arith.constant 0 : i32
    %dma_start3A_769 = tpu.memref_slice %arg7[%dma_start3A_767, %dma_start3A_768] : memref<112x224xf32, #tpu.memory_space<vmem>> -> memref<56x224xf32, #tpu.memory_space<vmem>>
    tpu.enqueue_dma source(%dma_start3A_769 : memref<56x224xf32, #tpu.memory_space<vmem>>) target(%dma_start3A_766 : memref<56x224xf32, #tpu.memory_space<hbm>>) target_semaphore(%arg12 : memref<!tpu.dma_semaphore, #tpu.memory_space<semaphore_mem>>)
    %iota3A_770 = tpu.iota {dimensions = array<i32: 0>} : vector<16xi32>
    %mul3A_771 = arith.constant 2 : i32
    %mul3A_772 = vector.broadcast %mul3A_771 : i32 to vector<16xi32>
    %mul3A_773 = arith.muli %iota3A_770, %mul3A_772 : vector<16xi32>
    %parallel_loop3A_774 = arith.constant 28 : i32
    %parallel_loop3A_775 = arith.constant 56 : i32
    %parallel_loop3A_776 = arith.constant 1 : i32
    scf.for %parallel_loop3A_1362 = %parallel_loop3A_774 to %parallel_loop3A_775 step %parallel_loop3A_776  : i32 {
      %parallel_loop3A_1363 = arith.constant 2 : i32
      %parallel_loop3A_1364 = arith.muli %parallel_loop3A_1363, %parallel_loop3A_1362 : i32
      %parallel_loop3A_1365 = arith.constant 1 : i32
      %parallel_loop3A_1366 = arith.addi %parallel_loop3A_1364, %parallel_loop3A_1365 : i32
      %parallel_loop3A_1367 = vector.broadcast %parallel_loop3A_1366 : i32 to vector<16xi32>
      %parallel_loop3A_1368 = arith.index_cast %parallel_loop3A_1362 : i32 to index
      %parallel_loop3A_1369 = arith.constant 0 : index
      %parallel_loop3A_1370 = tpu.vector_load %arg5[%parallel_loop3A_1368, %parallel_loop3A_1369] {strides = array<i32>} : memref<56x112xf32, #tpu.memory_space<vmem>>, vector<16xf32>,
      %parallel_loop3A_1371 = arith.constant 1 : i32
      %parallel_loop3A_1372 = vector.broadcast %parallel_loop3A_1371 : i32 to vector<16xi32>
      %parallel_loop3A_1373 = arith.addi %mul3A_773, %parallel_loop3A_1372 : vector<16xi32>
      tpu.vector_store_idx %arg7[%parallel_loop3A_1367, %parallel_loop3A_1373], %parallel_loop3A_1370 : memref<112x224xf32, #tpu.memory_space<vmem>>[vector<16xi32>, vector<16xi32>], vector<16xf32>,
      %parallel_loop3A_1374 = arith.index_cast %parallel_loop3A_1362 : i32 to index
      %parallel_loop3A_1375 = arith.constant 16 : index
      %parallel_loop3A_1376 = tpu.vector_load %arg5[%parallel_loop3A_1374, %parallel_loop3A_1375] {strides = array<i32>} : memref<56x112xf32, #tpu.memory_space<vmem>>, vector<16xf32>,
      %parallel_loop3A_1377 = arith.constant 33 : i32
      %parallel_loop3A_1378 = vector.broadcast %parallel_loop3A_1377 : i32 to vector<16xi32>
      %parallel_loop3A_1379 = arith.addi %mul3A_773, %parallel_loop3A_1378 : vector<16xi32>
      tpu.vector_store_idx %arg7[%parallel_loop3A_1367, %parallel_loop3A_1379], %parallel_loop3A_1376 : memref<112x224xf32, #tpu.memory_space<vmem>>[vector<16xi32>, vector<16xi32>], vector<16xf32>,
      %parallel_loop3A_1380 = arith.index_cast %parallel_loop3A_1362 : i32 to index
      %parallel_loop3A_1381 = arith.constant 32 : index
      %parallel_loop3A_1382 = tpu.vector_load %arg5[%parallel_loop3A_1380, %parallel_loop3A_1381] {strides = array<i32>} : memref<56x112xf32, #tpu.memory_space<vmem>>, vector<16xf32>,
      %parallel_loop3A_1383 = arith.constant 65 : i32
      %parallel_loop3A_1384 = vector.broadcast %parallel_loop3A_1383 : i32 to vector<16xi32>
      %parallel_loop3A_1385 = arith.addi %mul3A_773, %parallel_loop3A_1384 : vector<16xi32>
      tpu.vector_store_idx %arg7[%parallel_loop3A_1367, %parallel_loop3A_1385], %parallel_loop3A_1382 : memref<112x224xf32, #tpu.memory_space<vmem>>[vector<16xi32>, vector<16xi32>], vector<16xf32>,
      %parallel_loop3A_1386 = arith.index_cast %parallel_loop3A_1362 : i32 to index
      %parallel_loop3A_1387 = arith.constant 48 : index
      %parallel_loop3A_1388 = tpu.vector_load %arg5[%parallel_loop3A_1386, %parallel_loop3A_1387] {strides = array<i32>} : memref<56x112xf32, #tpu.memory_space<vmem>>, vector<16xf32>,
      %parallel_loop3A_1389 = arith.constant 97 : i32
      %parallel_loop3A_1390 = vector.broadcast %parallel_loop3A_1389 : i32 to vector<16xi32>
      %parallel_loop3A_1391 = arith.addi %mul3A_773, %parallel_loop3A_1390 : vector<16xi32>
      tpu.vector_store_idx %arg7[%parallel_loop3A_1367, %parallel_loop3A_1391], %parallel_loop3A_1388 : memref<112x224xf32, #tpu.memory_space<vmem>>[vector<16xi32>, vector<16xi32>], vector<16xf32>,
      %parallel_loop3A_1392 = arith.index_cast %parallel_loop3A_1362 : i32 to index
      %parallel_loop3A_1393 = arith.constant 64 : index
      %parallel_loop3A_1394 = tpu.vector_load %arg5[%parallel_loop3A_1392, %parallel_loop3A_1393] {strides = array<i32>} : memref<56x112xf32, #tpu.memory_space<vmem>>, vector<16xf32>,
      %parallel_loop3A_1395 = arith.constant 129 : i32
      %parallel_loop3A_1396 = vector.broadcast %parallel_loop3A_1395 : i32 to vector<16xi32>
      %parallel_loop3A_1397 = arith.addi %mul3A_773, %parallel_loop3A_1396 : vector<16xi32>
      tpu.vector_store_idx %arg7[%parallel_loop3A_1367, %parallel_loop3A_1397], %parallel_loop3A_1394 : memref<112x224xf32, #tpu.memory_space<vmem>>[vector<16xi32>, vector<16xi32>], vector<16xf32>,
      %parallel_loop3A_1398 = arith.index_cast %parallel_loop3A_1362 : i32 to index
      %parallel_loop3A_1399 = arith.constant 80 : index
      %parallel_loop3A_1400 = tpu.vector_load %arg5[%parallel_loop3A_1398, %parallel_loop3A_1399] {strides = array<i32>} : memref<56x112xf32, #tpu.memory_space<vmem>>, vector<16xf32>,
      %parallel_loop3A_1401 = arith.constant 161 : i32
      %parallel_loop3A_1402 = vector.broadcast %parallel_loop3A_1401 : i32 to vector<16xi32>
      %parallel_loop3A_1403 = arith.addi %mul3A_773, %parallel_loop3A_1402 : vector<16xi32>
      tpu.vector_store_idx %arg7[%parallel_loop3A_1367, %parallel_loop3A_1403], %parallel_loop3A_1400 : memref<112x224xf32, #tpu.memory_space<vmem>>[vector<16xi32>, vector<16xi32>], vector<16xf32>,
      %parallel_loop3A_1404 = arith.index_cast %parallel_loop3A_1362 : i32 to index
      %parallel_loop3A_1405 = arith.constant 96 : index
      %parallel_loop3A_1406 = tpu.vector_load %arg5[%parallel_loop3A_1404, %parallel_loop3A_1405] {strides = array<i32>} : memref<56x112xf32, #tpu.memory_space<vmem>>, vector<16xf32>,
      %parallel_loop3A_1407 = arith.constant 193 : i32
      %parallel_loop3A_1408 = vector.broadcast %parallel_loop3A_1407 : i32 to vector<16xi32>
      %parallel_loop3A_1409 = arith.addi %mul3A_773, %parallel_loop3A_1408 : vector<16xi32>
      tpu.vector_store_idx %arg7[%parallel_loop3A_1367, %parallel_loop3A_1409], %parallel_loop3A_1406 : memref<112x224xf32, #tpu.memory_space<vmem>>[vector<16xi32>, vector<16xi32>], vector<16xf32>,
    } {sc.loop_unroll_factor = 2 : i64, sc.parallel_access}
    %add3A_777 = arith.constant 1 : i32
    %add3A_778 = arith.addi %mul3A_2, %add3A_777 : i32
    %jit3A_779 = arith.constant 2 : i32
    %div3A_780 = arith.divsi %add3A_778, %jit3A_779 : i32
    %sign3A_781 = arith.constant 0 : i32
    %sign3A_782 = arith.cmpi sgt, %add3A_778, %sign3A_781 : i32
    %sign3A_783 = arith.extui %sign3A_782 : i1 to i32
    %sign3A_784 = arith.constant 0 : i32
    %sign3A_785 = arith.cmpi slt, %add3A_778, %sign3A_784 : i32
    %sign3A_786 = arith.extui %sign3A_785 : i1 to i32
    %sign3A_787 = arith.subi %sign3A_783, %sign3A_786 : i32
    %sign3A_788 = arith.constant 0 : i32
    %sign3A_789 = arith.cmpi sgt, %jit3A_779, %sign3A_788 : i32
    %sign3A_790 = arith.extui %sign3A_789 : i1 to i32
    %sign3A_791 = arith.constant 0 : i32
    %sign3A_792 = arith.cmpi slt, %jit3A_779, %sign3A_791 : i32
    %sign3A_793 = arith.extui %sign3A_792 : i1 to i32
    %sign3A_794 = arith.subi %sign3A_790, %sign3A_793 : i32
    %ne3A_795 = arith.cmpi ne, %sign3A_787, %sign3A_794 : i32
    %rem3A_796 = arith.remsi %add3A_778, %jit3A_779 : i32
    %ne3A_797 = arith.constant 0 : i32
    %ne3A_798 = arith.cmpi ne, %rem3A_796, %ne3A_797 : i32
    %and3A_799 = arith.andi %ne3A_795, %ne3A_798 : i1
    %sub3A_800 = arith.constant 1 : i32
    %sub3A_801 = arith.subi %div3A_780, %sub3A_800 : i32
    %select_n3A_802 = arith.select %and3A_799, %sub3A_801, %div3A_780 : i32
    %jit3A_803 = arith.constant 2 : i32
    %eq3A_804 = arith.constant 0 : i32
    %eq3A_805 = arith.cmpi eq, %jit3A_803, %eq3A_804 : i32
    %jit3A_806 = arith.constant 1 : i32
    %select_n3A_807 = arith.select %eq3A_805, %jit3A_806, %jit3A_803 : i32
    %rem3A_808 = arith.remsi %add3A_778, %select_n3A_807 : i32
    %ne3A_809 = arith.constant 0 : i32
    %ne3A_810 = arith.cmpi ne, %rem3A_808, %ne3A_809 : i32
    %lt3A_811 = arith.constant 0 : i32
    %lt3A_812 = arith.cmpi slt, %rem3A_808, %lt3A_811 : i32
    %lt3A_813 = arith.constant 0 : i32
    %lt3A_814 = arith.cmpi slt, %select_n3A_807, %lt3A_813 : i32
    %ne3A_815 = arith.xori %lt3A_812, %lt3A_814 : i1
    %and3A_816 = arith.andi %ne3A_815, %ne3A_810 : i1
    %add3A_817 = arith.addi %rem3A_808, %select_n3A_807 : i32
    %select_n3A_818 = arith.select %and3A_816, %add3A_817, %rem3A_808 : i32
    %jit3A_819 = arith.constant 96 : i32
    %div3A_820 = arith.divsi %select_n3A_802, %jit3A_819 : i32
    %sign3A_821 = arith.constant 0 : i32
    %sign3A_822 = arith.cmpi sgt, %select_n3A_802, %sign3A_821 : i32
    %sign3A_823 = arith.extui %sign3A_822 : i1 to i32
    %sign3A_824 = arith.constant 0 : i32
    %sign3A_825 = arith.cmpi slt, %select_n3A_802, %sign3A_824 : i32
    %sign3A_826 = arith.extui %sign3A_825 : i1 to i32
    %sign3A_827 = arith.subi %sign3A_823, %sign3A_826 : i32
    %sign3A_828 = arith.constant 0 : i32
    %sign3A_829 = arith.cmpi sgt, %jit3A_819, %sign3A_828 : i32
    %sign3A_830 = arith.extui %sign3A_829 : i1 to i32
    %sign3A_831 = arith.constant 0 : i32
    %sign3A_832 = arith.cmpi slt, %jit3A_819, %sign3A_831 : i32
    %sign3A_833 = arith.extui %sign3A_832 : i1 to i32
    %sign3A_834 = arith.subi %sign3A_830, %sign3A_833 : i32
    %ne3A_835 = arith.cmpi ne, %sign3A_827, %sign3A_834 : i32
    %rem3A_836 = arith.remsi %select_n3A_802, %jit3A_819 : i32
    %ne3A_837 = arith.constant 0 : i32
    %ne3A_838 = arith.cmpi ne, %rem3A_836, %ne3A_837 : i32
    %and3A_839 = arith.andi %ne3A_835, %ne3A_838 : i1
    %sub3A_840 = arith.constant 1 : i32
    %sub3A_841 = arith.subi %div3A_820, %sub3A_840 : i32
    %select_n3A_842 = arith.select %and3A_839, %sub3A_841, %div3A_820 : i32
    %jit3A_843 = arith.constant 96 : i32
    %eq3A_844 = arith.constant 0 : i32
    %eq3A_845 = arith.cmpi eq, %jit3A_843, %eq3A_844 : i32
    %jit3A_846 = arith.constant 1 : i32
    %select_n3A_847 = arith.select %eq3A_845, %jit3A_846, %jit3A_843 : i32
    %rem3A_848 = arith.remsi %select_n3A_802, %select_n3A_847 : i32
    %ne3A_849 = arith.constant 0 : i32
    %ne3A_850 = arith.cmpi ne, %rem3A_848, %ne3A_849 : i32
    %lt3A_851 = arith.constant 0 : i32
    %lt3A_852 = arith.cmpi slt, %rem3A_848, %lt3A_851 : i32
    %lt3A_853 = arith.constant 0 : i32
    %lt3A_854 = arith.cmpi slt, %select_n3A_847, %lt3A_853 : i32
    %ne3A_855 = arith.xori %lt3A_852, %lt3A_854 : i1
    %and3A_856 = arith.andi %ne3A_855, %ne3A_850 : i1
    %add3A_857 = arith.addi %rem3A_848, %select_n3A_847 : i32
    %select_n3A_858 = arith.select %and3A_856, %add3A_857, %rem3A_848 : i32
    %mul3A_859 = arith.constant 112 : i32
    %mul3A_860 = arith.muli %select_n3A_818, %mul3A_859 : i32
    %add3A_861 = arith.constant 56 : i32
    %add3A_862 = arith.addi %mul3A_860, %add3A_861 : i32
    %dma_start3A_863 = arith.constant 56 : i32
    %dma_start3A_864 = arith.constant 0 : i32
    %dma_start3A_865 = tpu.memref_slice %arg7[%dma_start3A_863, %dma_start3A_864] : memref<112x224xf32, #tpu.memory_space<vmem>> -> memref<56x224xf32, #tpu.memory_space<vmem>>
    %dma_start3A_866 = arith.constant 0 : i32
    %dma_start3A_867 = tpu.memref_slice %arg3[%select_n3A_842, %select_n3A_858, %add3A_862, %dma_start3A_866] : memref<8x96x224x224xf32, #tpu.memory_space<hbm>> -> memref<1x1x56x224xf32, #tpu.memory_space<hbm>>
    %dma_start3A_868 = tpu.memref_squeeze %dma_start3A_867 : memref<1x1x56x224xf32, #tpu.memory_space<hbm>> -> memref<56x224xf32, #tpu.memory_space<hbm>>
    %dma_start3A_869 = arith.constant 0 : i32
    %dma_start3A_870 = tpu.memref_slice %arg3[%select_n3A_842, %select_n3A_858, %add3A_862, %dma_start3A_869] : memref<8x96x224x224xf32, #tpu.memory_space<hbm>> -> memref<1x1x56x224xf32, #tpu.memory_space<hbm>>
    %dma_start3A_871 = tpu.memref_squeeze %dma_start3A_870 : memref<1x1x56x224xf32, #tpu.memory_space<hbm>> -> memref<56x224xf32, #tpu.memory_space<hbm>>
    %dma_start3A_872 = arith.constant 56 : i32
    %dma_start3A_873 = arith.constant 0 : i32
    %dma_start3A_874 = tpu.memref_slice %arg7[%dma_start3A_872, %dma_start3A_873] : memref<112x224xf32, #tpu.memory_space<vmem>> -> memref<56x224xf32, #tpu.memory_space<vmem>>
    tpu.enqueue_dma source(%dma_start3A_874 : memref<56x224xf32, #tpu.memory_space<vmem>>) target(%dma_start3A_871 : memref<56x224xf32, #tpu.memory_space<hbm>>) target_semaphore(%arg13 : memref<!tpu.dma_semaphore, #tpu.memory_space<semaphore_mem>>)
    %scan3A = arith.constant 0 : i32
    %scan3A_875 = arith.constant 1 : i32
    %scan3A_876 = arith.constant 23 : i32
    %scan3A_877 = arith.addi %scan3A_875, %scan3A_876 : i32
    %scan3A_878 = arith.constant 1 : i32
    scf.for %scan3A_1362 = %scan3A_875 to %scan3A_877 step %scan3A_878  : i32 {
      %mul3A_1363 = arith.constant 2 : i32
      %mul3A_1364 = arith.muli %mul3A_1363, %scan3A_1362 : i32
      %add3A_1365 = arith.constant 1 : i32
      %add3A_1366 = arith.addi %mul3A_1364, %add3A_1365 : i32
      %min3A_1367 = arith.constant 47 : i32
      %min3A_1368 = arith.minsi %add3A_1366, %min3A_1367 : i32
      %add3A_1369 = arith.addi %mul3A_2, %min3A_1368 : i32
      %jit3A_1370 = arith.constant 2 : i32
      %div3A_1371 = arith.divsi %add3A_1369, %jit3A_1370 : i32
      %sign3A_1372 = arith.constant 0 : i32
      %sign3A_1373 = arith.cmpi sgt, %add3A_1369, %sign3A_1372 : i32
      %sign3A_1374 = arith.extui %sign3A_1373 : i1 to i32
      %sign3A_1375 = arith.constant 0 : i32
      %sign3A_1376 = arith.cmpi slt, %add3A_1369, %sign3A_1375 : i32
      %sign3A_1377 = arith.extui %sign3A_1376 : i1 to i32
      %sign3A_1378 = arith.subi %sign3A_1374, %sign3A_1377 : i32
      %sign3A_1379 = arith.constant 0 : i32
      %sign3A_1380 = arith.cmpi sgt, %jit3A_1370, %sign3A_1379 : i32
      %sign3A_1381 = arith.extui %sign3A_1380 : i1 to i32
      %sign3A_1382 = arith.constant 0 : i32
      %sign3A_1383 = arith.cmpi slt, %jit3A_1370, %sign3A_1382 : i32
      %sign3A_1384 = arith.extui %sign3A_1383 : i1 to i32
      %sign3A_1385 = arith.subi %sign3A_1381, %sign3A_1384 : i32
      %ne3A_1386 = arith.cmpi ne, %sign3A_1378, %sign3A_1385 : i32
      %rem3A_1387 = arith.remsi %add3A_1369, %jit3A_1370 : i32
      %ne3A_1388 = arith.constant 0 : i32
      %ne3A_1389 = arith.cmpi ne, %rem3A_1387, %ne3A_1388 : i32
      %and3A_1390 = arith.andi %ne3A_1386, %ne3A_1389 : i1
      %sub3A_1391 = arith.constant 1 : i32
      %sub3A_1392 = arith.subi %div3A_1371, %sub3A_1391 : i32
      %select_n3A_1393 = arith.select %and3A_1390, %sub3A_1392, %div3A_1371 : i32
      %jit3A_1394 = arith.constant 2 : i32
      %eq3A_1395 = arith.constant 0 : i32
      %eq3A_1396 = arith.cmpi eq, %jit3A_1394, %eq3A_1395 : i32
      %jit3A_1397 = arith.constant 1 : i32
      %select_n3A_1398 = arith.select %eq3A_1396, %jit3A_1397, %jit3A_1394 : i32
      %rem3A_1399 = arith.remsi %add3A_1369, %select_n3A_1398 : i32
      %ne3A_1400 = arith.constant 0 : i32
      %ne3A_1401 = arith.cmpi ne, %rem3A_1399, %ne3A_1400 : i32
      %lt3A_1402 = arith.constant 0 : i32
      %lt3A_1403 = arith.cmpi slt, %rem3A_1399, %lt3A_1402 : i32
      %lt3A_1404 = arith.constant 0 : i32
      %lt3A_1405 = arith.cmpi slt, %select_n3A_1398, %lt3A_1404 : i32
      %ne3A_1406 = arith.xori %lt3A_1403, %lt3A_1405 : i1
      %and3A_1407 = arith.andi %ne3A_1406, %ne3A_1401 : i1
      %add3A_1408 = arith.addi %rem3A_1399, %select_n3A_1398 : i32
      %select_n3A_1409 = arith.select %and3A_1407, %add3A_1408, %rem3A_1399 : i32
      %jit3A_1410 = arith.constant 96 : i32
      %div3A_1411 = arith.divsi %select_n3A_1393, %jit3A_1410 : i32
      %sign3A_1412 = arith.constant 0 : i32
      %sign3A_1413 = arith.cmpi sgt, %select_n3A_1393, %sign3A_1412 : i32
      %sign3A_1414 = arith.extui %sign3A_1413 : i1 to i32
      %sign3A_1415 = arith.constant 0 : i32
      %sign3A_1416 = arith.cmpi slt, %select_n3A_1393, %sign3A_1415 : i32
      %sign3A_1417 = arith.extui %sign3A_1416 : i1 to i32
      %sign3A_1418 = arith.subi %sign3A_1414, %sign3A_1417 : i32
      %sign3A_1419 = arith.constant 0 : i32
      %sign3A_1420 = arith.cmpi sgt, %jit3A_1410, %sign3A_1419 : i32
      %sign3A_1421 = arith.extui %sign3A_1420 : i1 to i32
      %sign3A_1422 = arith.constant 0 : i32
      %sign3A_1423 = arith.cmpi slt, %jit3A_1410, %sign3A_1422 : i32
      %sign3A_1424 = arith.extui %sign3A_1423 : i1 to i32
      %sign3A_1425 = arith.subi %sign3A_1421, %sign3A_1424 : i32
      %ne3A_1426 = arith.cmpi ne, %sign3A_1418, %sign3A_1425 : i32
      %rem3A_1427 = arith.remsi %select_n3A_1393, %jit3A_1410 : i32
      %ne3A_1428 = arith.constant 0 : i32
      %ne3A_1429 = arith.cmpi ne, %rem3A_1427, %ne3A_1428 : i32
      %and3A_1430 = arith.andi %ne3A_1426, %ne3A_1429 : i1
      %sub3A_1431 = arith.constant 1 : i32
      %sub3A_1432 = arith.subi %div3A_1411, %sub3A_1431 : i32
      %select_n3A_1433 = arith.select %and3A_1430, %sub3A_1432, %div3A_1411 : i32
      %jit3A_1434 = arith.constant 96 : i32
      %eq3A_1435 = arith.constant 0 : i32
      %eq3A_1436 = arith.cmpi eq, %jit3A_1434, %eq3A_1435 : i32
      %jit3A_1437 = arith.constant 1 : i32
      %select_n3A_1438 = arith.select %eq3A_1436, %jit3A_1437, %jit3A_1434 : i32
      %rem3A_1439 = arith.remsi %select_n3A_1393, %select_n3A_1438 : i32
      %ne3A_1440 = arith.constant 0 : i32
      %ne3A_1441 = arith.cmpi ne, %rem3A_1439, %ne3A_1440 : i32
      %lt3A_1442 = arith.constant 0 : i32
      %lt3A_1443 = arith.cmpi slt, %rem3A_1439, %lt3A_1442 : i32
      %lt3A_1444 = arith.constant 0 : i32
      %lt3A_1445 = arith.cmpi slt, %select_n3A_1438, %lt3A_1444 : i32
      %ne3A_1446 = arith.xori %lt3A_1443, %lt3A_1445 : i1
      %and3A_1447 = arith.andi %ne3A_1446, %ne3A_1441 : i1
      %add3A_1448 = arith.addi %rem3A_1439, %select_n3A_1438 : i32
      %select_n3A_1449 = arith.select %and3A_1447, %add3A_1448, %rem3A_1439 : i32
      %mul3A_1450 = arith.constant 56 : i32
      %mul3A_1451 = arith.muli %select_n3A_1409, %mul3A_1450 : i32
      %dma_start3A_1452 = arith.constant 0 : i32
      %dma_start3A_1453 = tpu.memref_slice %arg2[%select_n3A_1433, %select_n3A_1449, %mul3A_1451, %dma_start3A_1452] : memref<8x96x112x112xf32, #tpu.memory_space<hbm>> -> memref<1x1x56x112xf32, #tpu.memory_space<hbm>>
      %dma_start3A_1454 = tpu.memref_squeeze %dma_start3A_1453 : memref<1x1x56x112xf32, #tpu.memory_space<hbm>> -> memref<56x112xf32, #tpu.memory_space<hbm>>
      %dma_start3A_1455 = arith.constant 0 : i32
      %dma_start3A_1456 = tpu.memref_slice %arg2[%select_n3A_1433, %select_n3A_1449, %mul3A_1451, %dma_start3A_1455] : memref<8x96x112x112xf32, #tpu.memory_space<hbm>> -> memref<1x1x56x112xf32, #tpu.memory_space<hbm>>
      %dma_start3A_1457 = tpu.memref_squeeze %dma_start3A_1456 : memref<1x1x56x112xf32, #tpu.memory_space<hbm>> -> memref<56x112xf32, #tpu.memory_space<hbm>>
      tpu.enqueue_dma source(%dma_start3A_1457 : memref<56x112xf32, #tpu.memory_space<hbm>>) target(%arg5 : memref<56x112xf32, #tpu.memory_space<vmem>>) target_semaphore(%arg9 : memref<!tpu.dma_semaphore, #tpu.memory_space<semaphore_mem>>)
      %add3A_1458 = arith.addi %mul3A_2, %mul3A_1364 : i32
      %jit3A_1459 = arith.constant 2 : i32
      %div3A_1460 = arith.divsi %add3A_1458, %jit3A_1459 : i32
      %sign3A_1461 = arith.constant 0 : i32
      %sign3A_1462 = arith.cmpi sgt, %add3A_1458, %sign3A_1461 : i32
      %sign3A_1463 = arith.extui %sign3A_1462 : i1 to i32
      %sign3A_1464 = arith.constant 0 : i32
      %sign3A_1465 = arith.cmpi slt, %add3A_1458, %sign3A_1464 : i32
      %sign3A_1466 = arith.extui %sign3A_1465 : i1 to i32
      %sign3A_1467 = arith.subi %sign3A_1463, %sign3A_1466 : i32
      %sign3A_1468 = arith.constant 0 : i32
      %sign3A_1469 = arith.cmpi sgt, %jit3A_1459, %sign3A_1468 : i32
      %sign3A_1470 = arith.extui %sign3A_1469 : i1 to i32
      %sign3A_1471 = arith.constant 0 : i32
      %sign3A_1472 = arith.cmpi slt, %jit3A_1459, %sign3A_1471 : i32
      %sign3A_1473 = arith.extui %sign3A_1472 : i1 to i32
      %sign3A_1474 = arith.subi %sign3A_1470, %sign3A_1473 : i32
      %ne3A_1475 = arith.cmpi ne, %sign3A_1467, %sign3A_1474 : i32
      %rem3A_1476 = arith.remsi %add3A_1458, %jit3A_1459 : i32
      %ne3A_1477 = arith.constant 0 : i32
      %ne3A_1478 = arith.cmpi ne, %rem3A_1476, %ne3A_1477 : i32
      %and3A_1479 = arith.andi %ne3A_1475, %ne3A_1478 : i1
      %sub3A_1480 = arith.constant 1 : i32
      %sub3A_1481 = arith.subi %div3A_1460, %sub3A_1480 : i32
      %select_n3A_1482 = arith.select %and3A_1479, %sub3A_1481, %div3A_1460 : i32
      %jit3A_1483 = arith.constant 2 : i32
      %eq3A_1484 = arith.constant 0 : i32
      %eq3A_1485 = arith.cmpi eq, %jit3A_1483, %eq3A_1484 : i32
      %jit3A_1486 = arith.constant 1 : i32
      %select_n3A_1487 = arith.select %eq3A_1485, %jit3A_1486, %jit3A_1483 : i32
      %rem3A_1488 = arith.remsi %add3A_1458, %select_n3A_1487 : i32
      %ne3A_1489 = arith.constant 0 : i32
      %ne3A_1490 = arith.cmpi ne, %rem3A_1488, %ne3A_1489 : i32
      %lt3A_1491 = arith.constant 0 : i32
      %lt3A_1492 = arith.cmpi slt, %rem3A_1488, %lt3A_1491 : i32
      %lt3A_1493 = arith.constant 0 : i32
      %lt3A_1494 = arith.cmpi slt, %select_n3A_1487, %lt3A_1493 : i32
      %ne3A_1495 = arith.xori %lt3A_1492, %lt3A_1494 : i1
      %and3A_1496 = arith.andi %ne3A_1495, %ne3A_1490 : i1
      %add3A_1497 = arith.addi %rem3A_1488, %select_n3A_1487 : i32
      %select_n3A_1498 = arith.select %and3A_1496, %add3A_1497, %rem3A_1488 : i32
      %jit3A_1499 = arith.constant 96 : i32
      %div3A_1500 = arith.divsi %select_n3A_1482, %jit3A_1499 : i32
      %sign3A_1501 = arith.constant 0 : i32
      %sign3A_1502 = arith.cmpi sgt, %select_n3A_1482, %sign3A_1501 : i32
      %sign3A_1503 = arith.extui %sign3A_1502 : i1 to i32
      %sign3A_1504 = arith.constant 0 : i32
      %sign3A_1505 = arith.cmpi slt, %select_n3A_1482, %sign3A_1504 : i32
      %sign3A_1506 = arith.extui %sign3A_1505 : i1 to i32
      %sign3A_1507 = arith.subi %sign3A_1503, %sign3A_1506 : i32
      %sign3A_1508 = arith.constant 0 : i32
      %sign3A_1509 = arith.cmpi sgt, %jit3A_1499, %sign3A_1508 : i32
      %sign3A_1510 = arith.extui %sign3A_1509 : i1 to i32
      %sign3A_1511 = arith.constant 0 : i32
      %sign3A_1512 = arith.cmpi slt, %jit3A_1499, %sign3A_1511 : i32
      %sign3A_1513 = arith.extui %sign3A_1512 : i1 to i32
      %sign3A_1514 = arith.subi %sign3A_1510, %sign3A_1513 : i32
      %ne3A_1515 = arith.cmpi ne, %sign3A_1507, %sign3A_1514 : i32
      %rem3A_1516 = arith.remsi %select_n3A_1482, %jit3A_1499 : i32
      %ne3A_1517 = arith.constant 0 : i32
      %ne3A_1518 = arith.cmpi ne, %rem3A_1516, %ne3A_1517 : i32
      %and3A_1519 = arith.andi %ne3A_1515, %ne3A_1518 : i1
      %sub3A_1520 = arith.constant 1 : i32
      %sub3A_1521 = arith.subi %div3A_1500, %sub3A_1520 : i32
      %select_n3A_1522 = arith.select %and3A_1519, %sub3A_1521, %div3A_1500 : i32
      %jit3A_1523 = arith.constant 96 : i32
      %eq3A_1524 = arith.constant 0 : i32
      %eq3A_1525 = arith.cmpi eq, %jit3A_1523, %eq3A_1524 : i32
      %jit3A_1526 = arith.constant 1 : i32
      %select_n3A_1527 = arith.select %eq3A_1525, %jit3A_1526, %jit3A_1523 : i32
      %rem3A_1528 = arith.remsi %select_n3A_1482, %select_n3A_1527 : i32
      %ne3A_1529 = arith.constant 0 : i32
      %ne3A_1530 = arith.cmpi ne, %rem3A_1528, %ne3A_1529 : i32
      %lt3A_1531 = arith.constant 0 : i32
      %lt3A_1532 = arith.cmpi slt, %rem3A_1528, %lt3A_1531 : i32
      %lt3A_1533 = arith.constant 0 : i32
      %lt3A_1534 = arith.cmpi slt, %select_n3A_1527, %lt3A_1533 : i32
      %ne3A_1535 = arith.xori %lt3A_1532, %lt3A_1534 : i1
      %and3A_1536 = arith.andi %ne3A_1535, %ne3A_1530 : i1
      %add3A_1537 = arith.addi %rem3A_1528, %select_n3A_1527 : i32
      %select_n3A_1538 = arith.select %and3A_1536, %add3A_1537, %rem3A_1528 : i32
      %mul3A_1539 = arith.constant 56 : i32
      %mul3A_1540 = arith.muli %select_n3A_1498, %mul3A_1539 : i32
      %dma_wait3A_1541 = arith.constant 0 : i32
      %dma_wait3A_1542 = tpu.memref_slice %arg2[%select_n3A_1522, %select_n3A_1538, %mul3A_1540, %dma_wait3A_1541] : memref<8x96x112x112xf32, #tpu.memory_space<hbm>> -> memref<1x1x56x112xf32, #tpu.memory_space<hbm>>
      %dma_wait3A_1543 = tpu.memref_squeeze %dma_wait3A_1542 : memref<1x1x56x112xf32, #tpu.memory_space<hbm>> -> memref<56x112xf32, #tpu.memory_space<hbm>>
      %dma_wait3A_1544 = arith.constant 0 : i32
      %dma_wait3A_1545 = tpu.memref_slice %arg2[%select_n3A_1522, %select_n3A_1538, %mul3A_1540, %dma_wait3A_1544] : memref<8x96x112x112xf32, #tpu.memory_space<hbm>> -> memref<1x1x56x112xf32, #tpu.memory_space<hbm>>
      %dma_wait3A_1546 = tpu.memref_squeeze %dma_wait3A_1545 : memref<1x1x56x112xf32, #tpu.memory_space<hbm>> -> memref<56x112xf32, #tpu.memory_space<hbm>>
      tpu.wait_dma2 semaphore(%arg8 : memref<!tpu.dma_semaphore, #tpu.memory_space<semaphore_mem>>) src(%dma_wait3A_1546 : memref<56x112xf32, #tpu.memory_space<hbm>>) dst(%arg4 : memref<56x112xf32, #tpu.memory_space<vmem>>)
      %add3A_1547 = arith.addi %mul3A_2, %mul3A_1364 : i32
      %jit3A_1548 = arith.constant 2 : i32
      %div3A_1549 = arith.divsi %add3A_1547, %jit3A_1548 : i32
      %sign3A_1550 = arith.constant 0 : i32
      %sign3A_1551 = arith.cmpi sgt, %add3A_1547, %sign3A_1550 : i32
      %sign3A_1552 = arith.extui %sign3A_1551 : i1 to i32
      %sign3A_1553 = arith.constant 0 : i32
      %sign3A_1554 = arith.cmpi slt, %add3A_1547, %sign3A_1553 : i32
      %sign3A_1555 = arith.extui %sign3A_1554 : i1 to i32
      %sign3A_1556 = arith.subi %sign3A_1552, %sign3A_1555 : i32
      %sign3A_1557 = arith.constant 0 : i32
      %sign3A_1558 = arith.cmpi sgt, %jit3A_1548, %sign3A_1557 : i32
      %sign3A_1559 = arith.extui %sign3A_1558 : i1 to i32
      %sign3A_1560 = arith.constant 0 : i32
      %sign3A_1561 = arith.cmpi slt, %jit3A_1548, %sign3A_1560 : i32
      %sign3A_1562 = arith.extui %sign3A_1561 : i1 to i32
      %sign3A_1563 = arith.subi %sign3A_1559, %sign3A_1562 : i32
      %ne3A_1564 = arith.cmpi ne, %sign3A_1556, %sign3A_1563 : i32
      %rem3A_1565 = arith.remsi %add3A_1547, %jit3A_1548 : i32
      %ne3A_1566 = arith.constant 0 : i32
      %ne3A_1567 = arith.cmpi ne, %rem3A_1565, %ne3A_1566 : i32
      %and3A_1568 = arith.andi %ne3A_1564, %ne3A_1567 : i1
      %sub3A_1569 = arith.constant 1 : i32
      %sub3A_1570 = arith.subi %div3A_1549, %sub3A_1569 : i32
      %select_n3A_1571 = arith.select %and3A_1568, %sub3A_1570, %div3A_1549 : i32
      %jit3A_1572 = arith.constant 2 : i32
      %eq3A_1573 = arith.constant 0 : i32
      %eq3A_1574 = arith.cmpi eq, %jit3A_1572, %eq3A_1573 : i32
      %jit3A_1575 = arith.constant 1 : i32
      %select_n3A_1576 = arith.select %eq3A_1574, %jit3A_1575, %jit3A_1572 : i32
      %rem3A_1577 = arith.remsi %add3A_1547, %select_n3A_1576 : i32
      %ne3A_1578 = arith.constant 0 : i32
      %ne3A_1579 = arith.cmpi ne, %rem3A_1577, %ne3A_1578 : i32
      %lt3A_1580 = arith.constant 0 : i32
      %lt3A_1581 = arith.cmpi slt, %rem3A_1577, %lt3A_1580 : i32
      %lt3A_1582 = arith.constant 0 : i32
      %lt3A_1583 = arith.cmpi slt, %select_n3A_1576, %lt3A_1582 : i32
      %ne3A_1584 = arith.xori %lt3A_1581, %lt3A_1583 : i1
      %and3A_1585 = arith.andi %ne3A_1584, %ne3A_1579 : i1
      %add3A_1586 = arith.addi %rem3A_1577, %select_n3A_1576 : i32
      %select_n3A_1587 = arith.select %and3A_1585, %add3A_1586, %rem3A_1577 : i32
      %jit3A_1588 = arith.constant 96 : i32
      %div3A_1589 = arith.divsi %select_n3A_1571, %jit3A_1588 : i32
      %sign3A_1590 = arith.constant 0 : i32
      %sign3A_1591 = arith.cmpi sgt, %select_n3A_1571, %sign3A_1590 : i32
      %sign3A_1592 = arith.extui %sign3A_1591 : i1 to i32
      %sign3A_1593 = arith.constant 0 : i32
      %sign3A_1594 = arith.cmpi slt, %select_n3A_1571, %sign3A_1593 : i32
      %sign3A_1595 = arith.extui %sign3A_1594 : i1 to i32
      %sign3A_1596 = arith.subi %sign3A_1592, %sign3A_1595 : i32
      %sign3A_1597 = arith.constant 0 : i32
      %sign3A_1598 = arith.cmpi sgt, %jit3A_1588, %sign3A_1597 : i32
      %sign3A_1599 = arith.extui %sign3A_1598 : i1 to i32
      %sign3A_1600 = arith.constant 0 : i32
      %sign3A_1601 = arith.cmpi slt, %jit3A_1588, %sign3A_1600 : i32
      %sign3A_1602 = arith.extui %sign3A_1601 : i1 to i32
      %sign3A_1603 = arith.subi %sign3A_1599, %sign3A_1602 : i32
      %ne3A_1604 = arith.cmpi ne, %sign3A_1596, %sign3A_1603 : i32
      %rem3A_1605 = arith.remsi %select_n3A_1571, %jit3A_1588 : i32
      %ne3A_1606 = arith.constant 0 : i32
      %ne3A_1607 = arith.cmpi ne, %rem3A_1605, %ne3A_1606 : i32
      %and3A_1608 = arith.andi %ne3A_1604, %ne3A_1607 : i1
      %sub3A_1609 = arith.constant 1 : i32
      %sub3A_1610 = arith.subi %div3A_1589, %sub3A_1609 : i32
      %select_n3A_1611 = arith.select %and3A_1608, %sub3A_1610, %div3A_1589 : i32
      %jit3A_1612 = arith.constant 96 : i32
      %eq3A_1613 = arith.constant 0 : i32
      %eq3A_1614 = arith.cmpi eq, %jit3A_1612, %eq3A_1613 : i32
      %jit3A_1615 = arith.constant 1 : i32
      %select_n3A_1616 = arith.select %eq3A_1614, %jit3A_1615, %jit3A_1612 : i32
      %rem3A_1617 = arith.remsi %select_n3A_1571, %select_n3A_1616 : i32
      %ne3A_1618 = arith.constant 0 : i32
      %ne3A_1619 = arith.cmpi ne, %rem3A_1617, %ne3A_1618 : i32
      %lt3A_1620 = arith.constant 0 : i32
      %lt3A_1621 = arith.cmpi slt, %rem3A_1617, %lt3A_1620 : i32
      %lt3A_1622 = arith.constant 0 : i32
      %lt3A_1623 = arith.cmpi slt, %select_n3A_1616, %lt3A_1622 : i32
      %ne3A_1624 = arith.xori %lt3A_1621, %lt3A_1623 : i1
      %and3A_1625 = arith.andi %ne3A_1624, %ne3A_1619 : i1
      %add3A_1626 = arith.addi %rem3A_1617, %select_n3A_1616 : i32
      %select_n3A_1627 = arith.select %and3A_1625, %add3A_1626, %rem3A_1617 : i32
      %mul3A_1628 = arith.constant 112 : i32
      %mul3A_1629 = arith.muli %select_n3A_1587, %mul3A_1628 : i32
      %add3A_1630 = arith.constant 0 : i32
      %add3A_1631 = arith.addi %mul3A_1629, %add3A_1630 : i32
      %dma_wait3A_1632 = arith.constant 0 : i32
      %dma_wait3A_1633 = arith.constant 0 : i32
      %dma_wait3A_1634 = tpu.memref_slice %arg6[%dma_wait3A_1632, %dma_wait3A_1633] : memref<112x224xf32, #tpu.memory_space<vmem>> -> memref<56x224xf32, #tpu.memory_space<vmem>>
      %dma_wait3A_1635 = arith.constant 0 : i32
      %dma_wait3A_1636 = tpu.memref_slice %arg3[%select_n3A_1611, %select_n3A_1627, %add3A_1631, %dma_wait3A_1635] : memref<8x96x224x224xf32, #tpu.memory_space<hbm>> -> memref<1x1x56x224xf32, #tpu.memory_space<hbm>>
      %dma_wait3A_1637 = tpu.memref_squeeze %dma_wait3A_1636 : memref<1x1x56x224xf32, #tpu.memory_space<hbm>> -> memref<56x224xf32, #tpu.memory_space<hbm>>
      %dma_wait3A_1638 = arith.constant 0 : i32
      %dma_wait3A_1639 = tpu.memref_slice %arg3[%select_n3A_1611, %select_n3A_1627, %add3A_1631, %dma_wait3A_1638] : memref<8x96x224x224xf32, #tpu.memory_space<hbm>> -> memref<1x1x56x224xf32, #tpu.memory_space<hbm>>
      %dma_wait3A_1640 = tpu.memref_squeeze %dma_wait3A_1639 : memref<1x1x56x224xf32, #tpu.memory_space<hbm>> -> memref<56x224xf32, #tpu.memory_space<hbm>>
      %dma_wait3A_1641 = arith.constant 0 : i32
      %dma_wait3A_1642 = arith.constant 0 : i32
      %dma_wait3A_1643 = tpu.memref_slice %arg6[%dma_wait3A_1641, %dma_wait3A_1642] : memref<112x224xf32, #tpu.memory_space<vmem>> -> memref<56x224xf32, #tpu.memory_space<vmem>>
      tpu.wait_dma2 semaphore(%arg10 : memref<!tpu.dma_semaphore, #tpu.memory_space<semaphore_mem>>) src(%dma_wait3A_1643 : memref<56x224xf32, #tpu.memory_space<vmem>>) dst(%dma_wait3A_1640 : memref<56x224xf32, #tpu.memory_space<hbm>>)
      %iota3A_1644 = tpu.iota {dimensions = array<i32: 0>} : vector<16xi32>
      %mul3A_1645 = arith.constant 2 : i32
      %mul3A_1646 = vector.broadcast %mul3A_1645 : i32 to vector<16xi32>
      %mul3A_1647 = arith.muli %iota3A_1644, %mul3A_1646 : vector<16xi32>
      %parallel_loop3A_1648 = arith.constant 0 : i32
      %parallel_loop3A_1649 = arith.constant 28 : i32
      %parallel_loop3A_1650 = arith.constant 1 : i32
      scf.for %parallel_loop3A_2537 = %parallel_loop3A_1648 to %parallel_loop3A_1649 step %parallel_loop3A_1650  : i32 {
        %parallel_loop3A_2538 = arith.constant 2 : i32
        %parallel_loop3A_2539 = arith.muli %parallel_loop3A_2538, %parallel_loop3A_2537 : i32
        %parallel_loop3A_2540 = arith.constant 1 : i32
        %parallel_loop3A_2541 = arith.addi %parallel_loop3A_2539, %parallel_loop3A_2540 : i32
        %parallel_loop3A_2542 = vector.broadcast %parallel_loop3A_2541 : i32 to vector<16xi32>
        %parallel_loop3A_2543 = arith.index_cast %parallel_loop3A_2537 : i32 to index
        %parallel_loop3A_2544 = arith.constant 0 : index
        %parallel_loop3A_2545 = tpu.vector_load %arg4[%parallel_loop3A_2543, %parallel_loop3A_2544] {strides = array<i32>} : memref<56x112xf32, #tpu.memory_space<vmem>>, vector<16xf32>,
        %parallel_loop3A_2546 = arith.constant 1 : i32
        %parallel_loop3A_2547 = vector.broadcast %parallel_loop3A_2546 : i32 to vector<16xi32>
        %parallel_loop3A_2548 = arith.addi %mul3A_1647, %parallel_loop3A_2547 : vector<16xi32>
        tpu.vector_store_idx %arg6[%parallel_loop3A_2542, %parallel_loop3A_2548], %parallel_loop3A_2545 : memref<112x224xf32, #tpu.memory_space<vmem>>[vector<16xi32>, vector<16xi32>], vector<16xf32>,
        %parallel_loop3A_2549 = arith.index_cast %parallel_loop3A_2537 : i32 to index
        %parallel_loop3A_2550 = arith.constant 16 : index
        %parallel_loop3A_2551 = tpu.vector_load %arg4[%parallel_loop3A_2549, %parallel_loop3A_2550] {strides = array<i32>} : memref<56x112xf32, #tpu.memory_space<vmem>>, vector<16xf32>,
        %parallel_loop3A_2552 = arith.constant 33 : i32
        %parallel_loop3A_2553 = vector.broadcast %parallel_loop3A_2552 : i32 to vector<16xi32>
        %parallel_loop3A_2554 = arith.addi %mul3A_1647, %parallel_loop3A_2553 : vector<16xi32>
        tpu.vector_store_idx %arg6[%parallel_loop3A_2542, %parallel_loop3A_2554], %parallel_loop3A_2551 : memref<112x224xf32, #tpu.memory_space<vmem>>[vector<16xi32>, vector<16xi32>], vector<16xf32>,
        %parallel_loop3A_2555 = arith.index_cast %parallel_loop3A_2537 : i32 to index
        %parallel_loop3A_2556 = arith.constant 32 : index
        %parallel_loop3A_2557 = tpu.vector_load %arg4[%parallel_loop3A_2555, %parallel_loop3A_2556] {strides = array<i32>} : memref<56x112xf32, #tpu.memory_space<vmem>>, vector<16xf32>,
        %parallel_loop3A_2558 = arith.constant 65 : i32
        %parallel_loop3A_2559 = vector.broadcast %parallel_loop3A_2558 : i32 to vector<16xi32>
        %parallel_loop3A_2560 = arith.addi %mul3A_1647, %parallel_loop3A_2559 : vector<16xi32>
        tpu.vector_store_idx %arg6[%parallel_loop3A_2542, %parallel_loop3A_2560], %parallel_loop3A_2557 : memref<112x224xf32, #tpu.memory_space<vmem>>[vector<16xi32>, vector<16xi32>], vector<16xf32>,
        %parallel_loop3A_2561 = arith.index_cast %parallel_loop3A_2537 : i32 to index
        %parallel_loop3A_2562 = arith.constant 48 : index
        %parallel_loop3A_2563 = tpu.vector_load %arg4[%parallel_loop3A_2561, %parallel_loop3A_2562] {strides = array<i32>} : memref<56x112xf32, #tpu.memory_space<vmem>>, vector<16xf32>,
        %parallel_loop3A_2564 = arith.constant 97 : i32
        %parallel_loop3A_2565 = vector.broadcast %parallel_loop3A_2564 : i32 to vector<16xi32>
        %parallel_loop3A_2566 = arith.addi %mul3A_1647, %parallel_loop3A_2565 : vector<16xi32>
        tpu.vector_store_idx %arg6[%parallel_loop3A_2542, %parallel_loop3A_2566], %parallel_loop3A_2563 : memref<112x224xf32, #tpu.memory_space<vmem>>[vector<16xi32>, vector<16xi32>], vector<16xf32>,
        %parallel_loop3A_2567 = arith.index_cast %parallel_loop3A_2537 : i32 to index
        %parallel_loop3A_2568 = arith.constant 64 : index
        %parallel_loop3A_2569 = tpu.vector_load %arg4[%parallel_loop3A_2567, %parallel_loop3A_2568] {strides = array<i32>} : memref<56x112xf32, #tpu.memory_space<vmem>>, vector<16xf32>,
        %parallel_loop3A_2570 = arith.constant 129 : i32
        %parallel_loop3A_2571 = vector.broadcast %parallel_loop3A_2570 : i32 to vector<16xi32>
        %parallel_loop3A_2572 = arith.addi %mul3A_1647, %parallel_loop3A_2571 : vector<16xi32>
        tpu.vector_store_idx %arg6[%parallel_loop3A_2542, %parallel_loop3A_2572], %parallel_loop3A_2569 : memref<112x224xf32, #tpu.memory_space<vmem>>[vector<16xi32>, vector<16xi32>], vector<16xf32>,
        %parallel_loop3A_2573 = arith.index_cast %parallel_loop3A_2537 : i32 to index
        %parallel_loop3A_2574 = arith.constant 80 : index
        %parallel_loop3A_2575 = tpu.vector_load %arg4[%parallel_loop3A_2573, %parallel_loop3A_2574] {strides = array<i32>} : memref<56x112xf32, #tpu.memory_space<vmem>>, vector<16xf32>,
        %parallel_loop3A_2576 = arith.constant 161 : i32
        %parallel_loop3A_2577 = vector.broadcast %parallel_loop3A_2576 : i32 to vector<16xi32>
        %parallel_loop3A_2578 = arith.addi %mul3A_1647, %parallel_loop3A_2577 : vector<16xi32>
        tpu.vector_store_idx %arg6[%parallel_loop3A_2542, %parallel_loop3A_2578], %parallel_loop3A_2575 : memref<112x224xf32, #tpu.memory_space<vmem>>[vector<16xi32>, vector<16xi32>], vector<16xf32>,
        %parallel_loop3A_2579 = arith.index_cast %parallel_loop3A_2537 : i32 to index
        %parallel_loop3A_2580 = arith.constant 96 : index
        %parallel_loop3A_2581 = tpu.vector_load %arg4[%parallel_loop3A_2579, %parallel_loop3A_2580] {strides = array<i32>} : memref<56x112xf32, #tpu.memory_space<vmem>>, vector<16xf32>,
        %parallel_loop3A_2582 = arith.constant 193 : i32
        %parallel_loop3A_2583 = vector.broadcast %parallel_loop3A_2582 : i32 to vector<16xi32>
        %parallel_loop3A_2584 = arith.addi %mul3A_1647, %parallel_loop3A_2583 : vector<16xi32>
        tpu.vector_store_idx %arg6[%parallel_loop3A_2542, %parallel_loop3A_2584], %parallel_loop3A_2581 : memref<112x224xf32, #tpu.memory_space<vmem>>[vector<16xi32>, vector<16xi32>], vector<16xf32>,
      } {sc.loop_unroll_factor = 2 : i64, sc.parallel_access}
      %add3A_1651 = arith.addi %mul3A_2, %mul3A_1364 : i32
      %jit3A_1652 = arith.constant 2 : i32
      %div3A_1653 = arith.divsi %add3A_1651, %jit3A_1652 : i32
      %sign3A_1654 = arith.constant 0 : i32
      %sign3A_1655 = arith.cmpi sgt, %add3A_1651, %sign3A_1654 : i32
      %sign3A_1656 = arith.extui %sign3A_1655 : i1 to i32
      %sign3A_1657 = arith.constant 0 : i32
      %sign3A_1658 = arith.cmpi slt, %add3A_1651, %sign3A_1657 : i32
      %sign3A_1659 = arith.extui %sign3A_1658 : i1 to i32
      %sign3A_1660 = arith.subi %sign3A_1656, %sign3A_1659 : i32
      %sign3A_1661 = arith.constant 0 : i32
      %sign3A_1662 = arith.cmpi sgt, %jit3A_1652, %sign3A_1661 : i32
      %sign3A_1663 = arith.extui %sign3A_1662 : i1 to i32
      %sign3A_1664 = arith.constant 0 : i32
      %sign3A_1665 = arith.cmpi slt, %jit3A_1652, %sign3A_1664 : i32
      %sign3A_1666 = arith.extui %sign3A_1665 : i1 to i32
      %sign3A_1667 = arith.subi %sign3A_1663, %sign3A_1666 : i32
      %ne3A_1668 = arith.cmpi ne, %sign3A_1660, %sign3A_1667 : i32
      %rem3A_1669 = arith.remsi %add3A_1651, %jit3A_1652 : i32
      %ne3A_1670 = arith.constant 0 : i32
      %ne3A_1671 = arith.cmpi ne, %rem3A_1669, %ne3A_1670 : i32
      %and3A_1672 = arith.andi %ne3A_1668, %ne3A_1671 : i1
      %sub3A_1673 = arith.constant 1 : i32
      %sub3A_1674 = arith.subi %div3A_1653, %sub3A_1673 : i32
      %select_n3A_1675 = arith.select %and3A_1672, %sub3A_1674, %div3A_1653 : i32
      %jit3A_1676 = arith.constant 2 : i32
      %eq3A_1677 = arith.constant 0 : i32
      %eq3A_1678 = arith.cmpi eq, %jit3A_1676, %eq3A_1677 : i32
      %jit3A_1679 = arith.constant 1 : i32
      %select_n3A_1680 = arith.select %eq3A_1678, %jit3A_1679, %jit3A_1676 : i32
      %rem3A_1681 = arith.remsi %add3A_1651, %select_n3A_1680 : i32
      %ne3A_1682 = arith.constant 0 : i32
      %ne3A_1683 = arith.cmpi ne, %rem3A_1681, %ne3A_1682 : i32
      %lt3A_1684 = arith.constant 0 : i32
      %lt3A_1685 = arith.cmpi slt, %rem3A_1681, %lt3A_1684 : i32
      %lt3A_1686 = arith.constant 0 : i32
      %lt3A_1687 = arith.cmpi slt, %select_n3A_1680, %lt3A_1686 : i32
      %ne3A_1688 = arith.xori %lt3A_1685, %lt3A_1687 : i1
      %and3A_1689 = arith.andi %ne3A_1688, %ne3A_1683 : i1
      %add3A_1690 = arith.addi %rem3A_1681, %select_n3A_1680 : i32
      %select_n3A_1691 = arith.select %and3A_1689, %add3A_1690, %rem3A_1681 : i32
      %jit3A_1692 = arith.constant 96 : i32
      %div3A_1693 = arith.divsi %select_n3A_1675, %jit3A_1692 : i32
      %sign3A_1694 = arith.constant 0 : i32
      %sign3A_1695 = arith.cmpi sgt, %select_n3A_1675, %sign3A_1694 : i32
      %sign3A_1696 = arith.extui %sign3A_1695 : i1 to i32
      %sign3A_1697 = arith.constant 0 : i32
      %sign3A_1698 = arith.cmpi slt, %select_n3A_1675, %sign3A_1697 : i32
      %sign3A_1699 = arith.extui %sign3A_1698 : i1 to i32
      %sign3A_1700 = arith.subi %sign3A_1696, %sign3A_1699 : i32
      %sign3A_1701 = arith.constant 0 : i32
      %sign3A_1702 = arith.cmpi sgt, %jit3A_1692, %sign3A_1701 : i32
      %sign3A_1703 = arith.extui %sign3A_1702 : i1 to i32
      %sign3A_1704 = arith.constant 0 : i32
      %sign3A_1705 = arith.cmpi slt, %jit3A_1692, %sign3A_1704 : i32
      %sign3A_1706 = arith.extui %sign3A_1705 : i1 to i32
      %sign3A_1707 = arith.subi %sign3A_1703, %sign3A_1706 : i32
      %ne3A_1708 = arith.cmpi ne, %sign3A_1700, %sign3A_1707 : i32
      %rem3A_1709 = arith.remsi %select_n3A_1675, %jit3A_1692 : i32
      %ne3A_1710 = arith.constant 0 : i32
      %ne3A_1711 = arith.cmpi ne, %rem3A_1709, %ne3A_1710 : i32
      %and3A_1712 = arith.andi %ne3A_1708, %ne3A_1711 : i1
      %sub3A_1713 = arith.constant 1 : i32
      %sub3A_1714 = arith.subi %div3A_1693, %sub3A_1713 : i32
      %select_n3A_1715 = arith.select %and3A_1712, %sub3A_1714, %div3A_1693 : i32
      %jit3A_1716 = arith.constant 96 : i32
      %eq3A_1717 = arith.constant 0 : i32
      %eq3A_1718 = arith.cmpi eq, %jit3A_1716, %eq3A_1717 : i32
      %jit3A_1719 = arith.constant 1 : i32
      %select_n3A_1720 = arith.select %eq3A_1718, %jit3A_1719, %jit3A_1716 : i32
      %rem3A_1721 = arith.remsi %select_n3A_1675, %select_n3A_1720 : i32
      %ne3A_1722 = arith.constant 0 : i32
      %ne3A_1723 = arith.cmpi ne, %rem3A_1721, %ne3A_1722 : i32
      %lt3A_1724 = arith.constant 0 : i32
      %lt3A_1725 = arith.cmpi slt, %rem3A_1721, %lt3A_1724 : i32
      %lt3A_1726 = arith.constant 0 : i32
      %lt3A_1727 = arith.cmpi slt, %select_n3A_1720, %lt3A_1726 : i32
      %ne3A_1728 = arith.xori %lt3A_1725, %lt3A_1727 : i1
      %and3A_1729 = arith.andi %ne3A_1728, %ne3A_1723 : i1
      %add3A_1730 = arith.addi %rem3A_1721, %select_n3A_1720 : i32
      %select_n3A_1731 = arith.select %and3A_1729, %add3A_1730, %rem3A_1721 : i32
      %mul3A_1732 = arith.constant 112 : i32
      %mul3A_1733 = arith.muli %select_n3A_1691, %mul3A_1732 : i32
      %add3A_1734 = arith.constant 0 : i32
      %add3A_1735 = arith.addi %mul3A_1733, %add3A_1734 : i32
      %dma_start3A_1736 = arith.constant 0 : i32
      %dma_start3A_1737 = arith.constant 0 : i32
      %dma_start3A_1738 = tpu.memref_slice %arg6[%dma_start3A_1736, %dma_start3A_1737] : memref<112x224xf32, #tpu.memory_space<vmem>> -> memref<56x224xf32, #tpu.memory_space<vmem>>
      %dma_start3A_1739 = arith.constant 0 : i32
      %dma_start3A_1740 = tpu.memref_slice %arg3[%select_n3A_1715, %select_n3A_1731, %add3A_1735, %dma_start3A_1739] : memref<8x96x224x224xf32, #tpu.memory_space<hbm>> -> memref<1x1x56x224xf32, #tpu.memory_space<hbm>>
      %dma_start3A_1741 = tpu.memref_squeeze %dma_start3A_1740 : memref<1x1x56x224xf32, #tpu.memory_space<hbm>> -> memref<56x224xf32, #tpu.memory_space<hbm>>
      %dma_start3A_1742 = arith.constant 0 : i32
      %dma_start3A_1743 = tpu.memref_slice %arg3[%select_n3A_1715, %select_n3A_1731, %add3A_1735, %dma_start3A_1742] : memref<8x96x224x224xf32, #tpu.memory_space<hbm>> -> memref<1x1x56x224xf32, #tpu.memory_space<hbm>>
      %dma_start3A_1744 = tpu.memref_squeeze %dma_start3A_1743 : memref<1x1x56x224xf32, #tpu.memory_space<hbm>> -> memref<56x224xf32, #tpu.memory_space<hbm>>
      %dma_start3A_1745 = arith.constant 0 : i32
      %dma_start3A_1746 = arith.constant 0 : i32
      %dma_start3A_1747 = tpu.memref_slice %arg6[%dma_start3A_1745, %dma_start3A_1746] : memref<112x224xf32, #tpu.memory_space<vmem>> -> memref<56x224xf32, #tpu.memory_space<vmem>>
      tpu.enqueue_dma source(%dma_start3A_1747 : memref<56x224xf32, #tpu.memory_space<vmem>>) target(%dma_start3A_1744 : memref<56x224xf32, #tpu.memory_space<hbm>>) target_semaphore(%arg10 : memref<!tpu.dma_semaphore, #tpu.memory_space<semaphore_mem>>)
      %add3A_1748 = arith.addi %mul3A_2, %mul3A_1364 : i32
      %jit3A_1749 = arith.constant 2 : i32
      %div3A_1750 = arith.divsi %add3A_1748, %jit3A_1749 : i32
      %sign3A_1751 = arith.constant 0 : i32
      %sign3A_1752 = arith.cmpi sgt, %add3A_1748, %sign3A_1751 : i32
      %sign3A_1753 = arith.extui %sign3A_1752 : i1 to i32
      %sign3A_1754 = arith.constant 0 : i32
      %sign3A_1755 = arith.cmpi slt, %add3A_1748, %sign3A_1754 : i32
      %sign3A_1756 = arith.extui %sign3A_1755 : i1 to i32
      %sign3A_1757 = arith.subi %sign3A_1753, %sign3A_1756 : i32
      %sign3A_1758 = arith.constant 0 : i32
      %sign3A_1759 = arith.cmpi sgt, %jit3A_1749, %sign3A_1758 : i32
      %sign3A_1760 = arith.extui %sign3A_1759 : i1 to i32
      %sign3A_1761 = arith.constant 0 : i32
      %sign3A_1762 = arith.cmpi slt, %jit3A_1749, %sign3A_1761 : i32
      %sign3A_1763 = arith.extui %sign3A_1762 : i1 to i32
      %sign3A_1764 = arith.subi %sign3A_1760, %sign3A_1763 : i32
      %ne3A_1765 = arith.cmpi ne, %sign3A_1757, %sign3A_1764 : i32
      %rem3A_1766 = arith.remsi %add3A_1748, %jit3A_1749 : i32
      %ne3A_1767 = arith.constant 0 : i32
      %ne3A_1768 = arith.cmpi ne, %rem3A_1766, %ne3A_1767 : i32
      %and3A_1769 = arith.andi %ne3A_1765, %ne3A_1768 : i1
      %sub3A_1770 = arith.constant 1 : i32
      %sub3A_1771 = arith.subi %div3A_1750, %sub3A_1770 : i32
      %select_n3A_1772 = arith.select %and3A_1769, %sub3A_1771, %div3A_1750 : i32
      %jit3A_1773 = arith.constant 2 : i32
      %eq3A_1774 = arith.constant 0 : i32
      %eq3A_1775 = arith.cmpi eq, %jit3A_1773, %eq3A_1774 : i32
      %jit3A_1776 = arith.constant 1 : i32
      %select_n3A_1777 = arith.select %eq3A_1775, %jit3A_1776, %jit3A_1773 : i32
      %rem3A_1778 = arith.remsi %add3A_1748, %select_n3A_1777 : i32
      %ne3A_1779 = arith.constant 0 : i32
      %ne3A_1780 = arith.cmpi ne, %rem3A_1778, %ne3A_1779 : i32
      %lt3A_1781 = arith.constant 0 : i32
      %lt3A_1782 = arith.cmpi slt, %rem3A_1778, %lt3A_1781 : i32
      %lt3A_1783 = arith.constant 0 : i32
      %lt3A_1784 = arith.cmpi slt, %select_n3A_1777, %lt3A_1783 : i32
      %ne3A_1785 = arith.xori %lt3A_1782, %lt3A_1784 : i1
      %and3A_1786 = arith.andi %ne3A_1785, %ne3A_1780 : i1
      %add3A_1787 = arith.addi %rem3A_1778, %select_n3A_1777 : i32
      %select_n3A_1788 = arith.select %and3A_1786, %add3A_1787, %rem3A_1778 : i32
      %jit3A_1789 = arith.constant 96 : i32
      %div3A_1790 = arith.divsi %select_n3A_1772, %jit3A_1789 : i32
      %sign3A_1791 = arith.constant 0 : i32
      %sign3A_1792 = arith.cmpi sgt, %select_n3A_1772, %sign3A_1791 : i32
      %sign3A_1793 = arith.extui %sign3A_1792 : i1 to i32
      %sign3A_1794 = arith.constant 0 : i32
      %sign3A_1795 = arith.cmpi slt, %select_n3A_1772, %sign3A_1794 : i32
      %sign3A_1796 = arith.extui %sign3A_1795 : i1 to i32
      %sign3A_1797 = arith.subi %sign3A_1793, %sign3A_1796 : i32
      %sign3A_1798 = arith.constant 0 : i32
      %sign3A_1799 = arith.cmpi sgt, %jit3A_1789, %sign3A_1798 : i32
      %sign3A_1800 = arith.extui %sign3A_1799 : i1 to i32
      %sign3A_1801 = arith.constant 0 : i32
      %sign3A_1802 = arith.cmpi slt, %jit3A_1789, %sign3A_1801 : i32
      %sign3A_1803 = arith.extui %sign3A_1802 : i1 to i32
      %sign3A_1804 = arith.subi %sign3A_1800, %sign3A_1803 : i32
      %ne3A_1805 = arith.cmpi ne, %sign3A_1797, %sign3A_1804 : i32
      %rem3A_1806 = arith.remsi %select_n3A_1772, %jit3A_1789 : i32
      %ne3A_1807 = arith.constant 0 : i32
      %ne3A_1808 = arith.cmpi ne, %rem3A_1806, %ne3A_1807 : i32
      %and3A_1809 = arith.andi %ne3A_1805, %ne3A_1808 : i1
      %sub3A_1810 = arith.constant 1 : i32
      %sub3A_1811 = arith.subi %div3A_1790, %sub3A_1810 : i32
      %select_n3A_1812 = arith.select %and3A_1809, %sub3A_1811, %div3A_1790 : i32
      %jit3A_1813 = arith.constant 96 : i32
      %eq3A_1814 = arith.constant 0 : i32
      %eq3A_1815 = arith.cmpi eq, %jit3A_1813, %eq3A_1814 : i32
      %jit3A_1816 = arith.constant 1 : i32
      %select_n3A_1817 = arith.select %eq3A_1815, %jit3A_1816, %jit3A_1813 : i32
      %rem3A_1818 = arith.remsi %select_n3A_1772, %select_n3A_1817 : i32
      %ne3A_1819 = arith.constant 0 : i32
      %ne3A_1820 = arith.cmpi ne, %rem3A_1818, %ne3A_1819 : i32
      %lt3A_1821 = arith.constant 0 : i32
      %lt3A_1822 = arith.cmpi slt, %rem3A_1818, %lt3A_1821 : i32
      %lt3A_1823 = arith.constant 0 : i32
      %lt3A_1824 = arith.cmpi slt, %select_n3A_1817, %lt3A_1823 : i32
      %ne3A_1825 = arith.xori %lt3A_1822, %lt3A_1824 : i1
      %and3A_1826 = arith.andi %ne3A_1825, %ne3A_1820 : i1
      %add3A_1827 = arith.addi %rem3A_1818, %select_n3A_1817 : i32
      %select_n3A_1828 = arith.select %and3A_1826, %add3A_1827, %rem3A_1818 : i32
      %mul3A_1829 = arith.constant 112 : i32
      %mul3A_1830 = arith.muli %select_n3A_1788, %mul3A_1829 : i32
      %add3A_1831 = arith.constant 56 : i32
      %add3A_1832 = arith.addi %mul3A_1830, %add3A_1831 : i32
      %dma_wait3A_1833 = arith.constant 56 : i32
      %dma_wait3A_1834 = arith.constant 0 : i32
      %dma_wait3A_1835 = tpu.memref_slice %arg6[%dma_wait3A_1833, %dma_wait3A_1834] : memref<112x224xf32, #tpu.memory_space<vmem>> -> memref<56x224xf32, #tpu.memory_space<vmem>>
      %dma_wait3A_1836 = arith.constant 0 : i32
      %dma_wait3A_1837 = tpu.memref_slice %arg3[%select_n3A_1812, %select_n3A_1828, %add3A_1832, %dma_wait3A_1836] : memref<8x96x224x224xf32, #tpu.memory_space<hbm>> -> memref<1x1x56x224xf32, #tpu.memory_space<hbm>>
      %dma_wait3A_1838 = tpu.memref_squeeze %dma_wait3A_1837 : memref<1x1x56x224xf32, #tpu.memory_space<hbm>> -> memref<56x224xf32, #tpu.memory_space<hbm>>
      %dma_wait3A_1839 = arith.constant 0 : i32
      %dma_wait3A_1840 = tpu.memref_slice %arg3[%select_n3A_1812, %select_n3A_1828, %add3A_1832, %dma_wait3A_1839] : memref<8x96x224x224xf32, #tpu.memory_space<hbm>> -> memref<1x1x56x224xf32, #tpu.memory_space<hbm>>
      %dma_wait3A_1841 = tpu.memref_squeeze %dma_wait3A_1840 : memref<1x1x56x224xf32, #tpu.memory_space<hbm>> -> memref<56x224xf32, #tpu.memory_space<hbm>>
      %dma_wait3A_1842 = arith.constant 56 : i32
      %dma_wait3A_1843 = arith.constant 0 : i32
      %dma_wait3A_1844 = tpu.memref_slice %arg6[%dma_wait3A_1842, %dma_wait3A_1843] : memref<112x224xf32, #tpu.memory_space<vmem>> -> memref<56x224xf32, #tpu.memory_space<vmem>>
      tpu.wait_dma2 semaphore(%arg11 : memref<!tpu.dma_semaphore, #tpu.memory_space<semaphore_mem>>) src(%dma_wait3A_1844 : memref<56x224xf32, #tpu.memory_space<vmem>>) dst(%dma_wait3A_1841 : memref<56x224xf32, #tpu.memory_space<hbm>>)
      %iota3A_1845 = tpu.iota {dimensions = array<i32: 0>} : vector<16xi32>
      %mul3A_1846 = arith.constant 2 : i32
      %mul3A_1847 = vector.broadcast %mul3A_1846 : i32 to vector<16xi32>
      %mul3A_1848 = arith.muli %iota3A_1845, %mul3A_1847 : vector<16xi32>
      %parallel_loop3A_1849 = arith.constant 28 : i32
      %parallel_loop3A_1850 = arith.constant 56 : i32
      %parallel_loop3A_1851 = arith.constant 1 : i32
      scf.for %parallel_loop3A_2537 = %parallel_loop3A_1849 to %parallel_loop3A_1850 step %parallel_loop3A_1851  : i32 {
        %parallel_loop3A_2538 = arith.constant 2 : i32
        %parallel_loop3A_2539 = arith.muli %parallel_loop3A_2538, %parallel_loop3A_2537 : i32
        %parallel_loop3A_2540 = arith.constant 1 : i32
        %parallel_loop3A_2541 = arith.addi %parallel_loop3A_2539, %parallel_loop3A_2540 : i32
        %parallel_loop3A_2542 = vector.broadcast %parallel_loop3A_2541 : i32 to vector<16xi32>
        %parallel_loop3A_2543 = arith.index_cast %parallel_loop3A_2537 : i32 to index
        %parallel_loop3A_2544 = arith.constant 0 : index
        %parallel_loop3A_2545 = tpu.vector_load %arg4[%parallel_loop3A_2543, %parallel_loop3A_2544] {strides = array<i32>} : memref<56x112xf32, #tpu.memory_space<vmem>>, vector<16xf32>,
        %parallel_loop3A_2546 = arith.constant 1 : i32
        %parallel_loop3A_2547 = vector.broadcast %parallel_loop3A_2546 : i32 to vector<16xi32>
        %parallel_loop3A_2548 = arith.addi %mul3A_1848, %parallel_loop3A_2547 : vector<16xi32>
        tpu.vector_store_idx %arg6[%parallel_loop3A_2542, %parallel_loop3A_2548], %parallel_loop3A_2545 : memref<112x224xf32, #tpu.memory_space<vmem>>[vector<16xi32>, vector<16xi32>], vector<16xf32>,
        %parallel_loop3A_2549 = arith.index_cast %parallel_loop3A_2537 : i32 to index
        %parallel_loop3A_2550 = arith.constant 16 : index
        %parallel_loop3A_2551 = tpu.vector_load %arg4[%parallel_loop3A_2549, %parallel_loop3A_2550] {strides = array<i32>} : memref<56x112xf32, #tpu.memory_space<vmem>>, vector<16xf32>,
        %parallel_loop3A_2552 = arith.constant 33 : i32
        %parallel_loop3A_2553 = vector.broadcast %parallel_loop3A_2552 : i32 to vector<16xi32>
        %parallel_loop3A_2554 = arith.addi %mul3A_1848, %parallel_loop3A_2553 : vector<16xi32>
        tpu.vector_store_idx %arg6[%parallel_loop3A_2542, %parallel_loop3A_2554], %parallel_loop3A_2551 : memref<112x224xf32, #tpu.memory_space<vmem>>[vector<16xi32>, vector<16xi32>], vector<16xf32>,
        %parallel_loop3A_2555 = arith.index_cast %parallel_loop3A_2537 : i32 to index
        %parallel_loop3A_2556 = arith.constant 32 : index
        %parallel_loop3A_2557 = tpu.vector_load %arg4[%parallel_loop3A_2555, %parallel_loop3A_2556] {strides = array<i32>} : memref<56x112xf32, #tpu.memory_space<vmem>>, vector<16xf32>,
        %parallel_loop3A_2558 = arith.constant 65 : i32
        %parallel_loop3A_2559 = vector.broadcast %parallel_loop3A_2558 : i32 to vector<16xi32>
        %parallel_loop3A_2560 = arith.addi %mul3A_1848, %parallel_loop3A_2559 : vector<16xi32>
        tpu.vector_store_idx %arg6[%parallel_loop3A_2542, %parallel_loop3A_2560], %parallel_loop3A_2557 : memref<112x224xf32, #tpu.memory_space<vmem>>[vector<16xi32>, vector<16xi32>], vector<16xf32>,
        %parallel_loop3A_2561 = arith.index_cast %parallel_loop3A_2537 : i32 to index
        %parallel_loop3A_2562 = arith.constant 48 : index
        %parallel_loop3A_2563 = tpu.vector_load %arg4[%parallel_loop3A_2561, %parallel_loop3A_2562] {strides = array<i32>} : memref<56x112xf32, #tpu.memory_space<vmem>>, vector<16xf32>,
        %parallel_loop3A_2564 = arith.constant 97 : i32
        %parallel_loop3A_2565 = vector.broadcast %parallel_loop3A_2564 : i32 to vector<16xi32>
        %parallel_loop3A_2566 = arith.addi %mul3A_1848, %parallel_loop3A_2565 : vector<16xi32>
        tpu.vector_store_idx %arg6[%parallel_loop3A_2542, %parallel_loop3A_2566], %parallel_loop3A_2563 : memref<112x224xf32, #tpu.memory_space<vmem>>[vector<16xi32>, vector<16xi32>], vector<16xf32>,
        %parallel_loop3A_2567 = arith.index_cast %parallel_loop3A_2537 : i32 to index
        %parallel_loop3A_2568 = arith.constant 64 : index
        %parallel_loop3A_2569 = tpu.vector_load %arg4[%parallel_loop3A_2567, %parallel_loop3A_2568] {strides = array<i32>} : memref<56x112xf32, #tpu.memory_space<vmem>>, vector<16xf32>,
        %parallel_loop3A_2570 = arith.constant 129 : i32
        %parallel_loop3A_2571 = vector.broadcast %parallel_loop3A_2570 : i32 to vector<16xi32>
        %parallel_loop3A_2572 = arith.addi %mul3A_1848, %parallel_loop3A_2571 : vector<16xi32>
        tpu.vector_store_idx %arg6[%parallel_loop3A_2542, %parallel_loop3A_2572], %parallel_loop3A_2569 : memref<112x224xf32, #tpu.memory_space<vmem>>[vector<16xi32>, vector<16xi32>], vector<16xf32>,
        %parallel_loop3A_2573 = arith.index_cast %parallel_loop3A_2537 : i32 to index
        %parallel_loop3A_2574 = arith.constant 80 : index
        %parallel_loop3A_2575 = tpu.vector_load %arg4[%parallel_loop3A_2573, %parallel_loop3A_2574] {strides = array<i32>} : memref<56x112xf32, #tpu.memory_space<vmem>>, vector<16xf32>,
        %parallel_loop3A_2576 = arith.constant 161 : i32
        %parallel_loop3A_2577 = vector.broadcast %parallel_loop3A_2576 : i32 to vector<16xi32>
        %parallel_loop3A_2578 = arith.addi %mul3A_1848, %parallel_loop3A_2577 : vector<16xi32>
        tpu.vector_store_idx %arg6[%parallel_loop3A_2542, %parallel_loop3A_2578], %parallel_loop3A_2575 : memref<112x224xf32, #tpu.memory_space<vmem>>[vector<16xi32>, vector<16xi32>], vector<16xf32>,
        %parallel_loop3A_2579 = arith.index_cast %parallel_loop3A_2537 : i32 to index
        %parallel_loop3A_2580 = arith.constant 96 : index
        %parallel_loop3A_2581 = tpu.vector_load %arg4[%parallel_loop3A_2579, %parallel_loop3A_2580] {strides = array<i32>} : memref<56x112xf32, #tpu.memory_space<vmem>>, vector<16xf32>,
        %parallel_loop3A_2582 = arith.constant 193 : i32
        %parallel_loop3A_2583 = vector.broadcast %parallel_loop3A_2582 : i32 to vector<16xi32>
        %parallel_loop3A_2584 = arith.addi %mul3A_1848, %parallel_loop3A_2583 : vector<16xi32>
        tpu.vector_store_idx %arg6[%parallel_loop3A_2542, %parallel_loop3A_2584], %parallel_loop3A_2581 : memref<112x224xf32, #tpu.memory_space<vmem>>[vector<16xi32>, vector<16xi32>], vector<16xf32>,
      } {sc.loop_unroll_factor = 2 : i64, sc.parallel_access}
      %add3A_1852 = arith.addi %mul3A_2, %mul3A_1364 : i32
      %jit3A_1853 = arith.constant 2 : i32
      %div3A_1854 = arith.divsi %add3A_1852, %jit3A_1853 : i32
      %sign3A_1855 = arith.constant 0 : i32
      %sign3A_1856 = arith.cmpi sgt, %add3A_1852, %sign3A_1855 : i32
      %sign3A_1857 = arith.extui %sign3A_1856 : i1 to i32
      %sign3A_1858 = arith.constant 0 : i32
      %sign3A_1859 = arith.cmpi slt, %add3A_1852, %sign3A_1858 : i32
      %sign3A_1860 = arith.extui %sign3A_1859 : i1 to i32
      %sign3A_1861 = arith.subi %sign3A_1857, %sign3A_1860 : i32
      %sign3A_1862 = arith.constant 0 : i32
      %sign3A_1863 = arith.cmpi sgt, %jit3A_1853, %sign3A_1862 : i32
      %sign3A_1864 = arith.extui %sign3A_1863 : i1 to i32
      %sign3A_1865 = arith.constant 0 : i32
      %sign3A_1866 = arith.cmpi slt, %jit3A_1853, %sign3A_1865 : i32
      %sign3A_1867 = arith.extui %sign3A_1866 : i1 to i32
      %sign3A_1868 = arith.subi %sign3A_1864, %sign3A_1867 : i32
      %ne3A_1869 = arith.cmpi ne, %sign3A_1861, %sign3A_1868 : i32
      %rem3A_1870 = arith.remsi %add3A_1852, %jit3A_1853 : i32
      %ne3A_1871 = arith.constant 0 : i32
      %ne3A_1872 = arith.cmpi ne, %rem3A_1870, %ne3A_1871 : i32
      %and3A_1873 = arith.andi %ne3A_1869, %ne3A_1872 : i1
      %sub3A_1874 = arith.constant 1 : i32
      %sub3A_1875 = arith.subi %div3A_1854, %sub3A_1874 : i32
      %select_n3A_1876 = arith.select %and3A_1873, %sub3A_1875, %div3A_1854 : i32
      %jit3A_1877 = arith.constant 2 : i32
      %eq3A_1878 = arith.constant 0 : i32
      %eq3A_1879 = arith.cmpi eq, %jit3A_1877, %eq3A_1878 : i32
      %jit3A_1880 = arith.constant 1 : i32
      %select_n3A_1881 = arith.select %eq3A_1879, %jit3A_1880, %jit3A_1877 : i32
      %rem3A_1882 = arith.remsi %add3A_1852, %select_n3A_1881 : i32
      %ne3A_1883 = arith.constant 0 : i32
      %ne3A_1884 = arith.cmpi ne, %rem3A_1882, %ne3A_1883 : i32
      %lt3A_1885 = arith.constant 0 : i32
      %lt3A_1886 = arith.cmpi slt, %rem3A_1882, %lt3A_1885 : i32
      %lt3A_1887 = arith.constant 0 : i32
      %lt3A_1888 = arith.cmpi slt, %select_n3A_1881, %lt3A_1887 : i32
      %ne3A_1889 = arith.xori %lt3A_1886, %lt3A_1888 : i1
      %and3A_1890 = arith.andi %ne3A_1889, %ne3A_1884 : i1
      %add3A_1891 = arith.addi %rem3A_1882, %select_n3A_1881 : i32
      %select_n3A_1892 = arith.select %and3A_1890, %add3A_1891, %rem3A_1882 : i32
      %jit3A_1893 = arith.constant 96 : i32
      %div3A_1894 = arith.divsi %select_n3A_1876, %jit3A_1893 : i32
      %sign3A_1895 = arith.constant 0 : i32
      %sign3A_1896 = arith.cmpi sgt, %select_n3A_1876, %sign3A_1895 : i32
      %sign3A_1897 = arith.extui %sign3A_1896 : i1 to i32
      %sign3A_1898 = arith.constant 0 : i32
      %sign3A_1899 = arith.cmpi slt, %select_n3A_1876, %sign3A_1898 : i32
      %sign3A_1900 = arith.extui %sign3A_1899 : i1 to i32
      %sign3A_1901 = arith.subi %sign3A_1897, %sign3A_1900 : i32
      %sign3A_1902 = arith.constant 0 : i32
      %sign3A_1903 = arith.cmpi sgt, %jit3A_1893, %sign3A_1902 : i32
      %sign3A_1904 = arith.extui %sign3A_1903 : i1 to i32
      %sign3A_1905 = arith.constant 0 : i32
      %sign3A_1906 = arith.cmpi slt, %jit3A_1893, %sign3A_1905 : i32
      %sign3A_1907 = arith.extui %sign3A_1906 : i1 to i32
      %sign3A_1908 = arith.subi %sign3A_1904, %sign3A_1907 : i32
      %ne3A_1909 = arith.cmpi ne, %sign3A_1901, %sign3A_1908 : i32
      %rem3A_1910 = arith.remsi %select_n3A_1876, %jit3A_1893 : i32
      %ne3A_1911 = arith.constant 0 : i32
      %ne3A_1912 = arith.cmpi ne, %rem3A_1910, %ne3A_1911 : i32
      %and3A_1913 = arith.andi %ne3A_1909, %ne3A_1912 : i1
      %sub3A_1914 = arith.constant 1 : i32
      %sub3A_1915 = arith.subi %div3A_1894, %sub3A_1914 : i32
      %select_n3A_1916 = arith.select %and3A_1913, %sub3A_1915, %div3A_1894 : i32
      %jit3A_1917 = arith.constant 96 : i32
      %eq3A_1918 = arith.constant 0 : i32
      %eq3A_1919 = arith.cmpi eq, %jit3A_1917, %eq3A_1918 : i32
      %jit3A_1920 = arith.constant 1 : i32
      %select_n3A_1921 = arith.select %eq3A_1919, %jit3A_1920, %jit3A_1917 : i32
      %rem3A_1922 = arith.remsi %select_n3A_1876, %select_n3A_1921 : i32
      %ne3A_1923 = arith.constant 0 : i32
      %ne3A_1924 = arith.cmpi ne, %rem3A_1922, %ne3A_1923 : i32
      %lt3A_1925 = arith.constant 0 : i32
      %lt3A_1926 = arith.cmpi slt, %rem3A_1922, %lt3A_1925 : i32
      %lt3A_1927 = arith.constant 0 : i32
      %lt3A_1928 = arith.cmpi slt, %select_n3A_1921, %lt3A_1927 : i32
      %ne3A_1929 = arith.xori %lt3A_1926, %lt3A_1928 : i1
      %and3A_1930 = arith.andi %ne3A_1929, %ne3A_1924 : i1
      %add3A_1931 = arith.addi %rem3A_1922, %select_n3A_1921 : i32
      %select_n3A_1932 = arith.select %and3A_1930, %add3A_1931, %rem3A_1922 : i32
      %mul3A_1933 = arith.constant 112 : i32
      %mul3A_1934 = arith.muli %select_n3A_1892, %mul3A_1933 : i32
      %add3A_1935 = arith.constant 56 : i32
      %add3A_1936 = arith.addi %mul3A_1934, %add3A_1935 : i32
      %dma_start3A_1937 = arith.constant 56 : i32
      %dma_start3A_1938 = arith.constant 0 : i32
      %dma_start3A_1939 = tpu.memref_slice %arg6[%dma_start3A_1937, %dma_start3A_1938] : memref<112x224xf32, #tpu.memory_space<vmem>> -> memref<56x224xf32, #tpu.memory_space<vmem>>
      %dma_start3A_1940 = arith.constant 0 : i32
      %dma_start3A_1941 = tpu.memref_slice %arg3[%select_n3A_1916, %select_n3A_1932, %add3A_1936, %dma_start3A_1940] : memref<8x96x224x224xf32, #tpu.memory_space<hbm>> -> memref<1x1x56x224xf32, #tpu.memory_space<hbm>>
      %dma_start3A_1942 = tpu.memref_squeeze %dma_start3A_1941 : memref<1x1x56x224xf32, #tpu.memory_space<hbm>> -> memref<56x224xf32, #tpu.memory_space<hbm>>
      %dma_start3A_1943 = arith.constant 0 : i32
      %dma_start3A_1944 = tpu.memref_slice %arg3[%select_n3A_1916, %select_n3A_1932, %add3A_1936, %dma_start3A_1943] : memref<8x96x224x224xf32, #tpu.memory_space<hbm>> -> memref<1x1x56x224xf32, #tpu.memory_space<hbm>>
      %dma_start3A_1945 = tpu.memref_squeeze %dma_start3A_1944 : memref<1x1x56x224xf32, #tpu.memory_space<hbm>> -> memref<56x224xf32, #tpu.memory_space<hbm>>
      %dma_start3A_1946 = arith.constant 56 : i32
      %dma_start3A_1947 = arith.constant 0 : i32
      %dma_start3A_1948 = tpu.memref_slice %arg6[%dma_start3A_1946, %dma_start3A_1947] : memref<112x224xf32, #tpu.memory_space<vmem>> -> memref<56x224xf32, #tpu.memory_space<vmem>>
      tpu.enqueue_dma source(%dma_start3A_1948 : memref<56x224xf32, #tpu.memory_space<vmem>>) target(%dma_start3A_1945 : memref<56x224xf32, #tpu.memory_space<hbm>>) target_semaphore(%arg11 : memref<!tpu.dma_semaphore, #tpu.memory_space<semaphore_mem>>)
      %mul3A_1949 = arith.constant 2 : i32
      %mul3A_1950 = arith.muli %mul3A_1949, %scan3A_1362 : i32
      %add3A_1951 = arith.constant 1 : i32
      %add3A_1952 = arith.addi %mul3A_1950, %add3A_1951 : i32
      %add3A_1953 = arith.constant 1 : i32
      %add3A_1954 = arith.addi %add3A_1952, %add3A_1953 : i32
      %min3A_1955 = arith.constant 47 : i32
      %min3A_1956 = arith.minsi %add3A_1954, %min3A_1955 : i32
      %add3A_1957 = arith.addi %mul3A_2, %min3A_1956 : i32
      %jit3A_1958 = arith.constant 2 : i32
      %div3A_1959 = arith.divsi %add3A_1957, %jit3A_1958 : i32
      %sign3A_1960 = arith.constant 0 : i32
      %sign3A_1961 = arith.cmpi sgt, %add3A_1957, %sign3A_1960 : i32
      %sign3A_1962 = arith.extui %sign3A_1961 : i1 to i32
      %sign3A_1963 = arith.constant 0 : i32
      %sign3A_1964 = arith.cmpi slt, %add3A_1957, %sign3A_1963 : i32
      %sign3A_1965 = arith.extui %sign3A_1964 : i1 to i32
      %sign3A_1966 = arith.subi %sign3A_1962, %sign3A_1965 : i32
      %sign3A_1967 = arith.constant 0 : i32
      %sign3A_1968 = arith.cmpi sgt, %jit3A_1958, %sign3A_1967 : i32
      %sign3A_1969 = arith.extui %sign3A_1968 : i1 to i32
      %sign3A_1970 = arith.constant 0 : i32
      %sign3A_1971 = arith.cmpi slt, %jit3A_1958, %sign3A_1970 : i32
      %sign3A_1972 = arith.extui %sign3A_1971 : i1 to i32
      %sign3A_1973 = arith.subi %sign3A_1969, %sign3A_1972 : i32
      %ne3A_1974 = arith.cmpi ne, %sign3A_1966, %sign3A_1973 : i32
      %rem3A_1975 = arith.remsi %add3A_1957, %jit3A_1958 : i32
      %ne3A_1976 = arith.constant 0 : i32
      %ne3A_1977 = arith.cmpi ne, %rem3A_1975, %ne3A_1976 : i32
      %and3A_1978 = arith.andi %ne3A_1974, %ne3A_1977 : i1
      %sub3A_1979 = arith.constant 1 : i32
      %sub3A_1980 = arith.subi %div3A_1959, %sub3A_1979 : i32
      %select_n3A_1981 = arith.select %and3A_1978, %sub3A_1980, %div3A_1959 : i32
      %jit3A_1982 = arith.constant 2 : i32
      %eq3A_1983 = arith.constant 0 : i32
      %eq3A_1984 = arith.cmpi eq, %jit3A_1982, %eq3A_1983 : i32
      %jit3A_1985 = arith.constant 1 : i32
      %select_n3A_1986 = arith.select %eq3A_1984, %jit3A_1985, %jit3A_1982 : i32
      %rem3A_1987 = arith.remsi %add3A_1957, %select_n3A_1986 : i32
      %ne3A_1988 = arith.constant 0 : i32
      %ne3A_1989 = arith.cmpi ne, %rem3A_1987, %ne3A_1988 : i32
      %lt3A_1990 = arith.constant 0 : i32
      %lt3A_1991 = arith.cmpi slt, %rem3A_1987, %lt3A_1990 : i32
      %lt3A_1992 = arith.constant 0 : i32
      %lt3A_1993 = arith.cmpi slt, %select_n3A_1986, %lt3A_1992 : i32
      %ne3A_1994 = arith.xori %lt3A_1991, %lt3A_1993 : i1
      %and3A_1995 = arith.andi %ne3A_1994, %ne3A_1989 : i1
      %add3A_1996 = arith.addi %rem3A_1987, %select_n3A_1986 : i32
      %select_n3A_1997 = arith.select %and3A_1995, %add3A_1996, %rem3A_1987 : i32
      %jit3A_1998 = arith.constant 96 : i32
      %div3A_1999 = arith.divsi %select_n3A_1981, %jit3A_1998 : i32
      %sign3A_2000 = arith.constant 0 : i32
      %sign3A_2001 = arith.cmpi sgt, %select_n3A_1981, %sign3A_2000 : i32
      %sign3A_2002 = arith.extui %sign3A_2001 : i1 to i32
      %sign3A_2003 = arith.constant 0 : i32
      %sign3A_2004 = arith.cmpi slt, %select_n3A_1981, %sign3A_2003 : i32
      %sign3A_2005 = arith.extui %sign3A_2004 : i1 to i32
      %sign3A_2006 = arith.subi %sign3A_2002, %sign3A_2005 : i32
      %sign3A_2007 = arith.constant 0 : i32
      %sign3A_2008 = arith.cmpi sgt, %jit3A_1998, %sign3A_2007 : i32
      %sign3A_2009 = arith.extui %sign3A_2008 : i1 to i32
      %sign3A_2010 = arith.constant 0 : i32
      %sign3A_2011 = arith.cmpi slt, %jit3A_1998, %sign3A_2010 : i32
      %sign3A_2012 = arith.extui %sign3A_2011 : i1 to i32
      %sign3A_2013 = arith.subi %sign3A_2009, %sign3A_2012 : i32
      %ne3A_2014 = arith.cmpi ne, %sign3A_2006, %sign3A_2013 : i32
      %rem3A_2015 = arith.remsi %select_n3A_1981, %jit3A_1998 : i32
      %ne3A_2016 = arith.constant 0 : i32
      %ne3A_2017 = arith.cmpi ne, %rem3A_2015, %ne3A_2016 : i32
      %and3A_2018 = arith.andi %ne3A_2014, %ne3A_2017 : i1
      %sub3A_2019 = arith.constant 1 : i32
      %sub3A_2020 = arith.subi %div3A_1999, %sub3A_2019 : i32
      %select_n3A_2021 = arith.select %and3A_2018, %sub3A_2020, %div3A_1999 : i32
      %jit3A_2022 = arith.constant 96 : i32
      %eq3A_2023 = arith.constant 0 : i32
      %eq3A_2024 = arith.cmpi eq, %jit3A_2022, %eq3A_2023 : i32
      %jit3A_2025 = arith.constant 1 : i32
      %select_n3A_2026 = arith.select %eq3A_2024, %jit3A_2025, %jit3A_2022 : i32
      %rem3A_2027 = arith.remsi %select_n3A_1981, %select_n3A_2026 : i32
      %ne3A_2028 = arith.constant 0 : i32
      %ne3A_2029 = arith.cmpi ne, %rem3A_2027, %ne3A_2028 : i32
      %lt3A_2030 = arith.constant 0 : i32
      %lt3A_2031 = arith.cmpi slt, %rem3A_2027, %lt3A_2030 : i32
      %lt3A_2032 = arith.constant 0 : i32
      %lt3A_2033 = arith.cmpi slt, %select_n3A_2026, %lt3A_2032 : i32
      %ne3A_2034 = arith.xori %lt3A_2031, %lt3A_2033 : i1
      %and3A_2035 = arith.andi %ne3A_2034, %ne3A_2029 : i1
      %add3A_2036 = arith.addi %rem3A_2027, %select_n3A_2026 : i32
      %select_n3A_2037 = arith.select %and3A_2035, %add3A_2036, %rem3A_2027 : i32
      %mul3A_2038 = arith.constant 56 : i32
      %mul3A_2039 = arith.muli %select_n3A_1997, %mul3A_2038 : i32
      %dma_start3A_2040 = arith.constant 0 : i32
      %dma_start3A_2041 = tpu.memref_slice %arg2[%select_n3A_2021, %select_n3A_2037, %mul3A_2039, %dma_start3A_2040] : memref<8x96x112x112xf32, #tpu.memory_space<hbm>> -> memref<1x1x56x112xf32, #tpu.memory_space<hbm>>
      %dma_start3A_2042 = tpu.memref_squeeze %dma_start3A_2041 : memref<1x1x56x112xf32, #tpu.memory_space<hbm>> -> memref<56x112xf32, #tpu.memory_space<hbm>>
      %dma_start3A_2043 = arith.constant 0 : i32
      %dma_start3A_2044 = tpu.memref_slice %arg2[%select_n3A_2021, %select_n3A_2037, %mul3A_2039, %dma_start3A_2043] : memref<8x96x112x112xf32, #tpu.memory_space<hbm>> -> memref<1x1x56x112xf32, #tpu.memory_space<hbm>>
      %dma_start3A_2045 = tpu.memref_squeeze %dma_start3A_2044 : memref<1x1x56x112xf32, #tpu.memory_space<hbm>> -> memref<56x112xf32, #tpu.memory_space<hbm>>
      tpu.enqueue_dma source(%dma_start3A_2045 : memref<56x112xf32, #tpu.memory_space<hbm>>) target(%arg4 : memref<56x112xf32, #tpu.memory_space<vmem>>) target_semaphore(%arg8 : memref<!tpu.dma_semaphore, #tpu.memory_space<semaphore_mem>>)
      %add3A_2046 = arith.addi %mul3A_2, %add3A_1952 : i32
      %jit3A_2047 = arith.constant 2 : i32
      %div3A_2048 = arith.divsi %add3A_2046, %jit3A_2047 : i32
      %sign3A_2049 = arith.constant 0 : i32
      %sign3A_2050 = arith.cmpi sgt, %add3A_2046, %sign3A_2049 : i32
      %sign3A_2051 = arith.extui %sign3A_2050 : i1 to i32
      %sign3A_2052 = arith.constant 0 : i32
      %sign3A_2053 = arith.cmpi slt, %add3A_2046, %sign3A_2052 : i32
      %sign3A_2054 = arith.extui %sign3A_2053 : i1 to i32
      %sign3A_2055 = arith.subi %sign3A_2051, %sign3A_2054 : i32
      %sign3A_2056 = arith.constant 0 : i32
      %sign3A_2057 = arith.cmpi sgt, %jit3A_2047, %sign3A_2056 : i32
      %sign3A_2058 = arith.extui %sign3A_2057 : i1 to i32
      %sign3A_2059 = arith.constant 0 : i32
      %sign3A_2060 = arith.cmpi slt, %jit3A_2047, %sign3A_2059 : i32
      %sign3A_2061 = arith.extui %sign3A_2060 : i1 to i32
      %sign3A_2062 = arith.subi %sign3A_2058, %sign3A_2061 : i32
      %ne3A_2063 = arith.cmpi ne, %sign3A_2055, %sign3A_2062 : i32
      %rem3A_2064 = arith.remsi %add3A_2046, %jit3A_2047 : i32
      %ne3A_2065 = arith.constant 0 : i32
      %ne3A_2066 = arith.cmpi ne, %rem3A_2064, %ne3A_2065 : i32
      %and3A_2067 = arith.andi %ne3A_2063, %ne3A_2066 : i1
      %sub3A_2068 = arith.constant 1 : i32
      %sub3A_2069 = arith.subi %div3A_2048, %sub3A_2068 : i32
      %select_n3A_2070 = arith.select %and3A_2067, %sub3A_2069, %div3A_2048 : i32
      %jit3A_2071 = arith.constant 2 : i32
      %eq3A_2072 = arith.constant 0 : i32
      %eq3A_2073 = arith.cmpi eq, %jit3A_2071, %eq3A_2072 : i32
      %jit3A_2074 = arith.constant 1 : i32
      %select_n3A_2075 = arith.select %eq3A_2073, %jit3A_2074, %jit3A_2071 : i32
      %rem3A_2076 = arith.remsi %add3A_2046, %select_n3A_2075 : i32
      %ne3A_2077 = arith.constant 0 : i32
      %ne3A_2078 = arith.cmpi ne, %rem3A_2076, %ne3A_2077 : i32
      %lt3A_2079 = arith.constant 0 : i32
      %lt3A_2080 = arith.cmpi slt, %rem3A_2076, %lt3A_2079 : i32
      %lt3A_2081 = arith.constant 0 : i32
      %lt3A_2082 = arith.cmpi slt, %select_n3A_2075, %lt3A_2081 : i32
      %ne3A_2083 = arith.xori %lt3A_2080, %lt3A_2082 : i1
      %and3A_2084 = arith.andi %ne3A_2083, %ne3A_2078 : i1
      %add3A_2085 = arith.addi %rem3A_2076, %select_n3A_2075 : i32
      %select_n3A_2086 = arith.select %and3A_2084, %add3A_2085, %rem3A_2076 : i32
      %jit3A_2087 = arith.constant 96 : i32
      %div3A_2088 = arith.divsi %select_n3A_2070, %jit3A_2087 : i32
      %sign3A_2089 = arith.constant 0 : i32
      %sign3A_2090 = arith.cmpi sgt, %select_n3A_2070, %sign3A_2089 : i32
      %sign3A_2091 = arith.extui %sign3A_2090 : i1 to i32
      %sign3A_2092 = arith.constant 0 : i32
      %sign3A_2093 = arith.cmpi slt, %select_n3A_2070, %sign3A_2092 : i32
      %sign3A_2094 = arith.extui %sign3A_2093 : i1 to i32
      %sign3A_2095 = arith.subi %sign3A_2091, %sign3A_2094 : i32
      %sign3A_2096 = arith.constant 0 : i32
      %sign3A_2097 = arith.cmpi sgt, %jit3A_2087, %sign3A_2096 : i32
      %sign3A_2098 = arith.extui %sign3A_2097 : i1 to i32
      %sign3A_2099 = arith.constant 0 : i32
      %sign3A_2100 = arith.cmpi slt, %jit3A_2087, %sign3A_2099 : i32
      %sign3A_2101 = arith.extui %sign3A_2100 : i1 to i32
      %sign3A_2102 = arith.subi %sign3A_2098, %sign3A_2101 : i32
      %ne3A_2103 = arith.cmpi ne, %sign3A_2095, %sign3A_2102 : i32
      %rem3A_2104 = arith.remsi %select_n3A_2070, %jit3A_2087 : i32
      %ne3A_2105 = arith.constant 0 : i32
      %ne3A_2106 = arith.cmpi ne, %rem3A_2104, %ne3A_2105 : i32
      %and3A_2107 = arith.andi %ne3A_2103, %ne3A_2106 : i1
      %sub3A_2108 = arith.constant 1 : i32
      %sub3A_2109 = arith.subi %div3A_2088, %sub3A_2108 : i32
      %select_n3A_2110 = arith.select %and3A_2107, %sub3A_2109, %div3A_2088 : i32
      %jit3A_2111 = arith.constant 96 : i32
      %eq3A_2112 = arith.constant 0 : i32
      %eq3A_2113 = arith.cmpi eq, %jit3A_2111, %eq3A_2112 : i32
      %jit3A_2114 = arith.constant 1 : i32
      %select_n3A_2115 = arith.select %eq3A_2113, %jit3A_2114, %jit3A_2111 : i32
      %rem3A_2116 = arith.remsi %select_n3A_2070, %select_n3A_2115 : i32
      %ne3A_2117 = arith.constant 0 : i32
      %ne3A_2118 = arith.cmpi ne, %rem3A_2116, %ne3A_2117 : i32
      %lt3A_2119 = arith.constant 0 : i32
      %lt3A_2120 = arith.cmpi slt, %rem3A_2116, %lt3A_2119 : i32
      %lt3A_2121 = arith.constant 0 : i32
      %lt3A_2122 = arith.cmpi slt, %select_n3A_2115, %lt3A_2121 : i32
      %ne3A_2123 = arith.xori %lt3A_2120, %lt3A_2122 : i1
      %and3A_2124 = arith.andi %ne3A_2123, %ne3A_2118 : i1
      %add3A_2125 = arith.addi %rem3A_2116, %select_n3A_2115 : i32
      %select_n3A_2126 = arith.select %and3A_2124, %add3A_2125, %rem3A_2116 : i32
      %mul3A_2127 = arith.constant 56 : i32
      %mul3A_2128 = arith.muli %select_n3A_2086, %mul3A_2127 : i32
      %dma_wait3A_2129 = arith.constant 0 : i32
      %dma_wait3A_2130 = tpu.memref_slice %arg2[%select_n3A_2110, %select_n3A_2126, %mul3A_2128, %dma_wait3A_2129] : memref<8x96x112x112xf32, #tpu.memory_space<hbm>> -> memref<1x1x56x112xf32, #tpu.memory_space<hbm>>
      %dma_wait3A_2131 = tpu.memref_squeeze %dma_wait3A_2130 : memref<1x1x56x112xf32, #tpu.memory_space<hbm>> -> memref<56x112xf32, #tpu.memory_space<hbm>>
      %dma_wait3A_2132 = arith.constant 0 : i32
      %dma_wait3A_2133 = tpu.memref_slice %arg2[%select_n3A_2110, %select_n3A_2126, %mul3A_2128, %dma_wait3A_2132] : memref<8x96x112x112xf32, #tpu.memory_space<hbm>> -> memref<1x1x56x112xf32, #tpu.memory_space<hbm>>
      %dma_wait3A_2134 = tpu.memref_squeeze %dma_wait3A_2133 : memref<1x1x56x112xf32, #tpu.memory_space<hbm>> -> memref<56x112xf32, #tpu.memory_space<hbm>>
      tpu.wait_dma2 semaphore(%arg9 : memref<!tpu.dma_semaphore, #tpu.memory_space<semaphore_mem>>) src(%dma_wait3A_2134 : memref<56x112xf32, #tpu.memory_space<hbm>>) dst(%arg5 : memref<56x112xf32, #tpu.memory_space<vmem>>)
      %add3A_2135 = arith.addi %mul3A_2, %add3A_1952 : i32
      %jit3A_2136 = arith.constant 2 : i32
      %div3A_2137 = arith.divsi %add3A_2135, %jit3A_2136 : i32
      %sign3A_2138 = arith.constant 0 : i32
      %sign3A_2139 = arith.cmpi sgt, %add3A_2135, %sign3A_2138 : i32
      %sign3A_2140 = arith.extui %sign3A_2139 : i1 to i32
      %sign3A_2141 = arith.constant 0 : i32
      %sign3A_2142 = arith.cmpi slt, %add3A_2135, %sign3A_2141 : i32
      %sign3A_2143 = arith.extui %sign3A_2142 : i1 to i32
      %sign3A_2144 = arith.subi %sign3A_2140, %sign3A_2143 : i32
      %sign3A_2145 = arith.constant 0 : i32
      %sign3A_2146 = arith.cmpi sgt, %jit3A_2136, %sign3A_2145 : i32
      %sign3A_2147 = arith.extui %sign3A_2146 : i1 to i32
      %sign3A_2148 = arith.constant 0 : i32
      %sign3A_2149 = arith.cmpi slt, %jit3A_2136, %sign3A_2148 : i32
      %sign3A_2150 = arith.extui %sign3A_2149 : i1 to i32
      %sign3A_2151 = arith.subi %sign3A_2147, %sign3A_2150 : i32
      %ne3A_2152 = arith.cmpi ne, %sign3A_2144, %sign3A_2151 : i32
      %rem3A_2153 = arith.remsi %add3A_2135, %jit3A_2136 : i32
      %ne3A_2154 = arith.constant 0 : i32
      %ne3A_2155 = arith.cmpi ne, %rem3A_2153, %ne3A_2154 : i32
      %and3A_2156 = arith.andi %ne3A_2152, %ne3A_2155 : i1
      %sub3A_2157 = arith.constant 1 : i32
      %sub3A_2158 = arith.subi %div3A_2137, %sub3A_2157 : i32
      %select_n3A_2159 = arith.select %and3A_2156, %sub3A_2158, %div3A_2137 : i32
      %jit3A_2160 = arith.constant 2 : i32
      %eq3A_2161 = arith.constant 0 : i32
      %eq3A_2162 = arith.cmpi eq, %jit3A_2160, %eq3A_2161 : i32
      %jit3A_2163 = arith.constant 1 : i32
      %select_n3A_2164 = arith.select %eq3A_2162, %jit3A_2163, %jit3A_2160 : i32
      %rem3A_2165 = arith.remsi %add3A_2135, %select_n3A_2164 : i32
      %ne3A_2166 = arith.constant 0 : i32
      %ne3A_2167 = arith.cmpi ne, %rem3A_2165, %ne3A_2166 : i32
      %lt3A_2168 = arith.constant 0 : i32
      %lt3A_2169 = arith.cmpi slt, %rem3A_2165, %lt3A_2168 : i32
      %lt3A_2170 = arith.constant 0 : i32
      %lt3A_2171 = arith.cmpi slt, %select_n3A_2164, %lt3A_2170 : i32
      %ne3A_2172 = arith.xori %lt3A_2169, %lt3A_2171 : i1
      %and3A_2173 = arith.andi %ne3A_2172, %ne3A_2167 : i1
      %add3A_2174 = arith.addi %rem3A_2165, %select_n3A_2164 : i32
      %select_n3A_2175 = arith.select %and3A_2173, %add3A_2174, %rem3A_2165 : i32
      %jit3A_2176 = arith.constant 96 : i32
      %div3A_2177 = arith.divsi %select_n3A_2159, %jit3A_2176 : i32
      %sign3A_2178 = arith.constant 0 : i32
      %sign3A_2179 = arith.cmpi sgt, %select_n3A_2159, %sign3A_2178 : i32
      %sign3A_2180 = arith.extui %sign3A_2179 : i1 to i32
      %sign3A_2181 = arith.constant 0 : i32
      %sign3A_2182 = arith.cmpi slt, %select_n3A_2159, %sign3A_2181 : i32
      %sign3A_2183 = arith.extui %sign3A_2182 : i1 to i32
      %sign3A_2184 = arith.subi %sign3A_2180, %sign3A_2183 : i32
      %sign3A_2185 = arith.constant 0 : i32
      %sign3A_2186 = arith.cmpi sgt, %jit3A_2176, %sign3A_2185 : i32
      %sign3A_2187 = arith.extui %sign3A_2186 : i1 to i32
      %sign3A_2188 = arith.constant 0 : i32
      %sign3A_2189 = arith.cmpi slt, %jit3A_2176, %sign3A_2188 : i32
      %sign3A_2190 = arith.extui %sign3A_2189 : i1 to i32
      %sign3A_2191 = arith.subi %sign3A_2187, %sign3A_2190 : i32
      %ne3A_2192 = arith.cmpi ne, %sign3A_2184, %sign3A_2191 : i32
      %rem3A_2193 = arith.remsi %select_n3A_2159, %jit3A_2176 : i32
      %ne3A_2194 = arith.constant 0 : i32
      %ne3A_2195 = arith.cmpi ne, %rem3A_2193, %ne3A_2194 : i32
      %and3A_2196 = arith.andi %ne3A_2192, %ne3A_2195 : i1
      %sub3A_2197 = arith.constant 1 : i32
      %sub3A_2198 = arith.subi %div3A_2177, %sub3A_2197 : i32
      %select_n3A_2199 = arith.select %and3A_2196, %sub3A_2198, %div3A_2177 : i32
      %jit3A_2200 = arith.constant 96 : i32
      %eq3A_2201 = arith.constant 0 : i32
      %eq3A_2202 = arith.cmpi eq, %jit3A_2200, %eq3A_2201 : i32
      %jit3A_2203 = arith.constant 1 : i32
      %select_n3A_2204 = arith.select %eq3A_2202, %jit3A_2203, %jit3A_2200 : i32
      %rem3A_2205 = arith.remsi %select_n3A_2159, %select_n3A_2204 : i32
      %ne3A_2206 = arith.constant 0 : i32
      %ne3A_2207 = arith.cmpi ne, %rem3A_2205, %ne3A_2206 : i32
      %lt3A_2208 = arith.constant 0 : i32
      %lt3A_2209 = arith.cmpi slt, %rem3A_2205, %lt3A_2208 : i32
      %lt3A_2210 = arith.constant 0 : i32
      %lt3A_2211 = arith.cmpi slt, %select_n3A_2204, %lt3A_2210 : i32
      %ne3A_2212 = arith.xori %lt3A_2209, %lt3A_2211 : i1
      %and3A_2213 = arith.andi %ne3A_2212, %ne3A_2207 : i1
      %add3A_2214 = arith.addi %rem3A_2205, %select_n3A_2204 : i32
      %select_n3A_2215 = arith.select %and3A_2213, %add3A_2214, %rem3A_2205 : i32
      %mul3A_2216 = arith.constant 112 : i32
      %mul3A_2217 = arith.muli %select_n3A_2175, %mul3A_2216 : i32
      %add3A_2218 = arith.constant 0 : i32
      %add3A_2219 = arith.addi %mul3A_2217, %add3A_2218 : i32
      %dma_wait3A_2220 = arith.constant 0 : i32
      %dma_wait3A_2221 = arith.constant 0 : i32
      %dma_wait3A_2222 = tpu.memref_slice %arg7[%dma_wait3A_2220, %dma_wait3A_2221] : memref<112x224xf32, #tpu.memory_space<vmem>> -> memref<56x224xf32, #tpu.memory_space<vmem>>
      %dma_wait3A_2223 = arith.constant 0 : i32
      %dma_wait3A_2224 = tpu.memref_slice %arg3[%select_n3A_2199, %select_n3A_2215, %add3A_2219, %dma_wait3A_2223] : memref<8x96x224x224xf32, #tpu.memory_space<hbm>> -> memref<1x1x56x224xf32, #tpu.memory_space<hbm>>
      %dma_wait3A_2225 = tpu.memref_squeeze %dma_wait3A_2224 : memref<1x1x56x224xf32, #tpu.memory_space<hbm>> -> memref<56x224xf32, #tpu.memory_space<hbm>>
      %dma_wait3A_2226 = arith.constant 0 : i32
      %dma_wait3A_2227 = tpu.memref_slice %arg3[%select_n3A_2199, %select_n3A_2215, %add3A_2219, %dma_wait3A_2226] : memref<8x96x224x224xf32, #tpu.memory_space<hbm>> -> memref<1x1x56x224xf32, #tpu.memory_space<hbm>>
      %dma_wait3A_2228 = tpu.memref_squeeze %dma_wait3A_2227 : memref<1x1x56x224xf32, #tpu.memory_space<hbm>> -> memref<56x224xf32, #tpu.memory_space<hbm>>
      %dma_wait3A_2229 = arith.constant 0 : i32
      %dma_wait3A_2230 = arith.constant 0 : i32
      %dma_wait3A_2231 = tpu.memref_slice %arg7[%dma_wait3A_2229, %dma_wait3A_2230] : memref<112x224xf32, #tpu.memory_space<vmem>> -> memref<56x224xf32, #tpu.memory_space<vmem>>
      tpu.wait_dma2 semaphore(%arg12 : memref<!tpu.dma_semaphore, #tpu.memory_space<semaphore_mem>>) src(%dma_wait3A_2231 : memref<56x224xf32, #tpu.memory_space<vmem>>) dst(%dma_wait3A_2228 : memref<56x224xf32, #tpu.memory_space<hbm>>)
      %iota3A_2232 = tpu.iota {dimensions = array<i32: 0>} : vector<16xi32>
      %mul3A_2233 = arith.constant 2 : i32
      %mul3A_2234 = vector.broadcast %mul3A_2233 : i32 to vector<16xi32>
      %mul3A_2235 = arith.muli %iota3A_2232, %mul3A_2234 : vector<16xi32>
      %parallel_loop3A_2236 = arith.constant 0 : i32
      %parallel_loop3A_2237 = arith.constant 28 : i32
      %parallel_loop3A_2238 = arith.constant 1 : i32
      scf.for %parallel_loop3A_2537 = %parallel_loop3A_2236 to %parallel_loop3A_2237 step %parallel_loop3A_2238  : i32 {
        %parallel_loop3A_2538 = arith.constant 2 : i32
        %parallel_loop3A_2539 = arith.muli %parallel_loop3A_2538, %parallel_loop3A_2537 : i32
        %parallel_loop3A_2540 = arith.constant 1 : i32
        %parallel_loop3A_2541 = arith.addi %parallel_loop3A_2539, %parallel_loop3A_2540 : i32
        %parallel_loop3A_2542 = vector.broadcast %parallel_loop3A_2541 : i32 to vector<16xi32>
        %parallel_loop3A_2543 = arith.index_cast %parallel_loop3A_2537 : i32 to index
        %parallel_loop3A_2544 = arith.constant 0 : index
        %parallel_loop3A_2545 = tpu.vector_load %arg5[%parallel_loop3A_2543, %parallel_loop3A_2544] {strides = array<i32>} : memref<56x112xf32, #tpu.memory_space<vmem>>, vector<16xf32>,
        %parallel_loop3A_2546 = arith.constant 1 : i32
        %parallel_loop3A_2547 = vector.broadcast %parallel_loop3A_2546 : i32 to vector<16xi32>
        %parallel_loop3A_2548 = arith.addi %mul3A_2235, %parallel_loop3A_2547 : vector<16xi32>
        tpu.vector_store_idx %arg7[%parallel_loop3A_2542, %parallel_loop3A_2548], %parallel_loop3A_2545 : memref<112x224xf32, #tpu.memory_space<vmem>>[vector<16xi32>, vector<16xi32>], vector<16xf32>,
        %parallel_loop3A_2549 = arith.index_cast %parallel_loop3A_2537 : i32 to index
        %parallel_loop3A_2550 = arith.constant 16 : index
        %parallel_loop3A_2551 = tpu.vector_load %arg5[%parallel_loop3A_2549, %parallel_loop3A_2550] {strides = array<i32>} : memref<56x112xf32, #tpu.memory_space<vmem>>, vector<16xf32>,
        %parallel_loop3A_2552 = arith.constant 33 : i32
        %parallel_loop3A_2553 = vector.broadcast %parallel_loop3A_2552 : i32 to vector<16xi32>
        %parallel_loop3A_2554 = arith.addi %mul3A_2235, %parallel_loop3A_2553 : vector<16xi32>
        tpu.vector_store_idx %arg7[%parallel_loop3A_2542, %parallel_loop3A_2554], %parallel_loop3A_2551 : memref<112x224xf32, #tpu.memory_space<vmem>>[vector<16xi32>, vector<16xi32>], vector<16xf32>,
        %parallel_loop3A_2555 = arith.index_cast %parallel_loop3A_2537 : i32 to index
        %parallel_loop3A_2556 = arith.constant 32 : index
        %parallel_loop3A_2557 = tpu.vector_load %arg5[%parallel_loop3A_2555, %parallel_loop3A_2556] {strides = array<i32>} : memref<56x112xf32, #tpu.memory_space<vmem>>, vector<16xf32>,
        %parallel_loop3A_2558 = arith.constant 65 : i32
        %parallel_loop3A_2559 = vector.broadcast %parallel_loop3A_2558 : i32 to vector<16xi32>
        %parallel_loop3A_2560 = arith.addi %mul3A_2235, %parallel_loop3A_2559 : vector<16xi32>
        tpu.vector_store_idx %arg7[%parallel_loop3A_2542, %parallel_loop3A_2560], %parallel_loop3A_2557 : memref<112x224xf32, #tpu.memory_space<vmem>>[vector<16xi32>, vector<16xi32>], vector<16xf32>,
        %parallel_loop3A_2561 = arith.index_cast %parallel_loop3A_2537 : i32 to index
        %parallel_loop3A_2562 = arith.constant 48 : index
        %parallel_loop3A_2563 = tpu.vector_load %arg5[%parallel_loop3A_2561, %parallel_loop3A_2562] {strides = array<i32>} : memref<56x112xf32, #tpu.memory_space<vmem>>, vector<16xf32>,
        %parallel_loop3A_2564 = arith.constant 97 : i32
        %parallel_loop3A_2565 = vector.broadcast %parallel_loop3A_2564 : i32 to vector<16xi32>
        %parallel_loop3A_2566 = arith.addi %mul3A_2235, %parallel_loop3A_2565 : vector<16xi32>
        tpu.vector_store_idx %arg7[%parallel_loop3A_2542, %parallel_loop3A_2566], %parallel_loop3A_2563 : memref<112x224xf32, #tpu.memory_space<vmem>>[vector<16xi32>, vector<16xi32>], vector<16xf32>,
        %parallel_loop3A_2567 = arith.index_cast %parallel_loop3A_2537 : i32 to index
        %parallel_loop3A_2568 = arith.constant 64 : index
        %parallel_loop3A_2569 = tpu.vector_load %arg5[%parallel_loop3A_2567, %parallel_loop3A_2568] {strides = array<i32>} : memref<56x112xf32, #tpu.memory_space<vmem>>, vector<16xf32>,
        %parallel_loop3A_2570 = arith.constant 129 : i32
        %parallel_loop3A_2571 = vector.broadcast %parallel_loop3A_2570 : i32 to vector<16xi32>
        %parallel_loop3A_2572 = arith.addi %mul3A_2235, %parallel_loop3A_2571 : vector<16xi32>
        tpu.vector_store_idx %arg7[%parallel_loop3A_2542, %parallel_loop3A_2572], %parallel_loop3A_2569 : memref<112x224xf32, #tpu.memory_space<vmem>>[vector<16xi32>, vector<16xi32>], vector<16xf32>,
        %parallel_loop3A_2573 = arith.index_cast %parallel_loop3A_2537 : i32 to index
        %parallel_loop3A_2574 = arith.constant 80 : index
        %parallel_loop3A_2575 = tpu.vector_load %arg5[%parallel_loop3A_2573, %parallel_loop3A_2574] {strides = array<i32>} : memref<56x112xf32, #tpu.memory_space<vmem>>, vector<16xf32>,
        %parallel_loop3A_2576 = arith.constant 161 : i32
        %parallel_loop3A_2577 = vector.broadcast %parallel_loop3A_2576 : i32 to vector<16xi32>
        %parallel_loop3A_2578 = arith.addi %mul3A_2235, %parallel_loop3A_2577 : vector<16xi32>
        tpu.vector_store_idx %arg7[%parallel_loop3A_2542, %parallel_loop3A_2578], %parallel_loop3A_2575 : memref<112x224xf32, #tpu.memory_space<vmem>>[vector<16xi32>, vector<16xi32>], vector<16xf32>,
        %parallel_loop3A_2579 = arith.index_cast %parallel_loop3A_2537 : i32 to index
        %parallel_loop3A_2580 = arith.constant 96 : index
        %parallel_loop3A_2581 = tpu.vector_load %arg5[%parallel_loop3A_2579, %parallel_loop3A_2580] {strides = array<i32>} : memref<56x112xf32, #tpu.memory_space<vmem>>, vector<16xf32>,
        %parallel_loop3A_2582 = arith.constant 193 : i32
        %parallel_loop3A_2583 = vector.broadcast %parallel_loop3A_2582 : i32 to vector<16xi32>
        %parallel_loop3A_2584 = arith.addi %mul3A_2235, %parallel_loop3A_2583 : vector<16xi32>
        tpu.vector_store_idx %arg7[%parallel_loop3A_2542, %parallel_loop3A_2584], %parallel_loop3A_2581 : memref<112x224xf32, #tpu.memory_space<vmem>>[vector<16xi32>, vector<16xi32>], vector<16xf32>,
      } {sc.loop_unroll_factor = 2 : i64, sc.parallel_access}
      %add3A_2239 = arith.addi %mul3A_2, %add3A_1952 : i32
      %jit3A_2240 = arith.constant 2 : i32
      %div3A_2241 = arith.divsi %add3A_2239, %jit3A_2240 : i32
      %sign3A_2242 = arith.constant 0 : i32
      %sign3A_2243 = arith.cmpi sgt, %add3A_2239, %sign3A_2242 : i32
      %sign3A_2244 = arith.extui %sign3A_2243 : i1 to i32
      %sign3A_2245 = arith.constant 0 : i32
      %sign3A_2246 = arith.cmpi slt, %add3A_2239, %sign3A_2245 : i32
      %sign3A_2247 = arith.extui %sign3A_2246 : i1 to i32
      %sign3A_2248 = arith.subi %sign3A_2244, %sign3A_2247 : i32
      %sign3A_2249 = arith.constant 0 : i32
      %sign3A_2250 = arith.cmpi sgt, %jit3A_2240, %sign3A_2249 : i32
      %sign3A_2251 = arith.extui %sign3A_2250 : i1 to i32
      %sign3A_2252 = arith.constant 0 : i32
      %sign3A_2253 = arith.cmpi slt, %jit3A_2240, %sign3A_2252 : i32
      %sign3A_2254 = arith.extui %sign3A_2253 : i1 to i32
      %sign3A_2255 = arith.subi %sign3A_2251, %sign3A_2254 : i32
      %ne3A_2256 = arith.cmpi ne, %sign3A_2248, %sign3A_2255 : i32
      %rem3A_2257 = arith.remsi %add3A_2239, %jit3A_2240 : i32
      %ne3A_2258 = arith.constant 0 : i32
      %ne3A_2259 = arith.cmpi ne, %rem3A_2257, %ne3A_2258 : i32
      %and3A_2260 = arith.andi %ne3A_2256, %ne3A_2259 : i1
      %sub3A_2261 = arith.constant 1 : i32
      %sub3A_2262 = arith.subi %div3A_2241, %sub3A_2261 : i32
      %select_n3A_2263 = arith.select %and3A_2260, %sub3A_2262, %div3A_2241 : i32
      %jit3A_2264 = arith.constant 2 : i32
      %eq3A_2265 = arith.constant 0 : i32
      %eq3A_2266 = arith.cmpi eq, %jit3A_2264, %eq3A_2265 : i32
      %jit3A_2267 = arith.constant 1 : i32
      %select_n3A_2268 = arith.select %eq3A_2266, %jit3A_2267, %jit3A_2264 : i32
      %rem3A_2269 = arith.remsi %add3A_2239, %select_n3A_2268 : i32
      %ne3A_2270 = arith.constant 0 : i32
      %ne3A_2271 = arith.cmpi ne, %rem3A_2269, %ne3A_2270 : i32
      %lt3A_2272 = arith.constant 0 : i32
      %lt3A_2273 = arith.cmpi slt, %rem3A_2269, %lt3A_2272 : i32
      %lt3A_2274 = arith.constant 0 : i32
      %lt3A_2275 = arith.cmpi slt, %select_n3A_2268, %lt3A_2274 : i32
      %ne3A_2276 = arith.xori %lt3A_2273, %lt3A_2275 : i1
      %and3A_2277 = arith.andi %ne3A_2276, %ne3A_2271 : i1
      %add3A_2278 = arith.addi %rem3A_2269, %select_n3A_2268 : i32
      %select_n3A_2279 = arith.select %and3A_2277, %add3A_2278, %rem3A_2269 : i32
      %jit3A_2280 = arith.constant 96 : i32
      %div3A_2281 = arith.divsi %select_n3A_2263, %jit3A_2280 : i32
      %sign3A_2282 = arith.constant 0 : i32
      %sign3A_2283 = arith.cmpi sgt, %select_n3A_2263, %sign3A_2282 : i32
      %sign3A_2284 = arith.extui %sign3A_2283 : i1 to i32
      %sign3A_2285 = arith.constant 0 : i32
      %sign3A_2286 = arith.cmpi slt, %select_n3A_2263, %sign3A_2285 : i32
      %sign3A_2287 = arith.extui %sign3A_2286 : i1 to i32
      %sign3A_2288 = arith.subi %sign3A_2284, %sign3A_2287 : i32
      %sign3A_2289 = arith.constant 0 : i32
      %sign3A_2290 = arith.cmpi sgt, %jit3A_2280, %sign3A_2289 : i32
      %sign3A_2291 = arith.extui %sign3A_2290 : i1 to i32
      %sign3A_2292 = arith.constant 0 : i32
      %sign3A_2293 = arith.cmpi slt, %jit3A_2280, %sign3A_2292 : i32
      %sign3A_2294 = arith.extui %sign3A_2293 : i1 to i32
      %sign3A_2295 = arith.subi %sign3A_2291, %sign3A_2294 : i32
      %ne3A_2296 = arith.cmpi ne, %sign3A_2288, %sign3A_2295 : i32
      %rem3A_2297 = arith.remsi %select_n3A_2263, %jit3A_2280 : i32
      %ne3A_2298 = arith.constant 0 : i32
      %ne3A_2299 = arith.cmpi ne, %rem3A_2297, %ne3A_2298 : i32
      %and3A_2300 = arith.andi %ne3A_2296, %ne3A_2299 : i1
      %sub3A_2301 = arith.constant 1 : i32
      %sub3A_2302 = arith.subi %div3A_2281, %sub3A_2301 : i32
      %select_n3A_2303 = arith.select %and3A_2300, %sub3A_2302, %div3A_2281 : i32
      %jit3A_2304 = arith.constant 96 : i32
      %eq3A_2305 = arith.constant 0 : i32
      %eq3A_2306 = arith.cmpi eq, %jit3A_2304, %eq3A_2305 : i32
      %jit3A_2307 = arith.constant 1 : i32
      %select_n3A_2308 = arith.select %eq3A_2306, %jit3A_2307, %jit3A_2304 : i32
      %rem3A_2309 = arith.remsi %select_n3A_2263, %select_n3A_2308 : i32
      %ne3A_2310 = arith.constant 0 : i32
      %ne3A_2311 = arith.cmpi ne, %rem3A_2309, %ne3A_2310 : i32
      %lt3A_2312 = arith.constant 0 : i32
      %lt3A_2313 = arith.cmpi slt, %rem3A_2309, %lt3A_2312 : i32
      %lt3A_2314 = arith.constant 0 : i32
      %lt3A_2315 = arith.cmpi slt, %select_n3A_2308, %lt3A_2314 : i32
      %ne3A_2316 = arith.xori %lt3A_2313, %lt3A_2315 : i1
      %and3A_2317 = arith.andi %ne3A_2316, %ne3A_2311 : i1
      %add3A_2318 = arith.addi %rem3A_2309, %select_n3A_2308 : i32
      %select_n3A_2319 = arith.select %and3A_2317, %add3A_2318, %rem3A_2309 : i32
      %mul3A_2320 = arith.constant 112 : i32
      %mul3A_2321 = arith.muli %select_n3A_2279, %mul3A_2320 : i32
      %add3A_2322 = arith.constant 0 : i32
      %add3A_2323 = arith.addi %mul3A_2321, %add3A_2322 : i32
      %dma_start3A_2324 = arith.constant 0 : i32
      %dma_start3A_2325 = arith.constant 0 : i32
      %dma_start3A_2326 = tpu.memref_slice %arg7[%dma_start3A_2324, %dma_start3A_2325] : memref<112x224xf32, #tpu.memory_space<vmem>> -> memref<56x224xf32, #tpu.memory_space<vmem>>
      %dma_start3A_2327 = arith.constant 0 : i32
      %dma_start3A_2328 = tpu.memref_slice %arg3[%select_n3A_2303, %select_n3A_2319, %add3A_2323, %dma_start3A_2327] : memref<8x96x224x224xf32, #tpu.memory_space<hbm>> -> memref<1x1x56x224xf32, #tpu.memory_space<hbm>>
      %dma_start3A_2329 = tpu.memref_squeeze %dma_start3A_2328 : memref<1x1x56x224xf32, #tpu.memory_space<hbm>> -> memref<56x224xf32, #tpu.memory_space<hbm>>
      %dma_start3A_2330 = arith.constant 0 : i32
      %dma_start3A_2331 = tpu.memref_slice %arg3[%select_n3A_2303, %select_n3A_2319, %add3A_2323, %dma_start3A_2330] : memref<8x96x224x224xf32, #tpu.memory_space<hbm>> -> memref<1x1x56x224xf32, #tpu.memory_space<hbm>>
      %dma_start3A_2332 = tpu.memref_squeeze %dma_start3A_2331 : memref<1x1x56x224xf32, #tpu.memory_space<hbm>> -> memref<56x224xf32, #tpu.memory_space<hbm>>
      %dma_start3A_2333 = arith.constant 0 : i32
      %dma_start3A_2334 = arith.constant 0 : i32
      %dma_start3A_2335 = tpu.memref_slice %arg7[%dma_start3A_2333, %dma_start3A_2334] : memref<112x224xf32, #tpu.memory_space<vmem>> -> memref<56x224xf32, #tpu.memory_space<vmem>>
      tpu.enqueue_dma source(%dma_start3A_2335 : memref<56x224xf32, #tpu.memory_space<vmem>>) target(%dma_start3A_2332 : memref<56x224xf32, #tpu.memory_space<hbm>>) target_semaphore(%arg12 : memref<!tpu.dma_semaphore, #tpu.memory_space<semaphore_mem>>)
      %add3A_2336 = arith.addi %mul3A_2, %add3A_1952 : i32
      %jit3A_2337 = arith.constant 2 : i32
      %div3A_2338 = arith.divsi %add3A_2336, %jit3A_2337 : i32
      %sign3A_2339 = arith.constant 0 : i32
      %sign3A_2340 = arith.cmpi sgt, %add3A_2336, %sign3A_2339 : i32
      %sign3A_2341 = arith.extui %sign3A_2340 : i1 to i32
      %sign3A_2342 = arith.constant 0 : i32
      %sign3A_2343 = arith.cmpi slt, %add3A_2336, %sign3A_2342 : i32
      %sign3A_2344 = arith.extui %sign3A_2343 : i1 to i32
      %sign3A_2345 = arith.subi %sign3A_2341, %sign3A_2344 : i32
      %sign3A_2346 = arith.constant 0 : i32
      %sign3A_2347 = arith.cmpi sgt, %jit3A_2337, %sign3A_2346 : i32
      %sign3A_2348 = arith.extui %sign3A_2347 : i1 to i32
      %sign3A_2349 = arith.constant 0 : i32
      %sign3A_2350 = arith.cmpi slt, %jit3A_2337, %sign3A_2349 : i32
      %sign3A_2351 = arith.extui %sign3A_2350 : i1 to i32
      %sign3A_2352 = arith.subi %sign3A_2348, %sign3A_2351 : i32
      %ne3A_2353 = arith.cmpi ne, %sign3A_2345, %sign3A_2352 : i32
      %rem3A_2354 = arith.remsi %add3A_2336, %jit3A_2337 : i32
      %ne3A_2355 = arith.constant 0 : i32
      %ne3A_2356 = arith.cmpi ne, %rem3A_2354, %ne3A_2355 : i32
      %and3A_2357 = arith.andi %ne3A_2353, %ne3A_2356 : i1
      %sub3A_2358 = arith.constant 1 : i32
      %sub3A_2359 = arith.subi %div3A_2338, %sub3A_2358 : i32
      %select_n3A_2360 = arith.select %and3A_2357, %sub3A_2359, %div3A_2338 : i32
      %jit3A_2361 = arith.constant 2 : i32
      %eq3A_2362 = arith.constant 0 : i32
      %eq3A_2363 = arith.cmpi eq, %jit3A_2361, %eq3A_2362 : i32
      %jit3A_2364 = arith.constant 1 : i32
      %select_n3A_2365 = arith.select %eq3A_2363, %jit3A_2364, %jit3A_2361 : i32
      %rem3A_2366 = arith.remsi %add3A_2336, %select_n3A_2365 : i32
      %ne3A_2367 = arith.constant 0 : i32
      %ne3A_2368 = arith.cmpi ne, %rem3A_2366, %ne3A_2367 : i32
      %lt3A_2369 = arith.constant 0 : i32
      %lt3A_2370 = arith.cmpi slt, %rem3A_2366, %lt3A_2369 : i32
      %lt3A_2371 = arith.constant 0 : i32
      %lt3A_2372 = arith.cmpi slt, %select_n3A_2365, %lt3A_2371 : i32
      %ne3A_2373 = arith.xori %lt3A_2370, %lt3A_2372 : i1
      %and3A_2374 = arith.andi %ne3A_2373, %ne3A_2368 : i1
      %add3A_2375 = arith.addi %rem3A_2366, %select_n3A_2365 : i32
      %select_n3A_2376 = arith.select %and3A_2374, %add3A_2375, %rem3A_2366 : i32
      %jit3A_2377 = arith.constant 96 : i32
      %div3A_2378 = arith.divsi %select_n3A_2360, %jit3A_2377 : i32
      %sign3A_2379 = arith.constant 0 : i32
      %sign3A_2380 = arith.cmpi sgt, %select_n3A_2360, %sign3A_2379 : i32
      %sign3A_2381 = arith.extui %sign3A_2380 : i1 to i32
      %sign3A_2382 = arith.constant 0 : i32
      %sign3A_2383 = arith.cmpi slt, %select_n3A_2360, %sign3A_2382 : i32
      %sign3A_2384 = arith.extui %sign3A_2383 : i1 to i32
      %sign3A_2385 = arith.subi %sign3A_2381, %sign3A_2384 : i32
      %sign3A_2386 = arith.constant 0 : i32
      %sign3A_2387 = arith.cmpi sgt, %jit3A_2377, %sign3A_2386 : i32
      %sign3A_2388 = arith.extui %sign3A_2387 : i1 to i32
      %sign3A_2389 = arith.constant 0 : i32
      %sign3A_2390 = arith.cmpi slt, %jit3A_2377, %sign3A_2389 : i32
      %sign3A_2391 = arith.extui %sign3A_2390 : i1 to i32
      %sign3A_2392 = arith.subi %sign3A_2388, %sign3A_2391 : i32
      %ne3A_2393 = arith.cmpi ne, %sign3A_2385, %sign3A_2392 : i32
      %rem3A_2394 = arith.remsi %select_n3A_2360, %jit3A_2377 : i32
      %ne3A_2395 = arith.constant 0 : i32
      %ne3A_2396 = arith.cmpi ne, %rem3A_2394, %ne3A_2395 : i32
      %and3A_2397 = arith.andi %ne3A_2393, %ne3A_2396 : i1
      %sub3A_2398 = arith.constant 1 : i32
      %sub3A_2399 = arith.subi %div3A_2378, %sub3A_2398 : i32
      %select_n3A_2400 = arith.select %and3A_2397, %sub3A_2399, %div3A_2378 : i32
      %jit3A_2401 = arith.constant 96 : i32
      %eq3A_2402 = arith.constant 0 : i32
      %eq3A_2403 = arith.cmpi eq, %jit3A_2401, %eq3A_2402 : i32
      %jit3A_2404 = arith.constant 1 : i32
      %select_n3A_2405 = arith.select %eq3A_2403, %jit3A_2404, %jit3A_2401 : i32
      %rem3A_2406 = arith.remsi %select_n3A_2360, %select_n3A_2405 : i32
      %ne3A_2407 = arith.constant 0 : i32
      %ne3A_2408 = arith.cmpi ne, %rem3A_2406, %ne3A_2407 : i32
      %lt3A_2409 = arith.constant 0 : i32
      %lt3A_2410 = arith.cmpi slt, %rem3A_2406, %lt3A_2409 : i32
      %lt3A_2411 = arith.constant 0 : i32
      %lt3A_2412 = arith.cmpi slt, %select_n3A_2405, %lt3A_2411 : i32
      %ne3A_2413 = arith.xori %lt3A_2410, %lt3A_2412 : i1
      %and3A_2414 = arith.andi %ne3A_2413, %ne3A_2408 : i1
      %add3A_2415 = arith.addi %rem3A_2406, %select_n3A_2405 : i32
      %select_n3A_2416 = arith.select %and3A_2414, %add3A_2415, %rem3A_2406 : i32
      %mul3A_2417 = arith.constant 112 : i32
      %mul3A_2418 = arith.muli %select_n3A_2376, %mul3A_2417 : i32
      %add3A_2419 = arith.constant 56 : i32
      %add3A_2420 = arith.addi %mul3A_2418, %add3A_2419 : i32
      %dma_wait3A_2421 = arith.constant 56 : i32
      %dma_wait3A_2422 = arith.constant 0 : i32
      %dma_wait3A_2423 = tpu.memref_slice %arg7[%dma_wait3A_2421, %dma_wait3A_2422] : memref<112x224xf32, #tpu.memory_space<vmem>> -> memref<56x224xf32, #tpu.memory_space<vmem>>
      %dma_wait3A_2424 = arith.constant 0 : i32
      %dma_wait3A_2425 = tpu.memref_slice %arg3[%select_n3A_2400, %select_n3A_2416, %add3A_2420, %dma_wait3A_2424] : memref<8x96x224x224xf32, #tpu.memory_space<hbm>> -> memref<1x1x56x224xf32, #tpu.memory_space<hbm>>
      %dma_wait3A_2426 = tpu.memref_squeeze %dma_wait3A_2425 : memref<1x1x56x224xf32, #tpu.memory_space<hbm>> -> memref<56x224xf32, #tpu.memory_space<hbm>>
      %dma_wait3A_2427 = arith.constant 0 : i32
      %dma_wait3A_2428 = tpu.memref_slice %arg3[%select_n3A_2400, %select_n3A_2416, %add3A_2420, %dma_wait3A_2427] : memref<8x96x224x224xf32, #tpu.memory_space<hbm>> -> memref<1x1x56x224xf32, #tpu.memory_space<hbm>>
      %dma_wait3A_2429 = tpu.memref_squeeze %dma_wait3A_2428 : memref<1x1x56x224xf32, #tpu.memory_space<hbm>> -> memref<56x224xf32, #tpu.memory_space<hbm>>
      %dma_wait3A_2430 = arith.constant 56 : i32
      %dma_wait3A_2431 = arith.constant 0 : i32
      %dma_wait3A_2432 = tpu.memref_slice %arg7[%dma_wait3A_2430, %dma_wait3A_2431] : memref<112x224xf32, #tpu.memory_space<vmem>> -> memref<56x224xf32, #tpu.memory_space<vmem>>
      tpu.wait_dma2 semaphore(%arg13 : memref<!tpu.dma_semaphore, #tpu.memory_space<semaphore_mem>>) src(%dma_wait3A_2432 : memref<56x224xf32, #tpu.memory_space<vmem>>) dst(%dma_wait3A_2429 : memref<56x224xf32, #tpu.memory_space<hbm>>)
      %iota3A_2433 = tpu.iota {dimensions = array<i32: 0>} : vector<16xi32>
      %mul3A_2434 = arith.constant 2 : i32
      %mul3A_2435 = vector.broadcast %mul3A_2434 : i32 to vector<16xi32>
      %mul3A_2436 = arith.muli %iota3A_2433, %mul3A_2435 : vector<16xi32>
      %parallel_loop3A_2437 = arith.constant 28 : i32
      %parallel_loop3A_2438 = arith.constant 56 : i32
      %parallel_loop3A_2439 = arith.constant 1 : i32
      scf.for %parallel_loop3A_2537 = %parallel_loop3A_2437 to %parallel_loop3A_2438 step %parallel_loop3A_2439  : i32 {
        %parallel_loop3A_2538 = arith.constant 2 : i32
        %parallel_loop3A_2539 = arith.muli %parallel_loop3A_2538, %parallel_loop3A_2537 : i32
        %parallel_loop3A_2540 = arith.constant 1 : i32
        %parallel_loop3A_2541 = arith.addi %parallel_loop3A_2539, %parallel_loop3A_2540 : i32
        %parallel_loop3A_2542 = vector.broadcast %parallel_loop3A_2541 : i32 to vector<16xi32>
        %parallel_loop3A_2543 = arith.index_cast %parallel_loop3A_2537 : i32 to index
        %parallel_loop3A_2544 = arith.constant 0 : index
        %parallel_loop3A_2545 = tpu.vector_load %arg5[%parallel_loop3A_2543, %parallel_loop3A_2544] {strides = array<i32>} : memref<56x112xf32, #tpu.memory_space<vmem>>, vector<16xf32>,
        %parallel_loop3A_2546 = arith.constant 1 : i32
        %parallel_loop3A_2547 = vector.broadcast %parallel_loop3A_2546 : i32 to vector<16xi32>
        %parallel_loop3A_2548 = arith.addi %mul3A_2436, %parallel_loop3A_2547 : vector<16xi32>
        tpu.vector_store_idx %arg7[%parallel_loop3A_2542, %parallel_loop3A_2548], %parallel_loop3A_2545 : memref<112x224xf32, #tpu.memory_space<vmem>>[vector<16xi32>, vector<16xi32>], vector<16xf32>,
        %parallel_loop3A_2549 = arith.index_cast %parallel_loop3A_2537 : i32 to index
        %parallel_loop3A_2550 = arith.constant 16 : index
        %parallel_loop3A_2551 = tpu.vector_load %arg5[%parallel_loop3A_2549, %parallel_loop3A_2550] {strides = array<i32>} : memref<56x112xf32, #tpu.memory_space<vmem>>, vector<16xf32>,
        %parallel_loop3A_2552 = arith.constant 33 : i32
        %parallel_loop3A_2553 = vector.broadcast %parallel_loop3A_2552 : i32 to vector<16xi32>
        %parallel_loop3A_2554 = arith.addi %mul3A_2436, %parallel_loop3A_2553 : vector<16xi32>
        tpu.vector_store_idx %arg7[%parallel_loop3A_2542, %parallel_loop3A_2554], %parallel_loop3A_2551 : memref<112x224xf32, #tpu.memory_space<vmem>>[vector<16xi32>, vector<16xi32>], vector<16xf32>,
        %parallel_loop3A_2555 = arith.index_cast %parallel_loop3A_2537 : i32 to index
        %parallel_loop3A_2556 = arith.constant 32 : index
        %parallel_loop3A_2557 = tpu.vector_load %arg5[%parallel_loop3A_2555, %parallel_loop3A_2556] {strides = array<i32>} : memref<56x112xf32, #tpu.memory_space<vmem>>, vector<16xf32>,
        %parallel_loop3A_2558 = arith.constant 65 : i32
        %parallel_loop3A_2559 = vector.broadcast %parallel_loop3A_2558 : i32 to vector<16xi32>
        %parallel_loop3A_2560 = arith.addi %mul3A_2436, %parallel_loop3A_2559 : vector<16xi32>
        tpu.vector_store_idx %arg7[%parallel_loop3A_2542, %parallel_loop3A_2560], %parallel_loop3A_2557 : memref<112x224xf32, #tpu.memory_space<vmem>>[vector<16xi32>, vector<16xi32>], vector<16xf32>,
        %parallel_loop3A_2561 = arith.index_cast %parallel_loop3A_2537 : i32 to index
        %parallel_loop3A_2562 = arith.constant 48 : index
        %parallel_loop3A_2563 = tpu.vector_load %arg5[%parallel_loop3A_2561, %parallel_loop3A_2562] {strides = array<i32>} : memref<56x112xf32, #tpu.memory_space<vmem>>, vector<16xf32>,
        %parallel_loop3A_2564 = arith.constant 97 : i32
        %parallel_loop3A_2565 = vector.broadcast %parallel_loop3A_2564 : i32 to vector<16xi32>
        %parallel_loop3A_2566 = arith.addi %mul3A_2436, %parallel_loop3A_2565 : vector<16xi32>
        tpu.vector_store_idx %arg7[%parallel_loop3A_2542, %parallel_loop3A_2566], %parallel_loop3A_2563 : memref<112x224xf32, #tpu.memory_space<vmem>>[vector<16xi32>, vector<16xi32>], vector<16xf32>,
        %parallel_loop3A_2567 = arith.index_cast %parallel_loop3A_2537 : i32 to index
        %parallel_loop3A_2568 = arith.constant 64 : index
        %parallel_loop3A_2569 = tpu.vector_load %arg5[%parallel_loop3A_2567, %parallel_loop3A_2568] {strides = array<i32>} : memref<56x112xf32, #tpu.memory_space<vmem>>, vector<16xf32>,
        %parallel_loop3A_2570 = arith.constant 129 : i32
        %parallel_loop3A_2571 = vector.broadcast %parallel_loop3A_2570 : i32 to vector<16xi32>
        %parallel_loop3A_2572 = arith.addi %mul3A_2436, %parallel_loop3A_2571 : vector<16xi32>
        tpu.vector_store_idx %arg7[%parallel_loop3A_2542, %parallel_loop3A_2572], %parallel_loop3A_2569 : memref<112x224xf32, #tpu.memory_space<vmem>>[vector<16xi32>, vector<16xi32>], vector<16xf32>,
        %parallel_loop3A_2573 = arith.index_cast %parallel_loop3A_2537 : i32 to index
        %parallel_loop3A_2574 = arith.constant 80 : index
        %parallel_loop3A_2575 = tpu.vector_load %arg5[%parallel_loop3A_2573, %parallel_loop3A_2574] {strides = array<i32>} : memref<56x112xf32, #tpu.memory_space<vmem>>, vector<16xf32>,
        %parallel_loop3A_2576 = arith.constant 161 : i32
        %parallel_loop3A_2577 = vector.broadcast %parallel_loop3A_2576 : i32 to vector<16xi32>
        %parallel_loop3A_2578 = arith.addi %mul3A_2436, %parallel_loop3A_2577 : vector<16xi32>
        tpu.vector_store_idx %arg7[%parallel_loop3A_2542, %parallel_loop3A_2578], %parallel_loop3A_2575 : memref<112x224xf32, #tpu.memory_space<vmem>>[vector<16xi32>, vector<16xi32>], vector<16xf32>,
        %parallel_loop3A_2579 = arith.index_cast %parallel_loop3A_2537 : i32 to index
        %parallel_loop3A_2580 = arith.constant 96 : index
        %parallel_loop3A_2581 = tpu.vector_load %arg5[%parallel_loop3A_2579, %parallel_loop3A_2580] {strides = array<i32>} : memref<56x112xf32, #tpu.memory_space<vmem>>, vector<16xf32>,
        %parallel_loop3A_2582 = arith.constant 193 : i32
        %parallel_loop3A_2583 = vector.broadcast %parallel_loop3A_2582 : i32 to vector<16xi32>
        %parallel_loop3A_2584 = arith.addi %mul3A_2436, %parallel_loop3A_2583 : vector<16xi32>
        tpu.vector_store_idx %arg7[%parallel_loop3A_2542, %parallel_loop3A_2584], %parallel_loop3A_2581 : memref<112x224xf32, #tpu.memory_space<vmem>>[vector<16xi32>, vector<16xi32>], vector<16xf32>,
      } {sc.loop_unroll_factor = 2 : i64, sc.parallel_access}
      %add3A_2440 = arith.addi %mul3A_2, %add3A_1952 : i32
      %jit3A_2441 = arith.constant 2 : i32
      %div3A_2442 = arith.divsi %add3A_2440, %jit3A_2441 : i32
      %sign3A_2443 = arith.constant 0 : i32
      %sign3A_2444 = arith.cmpi sgt, %add3A_2440, %sign3A_2443 : i32
      %sign3A_2445 = arith.extui %sign3A_2444 : i1 to i32
      %sign3A_2446 = arith.constant 0 : i32
      %sign3A_2447 = arith.cmpi slt, %add3A_2440, %sign3A_2446 : i32
      %sign3A_2448 = arith.extui %sign3A_2447 : i1 to i32
      %sign3A_2449 = arith.subi %sign3A_2445, %sign3A_2448 : i32
      %sign3A_2450 = arith.constant 0 : i32
      %sign3A_2451 = arith.cmpi sgt, %jit3A_2441, %sign3A_2450 : i32
      %sign3A_2452 = arith.extui %sign3A_2451 : i1 to i32
      %sign3A_2453 = arith.constant 0 : i32
      %sign3A_2454 = arith.cmpi slt, %jit3A_2441, %sign3A_2453 : i32
      %sign3A_2455 = arith.extui %sign3A_2454 : i1 to i32
      %sign3A_2456 = arith.subi %sign3A_2452, %sign3A_2455 : i32
      %ne3A_2457 = arith.cmpi ne, %sign3A_2449, %sign3A_2456 : i32
      %rem3A_2458 = arith.remsi %add3A_2440, %jit3A_2441 : i32
      %ne3A_2459 = arith.constant 0 : i32
      %ne3A_2460 = arith.cmpi ne, %rem3A_2458, %ne3A_2459 : i32
      %and3A_2461 = arith.andi %ne3A_2457, %ne3A_2460 : i1
      %sub3A_2462 = arith.constant 1 : i32
      %sub3A_2463 = arith.subi %div3A_2442, %sub3A_2462 : i32
      %select_n3A_2464 = arith.select %and3A_2461, %sub3A_2463, %div3A_2442 : i32
      %jit3A_2465 = arith.constant 2 : i32
      %eq3A_2466 = arith.constant 0 : i32
      %eq3A_2467 = arith.cmpi eq, %jit3A_2465, %eq3A_2466 : i32
      %jit3A_2468 = arith.constant 1 : i32
      %select_n3A_2469 = arith.select %eq3A_2467, %jit3A_2468, %jit3A_2465 : i32
      %rem3A_2470 = arith.remsi %add3A_2440, %select_n3A_2469 : i32
      %ne3A_2471 = arith.constant 0 : i32
      %ne3A_2472 = arith.cmpi ne, %rem3A_2470, %ne3A_2471 : i32
      %lt3A_2473 = arith.constant 0 : i32
      %lt3A_2474 = arith.cmpi slt, %rem3A_2470, %lt3A_2473 : i32
      %lt3A_2475 = arith.constant 0 : i32
      %lt3A_2476 = arith.cmpi slt, %select_n3A_2469, %lt3A_2475 : i32
      %ne3A_2477 = arith.xori %lt3A_2474, %lt3A_2476 : i1
      %and3A_2478 = arith.andi %ne3A_2477, %ne3A_2472 : i1
      %add3A_2479 = arith.addi %rem3A_2470, %select_n3A_2469 : i32
      %select_n3A_2480 = arith.select %and3A_2478, %add3A_2479, %rem3A_2470 : i32
      %jit3A_2481 = arith.constant 96 : i32
      %div3A_2482 = arith.divsi %select_n3A_2464, %jit3A_2481 : i32
      %sign3A_2483 = arith.constant 0 : i32
      %sign3A_2484 = arith.cmpi sgt, %select_n3A_2464, %sign3A_2483 : i32
      %sign3A_2485 = arith.extui %sign3A_2484 : i1 to i32
      %sign3A_2486 = arith.constant 0 : i32
      %sign3A_2487 = arith.cmpi slt, %select_n3A_2464, %sign3A_2486 : i32
      %sign3A_2488 = arith.extui %sign3A_2487 : i1 to i32
      %sign3A_2489 = arith.subi %sign3A_2485, %sign3A_2488 : i32
      %sign3A_2490 = arith.constant 0 : i32
      %sign3A_2491 = arith.cmpi sgt, %jit3A_2481, %sign3A_2490 : i32
      %sign3A_2492 = arith.extui %sign3A_2491 : i1 to i32
      %sign3A_2493 = arith.constant 0 : i32
      %sign3A_2494 = arith.cmpi slt, %jit3A_2481, %sign3A_2493 : i32
      %sign3A_2495 = arith.extui %sign3A_2494 : i1 to i32
      %sign3A_2496 = arith.subi %sign3A_2492, %sign3A_2495 : i32
      %ne3A_2497 = arith.cmpi ne, %sign3A_2489, %sign3A_2496 : i32
      %rem3A_2498 = arith.remsi %select_n3A_2464, %jit3A_2481 : i32
      %ne3A_2499 = arith.constant 0 : i32
      %ne3A_2500 = arith.cmpi ne, %rem3A_2498, %ne3A_2499 : i32
      %and3A_2501 = arith.andi %ne3A_2497, %ne3A_2500 : i1
      %sub3A_2502 = arith.constant 1 : i32
      %sub3A_2503 = arith.subi %div3A_2482, %sub3A_2502 : i32
      %select_n3A_2504 = arith.select %and3A_2501, %sub3A_2503, %div3A_2482 : i32
      %jit3A_2505 = arith.constant 96 : i32
      %eq3A_2506 = arith.constant 0 : i32
      %eq3A_2507 = arith.cmpi eq, %jit3A_2505, %eq3A_2506 : i32
      %jit3A_2508 = arith.constant 1 : i32
      %select_n3A_2509 = arith.select %eq3A_2507, %jit3A_2508, %jit3A_2505 : i32
      %rem3A_2510 = arith.remsi %select_n3A_2464, %select_n3A_2509 : i32
      %ne3A_2511 = arith.constant 0 : i32
      %ne3A_2512 = arith.cmpi ne, %rem3A_2510, %ne3A_2511 : i32
      %lt3A_2513 = arith.constant 0 : i32
      %lt3A_2514 = arith.cmpi slt, %rem3A_2510, %lt3A_2513 : i32
      %lt3A_2515 = arith.constant 0 : i32
      %lt3A_2516 = arith.cmpi slt, %select_n3A_2509, %lt3A_2515 : i32
      %ne3A_2517 = arith.xori %lt3A_2514, %lt3A_2516 : i1
      %and3A_2518 = arith.andi %ne3A_2517, %ne3A_2512 : i1
      %add3A_2519 = arith.addi %rem3A_2510, %select_n3A_2509 : i32
      %select_n3A_2520 = arith.select %and3A_2518, %add3A_2519, %rem3A_2510 : i32
      %mul3A_2521 = arith.constant 112 : i32
      %mul3A_2522 = arith.muli %select_n3A_2480, %mul3A_2521 : i32
      %add3A_2523 = arith.constant 56 : i32
      %add3A_2524 = arith.addi %mul3A_2522, %add3A_2523 : i32
      %dma_start3A_2525 = arith.constant 56 : i32
      %dma_start3A_2526 = arith.constant 0 : i32
      %dma_start3A_2527 = tpu.memref_slice %arg7[%dma_start3A_2525, %dma_start3A_2526] : memref<112x224xf32, #tpu.memory_space<vmem>> -> memref<56x224xf32, #tpu.memory_space<vmem>>
      %dma_start3A_2528 = arith.constant 0 : i32
      %dma_start3A_2529 = tpu.memref_slice %arg3[%select_n3A_2504, %select_n3A_2520, %add3A_2524, %dma_start3A_2528] : memref<8x96x224x224xf32, #tpu.memory_space<hbm>> -> memref<1x1x56x224xf32, #tpu.memory_space<hbm>>
      %dma_start3A_2530 = tpu.memref_squeeze %dma_start3A_2529 : memref<1x1x56x224xf32, #tpu.memory_space<hbm>> -> memref<56x224xf32, #tpu.memory_space<hbm>>
      %dma_start3A_2531 = arith.constant 0 : i32
      %dma_start3A_2532 = tpu.memref_slice %arg3[%select_n3A_2504, %select_n3A_2520, %add3A_2524, %dma_start3A_2531] : memref<8x96x224x224xf32, #tpu.memory_space<hbm>> -> memref<1x1x56x224xf32, #tpu.memory_space<hbm>>
      %dma_start3A_2533 = tpu.memref_squeeze %dma_start3A_2532 : memref<1x1x56x224xf32, #tpu.memory_space<hbm>> -> memref<56x224xf32, #tpu.memory_space<hbm>>
      %dma_start3A_2534 = arith.constant 56 : i32
      %dma_start3A_2535 = arith.constant 0 : i32
      %dma_start3A_2536 = tpu.memref_slice %arg7[%dma_start3A_2534, %dma_start3A_2535] : memref<112x224xf32, #tpu.memory_space<vmem>> -> memref<56x224xf32, #tpu.memory_space<vmem>>
      tpu.enqueue_dma source(%dma_start3A_2536 : memref<56x224xf32, #tpu.memory_space<vmem>>) target(%dma_start3A_2533 : memref<56x224xf32, #tpu.memory_space<hbm>>) target_semaphore(%arg13 : memref<!tpu.dma_semaphore, #tpu.memory_space<semaphore_mem>>)
    }
    %scan3A_879 = arith.constant 23 : i32
    %add3A_880 = arith.constant 47 : i32
    %add3A_881 = arith.addi %mul3A_2, %add3A_880 : i32
    %jit3A_882 = arith.constant 2 : i32
    %div3A_883 = arith.divsi %add3A_881, %jit3A_882 : i32
    %sign3A_884 = arith.constant 0 : i32
    %sign3A_885 = arith.cmpi sgt, %add3A_881, %sign3A_884 : i32
    %sign3A_886 = arith.extui %sign3A_885 : i1 to i32
    %sign3A_887 = arith.constant 0 : i32
    %sign3A_888 = arith.cmpi slt, %add3A_881, %sign3A_887 : i32
    %sign3A_889 = arith.extui %sign3A_888 : i1 to i32
    %sign3A_890 = arith.subi %sign3A_886, %sign3A_889 : i32
    %sign3A_891 = arith.constant 0 : i32
    %sign3A_892 = arith.cmpi sgt, %jit3A_882, %sign3A_891 : i32
    %sign3A_893 = arith.extui %sign3A_892 : i1 to i32
    %sign3A_894 = arith.constant 0 : i32
    %sign3A_895 = arith.cmpi slt, %jit3A_882, %sign3A_894 : i32
    %sign3A_896 = arith.extui %sign3A_895 : i1 to i32
    %sign3A_897 = arith.subi %sign3A_893, %sign3A_896 : i32
    %ne3A_898 = arith.cmpi ne, %sign3A_890, %sign3A_897 : i32
    %rem3A_899 = arith.remsi %add3A_881, %jit3A_882 : i32
    %ne3A_900 = arith.constant 0 : i32
    %ne3A_901 = arith.cmpi ne, %rem3A_899, %ne3A_900 : i32
    %and3A_902 = arith.andi %ne3A_898, %ne3A_901 : i1
    %sub3A_903 = arith.constant 1 : i32
    %sub3A_904 = arith.subi %div3A_883, %sub3A_903 : i32
    %select_n3A_905 = arith.select %and3A_902, %sub3A_904, %div3A_883 : i32
    %jit3A_906 = arith.constant 2 : i32
    %eq3A_907 = arith.constant 0 : i32
    %eq3A_908 = arith.cmpi eq, %jit3A_906, %eq3A_907 : i32
    %jit3A_909 = arith.constant 1 : i32
    %select_n3A_910 = arith.select %eq3A_908, %jit3A_909, %jit3A_906 : i32
    %rem3A_911 = arith.remsi %add3A_881, %select_n3A_910 : i32
    %ne3A_912 = arith.constant 0 : i32
    %ne3A_913 = arith.cmpi ne, %rem3A_911, %ne3A_912 : i32
    %lt3A_914 = arith.constant 0 : i32
    %lt3A_915 = arith.cmpi slt, %rem3A_911, %lt3A_914 : i32
    %lt3A_916 = arith.constant 0 : i32
    %lt3A_917 = arith.cmpi slt, %select_n3A_910, %lt3A_916 : i32
    %ne3A_918 = arith.xori %lt3A_915, %lt3A_917 : i1
    %and3A_919 = arith.andi %ne3A_918, %ne3A_913 : i1
    %add3A_920 = arith.addi %rem3A_911, %select_n3A_910 : i32
    %select_n3A_921 = arith.select %and3A_919, %add3A_920, %rem3A_911 : i32
    %jit3A_922 = arith.constant 96 : i32
    %div3A_923 = arith.divsi %select_n3A_905, %jit3A_922 : i32
    %sign3A_924 = arith.constant 0 : i32
    %sign3A_925 = arith.cmpi sgt, %select_n3A_905, %sign3A_924 : i32
    %sign3A_926 = arith.extui %sign3A_925 : i1 to i32
    %sign3A_927 = arith.constant 0 : i32
    %sign3A_928 = arith.cmpi slt, %select_n3A_905, %sign3A_927 : i32
    %sign3A_929 = arith.extui %sign3A_928 : i1 to i32
    %sign3A_930 = arith.subi %sign3A_926, %sign3A_929 : i32
    %sign3A_931 = arith.constant 0 : i32
    %sign3A_932 = arith.cmpi sgt, %jit3A_922, %sign3A_931 : i32
    %sign3A_933 = arith.extui %sign3A_932 : i1 to i32
    %sign3A_934 = arith.constant 0 : i32
    %sign3A_935 = arith.cmpi slt, %jit3A_922, %sign3A_934 : i32
    %sign3A_936 = arith.extui %sign3A_935 : i1 to i32
    %sign3A_937 = arith.subi %sign3A_933, %sign3A_936 : i32
    %ne3A_938 = arith.cmpi ne, %sign3A_930, %sign3A_937 : i32
    %rem3A_939 = arith.remsi %select_n3A_905, %jit3A_922 : i32
    %ne3A_940 = arith.constant 0 : i32
    %ne3A_941 = arith.cmpi ne, %rem3A_939, %ne3A_940 : i32
    %and3A_942 = arith.andi %ne3A_938, %ne3A_941 : i1
    %sub3A_943 = arith.constant 1 : i32
    %sub3A_944 = arith.subi %div3A_923, %sub3A_943 : i32
    %select_n3A_945 = arith.select %and3A_942, %sub3A_944, %div3A_923 : i32
    %jit3A_946 = arith.constant 96 : i32
    %eq3A_947 = arith.constant 0 : i32
    %eq3A_948 = arith.cmpi eq, %jit3A_946, %eq3A_947 : i32
    %jit3A_949 = arith.constant 1 : i32
    %select_n3A_950 = arith.select %eq3A_948, %jit3A_949, %jit3A_946 : i32
    %rem3A_951 = arith.remsi %select_n3A_905, %select_n3A_950 : i32
    %ne3A_952 = arith.constant 0 : i32
    %ne3A_953 = arith.cmpi ne, %rem3A_951, %ne3A_952 : i32
    %lt3A_954 = arith.constant 0 : i32
    %lt3A_955 = arith.cmpi slt, %rem3A_951, %lt3A_954 : i32
    %lt3A_956 = arith.constant 0 : i32
    %lt3A_957 = arith.cmpi slt, %select_n3A_950, %lt3A_956 : i32
    %ne3A_958 = arith.xori %lt3A_955, %lt3A_957 : i1
    %and3A_959 = arith.andi %ne3A_958, %ne3A_953 : i1
    %add3A_960 = arith.addi %rem3A_951, %select_n3A_950 : i32
    %select_n3A_961 = arith.select %and3A_959, %add3A_960, %rem3A_951 : i32
    %mul3A_962 = arith.constant 56 : i32
    %mul3A_963 = arith.muli %select_n3A_921, %mul3A_962 : i32
    %dma_wait3A_964 = arith.constant 0 : i32
    %dma_wait3A_965 = tpu.memref_slice %arg2[%select_n3A_945, %select_n3A_961, %mul3A_963, %dma_wait3A_964] : memref<8x96x112x112xf32, #tpu.memory_space<hbm>> -> memref<1x1x56x112xf32, #tpu.memory_space<hbm>>
    %dma_wait3A_966 = tpu.memref_squeeze %dma_wait3A_965 : memref<1x1x56x112xf32, #tpu.memory_space<hbm>> -> memref<56x112xf32, #tpu.memory_space<hbm>>
    %dma_wait3A_967 = arith.constant 0 : i32
    %dma_wait3A_968 = tpu.memref_slice %arg2[%select_n3A_945, %select_n3A_961, %mul3A_963, %dma_wait3A_967] : memref<8x96x112x112xf32, #tpu.memory_space<hbm>> -> memref<1x1x56x112xf32, #tpu.memory_space<hbm>>
    %dma_wait3A_969 = tpu.memref_squeeze %dma_wait3A_968 : memref<1x1x56x112xf32, #tpu.memory_space<hbm>> -> memref<56x112xf32, #tpu.memory_space<hbm>>
    tpu.wait_dma2 semaphore(%arg8 : memref<!tpu.dma_semaphore, #tpu.memory_space<semaphore_mem>>) src(%dma_wait3A_969 : memref<56x112xf32, #tpu.memory_space<hbm>>) dst(%arg4 : memref<56x112xf32, #tpu.memory_space<vmem>>)
    %add3A_970 = arith.constant 46 : i32
    %add3A_971 = arith.addi %mul3A_2, %add3A_970 : i32
    %jit3A_972 = arith.constant 2 : i32
    %div3A_973 = arith.divsi %add3A_971, %jit3A_972 : i32
    %sign3A_974 = arith.constant 0 : i32
    %sign3A_975 = arith.cmpi sgt, %add3A_971, %sign3A_974 : i32
    %sign3A_976 = arith.extui %sign3A_975 : i1 to i32
    %sign3A_977 = arith.constant 0 : i32
    %sign3A_978 = arith.cmpi slt, %add3A_971, %sign3A_977 : i32
    %sign3A_979 = arith.extui %sign3A_978 : i1 to i32
    %sign3A_980 = arith.subi %sign3A_976, %sign3A_979 : i32
    %sign3A_981 = arith.constant 0 : i32
    %sign3A_982 = arith.cmpi sgt, %jit3A_972, %sign3A_981 : i32
    %sign3A_983 = arith.extui %sign3A_982 : i1 to i32
    %sign3A_984 = arith.constant 0 : i32
    %sign3A_985 = arith.cmpi slt, %jit3A_972, %sign3A_984 : i32
    %sign3A_986 = arith.extui %sign3A_985 : i1 to i32
    %sign3A_987 = arith.subi %sign3A_983, %sign3A_986 : i32
    %ne3A_988 = arith.cmpi ne, %sign3A_980, %sign3A_987 : i32
    %rem3A_989 = arith.remsi %add3A_971, %jit3A_972 : i32
    %ne3A_990 = arith.constant 0 : i32
    %ne3A_991 = arith.cmpi ne, %rem3A_989, %ne3A_990 : i32
    %and3A_992 = arith.andi %ne3A_988, %ne3A_991 : i1
    %sub3A_993 = arith.constant 1 : i32
    %sub3A_994 = arith.subi %div3A_973, %sub3A_993 : i32
    %select_n3A_995 = arith.select %and3A_992, %sub3A_994, %div3A_973 : i32
    %jit3A_996 = arith.constant 2 : i32
    %eq3A_997 = arith.constant 0 : i32
    %eq3A_998 = arith.cmpi eq, %jit3A_996, %eq3A_997 : i32
    %jit3A_999 = arith.constant 1 : i32
    %select_n3A_1000 = arith.select %eq3A_998, %jit3A_999, %jit3A_996 : i32
    %rem3A_1001 = arith.remsi %add3A_971, %select_n3A_1000 : i32
    %ne3A_1002 = arith.constant 0 : i32
    %ne3A_1003 = arith.cmpi ne, %rem3A_1001, %ne3A_1002 : i32
    %lt3A_1004 = arith.constant 0 : i32
    %lt3A_1005 = arith.cmpi slt, %rem3A_1001, %lt3A_1004 : i32
    %lt3A_1006 = arith.constant 0 : i32
    %lt3A_1007 = arith.cmpi slt, %select_n3A_1000, %lt3A_1006 : i32
    %ne3A_1008 = arith.xori %lt3A_1005, %lt3A_1007 : i1
    %and3A_1009 = arith.andi %ne3A_1008, %ne3A_1003 : i1
    %add3A_1010 = arith.addi %rem3A_1001, %select_n3A_1000 : i32
    %select_n3A_1011 = arith.select %and3A_1009, %add3A_1010, %rem3A_1001 : i32
    %jit3A_1012 = arith.constant 96 : i32
    %div3A_1013 = arith.divsi %select_n3A_995, %jit3A_1012 : i32
    %sign3A_1014 = arith.constant 0 : i32
    %sign3A_1015 = arith.cmpi sgt, %select_n3A_995, %sign3A_1014 : i32
    %sign3A_1016 = arith.extui %sign3A_1015 : i1 to i32
    %sign3A_1017 = arith.constant 0 : i32
    %sign3A_1018 = arith.cmpi slt, %select_n3A_995, %sign3A_1017 : i32
    %sign3A_1019 = arith.extui %sign3A_1018 : i1 to i32
    %sign3A_1020 = arith.subi %sign3A_1016, %sign3A_1019 : i32
    %sign3A_1021 = arith.constant 0 : i32
    %sign3A_1022 = arith.cmpi sgt, %jit3A_1012, %sign3A_1021 : i32
    %sign3A_1023 = arith.extui %sign3A_1022 : i1 to i32
    %sign3A_1024 = arith.constant 0 : i32
    %sign3A_1025 = arith.cmpi slt, %jit3A_1012, %sign3A_1024 : i32
    %sign3A_1026 = arith.extui %sign3A_1025 : i1 to i32
    %sign3A_1027 = arith.subi %sign3A_1023, %sign3A_1026 : i32
    %ne3A_1028 = arith.cmpi ne, %sign3A_1020, %sign3A_1027 : i32
    %rem3A_1029 = arith.remsi %select_n3A_995, %jit3A_1012 : i32
    %ne3A_1030 = arith.constant 0 : i32
    %ne3A_1031 = arith.cmpi ne, %rem3A_1029, %ne3A_1030 : i32
    %and3A_1032 = arith.andi %ne3A_1028, %ne3A_1031 : i1
    %sub3A_1033 = arith.constant 1 : i32
    %sub3A_1034 = arith.subi %div3A_1013, %sub3A_1033 : i32
    %select_n3A_1035 = arith.select %and3A_1032, %sub3A_1034, %div3A_1013 : i32
    %jit3A_1036 = arith.constant 96 : i32
    %eq3A_1037 = arith.constant 0 : i32
    %eq3A_1038 = arith.cmpi eq, %jit3A_1036, %eq3A_1037 : i32
    %jit3A_1039 = arith.constant 1 : i32
    %select_n3A_1040 = arith.select %eq3A_1038, %jit3A_1039, %jit3A_1036 : i32
    %rem3A_1041 = arith.remsi %select_n3A_995, %select_n3A_1040 : i32
    %ne3A_1042 = arith.constant 0 : i32
    %ne3A_1043 = arith.cmpi ne, %rem3A_1041, %ne3A_1042 : i32
    %lt3A_1044 = arith.constant 0 : i32
    %lt3A_1045 = arith.cmpi slt, %rem3A_1041, %lt3A_1044 : i32
    %lt3A_1046 = arith.constant 0 : i32
    %lt3A_1047 = arith.cmpi slt, %select_n3A_1040, %lt3A_1046 : i32
    %ne3A_1048 = arith.xori %lt3A_1045, %lt3A_1047 : i1
    %and3A_1049 = arith.andi %ne3A_1048, %ne3A_1043 : i1
    %add3A_1050 = arith.addi %rem3A_1041, %select_n3A_1040 : i32
    %select_n3A_1051 = arith.select %and3A_1049, %add3A_1050, %rem3A_1041 : i32
    %mul3A_1052 = arith.constant 112 : i32
    %mul3A_1053 = arith.muli %select_n3A_1011, %mul3A_1052 : i32
    %add3A_1054 = arith.constant 0 : i32
    %add3A_1055 = arith.addi %mul3A_1053, %add3A_1054 : i32
    %dma_wait3A_1056 = arith.constant 0 : i32
    %dma_wait3A_1057 = arith.constant 0 : i32
    %dma_wait3A_1058 = tpu.memref_slice %arg6[%dma_wait3A_1056, %dma_wait3A_1057] : memref<112x224xf32, #tpu.memory_space<vmem>> -> memref<56x224xf32, #tpu.memory_space<vmem>>
    %dma_wait3A_1059 = arith.constant 0 : i32
    %dma_wait3A_1060 = tpu.memref_slice %arg3[%select_n3A_1035, %select_n3A_1051, %add3A_1055, %dma_wait3A_1059] : memref<8x96x224x224xf32, #tpu.memory_space<hbm>> -> memref<1x1x56x224xf32, #tpu.memory_space<hbm>>
    %dma_wait3A_1061 = tpu.memref_squeeze %dma_wait3A_1060 : memref<1x1x56x224xf32, #tpu.memory_space<hbm>> -> memref<56x224xf32, #tpu.memory_space<hbm>>
    %dma_wait3A_1062 = arith.constant 0 : i32
    %dma_wait3A_1063 = tpu.memref_slice %arg3[%select_n3A_1035, %select_n3A_1051, %add3A_1055, %dma_wait3A_1062] : memref<8x96x224x224xf32, #tpu.memory_space<hbm>> -> memref<1x1x56x224xf32, #tpu.memory_space<hbm>>
    %dma_wait3A_1064 = tpu.memref_squeeze %dma_wait3A_1063 : memref<1x1x56x224xf32, #tpu.memory_space<hbm>> -> memref<56x224xf32, #tpu.memory_space<hbm>>
    %dma_wait3A_1065 = arith.constant 0 : i32
    %dma_wait3A_1066 = arith.constant 0 : i32
    %dma_wait3A_1067 = tpu.memref_slice %arg6[%dma_wait3A_1065, %dma_wait3A_1066] : memref<112x224xf32, #tpu.memory_space<vmem>> -> memref<56x224xf32, #tpu.memory_space<vmem>>
    tpu.wait_dma2 semaphore(%arg10 : memref<!tpu.dma_semaphore, #tpu.memory_space<semaphore_mem>>) src(%dma_wait3A_1067 : memref<56x224xf32, #tpu.memory_space<vmem>>) dst(%dma_wait3A_1064 : memref<56x224xf32, #tpu.memory_space<hbm>>)
    %add3A_1068 = arith.constant 46 : i32
    %add3A_1069 = arith.addi %mul3A_2, %add3A_1068 : i32
    %jit3A_1070 = arith.constant 2 : i32
    %div3A_1071 = arith.divsi %add3A_1069, %jit3A_1070 : i32
    %sign3A_1072 = arith.constant 0 : i32
    %sign3A_1073 = arith.cmpi sgt, %add3A_1069, %sign3A_1072 : i32
    %sign3A_1074 = arith.extui %sign3A_1073 : i1 to i32
    %sign3A_1075 = arith.constant 0 : i32
    %sign3A_1076 = arith.cmpi slt, %add3A_1069, %sign3A_1075 : i32
    %sign3A_1077 = arith.extui %sign3A_1076 : i1 to i32
    %sign3A_1078 = arith.subi %sign3A_1074, %sign3A_1077 : i32
    %sign3A_1079 = arith.constant 0 : i32
    %sign3A_1080 = arith.cmpi sgt, %jit3A_1070, %sign3A_1079 : i32
    %sign3A_1081 = arith.extui %sign3A_1080 : i1 to i32
    %sign3A_1082 = arith.constant 0 : i32
    %sign3A_1083 = arith.cmpi slt, %jit3A_1070, %sign3A_1082 : i32
    %sign3A_1084 = arith.extui %sign3A_1083 : i1 to i32
    %sign3A_1085 = arith.subi %sign3A_1081, %sign3A_1084 : i32
    %ne3A_1086 = arith.cmpi ne, %sign3A_1078, %sign3A_1085 : i32
    %rem3A_1087 = arith.remsi %add3A_1069, %jit3A_1070 : i32
    %ne3A_1088 = arith.constant 0 : i32
    %ne3A_1089 = arith.cmpi ne, %rem3A_1087, %ne3A_1088 : i32
    %and3A_1090 = arith.andi %ne3A_1086, %ne3A_1089 : i1
    %sub3A_1091 = arith.constant 1 : i32
    %sub3A_1092 = arith.subi %div3A_1071, %sub3A_1091 : i32
    %select_n3A_1093 = arith.select %and3A_1090, %sub3A_1092, %div3A_1071 : i32
    %jit3A_1094 = arith.constant 2 : i32
    %eq3A_1095 = arith.constant 0 : i32
    %eq3A_1096 = arith.cmpi eq, %jit3A_1094, %eq3A_1095 : i32
    %jit3A_1097 = arith.constant 1 : i32
    %select_n3A_1098 = arith.select %eq3A_1096, %jit3A_1097, %jit3A_1094 : i32
    %rem3A_1099 = arith.remsi %add3A_1069, %select_n3A_1098 : i32
    %ne3A_1100 = arith.constant 0 : i32
    %ne3A_1101 = arith.cmpi ne, %rem3A_1099, %ne3A_1100 : i32
    %lt3A_1102 = arith.constant 0 : i32
    %lt3A_1103 = arith.cmpi slt, %rem3A_1099, %lt3A_1102 : i32
    %lt3A_1104 = arith.constant 0 : i32
    %lt3A_1105 = arith.cmpi slt, %select_n3A_1098, %lt3A_1104 : i32
    %ne3A_1106 = arith.xori %lt3A_1103, %lt3A_1105 : i1
    %and3A_1107 = arith.andi %ne3A_1106, %ne3A_1101 : i1
    %add3A_1108 = arith.addi %rem3A_1099, %select_n3A_1098 : i32
    %select_n3A_1109 = arith.select %and3A_1107, %add3A_1108, %rem3A_1099 : i32
    %jit3A_1110 = arith.constant 96 : i32
    %div3A_1111 = arith.divsi %select_n3A_1093, %jit3A_1110 : i32
    %sign3A_1112 = arith.constant 0 : i32
    %sign3A_1113 = arith.cmpi sgt, %select_n3A_1093, %sign3A_1112 : i32
    %sign3A_1114 = arith.extui %sign3A_1113 : i1 to i32
    %sign3A_1115 = arith.constant 0 : i32
    %sign3A_1116 = arith.cmpi slt, %select_n3A_1093, %sign3A_1115 : i32
    %sign3A_1117 = arith.extui %sign3A_1116 : i1 to i32
    %sign3A_1118 = arith.subi %sign3A_1114, %sign3A_1117 : i32
    %sign3A_1119 = arith.constant 0 : i32
    %sign3A_1120 = arith.cmpi sgt, %jit3A_1110, %sign3A_1119 : i32
    %sign3A_1121 = arith.extui %sign3A_1120 : i1 to i32
    %sign3A_1122 = arith.constant 0 : i32
    %sign3A_1123 = arith.cmpi slt, %jit3A_1110, %sign3A_1122 : i32
    %sign3A_1124 = arith.extui %sign3A_1123 : i1 to i32
    %sign3A_1125 = arith.subi %sign3A_1121, %sign3A_1124 : i32
    %ne3A_1126 = arith.cmpi ne, %sign3A_1118, %sign3A_1125 : i32
    %rem3A_1127 = arith.remsi %select_n3A_1093, %jit3A_1110 : i32
    %ne3A_1128 = arith.constant 0 : i32
    %ne3A_1129 = arith.cmpi ne, %rem3A_1127, %ne3A_1128 : i32
    %and3A_1130 = arith.andi %ne3A_1126, %ne3A_1129 : i1
    %sub3A_1131 = arith.constant 1 : i32
    %sub3A_1132 = arith.subi %div3A_1111, %sub3A_1131 : i32
    %select_n3A_1133 = arith.select %and3A_1130, %sub3A_1132, %div3A_1111 : i32
    %jit3A_1134 = arith.constant 96 : i32
    %eq3A_1135 = arith.constant 0 : i32
    %eq3A_1136 = arith.cmpi eq, %jit3A_1134, %eq3A_1135 : i32
    %jit3A_1137 = arith.constant 1 : i32
    %select_n3A_1138 = arith.select %eq3A_1136, %jit3A_1137, %jit3A_1134 : i32
    %rem3A_1139 = arith.remsi %select_n3A_1093, %select_n3A_1138 : i32
    %ne3A_1140 = arith.constant 0 : i32
    %ne3A_1141 = arith.cmpi ne, %rem3A_1139, %ne3A_1140 : i32
    %lt3A_1142 = arith.constant 0 : i32
    %lt3A_1143 = arith.cmpi slt, %rem3A_1139, %lt3A_1142 : i32
    %lt3A_1144 = arith.constant 0 : i32
    %lt3A_1145 = arith.cmpi slt, %select_n3A_1138, %lt3A_1144 : i32
    %ne3A_1146 = arith.xori %lt3A_1143, %lt3A_1145 : i1
    %and3A_1147 = arith.andi %ne3A_1146, %ne3A_1141 : i1
    %add3A_1148 = arith.addi %rem3A_1139, %select_n3A_1138 : i32
    %select_n3A_1149 = arith.select %and3A_1147, %add3A_1148, %rem3A_1139 : i32
    %mul3A_1150 = arith.constant 112 : i32
    %mul3A_1151 = arith.muli %select_n3A_1109, %mul3A_1150 : i32
    %add3A_1152 = arith.constant 56 : i32
    %add3A_1153 = arith.addi %mul3A_1151, %add3A_1152 : i32
    %dma_wait3A_1154 = arith.constant 56 : i32
    %dma_wait3A_1155 = arith.constant 0 : i32
    %dma_wait3A_1156 = tpu.memref_slice %arg6[%dma_wait3A_1154, %dma_wait3A_1155] : memref<112x224xf32, #tpu.memory_space<vmem>> -> memref<56x224xf32, #tpu.memory_space<vmem>>
    %dma_wait3A_1157 = arith.constant 0 : i32
    %dma_wait3A_1158 = tpu.memref_slice %arg3[%select_n3A_1133, %select_n3A_1149, %add3A_1153, %dma_wait3A_1157] : memref<8x96x224x224xf32, #tpu.memory_space<hbm>> -> memref<1x1x56x224xf32, #tpu.memory_space<hbm>>
    %dma_wait3A_1159 = tpu.memref_squeeze %dma_wait3A_1158 : memref<1x1x56x224xf32, #tpu.memory_space<hbm>> -> memref<56x224xf32, #tpu.memory_space<hbm>>
    %dma_wait3A_1160 = arith.constant 0 : i32
    %dma_wait3A_1161 = tpu.memref_slice %arg3[%select_n3A_1133, %select_n3A_1149, %add3A_1153, %dma_wait3A_1160] : memref<8x96x224x224xf32, #tpu.memory_space<hbm>> -> memref<1x1x56x224xf32, #tpu.memory_space<hbm>>
    %dma_wait3A_1162 = tpu.memref_squeeze %dma_wait3A_1161 : memref<1x1x56x224xf32, #tpu.memory_space<hbm>> -> memref<56x224xf32, #tpu.memory_space<hbm>>
    %dma_wait3A_1163 = arith.constant 56 : i32
    %dma_wait3A_1164 = arith.constant 0 : i32
    %dma_wait3A_1165 = tpu.memref_slice %arg6[%dma_wait3A_1163, %dma_wait3A_1164] : memref<112x224xf32, #tpu.memory_space<vmem>> -> memref<56x224xf32, #tpu.memory_space<vmem>>
    tpu.wait_dma2 semaphore(%arg11 : memref<!tpu.dma_semaphore, #tpu.memory_space<semaphore_mem>>) src(%dma_wait3A_1165 : memref<56x224xf32, #tpu.memory_space<vmem>>) dst(%dma_wait3A_1162 : memref<56x224xf32, #tpu.memory_space<hbm>>)
    %add3A_1166 = arith.constant 47 : i32
    %add3A_1167 = arith.addi %mul3A_2, %add3A_1166 : i32
    %jit3A_1168 = arith.constant 2 : i32
    %div3A_1169 = arith.divsi %add3A_1167, %jit3A_1168 : i32
    %sign3A_1170 = arith.constant 0 : i32
    %sign3A_1171 = arith.cmpi sgt, %add3A_1167, %sign3A_1170 : i32
    %sign3A_1172 = arith.extui %sign3A_1171 : i1 to i32
    %sign3A_1173 = arith.constant 0 : i32
    %sign3A_1174 = arith.cmpi slt, %add3A_1167, %sign3A_1173 : i32
    %sign3A_1175 = arith.extui %sign3A_1174 : i1 to i32
    %sign3A_1176 = arith.subi %sign3A_1172, %sign3A_1175 : i32
    %sign3A_1177 = arith.constant 0 : i32
    %sign3A_1178 = arith.cmpi sgt, %jit3A_1168, %sign3A_1177 : i32
    %sign3A_1179 = arith.extui %sign3A_1178 : i1 to i32
    %sign3A_1180 = arith.constant 0 : i32
    %sign3A_1181 = arith.cmpi slt, %jit3A_1168, %sign3A_1180 : i32
    %sign3A_1182 = arith.extui %sign3A_1181 : i1 to i32
    %sign3A_1183 = arith.subi %sign3A_1179, %sign3A_1182 : i32
    %ne3A_1184 = arith.cmpi ne, %sign3A_1176, %sign3A_1183 : i32
    %rem3A_1185 = arith.remsi %add3A_1167, %jit3A_1168 : i32
    %ne3A_1186 = arith.constant 0 : i32
    %ne3A_1187 = arith.cmpi ne, %rem3A_1185, %ne3A_1186 : i32
    %and3A_1188 = arith.andi %ne3A_1184, %ne3A_1187 : i1
    %sub3A_1189 = arith.constant 1 : i32
    %sub3A_1190 = arith.subi %div3A_1169, %sub3A_1189 : i32
    %select_n3A_1191 = arith.select %and3A_1188, %sub3A_1190, %div3A_1169 : i32
    %jit3A_1192 = arith.constant 2 : i32
    %eq3A_1193 = arith.constant 0 : i32
    %eq3A_1194 = arith.cmpi eq, %jit3A_1192, %eq3A_1193 : i32
    %jit3A_1195 = arith.constant 1 : i32
    %select_n3A_1196 = arith.select %eq3A_1194, %jit3A_1195, %jit3A_1192 : i32
    %rem3A_1197 = arith.remsi %add3A_1167, %select_n3A_1196 : i32
    %ne3A_1198 = arith.constant 0 : i32
    %ne3A_1199 = arith.cmpi ne, %rem3A_1197, %ne3A_1198 : i32
    %lt3A_1200 = arith.constant 0 : i32
    %lt3A_1201 = arith.cmpi slt, %rem3A_1197, %lt3A_1200 : i32
    %lt3A_1202 = arith.constant 0 : i32
    %lt3A_1203 = arith.cmpi slt, %select_n3A_1196, %lt3A_1202 : i32
    %ne3A_1204 = arith.xori %lt3A_1201, %lt3A_1203 : i1
    %and3A_1205 = arith.andi %ne3A_1204, %ne3A_1199 : i1
    %add3A_1206 = arith.addi %rem3A_1197, %select_n3A_1196 : i32
    %select_n3A_1207 = arith.select %and3A_1205, %add3A_1206, %rem3A_1197 : i32
    %jit3A_1208 = arith.constant 96 : i32
    %div3A_1209 = arith.divsi %select_n3A_1191, %jit3A_1208 : i32
    %sign3A_1210 = arith.constant 0 : i32
    %sign3A_1211 = arith.cmpi sgt, %select_n3A_1191, %sign3A_1210 : i32
    %sign3A_1212 = arith.extui %sign3A_1211 : i1 to i32
    %sign3A_1213 = arith.constant 0 : i32
    %sign3A_1214 = arith.cmpi slt, %select_n3A_1191, %sign3A_1213 : i32
    %sign3A_1215 = arith.extui %sign3A_1214 : i1 to i32
    %sign3A_1216 = arith.subi %sign3A_1212, %sign3A_1215 : i32
    %sign3A_1217 = arith.constant 0 : i32
    %sign3A_1218 = arith.cmpi sgt, %jit3A_1208, %sign3A_1217 : i32
    %sign3A_1219 = arith.extui %sign3A_1218 : i1 to i32
    %sign3A_1220 = arith.constant 0 : i32
    %sign3A_1221 = arith.cmpi slt, %jit3A_1208, %sign3A_1220 : i32
    %sign3A_1222 = arith.extui %sign3A_1221 : i1 to i32
    %sign3A_1223 = arith.subi %sign3A_1219, %sign3A_1222 : i32
    %ne3A_1224 = arith.cmpi ne, %sign3A_1216, %sign3A_1223 : i32
    %rem3A_1225 = arith.remsi %select_n3A_1191, %jit3A_1208 : i32
    %ne3A_1226 = arith.constant 0 : i32
    %ne3A_1227 = arith.cmpi ne, %rem3A_1225, %ne3A_1226 : i32
    %and3A_1228 = arith.andi %ne3A_1224, %ne3A_1227 : i1
    %sub3A_1229 = arith.constant 1 : i32
    %sub3A_1230 = arith.subi %div3A_1209, %sub3A_1229 : i32
    %select_n3A_1231 = arith.select %and3A_1228, %sub3A_1230, %div3A_1209 : i32
    %jit3A_1232 = arith.constant 96 : i32
    %eq3A_1233 = arith.constant 0 : i32
    %eq3A_1234 = arith.cmpi eq, %jit3A_1232, %eq3A_1233 : i32
    %jit3A_1235 = arith.constant 1 : i32
    %select_n3A_1236 = arith.select %eq3A_1234, %jit3A_1235, %jit3A_1232 : i32
    %rem3A_1237 = arith.remsi %select_n3A_1191, %select_n3A_1236 : i32
    %ne3A_1238 = arith.constant 0 : i32
    %ne3A_1239 = arith.cmpi ne, %rem3A_1237, %ne3A_1238 : i32
    %lt3A_1240 = arith.constant 0 : i32
    %lt3A_1241 = arith.cmpi slt, %rem3A_1237, %lt3A_1240 : i32
    %lt3A_1242 = arith.constant 0 : i32
    %lt3A_1243 = arith.cmpi slt, %select_n3A_1236, %lt3A_1242 : i32
    %ne3A_1244 = arith.xori %lt3A_1241, %lt3A_1243 : i1
    %and3A_1245 = arith.andi %ne3A_1244, %ne3A_1239 : i1
    %add3A_1246 = arith.addi %rem3A_1237, %select_n3A_1236 : i32
    %select_n3A_1247 = arith.select %and3A_1245, %add3A_1246, %rem3A_1237 : i32
    %mul3A_1248 = arith.constant 112 : i32
    %mul3A_1249 = arith.muli %select_n3A_1207, %mul3A_1248 : i32
    %add3A_1250 = arith.constant 0 : i32
    %add3A_1251 = arith.addi %mul3A_1249, %add3A_1250 : i32
    %dma_wait3A_1252 = arith.constant 0 : i32
    %dma_wait3A_1253 = arith.constant 0 : i32
    %dma_wait3A_1254 = tpu.memref_slice %arg7[%dma_wait3A_1252, %dma_wait3A_1253] : memref<112x224xf32, #tpu.memory_space<vmem>> -> memref<56x224xf32, #tpu.memory_space<vmem>>
    %dma_wait3A_1255 = arith.constant 0 : i32
    %dma_wait3A_1256 = tpu.memref_slice %arg3[%select_n3A_1231, %select_n3A_1247, %add3A_1251, %dma_wait3A_1255] : memref<8x96x224x224xf32, #tpu.memory_space<hbm>> -> memref<1x1x56x224xf32, #tpu.memory_space<hbm>>
    %dma_wait3A_1257 = tpu.memref_squeeze %dma_wait3A_1256 : memref<1x1x56x224xf32, #tpu.memory_space<hbm>> -> memref<56x224xf32, #tpu.memory_space<hbm>>
    %dma_wait3A_1258 = arith.constant 0 : i32
    %dma_wait3A_1259 = tpu.memref_slice %arg3[%select_n3A_1231, %select_n3A_1247, %add3A_1251, %dma_wait3A_1258] : memref<8x96x224x224xf32, #tpu.memory_space<hbm>> -> memref<1x1x56x224xf32, #tpu.memory_space<hbm>>
    %dma_wait3A_1260 = tpu.memref_squeeze %dma_wait3A_1259 : memref<1x1x56x224xf32, #tpu.memory_space<hbm>> -> memref<56x224xf32, #tpu.memory_space<hbm>>
    %dma_wait3A_1261 = arith.constant 0 : i32
    %dma_wait3A_1262 = arith.constant 0 : i32
    %dma_wait3A_1263 = tpu.memref_slice %arg7[%dma_wait3A_1261, %dma_wait3A_1262] : memref<112x224xf32, #tpu.memory_space<vmem>> -> memref<56x224xf32, #tpu.memory_space<vmem>>
    tpu.wait_dma2 semaphore(%arg12 : memref<!tpu.dma_semaphore, #tpu.memory_space<semaphore_mem>>) src(%dma_wait3A_1263 : memref<56x224xf32, #tpu.memory_space<vmem>>) dst(%dma_wait3A_1260 : memref<56x224xf32, #tpu.memory_space<hbm>>)
    %add3A_1264 = arith.constant 47 : i32
    %add3A_1265 = arith.addi %mul3A_2, %add3A_1264 : i32
    %jit3A_1266 = arith.constant 2 : i32
    %div3A_1267 = arith.divsi %add3A_1265, %jit3A_1266 : i32
    %sign3A_1268 = arith.constant 0 : i32
    %sign3A_1269 = arith.cmpi sgt, %add3A_1265, %sign3A_1268 : i32
    %sign3A_1270 = arith.extui %sign3A_1269 : i1 to i32
    %sign3A_1271 = arith.constant 0 : i32
    %sign3A_1272 = arith.cmpi slt, %add3A_1265, %sign3A_1271 : i32
    %sign3A_1273 = arith.extui %sign3A_1272 : i1 to i32
    %sign3A_1274 = arith.subi %sign3A_1270, %sign3A_1273 : i32
    %sign3A_1275 = arith.constant 0 : i32
    %sign3A_1276 = arith.cmpi sgt, %jit3A_1266, %sign3A_1275 : i32
    %sign3A_1277 = arith.extui %sign3A_1276 : i1 to i32
    %sign3A_1278 = arith.constant 0 : i32
    %sign3A_1279 = arith.cmpi slt, %jit3A_1266, %sign3A_1278 : i32
    %sign3A_1280 = arith.extui %sign3A_1279 : i1 to i32
    %sign3A_1281 = arith.subi %sign3A_1277, %sign3A_1280 : i32
    %ne3A_1282 = arith.cmpi ne, %sign3A_1274, %sign3A_1281 : i32
    %rem3A_1283 = arith.remsi %add3A_1265, %jit3A_1266 : i32
    %ne3A_1284 = arith.constant 0 : i32
    %ne3A_1285 = arith.cmpi ne, %rem3A_1283, %ne3A_1284 : i32
    %and3A_1286 = arith.andi %ne3A_1282, %ne3A_1285 : i1
    %sub3A_1287 = arith.constant 1 : i32
    %sub3A_1288 = arith.subi %div3A_1267, %sub3A_1287 : i32
    %select_n3A_1289 = arith.select %and3A_1286, %sub3A_1288, %div3A_1267 : i32
    %jit3A_1290 = arith.constant 2 : i32
    %eq3A_1291 = arith.constant 0 : i32
    %eq3A_1292 = arith.cmpi eq, %jit3A_1290, %eq3A_1291 : i32
    %jit3A_1293 = arith.constant 1 : i32
    %select_n3A_1294 = arith.select %eq3A_1292, %jit3A_1293, %jit3A_1290 : i32
    %rem3A_1295 = arith.remsi %add3A_1265, %select_n3A_1294 : i32
    %ne3A_1296 = arith.constant 0 : i32
    %ne3A_1297 = arith.cmpi ne, %rem3A_1295, %ne3A_1296 : i32
    %lt3A_1298 = arith.constant 0 : i32
    %lt3A_1299 = arith.cmpi slt, %rem3A_1295, %lt3A_1298 : i32
    %lt3A_1300 = arith.constant 0 : i32
    %lt3A_1301 = arith.cmpi slt, %select_n3A_1294, %lt3A_1300 : i32
    %ne3A_1302 = arith.xori %lt3A_1299, %lt3A_1301 : i1
    %and3A_1303 = arith.andi %ne3A_1302, %ne3A_1297 : i1
    %add3A_1304 = arith.addi %rem3A_1295, %select_n3A_1294 : i32
    %select_n3A_1305 = arith.select %and3A_1303, %add3A_1304, %rem3A_1295 : i32
    %jit3A_1306 = arith.constant 96 : i32
    %div3A_1307 = arith.divsi %select_n3A_1289, %jit3A_1306 : i32
    %sign3A_1308 = arith.constant 0 : i32
    %sign3A_1309 = arith.cmpi sgt, %select_n3A_1289, %sign3A_1308 : i32
    %sign3A_1310 = arith.extui %sign3A_1309 : i1 to i32
    %sign3A_1311 = arith.constant 0 : i32
    %sign3A_1312 = arith.cmpi slt, %select_n3A_1289, %sign3A_1311 : i32
    %sign3A_1313 = arith.extui %sign3A_1312 : i1 to i32
    %sign3A_1314 = arith.subi %sign3A_1310, %sign3A_1313 : i32
    %sign3A_1315 = arith.constant 0 : i32
    %sign3A_1316 = arith.cmpi sgt, %jit3A_1306, %sign3A_1315 : i32
    %sign3A_1317 = arith.extui %sign3A_1316 : i1 to i32
    %sign3A_1318 = arith.constant 0 : i32
    %sign3A_1319 = arith.cmpi slt, %jit3A_1306, %sign3A_1318 : i32
    %sign3A_1320 = arith.extui %sign3A_1319 : i1 to i32
    %sign3A_1321 = arith.subi %sign3A_1317, %sign3A_1320 : i32
    %ne3A_1322 = arith.cmpi ne, %sign3A_1314, %sign3A_1321 : i32
    %rem3A_1323 = arith.remsi %select_n3A_1289, %jit3A_1306 : i32
    %ne3A_1324 = arith.constant 0 : i32
    %ne3A_1325 = arith.cmpi ne, %rem3A_1323, %ne3A_1324 : i32
    %and3A_1326 = arith.andi %ne3A_1322, %ne3A_1325 : i1
    %sub3A_1327 = arith.constant 1 : i32
    %sub3A_1328 = arith.subi %div3A_1307, %sub3A_1327 : i32
    %select_n3A_1329 = arith.select %and3A_1326, %sub3A_1328, %div3A_1307 : i32
    %jit3A_1330 = arith.constant 96 : i32
    %eq3A_1331 = arith.constant 0 : i32
    %eq3A_1332 = arith.cmpi eq, %jit3A_1330, %eq3A_1331 : i32
    %jit3A_1333 = arith.constant 1 : i32
    %select_n3A_1334 = arith.select %eq3A_1332, %jit3A_1333, %jit3A_1330 : i32
    %rem3A_1335 = arith.remsi %select_n3A_1289, %select_n3A_1334 : i32
    %ne3A_1336 = arith.constant 0 : i32
    %ne3A_1337 = arith.cmpi ne, %rem3A_1335, %ne3A_1336 : i32
    %lt3A_1338 = arith.constant 0 : i32
    %lt3A_1339 = arith.cmpi slt, %rem3A_1335, %lt3A_1338 : i32
    %lt3A_1340 = arith.constant 0 : i32
    %lt3A_1341 = arith.cmpi slt, %select_n3A_1334, %lt3A_1340 : i32
    %ne3A_1342 = arith.xori %lt3A_1339, %lt3A_1341 : i1
    %and3A_1343 = arith.andi %ne3A_1342, %ne3A_1337 : i1
    %add3A_1344 = arith.addi %rem3A_1335, %select_n3A_1334 : i32
    %select_n3A_1345 = arith.select %and3A_1343, %add3A_1344, %rem3A_1335 : i32
    %mul3A_1346 = arith.constant 112 : i32
    %mul3A_1347 = arith.muli %select_n3A_1305, %mul3A_1346 : i32
    %add3A_1348 = arith.constant 56 : i32
    %add3A_1349 = arith.addi %mul3A_1347, %add3A_1348 : i32
    %dma_wait3A_1350 = arith.constant 56 : i32
    %dma_wait3A_1351 = arith.constant 0 : i32
    %dma_wait3A_1352 = tpu.memref_slice %arg7[%dma_wait3A_1350, %dma_wait3A_1351] : memref<112x224xf32, #tpu.memory_space<vmem>> -> memref<56x224xf32, #tpu.memory_space<vmem>>
    %dma_wait3A_1353 = arith.constant 0 : i32
    %dma_wait3A_1354 = tpu.memref_slice %arg3[%select_n3A_1329, %select_n3A_1345, %add3A_1349, %dma_wait3A_1353] : memref<8x96x224x224xf32, #tpu.memory_space<hbm>> -> memref<1x1x56x224xf32, #tpu.memory_space<hbm>>
    %dma_wait3A_1355 = tpu.memref_squeeze %dma_wait3A_1354 : memref<1x1x56x224xf32, #tpu.memory_space<hbm>> -> memref<56x224xf32, #tpu.memory_space<hbm>>
    %dma_wait3A_1356 = arith.constant 0 : i32
    %dma_wait3A_1357 = tpu.memref_slice %arg3[%select_n3A_1329, %select_n3A_1345, %add3A_1349, %dma_wait3A_1356] : memref<8x96x224x224xf32, #tpu.memory_space<hbm>> -> memref<1x1x56x224xf32, #tpu.memory_space<hbm>>
    %dma_wait3A_1358 = tpu.memref_squeeze %dma_wait3A_1357 : memref<1x1x56x224xf32, #tpu.memory_space<hbm>> -> memref<56x224xf32, #tpu.memory_space<hbm>>
    %dma_wait3A_1359 = arith.constant 56 : i32
    %dma_wait3A_1360 = arith.constant 0 : i32
    %dma_wait3A_1361 = tpu.memref_slice %arg7[%dma_wait3A_1359, %dma_wait3A_1360] : memref<112x224xf32, #tpu.memory_space<vmem>> -> memref<56x224xf32, #tpu.memory_space<vmem>>
    tpu.wait_dma2 semaphore(%arg13 : memref<!tpu.dma_semaphore, #tpu.memory_space<semaphore_mem>>) src(%dma_wait3A_1361 : memref<56x224xf32, #tpu.memory_space<vmem>>) dst(%dma_wait3A_1358 : memref<56x224xf32, #tpu.memory_space<hbm>>)
    return
  }
}

</mosaic_0001>

<sc_bundles>
// kernel: kernel.3.cloned.1.call-start
scs
__scs_entry_jumppad:
0x0: {  	(pc) =	sbr.rel $0x88, $3  }
0x1: {  	(tag) =	ssettag $0x0;
	lr =	simm.s32 $0x1  }
0x2: {  	[smem:$0x3FA0] =	sst lr;
	_ =	strace $0xD0000000  }
0x3: {  	_ = 	snop  }
0x4: {  	_ = 	snop  }
0x5: {  	_ = 	snop  }
0x6: {  	_ = 	snop  }
0x7: {  	_ = 	snop  }
__scs_overlays_trampoline_lowered:
0x8: {  	[smem:$0x3FAF] =	sst s0  }
0x9: {  	[smem:$0x3FB0] =	sst s1  }
0xa: {  	[smem:$0x3FB1] =	sst s2  }
0xb: {  	[smem:$0x3FB2] =	sst s3  }
0xc: {  	[smem:$0x3FB3] =	sst s4  }
0xd: {  	[smem:$0x3FB4] =	sst s5  }
0xe: {  	[smem:$0x3FB5] =	sst s6  }
0xf: {  	[smem:$0x3FB6] =	sst s7  }
0x10: {  	[smem:$0x3FB7] =	sst s8  }
0x11: {  	[smem:$0x3FB8] =	sst s9;
	s0 =	simm.s32 @!p0 $0x0  }
0x12: {  	s1 =	sld [smem:$0x3F9E];
	s0 =	simm.s32 @p0 $0x1  }
0x13: {  	[smem:$0x3FB9] =	sst s0;
	s0 =	simm.s32 @!p1 $0x0  }
0x14: {  	s2 =	sld [smem:$0x3F9D];
	s0 =	simm.s32 @p1 $0x1  }
0x15: {  	[smem:$0x3FBA] =	sst s0;
	s0 =	simm.s32 @!p2 $0x0  }
0x16: {  	s3 =	sld [smem:$0x3FDB];
	s0 =	simm.s32 @p2 $0x1  }
0x17: {  	s4 =	simm.s32 $0x1BF5;
	[smem:$0x3FBC] =	sst s0  }
0x18: {  	s0 =	sld [smem:$0x3F9F];
	_ =	swait.ge [sflag:s4], $0x0  }
0x19: {  	s7 =	sld [smem:$0x3FA0]  }
0x1a: {  	s8 =	sadd.s32 $0xFFFFE003, lr  }
0x1b: {  	s9 =	sadd.s32 $0xFFFFFEF7, lr;
	s5 =	simm.s32 $0xFFFFFFFF;
	p2 =	slt.u32 s8, $0xFFFFF086  }
0x1c: {  	p1 =	slt.u32 s9, $0xF7A;
	s5 =	simm.s32 @!p2 $0x0  }
0x1d: {  	s5 =	simm.s32 @p1 $0x1;
	p0 =	seq.s32 s7, s2  }
0x1e: {  	s7 =	smul.u32 @!p0 $0xF7A, s2;
	p2 =	seq.s32 @!p0 s5, $0x0  }
0x1f: {  	s9 =	smul.u32 $0xF7A, s1;
	s8 =	simm.s32 @!p0 $0x1BF5;
	p2 =	por !p2, p0  }
0x20: {  	[sflag:s8] =	ssyncset.s32 @!p0 $0xFFFFF086;
	s6 =	sadd.s32 @!p0 s3, s7;
	s7 =	simm.s32 @!p0 $0x108  }
0x21: {  	s3 =	sadd.s32 s3, s9;
	s6 =	sadd.s32 @!p0 $0x88, s6;
	s7 =	simm.s32 @p2 $0x1082  }
0x22: {  	[simem:s7], [sflag:s8] =	dma.local @!p0 [hbm:s6], $0xF7A  }
0x23: {  	s9 =	sor.u32 $0xD0000000, s2;
	s6 =	simm.s32 $0x108;
	_ =	swait.ge @!p0 [sflag:s8], $0x0  }
0x24: {  	s3 =	sadd.s32 $0x88, s3;
	s6 =	simm.s32 @!p1 $0x1082;
	[sflag:s4] =	ssyncset.s32 $0xFFFFF086  }
0x25: {  	[simem:s6], [sflag:s4] =	dma.local [hbm:s3], $0xF7A  }
0x26: {  	[smem:$0x3FA0] =	sst s1;
	(tag) =	ssettag s2;
	_ =	strace s9  }
0x27: {  	s1 =	sld [smem:$0x3FB0]  }
0x28: {  	s2 =	sld [smem:$0x3FB1]  }
0x29: {  	s4 =	sld [smem:$0x3FB3]  }
0x2a: {  	p0 =	seq.s32 s5, $0x0;
	s5 =	sld [smem:$0x3FB4]  }
0x2b: {  	s6 =	sld [smem:$0x3FB5]  }
0x2c: {  	s7 =	sld [smem:$0x3FB6]  }
0x2d: {  	s3 =	simm.s32 $0x108;
	s8 =	sld [smem:$0x3FB7]  }
0x2e: {  	s3 =	simm.s32 @!p0 $0x1082;
	s9 =	sld [smem:$0x3FB8]  }
0x2f: {  	lr =	sadd.s32 s0, s3;
	s0 =	sld [smem:$0x3FAF]  }
0x30: {  	s3 =	sld [smem:$0x3FB2]  }
0x31: {  	[smem:$0x3FBB] =	sst s10  }
0x32: {  	s10 =	sld [smem:$0x3FB9];
	_ =	sdelay $0x3  }
0x33: {  	p0 =	seq.s32 s10, $0x1;
	s10 =	sld [smem:$0x3FBB];
	_ =	sdelay $0x3  }
0x34: {  	[smem:$0x3FBB] =	sst s10  }
0x35: {  	s10 =	sld [smem:$0x3FBA];
	_ =	sdelay $0x3  }
0x36: {  	p1 =	seq.s32 s10, $0x1;
	s10 =	sld [smem:$0x3FBB];
	_ =	sdelay $0x3  }
0x37: {  	[smem:$0x3FBB] =	sst s10  }
0x38: {  	s10 =	sld [smem:$0x3FBC]  }
0x39: {  	_ = 	snop;
	(pc) =	sbr.ind lr, $3  }
0x3a: {  	_ = 	snop  }
0x3b: {  	_ = 	snop  }
0x3c: {  	p2 =	seq.s32 s10, $0x1;
	s10 =	sld [smem:$0x3FBB]  }
0x3d: {  	_ =	shalt  }
0x3e: {  	_ =	shalt  }
0x3f: {  	_ =	shalt  }
0x40: {  	_ =	shalt  }
0x41: {  	_ =	shalt  }
0x42: {  	_ =	shalt  }
0x43: {  	_ =	shalt  }
0x44: {  	_ =	shalt  }
0x45: {  	_ =	shalt  }
0x46: {  	_ =	shalt  }
0x47: {  	_ =	shalt  }
0x48: {  	_ =	shalt  }
0x49: {  	_ =	shalt  }
0x4a: {  	_ =	shalt  }
0x4b: {  	_ =	shalt  }
0x4c: {  	_ =	shalt  }
0x4d: {  	_ =	shalt  }
0x4e: {  	_ =	shalt  }
0x4f: {  	_ =	shalt  }
0x50: {  	_ =	shalt  }
0x51: {  	_ =	shalt  }
0x52: {  	_ =	shalt  }
0x53: {  	_ =	shalt  }
0x54: {  	_ =	shalt  }
0x55: {  	_ =	shalt  }
0x56: {  	_ =	shalt  }
0x57: {  	_ =	shalt  }
0x58: {  	_ =	shalt  }
0x59: {  	_ =	shalt  }
0x5a: {  	_ =	shalt  }
0x5b: {  	_ =	shalt  }
0x5c: {  	_ =	shalt  }
0x5d: {  	_ =	shalt  }
0x5e: {  	_ =	shalt  }
0x5f: {  	_ =	shalt  }
0x60: {  	_ =	shalt  }
0x61: {  	_ =	shalt  }
0x62: {  	_ =	shalt  }
0x63: {  	_ =	shalt  }
0x64: {  	_ =	shalt  }
0x65: {  	_ =	shalt  }
0x66: {  	_ =	shalt  }
0x67: {  	_ =	shalt  }
0x68: {  	_ =	shalt  }
0x69: {  	_ =	shalt  }
0x6a: {  	_ =	shalt  }
0x6b: {  	_ =	shalt  }
0x6c: {  	_ =	shalt  }
0x6d: {  	_ =	shalt  }
0x6e: {  	_ =	shalt  }
0x6f: {  	_ =	shalt  }
0x70: {  	_ =	shalt  }
0x71: {  	_ =	shalt  }
0x72: {  	_ =	shalt  }
0x73: {  	_ =	shalt  }
0x74: {  	_ =	shalt  }
0x75: {  	_ =	shalt  }
0x76: {  	_ =	shalt  }
0x77: {  	_ =	shalt  }
0x78: {  	_ =	shalt  }
0x79: {  	_ =	shalt  }
0x7a: {  	_ =	shalt  }
0x7b: {  	_ =	shalt  }
0x7c: {  	_ =	shalt  }
0x7d: {  	_ =	shalt  }
0x7e: {  	_ =	shalt  }
0x7f: {  	_ =	shalt  }
0x80: {  	_ =	shalt  }
0x81: {  	_ =	shalt  }
0x82: {  	_ =	shalt  }
0x83: {  	_ =	shalt  }
0x84: {  	_ =	shalt  }
0x85: {  	_ =	shalt  }
0x86: {  	_ =	shalt  }
0x87: {  	_ =	shalt  }
.Lfunc_end0:
.L_simem_size_0:
called_computation_lowered:
.L_overlay_start_0:
0x88: {  	s2 =	sld [smem:$0x3FD9]  }
0x89: {  	s3 =	sld [smem:$0x3FFE];
	_ =	sdelay $0x1  }
0x8a: {  	s1 =	srdreg.scid  }
0x8b: {  	s0 =	sand.u32 $0x1, s1  }
0x8c: {  	s18 =	sshll.u32 s0, $0xA;
	s2 =	sadd.s32 s3, s2  }
0x8d: {  	s2 =	sadd.s32 s2, s18  }
0x8e: {  	[smem:$0x3FC7] =	sst s2  }
0x8f: {  	_ = 	snop  }
0x90: {  	s2 =	sld [smem:$0x3FC9]  }
0x91: {  	s19 =	sld [smem:$0x3FD0];
	(tm) =	ssettm $0x1  }
0x92: {  	s4 =	sld [smem:$0x3FFB];
	_ =	sdelay $0x3  }
0x93: {  	_ =	strace s4  }
0x94: {  	s4 =	sld [smem:$0x3FFC];
	_ =	sdelay $0x3  }
0x95: {  	_ =	strace s4  }
0x96: {  	s4 =	sld [smem:$0x3FFD];
	_ =	sdelay $0x3  }
0x97: {  	_ =	strace s4  }
0x98: {  	_ =	strace $0x8FFFFFFF  }
0x99: {  	s20 =	sld [smem:$0x3FDB];
	_ =	sdelay $0x1  }
0x9a: {  	s5 =	simm.s32 $_scs_section_size  }
0x9b: {  	s6 =	simm.s32 $_size__tile_overlayer_lowered;
	s7 =	simm.s32 $_tile_overlayer_lowered  }
0x9c: {  	s23 =	simm.s32 $0x1BFF;
	s22 =	sshll.u32 s7, $0x1;
	s4 =	sadd.s32 s5, s20  }
0x9d: {  	s8 =	simm.s32 $0x0;
	s21 =	sshll.u32 s6, $0x1;
	s6 =	sadd.s32 s22, s4  }
0x9e: {  	[timem:s8], [sflag:s23] =	dma.local [hbm:s6], s21  }
0x9f: {  	_ =	swait.ge [sflag:s23], s21  }
0xa0: {  	s5 =	ssub.s32 $0x0, s21;
	[sflag:s23] =	ssyncset.done $0x0  }
0xa1: {  	[sflag:s23] =	ssyncadd.s32 s5;
	_ =	sdelay $0x1  }
0xa2: {  	s24 =	simm.s32 $0x1B8B  }
0xa3: {  	_ =	swait.ge [sflag:s24], $0x1  }
0xa4: {  	[sflag:s24] =	ssyncset.done $0x0  }
0xa5: {  	s25 =	simm.s32 $0x1B8E;
	[sflag:s24] =	ssyncadd.s32 $0xFFFFFFFF  }
0xa6: {  	s26 =	simm.s32 $execute0_lowered;
	[smem:$0x3FD2] =	sst s25  }
0xa7: {  	s5 =	sshll.u32 s26, $0x1;
	_ =	strace $0x80000046;
	[dreg:$0x1] =	wrdreg $0xFFFFFFFF  }
0xa8: {  	s28 =	simm.s32 $_size_execute0_lowered;
	s4 =	sadd.s32 s4, s5;
	[dreg:$0x0] =	wrdreg $0x0  }
0xa9: {  	s5 =	sshll.u32 s28, $0x1;
	[dreg:$0x2] =	wrdreg s4  }
0xaa: {  	[dreg:$0x3] =	wrdreg s5  }
0xab: {  	[dreg:$0x4] =	wrdreg $0xC0  }
0xac: {  	_ =	task [dreg:s8], $0x5FFFF  }
0xad: {  	[dreg:$0x1] =	wrdreg $0xFFFFFFFF  }
0xae: {  	[dreg:$0x0] =	wrdreg $0x60  }
0xaf: {  	[dreg:$0x2] =	wrdreg s2  }
0xb0: {  	[dreg:$0x3] =	wrdreg s19  }
0xb1: {  	[dreg:$0x4] =	wrdreg $0x9  }
0xb2: {  	_ =	task.clear_ibuf [dreg:s8], $0x5FFFF;
	_ =	strace $0x90000046  }
0xb3: {  	s29 =	simm.s32 $0x9;
	_ =	strace $0x80000048  }
0xb4: {  	_ =	swait.ge [sflag:s29], $0x1  }
0xb5: {  	[sflag:s29] =	ssyncadd.s32 $0xFFFFFFFF  }
0xb6: {  	_ =	strace $0x90000048  }
0xb7: {  	_ =	sfence  }
0xb8: {  	s30 =	sld [smem:$0x0];
	_ =	sdelay $0x2  }
0xb9: {  	s31 =	sshll.u32 s1, $0xD;
	s1 =	sshrl.u32 s1, $0x2  }
0xba: {  	s3 =	sand.u32 $0x4000, s31;
	s1 =	sadd.s32 s1, s30  }
0xbb: {  	s0 =	sor.u32 s3, s0;
	s1 =	sshll.u32 s1, $0x11  }
0xbc: {  	s0 =	sor.u32 s1, s0  }
0xbd: {  	s0 =	sadd.s32 $0x8F2B, s0  }
0xbe: {  	[sflag:s0] =	ssyncadd.remote.s32 $0x1  }
0xbf: {  	_ =	sfence.sel $0xFFFF  }
0xc0: {  	[dreg:$0x0] =	wrdreg $0xFFFFFFFF;
	(pc) =	sbr.abs _section_cstart, $3  }
0xc1: {  	[dreg:$0x1] =	wrdreg $0xFFFFFFFF  }
0xc2: {  	_ =	task.clear_ibuf [dreg:s8], $0x2FFFF;
	_ =	strace $0x9FFFFFFF  }
0xc3: {  	(tm) =	ssettm $0x7FFFFFFF  }
tec
execute0_lowered:
.L_overlay_start_1:
0x0: {  	(tag) =	ssettag $0x1  }
0x1: {  	s0 =	srdreg.scid;
	s5 =	stileid.u32;
	s16 =	simm.s32 $0x1C00  }
0x2: {  	s0 =	sand.u32 $0x1, s0;
	s1 =	sshll.u32 s5, $0x1;
	s7 =	sshrl.u32 s5, $0x1  }
0x3: {  	s17 =	simm.s32 $0x3800;
	s2 =	sor.u32 s0, s1;
	s24 =	smul.u32 $0x150000, s7  }
0x4: {  	s18 =	simm.s32 $0x7000;
	s19 =	simm.s32 $0x2;
	s1 =	smul.u32 $0x30, s2  }
0x5: {  	s20 =	simm.s32 $0xA800;
	s21 =	simm.s32 $0xE000;
	s22 =	smul.u32 $0x4008, s2  }
0x6: {  	p0 =	seq.s32 s2, $0x0;
	s2 =	smul.u32 $0x18, s2;
	s4 =	sshrl.u32 s1, $0x1  }
0x7: {  	s28 =	simm.s32 $0x1;
	s23 =	sshrl.u32 s22, $0x10;
	s3 =	smul.u32 $0x2AB, s4  }
0x8: {  	s0 =	ssub.s32 $0x2, s0;
	s10 =	smul.u32 $0x60, s23;
	s11 =	sor.u32 $0x1, s4  }
0x9: {  	s5 =	simm.s32 $0x0;
	s15 =	sshrl.u32 s0, $0x1;
	s12 =	smul.u32 $0xAAAB, s11  }
0xa: {  	[smem:$0x7FF] =	sst s5;
	s0 =	ssub.s32 s0, s15;
	s3 =	sshrl.u32 s3, $0x10  }
0xb: {  	s2 =	ssub.s32 s2, s10;
	s3 =	smul.u32 $0x60, s3;
	s12 =	sshrl.u32 s12, $0x16  }
0xc: {  	s0 =	smax.u32 s0, $0x1;
	s2 =	sand.u32 $0xFFF8, s2;
	s12 =	smul.u32 $0x60, s12  }
0xd: {  	s22 =	simm.s32 $0x3;
	s23 =	simm.s32 $0x4;
	s14 =	smul.u32 $0x3800, s2  }
0xe: {  	s2 =	smul.u32 $0xE000, s2;
	s3 =	ssub.s32 s4, s3;
	s4 =	rddreg [dreg:$0x1]  }
0xf: {  	s6 =	sand.u32 $0xFFF8, s3;
	s3 =	simm.s32 $0x1;
	s11 =	ssub.s32 s11, s12  }
0x10: {  	s14 =	sadd.s32 s24, s14;
	p1 =	sne.s32 s6, $0x0;
	s13 =	smul.u32 $0x3800, s6  }
0x11: {  	s25 =	smul.u32 $0xE000, s6;
	s11 =	sand.u32 $0xFFF9, s11;
	p0 =	por !p0, !p1  }
0x12: {  	s6 =	simm.s32 $0x1;
	s11 =	smul.u32 $0x3800, s11;
	p0 =	por !p0, !p0  }
0x13: {  	s26 =	sshrl.u32 s14, $0x3;
	s14 =	sor.u32 $0x2, s1;
	s3 =	simm.s32 @!p0 $0x0  }
0x14: {  	s10 =	sadd.s32 s24, s11;
	s8 =	ssub.s32 s7, s3;
	s7 =	smul.u32 $0x540000, s7  }
0x15: {  	s3 =	rddreg [dreg:$0x0];
	_ =	strace $0x80000047;
	s9 =	smul.u32 $0x150000, s8  }
0x16: {  	s30 =	sshrl.u32 s10, $0x3;
	[dreg:$0x9] =	wrdreg s0;
	s8 =	smul.u32 $0x540000, s8  }
0x17: {  	s2 =	sadd.s32 s7, s2;
	s7 =	sadd.s32 s3, s30;
	s9 =	sadd.s32 s13, s9  }
0x18: {  	s13 =	sadd.s32 s26, s3;
	s8 =	sadd.s32 s25, s8;
	s2 =	sshrl.u32 s2, $0x3  }
0x19: {  	v0 =	vlaneseq.u32;
	[dreg:$0x6] =	wrdreg s7;
	s9 =	sshrl.u32 s9, $0x3;
	s29 =	sadd.s32 $0x380, s13  }
0x1a: {  	v7 =	vmul.u32 $0x2, v0;
	s2 =	sadd.s32 s2, s4;
	s9 =	sadd.s32 s3, s9;
	[dreg:$0x4] =	wrdreg s29  }
0x1b: {  	s8 =	sshrl.u32 s8, $0x3;
	s31 =	sadd.s32 $0xE00, s2;
	[dreg:$0x3] =	wrdreg s9  }
0x1c: {  	v0 =	vimm.f32 $0.0e+00;
	v1 =	vor.u32 $0x1, v7;
	s2 =	sadd.s32 $0x1500, s2;
	s9 =	sadd.s32 s4, s8;
	[dreg:$0x7] =	wrdreg s31  }
0x1d: {  	v2 =	vor.u32 $0x21, v7;
	v3 =	vor.u32 $0x41, v7;
	v4 =	vor.u32 $0x61, v7;
	s24 =	simm.s32 $0x5;
	[dreg:$0x8] =	wrdreg s2;
	s8 =	sadd.s32 $0x700, s9  }
0x1e: {  	v5 =	vor.u32 $0x401, v7;
	v6 =	vor.u32 $0x421, v7;
	v7 =	vor.u32 $0x441, v7;
	s25 =	simm.s32 $0x6;
	s26 =	simm.s32 $0x0;
	[dreg:$0x5] =	wrdreg s8  }
.LBB2_1:
0x1f: {  	s0 =	rddreg [dreg:$0x3];
	s31 =	sand.u32 $0x7800, s5;
	s2 =	sand.u32 $0x380, s5  }
0x20: {  	[tilespmem:s5], [sflag:$0x1] =	stream.linear.gather [hbm4b:s0+s5], $0x1C00, $0x38;
	[tilespmem:$0x11800] =	vst v63  }
0x21: {  	s0 =	sor.u32 s2, s31  }
0x22: {  	[tilespmem:s0+$0x3C50] =	vst v0  }
0x23: {  	[tilespmem:s0+$0x3800] =	vst v0  }
0x24: {  	[tilespmem:s0+$0x3810] =	vst v0  }
0x25: {  	[tilespmem:s0+$0x3820] =	vst v0  }
0x26: {  	[tilespmem:s0+$0x3830] =	vst v0  }
0x27: {  	[tilespmem:s0+$0x3840] =	vst v0  }
0x28: {  	[tilespmem:s0+$0x3850] =	vst v0  }
0x29: {  	[tilespmem:s0+$0x3860] =	vst v0  }
0x2a: {  	[tilespmem:s0+$0x3870] =	vst v0  }
0x2b: {  	[tilespmem:s0+$0x3C00] =	vst v0  }
0x2c: {  	[tilespmem:s0+$0x3C10] =	vst v0  }
0x2d: {  	s7 =	simm.s32 $0x100;
	s2 =	simm.s32 $0x80;
	[tilespmem:s0+$0x3C20] =	vst v0  }
0x2e: {  	s8 =	sand.u32 $0x7800, s7;
	s7 =	simm.s32 $0x200;
	s10 =	sand.u32 $0x380, s2;
	[tilespmem:s0+$0x3C30] =	vst v0  }
.LBB2_2:
0x2f: {  	p0 =	sne.s32 s7, $0x6F00;
	[tilespmem:s0+$0x3C40] =	vst v0;
	s0 =	sor.u32 s10, s8  }
0x30: {  	[tilespmem:s0+$0x3C50] =	vst v0  }
0x31: {  	[tilespmem:s0+$0x3800] =	vst v0  }
0x32: {  	[tilespmem:s0+$0x3810] =	vst v0  }
0x33: {  	[tilespmem:s0+$0x3820] =	vst v0  }
0x34: {  	[tilespmem:s0+$0x3830] =	vst v0  }
0x35: {  	[tilespmem:s0+$0x3840] =	vst v0  }
0x36: {  	[tilespmem:s0+$0x3850] =	vst v0  }
0x37: {  	[tilespmem:s0+$0x3860] =	vst v0  }
.Ltmp0:
0x38: {  	[tilespmem:s0+$0x3870] =	vst v0;
	(pc) =	sbr.rel @p0 .LBB2_2-.Ltmp0, $4  }
0x39: {  	[tilespmem:s0+$0x3C00] =	vst v0  }
0x3a: {  	[tilespmem:s0+$0x3C10] =	vst v0  }
0x3b: {  	s2 =	sadd.s32 $0x80, s2;
	[tilespmem:s0+$0x3C20] =	vst v0  }
0x3c: {  	s8 =	sand.u32 $0x7800, s7;
	s7 =	sadd.s32 $0x100, s7;
	s10 =	sand.u32 $0x380, s2;
	[tilespmem:s0+$0x3C30] =	vst v0  }
0x3d: {  	s2 =	sor.u32 s10, s8;
	[tilespmem:s0+$0x3C40] =	vst v0  }
0x3e: {  	[tilespmem:s2+$0x3C50] =	vst v0  }
0x3f: {  	[tilespmem:s2+$0x3800] =	vst v0  }
0x40: {  	[tilespmem:s2+$0x3810] =	vst v0  }
0x41: {  	[tilespmem:s2+$0x3820] =	vst v0  }
0x42: {  	[tilespmem:s2+$0x3830] =	vst v0  }
0x43: {  	[tilespmem:s2+$0x3840] =	vst v0  }
0x44: {  	[tilespmem:s2+$0x3850] =	vst v0  }
0x45: {  	[tilespmem:s2+$0x3860] =	vst v0  }
0x46: {  	[tilespmem:s2+$0x3870] =	vst v0  }
0x47: {  	[tilespmem:s2+$0x3C00] =	vst v0  }
0x48: {  	[tilespmem:s2+$0x3C10] =	vst v0  }
0x49: {  	s30 =	simm.s32 $0x0;
	[tilespmem:s2+$0x3C20] =	vst v0  }
0x4a: {  	[tilespmem:s2+$0x3C30] =	vst v0;
	s7 =	sand.u32 $0x7800, s30;
	s0 =	sand.u32 $0x380, s30  }
0x4b: {  	[tilespmem:s2+$0x3C40] =	vst v0;
	s0 =	sor.u32 s0, s7  }
0x4c: {  	[tilespmem:s0+$0xAC50] =	vst v0  }
0x4d: {  	[tilespmem:s0+$0xA800] =	vst v0  }
0x4e: {  	[tilespmem:s0+$0xA810] =	vst v0  }
0x4f: {  	[tilespmem:s0+$0xA820] =	vst v0  }
0x50: {  	[tilespmem:s0+$0xA830] =	vst v0  }
0x51: {  	[tilespmem:s0+$0xA840] =	vst v0  }
0x52: {  	[tilespmem:s0+$0xA850] =	vst v0  }
0x53: {  	[tilespmem:s0+$0xA860] =	vst v0  }
0x54: {  	[tilespmem:s0+$0xA870] =	vst v0  }
0x55: {  	[tilespmem:s0+$0xAC00] =	vst v0  }
0x56: {  	[tilespmem:s0+$0xAC10] =	vst v0  }
0x57: {  	s31 =	simm.s32 $0x100;
	s2 =	simm.s32 $0x80;
	[tilespmem:s0+$0xAC20] =	vst v0  }
0x58: {  	s8 =	sand.u32 $0x7800, s31;
	s10 =	sand.u32 $0x380, s2;
	s7 =	simm.s32 $0x200;
	[tilespmem:s0+$0xAC30] =	vst v0  }
.LBB2_4:
0x59: {  	p0 =	sne.s32 s7, $0x6F00;
	[tilespmem:s0+$0xAC40] =	vst v0;
	s0 =	sor.u32 s10, s8  }
0x5a: {  	[tilespmem:s0+$0xAC50] =	vst v0  }
0x5b: {  	[tilespmem:s0+$0xA800] =	vst v0  }
0x5c: {  	[tilespmem:s0+$0xA810] =	vst v0  }
0x5d: {  	[tilespmem:s0+$0xA820] =	vst v0  }
0x5e: {  	[tilespmem:s0+$0xA830] =	vst v0  }
0x5f: {  	[tilespmem:s0+$0xA840] =	vst v0  }
0x60: {  	[tilespmem:s0+$0xA850] =	vst v0  }
0x61: {  	[tilespmem:s0+$0xA860] =	vst v0  }
.Ltmp1:
0x62: {  	[tilespmem:s0+$0xA870] =	vst v0;
	(pc) =	sbr.rel @p0 .LBB2_4-.Ltmp1, $4  }
0x63: {  	[tilespmem:s0+$0xAC00] =	vst v0  }
0x64: {  	[tilespmem:s0+$0xAC10] =	vst v0  }
0x65: {  	s2 =	sadd.s32 $0x80, s2;
	[tilespmem:s0+$0xAC20] =	vst v0  }
0x66: {  	s8 =	sand.u32 $0x7800, s7;
	s7 =	sadd.s32 $0x100, s7;
	s10 =	sand.u32 $0x380, s2;
	[tilespmem:s0+$0xAC30] =	vst v0  }
0x67: {  	s2 =	sor.u32 s10, s8;
	[tilespmem:s0+$0xAC40] =	vst v0  }
0x68: {  	[tilespmem:s2+$0xAC50] =	vst v0  }
0x69: {  	[tilespmem:s2+$0xA800] =	vst v0  }
0x6a: {  	[tilespmem:s2+$0xA810] =	vst v0  }
0x6b: {  	[tilespmem:s2+$0xA820] =	vst v0  }
0x6c: {  	[tilespmem:s2+$0xA830] =	vst v0  }
0x6d: {  	[tilespmem:s2+$0xA840] =	vst v0  }
0x6e: {  	[tilespmem:s2+$0xA850] =	vst v0  }
0x6f: {  	[tilespmem:s2+$0xA860] =	vst v0  }
0x70: {  	[tilespmem:s2+$0xA870] =	vst v0  }
0x71: {  	[tilespmem:s2+$0xAC00] =	vst v0  }
0x72: {  	[tilespmem:s2+$0xAC10] =	vst v0  }
0x73: {  	[tilespmem:s2+$0xAC20] =	vst v0  }
0x74: {  	[tilespmem:s2+$0xAC30] =	vst v0  }
0x75: {  	s10 =	simm.s32 $0x1;
	[tilespmem:s2+$0xAC40] =	vst v0  }
0x76: {  	s11 =	simm.s32 $0x3;
	v8 =	vmov s10;
	s2 =	rddreg [dreg:$0x4]  }
0x77: {  	v9 =	vshll.u32 v8, $0x8;
	v8 =	vshll.u32 v8, $0x7;
	[tilespmem:s16], [sflag:$0x2] =	stream.linear.gather [hbm4b:s2+s5], $0x1C00, $0x38;
	[tilespmem:$0x11800] =	vst v63  }
0x78: {  	v10 =	vmov s11;
	v8 =	vand.u32 $0x280, v8;
	v9 =	vand.u32 $0x3800, v9;
	_ =	swait.ge [sflag:s10], $0x1C00  }
0x79: {  	v15 =	vor.u32 v8, v9;
	v8 =	vshll.u32 v10, $0x8;
	v9 =	vshll.u32 v10, $0x7;
	[sflag:s10] =	ssyncset.done $0x0  }
0x7a: {  	s12 =	simm.s32 $0x80;
	v8 =	vand.u32 $0x7FFFF800, v8;
	v9 =	vand.u32 $0x380, v9;
	[sflag:s10] =	ssyncadd.s32 $0xFFFFE400  }
0x7b: {  	v11 =	vor.u32 v1, v15;
	v14 =	vor.u32 v9, v8;
	v10 =	vld [tilespmem:s12+$0xFFFFFF80]  }
0x7c: {  	v8 =	vld [tilespmem:s12+$0x0];
	v9 =	vor.u32 v1, v14;
	_ =	sdelay $0x3  }
0x7d: {  	s15 =	simm.s32 $0x7;
	[tilespmem:v11+s17+$0x0] =	vst.idx.msk $0xffff, v10  }
0x7e: {  	s13 =	simm.s32 $0x5;
	v16 =	vmov s15;
	v10 =	vor.u32 v2, v15;
	[tilespmem:v9+s17+$0x0] =	vst.idx.msk $0xffff, v8;
	v11 =	vld [tilespmem:s12+$0xFFFFFF90]  }
0x7f: {  	v17 =	vshll.u32 v16, $0x8;
	v13 =	vor.u32 v2, v14;
	v8 =	vmov s13;
	v12 =	vld [tilespmem:s12+$0x10]  }
0x80: {  	v16 =	vshll.u32 v16, $0x7;
	v9 =	vshll.u32 v8, $0x8;
	v8 =	vshll.u32 v8, $0x7  }
0x81: {  	v16 =	vand.u32 $0x380, v16;
	v18 =	vand.u32 $0x280, v8;
	v8 =	vand.u32 $0x7FFFF800, v17  }
0x82: {  	s0 =	simm.s32 $0x180;
	v9 =	vand.u32 $0x3800, v9;
	v8 =	vor.u32 v16, v8  }
0x83: {  	v9 =	vor.u32 v18, v9;
	v16 =	vld [tilespmem:s0+$0x0];
	v17 =	vor.u32 v1, v8;
	[tilespmem:v10+s17+$0x0] =	vst.idx.msk $0xffff, v11  }
0x84: {  	[tilespmem:v13+s17+$0x0] =	vst.idx.msk $0xffff, v12;
	v12 =	vld [tilespmem:s0+$0xFFFFFF80];
	v13 =	vor.u32 v1, v9  }
0x85: {  	v11 =	vor.u32 v3, v15;
	v10 =	vld [tilespmem:s12+$0xFFFFFFA0];
	_ =	sdelay $0x1  }
0x86: {  	v18 =	vor.u32 v3, v14;
	v19 =	vld [tilespmem:s12+$0x20]  }
0x87: {  	v22 =	vor.u32 v4, v14;
	[tilespmem:v17+s17+$0x0] =	vst.idx.msk $0xffff, v16  }
0x88: {  	s29 =	simm.s32 $0x9;
	s7 =	simm.s32 $0xB;
	v20 =	vor.u32 v2, v9;
	v21 =	vor.u32 v2, v8;
	[tilespmem:v13+s17+$0x0] =	vst.idx.msk $0xffff, v12  }
0x89: {  	v16 =	vor.u32 v4, v15;
	v12 =	vld [tilespmem:s0+$0x10];
	[tilespmem:v11+s17+$0x0] =	vst.idx.msk $0xffff, v10;
	v10 =	vmov s29;
	v11 =	vmov s7  }
0x8a: {  	v17 =	vld [tilespmem:s12+$0xFFFFFFB0];
	v13 =	vshll.u32 v10, $0x8;
	v23 =	vshll.u32 v11, $0x8;
	v11 =	vshll.u32 v11, $0x7  }
0x8b: {  	[tilespmem:v18+s17+$0x0] =	vst.idx.msk $0xffff, v19;
	v18 =	vld [tilespmem:s0+$0xFFFFFF90];
	v10 =	vshll.u32 v10, $0x7;
	v19 =	vand.u32 $0x7FFFF800, v23;
	v11 =	vand.u32 $0x380, v11  }
0x8c: {  	s2 =	simm.s32 $0x280;
	v23 =	vld [tilespmem:s12+$0x30];
	v10 =	vand.u32 $0x280, v10;
	v13 =	vand.u32 $0x3800, v13;
	v11 =	vor.u32 v11, v19  }
0x8d: {  	v10 =	vor.u32 v10, v13;
	v13 =	vld [tilespmem:s2+$0x0];
	v19 =	vor.u32 v1, v11  }
0x8e: {  	v24 =	vld [tilespmem:s2+$0xFFFFFF80];
	v25 =	vor.u32 v1, v10;
	[tilespmem:v21+s17+$0x0] =	vst.idx.msk $0xffff, v12  }
0x8f: {  	v21 =	vld [tilespmem:s0+$0x20];
	[tilespmem:v16+s17+$0x0] =	vst.idx.msk $0xffff, v17;
	v17 =	vor.u32 v3, v8  }
0x90: {  	[tilespmem:v20+s17+$0x0] =	vst.idx.msk $0xffff, v18;
	v16 =	vor.u32 v5, v15;
	v12 =	vld [tilespmem:s12+$0xFFFFFFC0]  }
0x91: {  	s7 =	simm.s32 $0x380;
	v20 =	vor.u32 v3, v9;
	v18 =	vld [tilespmem:s0+$0xFFFFFFA0];
	[tilespmem:v22+s17+$0x0] =	vst.idx.msk $0xffff, v23  }
0x92: {  	v31 =	vld [tilespmem:s7+$0xFFFFFF80];
	[tilespmem:v19+s17+$0x0] =	vst.idx.msk $0xffff, v13  }
0x93: {  	v13 =	vld [tilespmem:s12+$0x40];
	v19 =	vor.u32 v5, v14;
	[tilespmem:v25+s17+$0x0] =	vst.idx.msk $0xffff, v24  }
0x94: {  	v26 =	vor.u32 v4, v8;
	v23 =	vor.u32 v2, v11;
	v22 =	vld [tilespmem:s2+$0x10];
	[tilespmem:v17+s17+$0x0] =	vst.idx.msk $0xffff, v21  }
0x95: {  	v28 =	vor.u32 v4, v9;
	v24 =	vld [tilespmem:s2+$0xFFFFFF90];
	[tilespmem:v16+s17+$0x0] =	vst.idx.msk $0xffff, v12;
	v16 =	vor.u32 v2, v10  }
0x96: {  	s30 =	simm.s32 $0xD;
	s31 =	simm.s32 $0xF;
	v27 =	vor.u32 v3, v11;
	v21 =	vor.u32 v6, v15;
	[tilespmem:v20+s17+$0x0] =	vst.idx.msk $0xffff, v18;
	v17 =	vld [tilespmem:s12+$0xFFFFFFD0]  }
0x97: {  	v25 =	vor.u32 v6, v14;
	v18 =	vmov s31;
	v12 =	vmov s30;
	v29 =	vld [tilespmem:s0+$0xFFFFFFB0]  }
0x98: {  	v20 =	vld [tilespmem:s0+$0x30];
	[tilespmem:v19+s17+$0x0] =	vst.idx.msk $0xffff, v13;
	v13 =	vshll.u32 v12, $0x8;
	v19 =	vshll.u32 v18, $0x8;
	v18 =	vshll.u32 v18, $0x7  }
0x99: {  	v12 =	vshll.u32 v12, $0x7;
	[tilespmem:v23+s17+$0x0] =	vst.idx.msk $0xffff, v22;
	v22 =	vld [tilespmem:s12+$0x50];
	v19 =	vand.u32 $0x7FFFF800, v19;
	v18 =	vand.u32 $0x380, v18  }
0x9a: {  	v30 =	vand.u32 $0x280, v12;
	v13 =	vand.u32 $0x3800, v13;
	v23 =	vld [tilespmem:s2+$0x20];
	v12 =	vor.u32 v18, v19;
	[tilespmem:v16+s17+$0x0] =	vst.idx.msk $0xffff, v24  }
0x9b: {  	v13 =	vor.u32 v30, v13;
	v19 =	vor.u32 v1, v12;
	[tilespmem:v21+s17+$0x0] =	vst.idx.msk $0xffff, v17;
	v17 =	vld [tilespmem:s7+$0x0]  }
0x9c: {  	[tilespmem:v28+s17+$0x0] =	vst.idx.msk $0xffff, v29;
	v21 =	vor.u32 v1, v13;
	v18 =	vld [tilespmem:s2+$0xFFFFFFA0]  }
0x9d: {  	v29 =	vor.u32 v5, v9;
	[tilespmem:v26+s17+$0x0] =	vst.idx.msk $0xffff, v20;
	v28 =	vld [tilespmem:s0+$0xFFFFFFC0]  }
0x9e: {  	v32 =	vor.u32 v7, v15;
	v63 =	vld [tilespmem:s12+$0xFFFFFFE0];
	[tilespmem:v25+s17+$0x0] =	vst.idx.msk $0xffff, v22  }
0x9f: {  	v24 =	vor.u32 v3, v10;
	v22 =	vld [tilespmem:s0+$0x40];
	[tilespmem:v27+s17+$0x0] =	vst.idx.msk $0xffff, v23  }
0xa0: {  	v15 =	vld [tilespmem:s12+$0x60];
	v23 =	vor.u32 v5, v8;
	[tilespmem:v19+s17+$0x0] =	vst.idx.msk $0xffff, v17  }
0xa1: {  	v16 =	vor.u32 v2, v13;
	v27 =	vor.u32 v2, v12;
	[tilespmem:v21+s17+$0x0] =	vst.idx.msk $0xffff, v31;
	v26 =	vld [tilespmem:s7+$0x10]  }
0xa2: {  	v19 =	vor.u32 v7, v14;
	[tilespmem:v29+s17+$0x0] =	vst.idx.msk $0xffff, v28;
	v14 =	vor.u32 v6, v8;
	v25 =	vld [tilespmem:s7+$0xFFFFFF90]  }
0xa3: {  	s8 =	simm.s32 $0x6;
	s11 =	simm.s32 $0x380;
	s10 =	simm.s32 $0x11;
	v17 =	vor.u32 v4, v11;
	v21 =	vor.u32 v6, v9;
	v20 =	vld [tilespmem:s0+$0xFFFFFFD0];
	[tilespmem:v32+s17+$0x0] =	vst.idx.msk $0xffff, v63  }
.LBB2_6:
0xa4: {  	v28 =	vmov s10;
	s12 =	sadd.s32 $0x2, s10;
	s8 =	sadd.s32 $0x2, s8;
	v29 =	vor.u32 v3, v12;
	[tilespmem:v24+s17+$0x0] =	vst.idx.msk $0xffff, v18;
	v24 =	vor.u32 v4, v10;
	v30 =	vld [tilespmem:s2+$0x30]  }
0xa5: {  	v18 =	vshll.u32 v28, $0x8;
	v28 =	vshll.u32 v28, $0x7;
	v31 =	vmov s12;
	p0 =	slt.u32 s8, $0x1A;
	v32 =	vld [tilespmem:s2+$0xFFFFFFB0];
	[tilespmem:v23+s17+$0x0] =	vst.idx.msk $0xffff, v22  }
0xa6: {  	v22 =	vand.u32 $0x280, v28;
	v23 =	vshll.u32 v31, $0x8;
	v28 =	vshll.u32 v31, $0x7;
	[tilespmem:v27+s17+$0x0] =	vst.idx.msk $0xffff, v26;
	v26 =	vld [tilespmem:s0+$0x50]  }
0xa7: {  	s11 =	sadd.s32 $0x100, s11;
	v18 =	vand.u32 $0x3800, v18;
	v23 =	vand.u32 $0x7FFFF800, v23;
	v27 =	vand.u32 $0x380, v28;
	v28 =	vld [tilespmem:s7+$0x20];
	[tilespmem:v19+s17+$0x0] =	vst.idx.msk $0xffff, v15  }
0xa8: {  	v15 =	vor.u32 v22, v18;
	v19 =	vld [tilespmem:s11+$0xFFFFFF80];
	v31 =	vor.u32 v27, v23;
	[tilespmem:v21+s17+$0x0] =	vst.idx.msk $0xffff, v20  }
0xa9: {  	v20 =	vld [tilespmem:s11+$0x0];
	v21 =	vor.u32 v1, v31;
	[tilespmem:v16+s17+$0x0] =	vst.idx.msk $0xffff, v25;
	v16 =	vor.u32 v2, v15  }
0xaa: {  	v25 =	vor.u32 v1, v15;
	v18 =	vld [tilespmem:s7+$0xFFFFFFA0];
	[tilespmem:v24+s17+$0x0] =	vst.idx.msk $0xffff, v32  }
0xab: {  	v33 =	vor.u32 v5, v10;
	v32 =	vld [tilespmem:s2+$0xFFFFFFC0];
	[tilespmem:v14+s17+$0x0] =	vst.idx.msk $0xffff, v26  }
0xac: {  	[tilespmem:v29+s17+$0x0] =	vst.idx.msk $0xffff, v28;
	v28 =	vld [tilespmem:s0+$0xFFFFFFE0];
	v29 =	vor.u32 v7, v9;
	v9 =	vmovc v10;
	v10 =	vmov v13;
	v13 =	vmov v15  }
.Ltmp2:
0xad: {  	v24 =	vor.u32 v3, v10;
	[tilespmem:v17+s17+$0x0] =	vst.idx.msk $0xffff, v30;
	v15 =	vld [tilespmem:s0+$0x60];
	s0 =	smov.u32 s2;
	s2 =	smov.u32 s7;
	(pc) =	sbr.rel @p0 .LBB2_6-.Ltmp2, $4  }
0xae: {  	v23 =	vor.u32 v5, v11;
	s7 =	smov.u32 s11;
	[tilespmem:v21+s17+$0x0] =	vst.idx.msk $0xffff, v20;
	v22 =	vld [tilespmem:s0+$0x40]  }
0xaf: {  	v27 =	vor.u32 v2, v31;
	[tilespmem:v25+s17+$0x0] =	vst.idx.msk $0xffff, v19;
	v26 =	vld [tilespmem:s11+$0x10];
	v19 =	vor.u32 v7, v8;
	v8 =	vmov v11  }
0xb0: {  	v11 =	vmov v12;
	v12 =	vmov v31;
	v25 =	vld [tilespmem:s11+$0xFFFFFF90];
	[tilespmem:v33+s17+$0x0] =	vst.idx.msk $0xffff, v32;
	v14 =	vor.u32 v6, v8  }
0xb1: {  	s10 =	sadd.s32 $0x4, s10;
	v21 =	vor.u32 v6, v9;
	v17 =	vor.u32 v4, v11;
	v20 =	vld [tilespmem:s0+$0xFFFFFFD0];
	[tilespmem:v29+s17+$0x0] =	vst.idx.msk $0xffff, v28  }
0xb2: {  	_ =	sdelay $0x3  }
0xb3: {  	[tilespmem:v27+s17+$0x0] =	vst.idx.msk $0xffff, v26  }
0xb4: {  	v26 =	vor.u32 v3, v12;
	[tilespmem:v16+s17+$0x0] =	vst.idx.msk $0xffff, v25;
	v27 =	vld [tilespmem:s7+$0x20]  }
0xb5: {  	v25 =	vor.u32 v3, v13;
	v16 =	vld [tilespmem:s7+$0xFFFFFFA0];
	_ =	sdelay $0x2  }
0xb6: {  	[tilespmem:v24+s17+$0x0] =	vst.idx.msk $0xffff, v18;
	v28 =	vld [tilespmem:s2+$0x30]  }
0xb7: {  	v18 =	vor.u32 v4, v10;
	v24 =	vld [tilespmem:s2+$0xFFFFFFB0];
	[tilespmem:v26+s17+$0x0] =	vst.idx.msk $0xffff, v27  }
0xb8: {  	v26 =	vor.u32 v4, v12;
	[tilespmem:v25+s17+$0x0] =	vst.idx.msk $0xffff, v16;
	v27 =	vld [tilespmem:s7+$0x30]  }
0xb9: {  	[tilespmem:v19+s17+$0x0] =	vst.idx.msk $0xffff, v15;
	v16 =	vor.u32 v4, v13;
	v25 =	vld [tilespmem:s7+$0xFFFFFFB0]  }
0xba: {  	[tilespmem:v23+s17+$0x0] =	vst.idx.msk $0xffff, v22  }
0xbb: {  	v15 =	vld [tilespmem:s0+$0x50];
	[tilespmem:v17+s17+$0x0] =	vst.idx.msk $0xffff, v28  }
0xbc: {  	v28 =	vor.u32 v5, v11;
	[tilespmem:v18+s17+$0x0] =	vst.idx.msk $0xffff, v24;
	v17 =	vld [tilespmem:s2+$0x40]  }
0xbd: {  	v24 =	vor.u32 v5, v10;
	v18 =	vld [tilespmem:s2+$0xFFFFFFC0];
	[tilespmem:v26+s17+$0x0] =	vst.idx.msk $0xffff, v27  }
0xbe: {  	v23 =	vor.u32 v5, v12;
	[tilespmem:v16+s17+$0x0] =	vst.idx.msk $0xffff, v25;
	v22 =	vld [tilespmem:s7+$0x40]  }
0xbf: {  	[tilespmem:v21+s17+$0x0] =	vst.idx.msk $0xffff, v20;
	v25 =	vor.u32 v5, v13;
	v16 =	vld [tilespmem:s7+$0xFFFFFFC0]  }
0xc0: {  	[tilespmem:v14+s17+$0x0] =	vst.idx.msk $0xffff, v15  }
0xc1: {  	v9 =	vor.u32 v7, v9;
	v14 =	vld [tilespmem:s0+$0xFFFFFFE0];
	[tilespmem:v28+s17+$0x0] =	vst.idx.msk $0xffff, v17  }
0xc2: {  	v17 =	vor.u32 v6, v11;
	[tilespmem:v24+s17+$0x0] =	vst.idx.msk $0xffff, v18;
	v24 =	vld [tilespmem:s2+$0x50]  }
0xc3: {  	v19 =	vor.u32 v6, v10;
	v18 =	vld [tilespmem:s2+$0xFFFFFFD0];
	[tilespmem:v23+s17+$0x0] =	vst.idx.msk $0xffff, v22  }
0xc4: {  	v20 =	vor.u32 v6, v12;
	[tilespmem:v25+s17+$0x0] =	vst.idx.msk $0xffff, v16;
	v21 =	vld [tilespmem:s7+$0x50]  }
0xc5: {  	v25 =	vor.u32 v6, v13;
	v16 =	vld [tilespmem:s7+$0xFFFFFFD0]  }
0xc6: {  	[tilespmem:v9+s17+$0x0] =	vst.idx.msk $0xffff, v14  }
0xc7: {  	v8 =	vor.u32 v7, v8;
	v15 =	vld [tilespmem:s0+$0x60];
	[tilespmem:v17+s17+$0x0] =	vst.idx.msk $0xffff, v24  }
0xc8: {  	v11 =	vor.u32 v7, v11;
	[tilespmem:v19+s17+$0x0] =	vst.idx.msk $0xffff, v18;
	v18 =	vld [tilespmem:s2+$0x60]  }
0xc9: {  	v10 =	vor.u32 v7, v10;
	v17 =	vld [tilespmem:s2+$0xFFFFFFE0];
	[tilespmem:v20+s17+$0x0] =	vst.idx.msk $0xffff, v21  }
0xca: {  	v12 =	vor.u32 v7, v12;
	[tilespmem:v25+s17+$0x0] =	vst.idx.msk $0xffff, v16;
	v9 =	vld [tilespmem:s7+$0x60]  }
0xcb: {  	v13 =	vor.u32 v7, v13;
	v16 =	vld [tilespmem:s7+$0xFFFFFFE0]  }
0xcc: {  	[tilespmem:v8+s17+$0x0] =	vst.idx.msk $0xffff, v15  }
0xcd: {  	s10 =	simm.s32 $0x39;
	[tilespmem:v11+s17+$0x0] =	vst.idx.msk $0xffff, v18  }
0xce: {  	v8 =	vmov s10;
	[tilespmem:v10+s17+$0x0] =	vst.idx.msk $0xffff, v17  }
0xcf: {  	[tilespmem:v12+s17+$0x0] =	vst.idx.msk $0xffff, v9;
	v9 =	vshll.u32 v8, $0x8;
	v8 =	vshll.u32 v8, $0x7  }
0xd0: {  	s11 =	simm.s32 $0x3B;
	s8 =	simm.s32 $0xEE0;
	[tilespmem:v13+s17+$0x0] =	vst.idx.msk $0xffff, v16;
	v8 =	vand.u32 $0x280, v8;
	v9 =	vand.u32 $0x7800, v9  }
0xd1: {  	v10 =	vmov s11;
	[hbm4b:s9+s5] =	stream.linear.scatter [tilespmem:s17], [sflag:$0x3], $0x3800, $0x38;
	v15 =	vor.u32 v8, v9;
	[tilespmem:$0x11800] =	vst v63  }
0xd2: {  	v8 =	vshll.u32 v10, $0x8;
	v9 =	vshll.u32 v10, $0x7;
	v10 =	vld [tilespmem:s8+$0xFFFFFF20];
	v11 =	vor.u32 v1, v15  }
0xd3: {  	v8 =	vand.u32 $0x7FFFF800, v8;
	v9 =	vand.u32 $0x380, v9  }
0xd4: {  	v14 =	vor.u32 v9, v8  }
0xd5: {  	v8 =	vld [tilespmem:s8+$0xFFFFFFA0];
	v9 =	vor.u32 v1, v14;
	_ =	sdelay $0x1  }
0xd6: {  	[tilespmem:v11+s17+$0x0] =	vst.idx.msk $0xffff, v10  }
0xd7: {  	v10 =	vor.u32 v2, v15;
	v11 =	vld [tilespmem:s8+$0xFFFFFF30]  }
0xd8: {  	s13 =	simm.s32 $0x3F  }
0xd9: {  	s12 =	simm.s32 $0x3D;
	v16 =	vmov s13;
	[tilespmem:v9+s17+$0x0] =	vst.idx.msk $0xffff, v8  }
0xda: {  	v17 =	vshll.u32 v16, $0x8;
	v13 =	vor.u32 v2, v14;
	v8 =	vmov s12;
	v12 =	vld [tilespmem:s8+$0xFFFFFFB0]  }
0xdb: {  	v16 =	vshll.u32 v16, $0x7;
	v9 =	vshll.u32 v8, $0x8;
	v8 =	vshll.u32 v8, $0x7  }
0xdc: {  	v16 =	vand.u32 $0x380, v16;
	v18 =	vand.u32 $0x280, v8;
	v8 =	vand.u32 $0x7FFFF800, v17;
	[tilespmem:v10+s17+$0x0] =	vst.idx.msk $0xffff, v11  }
0xdd: {  	s0 =	simm.s32 $0xFE0;
	v9 =	vand.u32 $0x7800, v9;
	v8 =	vor.u32 v16, v8;
	v11 =	vor.u32 v3, v15;
	v10 =	vld [tilespmem:s8+$0xFFFFFF40]  }
0xde: {  	v9 =	vor.u32 v18, v9;
	v16 =	vld [tilespmem:s0+$0xFFFFFFA0];
	v17 =	vor.u32 v1, v8  }
0xdf: {  	[tilespmem:v13+s17+$0x0] =	vst.idx.msk $0xffff, v12;
	v12 =	vld [tilespmem:s0+$0xFFFFFF20];
	v13 =	vor.u32 v1, v9  }
0xe0: {  	v18 =	vor.u32 v3, v14;
	v19 =	vld [tilespmem:s8+$0xFFFFFFC0]  }
0xe1: {  	v22 =	vor.u32 v4, v14  }
0xe2: {  	s15 =	simm.s32 $0x41;
	s29 =	simm.s32 $0x43;
	v20 =	vor.u32 v2, v9;
	v21 =	vor.u32 v2, v8;
	[tilespmem:v11+s17+$0x0] =	vst.idx.msk $0xffff, v10  }
0xe3: {  	[tilespmem:v17+s17+$0x0] =	vst.idx.msk $0xffff, v16;
	v16 =	vor.u32 v4, v15;
	v10 =	vmov s15;
	v11 =	vmov s29;
	v17 =	vld [tilespmem:s8+$0xFFFFFF50]  }
0xe4: {  	[tilespmem:v13+s17+$0x0] =	vst.idx.msk $0xffff, v12;
	v12 =	vld [tilespmem:s0+$0xFFFFFFB0];
	v13 =	vshll.u32 v10, $0x8;
	v23 =	vshll.u32 v11, $0x8;
	v11 =	vshll.u32 v11, $0x7  }
0xe5: {  	v10 =	vshll.u32 v10, $0x7;
	[tilespmem:v18+s17+$0x0] =	vst.idx.msk $0xffff, v19;
	v18 =	vld [tilespmem:s0+$0xFFFFFF30];
	v19 =	vand.u32 $0x7FFFF800, v23;
	v11 =	vand.u32 $0x380, v11  }
0xe6: {  	s2 =	simm.s32 $0x10E0;
	v10 =	vand.u32 $0x280, v10;
	v13 =	vand.u32 $0x7800, v13;
	v23 =	vld [tilespmem:s8+$0xFFFFFFD0];
	v11 =	vor.u32 v11, v19  }
0xe7: {  	v10 =	vor.u32 v10, v13;
	v13 =	vld [tilespmem:s2+$0xFFFFFFA0];
	v19 =	vor.u32 v1, v11  }
0xe8: {  	v24 =	vld [tilespmem:s2+$0xFFFFFF20];
	v25 =	vor.u32 v1, v10;
	[tilespmem:v16+s17+$0x0] =	vst.idx.msk $0xffff, v17  }
0xe9: {  	[tilespmem:v21+s17+$0x0] =	vst.idx.msk $0xffff, v12;
	v16 =	vor.u32 v5, v15;
	v12 =	vld [tilespmem:s8+$0xFFFFFF60]  }
0xea: {  	v17 =	vor.u32 v3, v8;
	v21 =	vld [tilespmem:s0+$0xFFFFFFC0];
	[tilespmem:v20+s17+$0x0] =	vst.idx.msk $0xffff, v18  }
0xeb: {  	s7 =	simm.s32 $0x11E0;
	v20 =	vor.u32 v3, v9;
	v18 =	vld [tilespmem:s0+$0xFFFFFF40];
	[tilespmem:v22+s17+$0x0] =	vst.idx.msk $0xffff, v23  }
0xec: {  	v31 =	vld [tilespmem:s7+$0xFFFFFF20];
	[tilespmem:v19+s17+$0x0] =	vst.idx.msk $0xffff, v13  }
0xed: {  	v13 =	vld [tilespmem:s8+$0xFFFFFFE0];
	v19 =	vor.u32 v5, v14;
	[tilespmem:v25+s17+$0x0] =	vst.idx.msk $0xffff, v24  }
0xee: {  	v26 =	vor.u32 v4, v8;
	v23 =	vor.u32 v2, v11;
	v22 =	vld [tilespmem:s2+$0xFFFFFFB0];
	[tilespmem:v16+s17+$0x0] =	vst.idx.msk $0xffff, v12  }
0xef: {  	v28 =	vor.u32 v4, v9;
	v24 =	vld [tilespmem:s2+$0xFFFFFF30];
	v16 =	vor.u32 v2, v10;
	[tilespmem:v17+s17+$0x0] =	vst.idx.msk $0xffff, v21  }
0xf0: {  	s30 =	simm.s32 $0x45;
	s31 =	simm.s32 $0x47;
	v27 =	vor.u32 v3, v11;
	v21 =	vor.u32 v6, v15;
	v17 =	vld [tilespmem:s8+$0xFFFFFF70];
	[tilespmem:v20+s17+$0x0] =	vst.idx.msk $0xffff, v18  }
0xf1: {  	v25 =	vor.u32 v6, v14;
	v12 =	vmov s30;
	v18 =	vmov s31;
	v29 =	vld [tilespmem:s0+$0xFFFFFF50]  }
0xf2: {  	v20 =	vld [tilespmem:s0+$0xFFFFFFD0];
	[tilespmem:v19+s17+$0x0] =	vst.idx.msk $0xffff, v13;
	v13 =	vshll.u32 v12, $0x8;
	v19 =	vshll.u32 v18, $0x8;
	v18 =	vshll.u32 v18, $0x7  }
0xf3: {  	v12 =	vshll.u32 v12, $0x7;
	[tilespmem:v23+s17+$0x0] =	vst.idx.msk $0xffff, v22;
	v22 =	vld [tilespmem:s8+$0xFFFFFFF0];
	v19 =	vand.u32 $0x7FFFF800, v19;
	v18 =	vand.u32 $0x380, v18  }
0xf4: {  	v30 =	vand.u32 $0x280, v12;
	v13 =	vand.u32 $0x7800, v13;
	v23 =	vld [tilespmem:s2+$0xFFFFFFC0];
	v12 =	vor.u32 v18, v19;
	[tilespmem:v16+s17+$0x0] =	vst.idx.msk $0xffff, v24  }
0xf5: {  	v13 =	vor.u32 v30, v13;
	v19 =	vor.u32 v1, v12;
	[tilespmem:v21+s17+$0x0] =	vst.idx.msk $0xffff, v17;
	v17 =	vld [tilespmem:s7+$0xFFFFFFA0]  }
0xf6: {  	v21 =	vor.u32 v1, v13;
	v18 =	vld [tilespmem:s2+$0xFFFFFF40];
	[tilespmem:v28+s17+$0x0] =	vst.idx.msk $0xffff, v29  }
0xf7: {  	[tilespmem:v26+s17+$0x0] =	vst.idx.msk $0xffff, v20;
	v29 =	vor.u32 v5, v9;
	v28 =	vld [tilespmem:s0+$0xFFFFFF60]  }
0xf8: {  	v32 =	vor.u32 v7, v15;
	v63 =	vld [tilespmem:s8+$0xFFFFFF80];
	[tilespmem:v25+s17+$0x0] =	vst.idx.msk $0xffff, v22  }
0xf9: {  	v24 =	vor.u32 v3, v10;
	v22 =	vld [tilespmem:s0+$0xFFFFFFE0];
	[tilespmem:v27+s17+$0x0] =	vst.idx.msk $0xffff, v23  }
0xfa: {  	v15 =	vld [tilespmem:s8+$0x0];
	v23 =	vor.u32 v5, v8;
	[tilespmem:v19+s17+$0x0] =	vst.idx.msk $0xffff, v17  }
0xfb: {  	v16 =	vor.u32 v2, v13;
	v27 =	vor.u32 v2, v12;
	[tilespmem:v21+s17+$0x0] =	vst.idx.msk $0xffff, v31;
	v26 =	vld [tilespmem:s7+$0xFFFFFFB0]  }
0xfc: {  	v19 =	vor.u32 v7, v14;
	v14 =	vor.u32 v6, v8;
	v25 =	vld [tilespmem:s7+$0xFFFFFF30];
	[tilespmem:v29+s17+$0x0] =	vst.idx.msk $0xffff, v28  }
0xfd: {  	s10 =	simm.s32 $0x49;
	s11 =	simm.s32 $0x11E0;
	s8 =	simm.s32 $0x22;
	v17 =	vor.u32 v4, v11;
	v21 =	vor.u32 v6, v9;
	[tilespmem:v32+s17+$0x0] =	vst.idx.msk $0xffff, v63;
	v20 =	vld [tilespmem:s0+$0xFFFFFF70]  }
.LBB2_8:
0xfe: {  	v28 =	vmov s10;
	s12 =	sadd.s32 $0x2, s10;
	s8 =	sadd.s32 $0x2, s8;
	v29 =	vor.u32 v3, v12;
	[tilespmem:v24+s17+$0x0] =	vst.idx.msk $0xffff, v18;
	v24 =	vor.u32 v4, v10;
	v30 =	vld [tilespmem:s2+$0xFFFFFFD0]  }
0xff: {  	v18 =	vshll.u32 v28, $0x8;
	v28 =	vshll.u32 v28, $0x7;
	v31 =	vmov s12;
	p0 =	slt.u32 s8, $0x36;
	v32 =	vld [tilespmem:s2+$0xFFFFFF50];
	[tilespmem:v23+s17+$0x0] =	vst.idx.msk $0xffff, v22  }
0x100: {  	v22 =	vand.u32 $0x280, v28;
	v23 =	vshll.u32 v31, $0x8;
	v28 =	vshll.u32 v31, $0x7;
	[tilespmem:v27+s17+$0x0] =	vst.idx.msk $0xffff, v26;
	v26 =	vld [tilespmem:s0+$0xFFFFFFF0]  }
0x101: {  	s11 =	sadd.s32 $0x100, s11;
	v18 =	vand.u32 $0x7800, v18;
	v23 =	vand.u32 $0x7FFFF800, v23;
	v27 =	vand.u32 $0x380, v28;
	v28 =	vld [tilespmem:s7+$0xFFFFFFC0];
	[tilespmem:v19+s17+$0x0] =	vst.idx.msk $0xffff, v15  }
0x102: {  	v15 =	vor.u32 v22, v18;
	v19 =	vld [tilespmem:s11+$0xFFFFFF20];
	v31 =	vor.u32 v27, v23;
	[tilespmem:v21+s17+$0x0] =	vst.idx.msk $0xffff, v20  }
0x103: {  	v20 =	vld [tilespmem:s11+$0xFFFFFFA0];
	v21 =	vor.u32 v1, v31;
	[tilespmem:v16+s17+$0x0] =	vst.idx.msk $0xffff, v25;
	v16 =	vor.u32 v2, v15  }
0x104: {  	v25 =	vor.u32 v1, v15;
	v18 =	vld [tilespmem:s7+$0xFFFFFF40];
	[tilespmem:v24+s17+$0x0] =	vst.idx.msk $0xffff, v32  }
0x105: {  	v33 =	vor.u32 v5, v10;
	v32 =	vld [tilespmem:s2+$0xFFFFFF60];
	[tilespmem:v14+s17+$0x0] =	vst.idx.msk $0xffff, v26  }
0x106: {  	[tilespmem:v29+s17+$0x0] =	vst.idx.msk $0xffff, v28;
	v28 =	vld [tilespmem:s0+$0xFFFFFF80];
	v29 =	vor.u32 v7, v9;
	v9 =	vmovc v10;
	v10 =	vmov v13;
	v13 =	vmov v15  }
.Ltmp3:
0x107: {  	v24 =	vor.u32 v3, v10;
	[tilespmem:v17+s17+$0x0] =	vst.idx.msk $0xffff, v30;
	v15 =	vld [tilespmem:s0+$0x0];
	s0 =	smov.u32 s2;
	s2 =	smov.u32 s7;
	(pc) =	sbr.rel @p0 .LBB2_8-.Ltmp3, $4  }
0x108: {  	v23 =	vor.u32 v5, v11;
	s7 =	smov.u32 s11;
	[tilespmem:v21+s17+$0x0] =	vst.idx.msk $0xffff, v20;
	v22 =	vld [tilespmem:s0+$0xFFFFFFE0]  }
0x109: {  	v27 =	vor.u32 v2, v31;
	[tilespmem:v25+s17+$0x0] =	vst.idx.msk $0xffff, v19;
	v26 =	vld [tilespmem:s11+$0xFFFFFFB0];
	v19 =	vor.u32 v7, v8;
	v8 =	vmov v11  }
0x10a: {  	v11 =	vmov v12;
	v12 =	vmov v31;
	v25 =	vld [tilespmem:s11+$0xFFFFFF30];
	[tilespmem:v33+s17+$0x0] =	vst.idx.msk $0xffff, v32;
	v14 =	vor.u32 v6, v8  }
0x10b: {  	s10 =	sadd.s32 $0x4, s10;
	v21 =	vor.u32 v6, v9;
	v17 =	vor.u32 v4, v11;
	v20 =	vld [tilespmem:s0+$0xFFFFFF70];
	[tilespmem:v29+s17+$0x0] =	vst.idx.msk $0xffff, v28  }
0x10c: {  	_ =	sdelay $0x3  }
0x10d: {  	[tilespmem:v27+s17+$0x0] =	vst.idx.msk $0xffff, v26  }
0x10e: {  	v26 =	vor.u32 v3, v12;
	[tilespmem:v16+s17+$0x0] =	vst.idx.msk $0xffff, v25;
	v27 =	vld [tilespmem:s7+$0xFFFFFFC0]  }
0x10f: {  	v25 =	vor.u32 v3, v13;
	v16 =	vld [tilespmem:s7+$0xFFFFFF40];
	_ =	sdelay $0x2  }
0x110: {  	[tilespmem:v24+s17+$0x0] =	vst.idx.msk $0xffff, v18;
	v28 =	vld [tilespmem:s2+$0xFFFFFFD0]  }
0x111: {  	v18 =	vor.u32 v4, v10;
	v24 =	vld [tilespmem:s2+$0xFFFFFF50];
	[tilespmem:v26+s17+$0x0] =	vst.idx.msk $0xffff, v27  }
0x112: {  	v26 =	vor.u32 v4, v12;
	[tilespmem:v25+s17+$0x0] =	vst.idx.msk $0xffff, v16;
	v27 =	vld [tilespmem:s7+$0xFFFFFFD0]  }
0x113: {  	[tilespmem:v19+s17+$0x0] =	vst.idx.msk $0xffff, v15;
	v16 =	vor.u32 v4, v13;
	v25 =	vld [tilespmem:s7+$0xFFFFFF50]  }
0x114: {  	[tilespmem:v23+s17+$0x0] =	vst.idx.msk $0xffff, v22  }
0x115: {  	v15 =	vld [tilespmem:s0+$0xFFFFFFF0];
	[tilespmem:v17+s17+$0x0] =	vst.idx.msk $0xffff, v28  }
0x116: {  	v28 =	vor.u32 v5, v11;
	[tilespmem:v18+s17+$0x0] =	vst.idx.msk $0xffff, v24;
	v17 =	vld [tilespmem:s2+$0xFFFFFFE0]  }
0x117: {  	v24 =	vor.u32 v5, v10;
	v18 =	vld [tilespmem:s2+$0xFFFFFF60];
	[tilespmem:v26+s17+$0x0] =	vst.idx.msk $0xffff, v27  }
0x118: {  	v23 =	vor.u32 v5, v12;
	[tilespmem:v16+s17+$0x0] =	vst.idx.msk $0xffff, v25;
	v22 =	vld [tilespmem:s7+$0xFFFFFFE0]  }
0x119: {  	[tilespmem:v21+s17+$0x0] =	vst.idx.msk $0xffff, v20;
	v25 =	vor.u32 v5, v13;
	v16 =	vld [tilespmem:s7+$0xFFFFFF60]  }
0x11a: {  	[tilespmem:v14+s17+$0x0] =	vst.idx.msk $0xffff, v15  }
0x11b: {  	v9 =	vor.u32 v7, v9;
	v14 =	vld [tilespmem:s0+$0xFFFFFF80];
	[tilespmem:v28+s17+$0x0] =	vst.idx.msk $0xffff, v17  }
0x11c: {  	v17 =	vor.u32 v6, v11;
	[tilespmem:v24+s17+$0x0] =	vst.idx.msk $0xffff, v18;
	v24 =	vld [tilespmem:s2+$0xFFFFFFF0]  }
0x11d: {  	v19 =	vor.u32 v6, v10;
	v18 =	vld [tilespmem:s2+$0xFFFFFF70];
	[tilespmem:v23+s17+$0x0] =	vst.idx.msk $0xffff, v22  }
0x11e: {  	v20 =	vor.u32 v6, v12;
	[tilespmem:v25+s17+$0x0] =	vst.idx.msk $0xffff, v16;
	v21 =	vld [tilespmem:s7+$0xFFFFFFF0]  }
0x11f: {  	v25 =	vor.u32 v6, v13;
	v16 =	vld [tilespmem:s7+$0xFFFFFF70]  }
0x120: {  	[tilespmem:v9+s17+$0x0] =	vst.idx.msk $0xffff, v14  }
0x121: {  	v8 =	vor.u32 v7, v8;
	v15 =	vld [tilespmem:s0+$0x0];
	[tilespmem:v17+s17+$0x0] =	vst.idx.msk $0xffff, v24  }
0x122: {  	v11 =	vor.u32 v7, v11;
	[tilespmem:v19+s17+$0x0] =	vst.idx.msk $0xffff, v18;
	v18 =	vld [tilespmem:s2+$0x0]  }
0x123: {  	v10 =	vor.u32 v7, v10;
	v17 =	vld [tilespmem:s2+$0xFFFFFF80];
	[tilespmem:v20+s17+$0x0] =	vst.idx.msk $0xffff, v21  }
0x124: {  	v12 =	vor.u32 v7, v12;
	[tilespmem:v25+s17+$0x0] =	vst.idx.msk $0xffff, v16;
	v9 =	vld [tilespmem:s7+$0x0]  }
0x125: {  	v13 =	vor.u32 v7, v13;
	v16 =	vld [tilespmem:s7+$0xFFFFFF80]  }
0x126: {  	[tilespmem:v8+s17+$0x0] =	vst.idx.msk $0xffff, v15  }
0x127: {  	[tilespmem:v11+s17+$0x0] =	vst.idx.msk $0xffff, v18  }
0x128: {  	[tilespmem:v10+s17+$0x0] =	vst.idx.msk $0xffff, v17  }
0x129: {  	[tilespmem:v12+s17+$0x0] =	vst.idx.msk $0xffff, v9  }
0x12a: {  	[tilespmem:v13+s17+$0x0] =	vst.idx.msk $0xffff, v16  }
0x12b: {  	s8 =	simm.s32 $0x1;
	s7 =	rddreg [dreg:$0x5]  }
0x12c: {  	[hbm4b:s7+s5] =	stream.linear.scatter [tilespmem:s18], [sflag:$0x4], $0x3800, $0x38;
	[tilespmem:$0x11800] =	vst v63  }
0x12d: {  	s11 =	simm.s32 $0x3;
	v8 =	vmov s8;
	s10 =	rddreg [dreg:$0x6]  }
0x12e: {  	v9 =	vshll.u32 v8, $0x8;
	v8 =	vshll.u32 v8, $0x7;
	[tilespmem:s5], [sflag:$0x1] =	stream.linear.gather [hbm4b:s10+s5], $0x1C00, $0x38;
	[tilespmem:$0x11800] =	vst v63  }
0x12f: {  	v10 =	vmov s11;
	v8 =	vand.u32 $0x280, v8;
	v9 =	vand.u32 $0x3800, v9;
	_ =	swait.ge [sflag:s19], $0x1C00  }
0x130: {  	v15 =	vor.u32 v8, v9;
	v8 =	vshll.u32 v10, $0x8;
	v9 =	vshll.u32 v10, $0x7;
	[sflag:s19] =	ssyncset.done $0x0  }
0x131: {  	s8 =	simm.s32 $0x1C80;
	v8 =	vand.u32 $0x7FFFF800, v8;
	v9 =	vand.u32 $0x380, v9;
	[sflag:s19] =	ssyncadd.s32 $0xFFFFE400  }
0x132: {  	v11 =	vor.u32 v1, v15;
	v14 =	vor.u32 v9, v8;
	v10 =	vld [tilespmem:s8+$0xFFFFFF80]  }
0x133: {  	v9 =	vor.u32 v1, v14;
	v8 =	vld [tilespmem:s8+$0x0];
	_ =	sdelay $0x3  }
0x134: {  	s13 =	simm.s32 $0x7;
	[tilespmem:v11+s20+$0x0] =	vst.idx.msk $0xffff, v10  }
0x135: {  	s12 =	simm.s32 $0x5;
	v16 =	vmov s13;
	v10 =	vor.u32 v2, v15;
	[tilespmem:v9+s20+$0x0] =	vst.idx.msk $0xffff, v8;
	v11 =	vld [tilespmem:s8+$0xFFFFFF90]  }
0x136: {  	v17 =	vshll.u32 v16, $0x8;
	v13 =	vor.u32 v2, v14;
	v8 =	vmov s12;
	v12 =	vld [tilespmem:s8+$0x10]  }
0x137: {  	v16 =	vshll.u32 v16, $0x7;
	v9 =	vshll.u32 v8, $0x8;
	v8 =	vshll.u32 v8, $0x7  }
0x138: {  	v16 =	vand.u32 $0x380, v16;
	v18 =	vand.u32 $0x280, v8;
	v8 =	vand.u32 $0x7FFFF800, v17  }
0x139: {  	s0 =	simm.s32 $0x1D80;
	v9 =	vand.u32 $0x3800, v9;
	v8 =	vor.u32 v16, v8  }
0x13a: {  	v9 =	vor.u32 v18, v9;
	v16 =	vld [tilespmem:s0+$0x0];
	v17 =	vor.u32 v1, v8;
	[tilespmem:v10+s20+$0x0] =	vst.idx.msk $0xffff, v11  }
0x13b: {  	[tilespmem:v13+s20+$0x0] =	vst.idx.msk $0xffff, v12;
	v12 =	vld [tilespmem:s0+$0xFFFFFF80];
	v13 =	vor.u32 v1, v9  }
0x13c: {  	v11 =	vor.u32 v3, v15;
	v10 =	vld [tilespmem:s8+$0xFFFFFFA0];
	_ =	sdelay $0x1  }
0x13d: {  	v18 =	vor.u32 v3, v14;
	v19 =	vld [tilespmem:s8+$0x20]  }
0x13e: {  	v22 =	vor.u32 v4, v14;
	[tilespmem:v17+s20+$0x0] =	vst.idx.msk $0xffff, v16  }
0x13f: {  	s15 =	simm.s32 $0x9;
	s29 =	simm.s32 $0xB;
	v20 =	vor.u32 v2, v9;
	v21 =	vor.u32 v2, v8;
	[tilespmem:v13+s20+$0x0] =	vst.idx.msk $0xffff, v12  }
0x140: {  	v16 =	vor.u32 v4, v15;
	v12 =	vld [tilespmem:s0+$0x10];
	[tilespmem:v11+s20+$0x0] =	vst.idx.msk $0xffff, v10;
	v10 =	vmov s15;
	v11 =	vmov s29  }
0x141: {  	v17 =	vld [tilespmem:s8+$0xFFFFFFB0];
	v13 =	vshll.u32 v10, $0x8;
	v23 =	vshll.u32 v11, $0x8;
	v11 =	vshll.u32 v11, $0x7  }
0x142: {  	[tilespmem:v18+s20+$0x0] =	vst.idx.msk $0xffff, v19;
	v18 =	vld [tilespmem:s0+$0xFFFFFF90];
	v10 =	vshll.u32 v10, $0x7;
	v19 =	vand.u32 $0x7FFFF800, v23;
	v11 =	vand.u32 $0x380, v11  }
0x143: {  	s2 =	simm.s32 $0x1E80;
	v23 =	vld [tilespmem:s8+$0x30];
	v10 =	vand.u32 $0x280, v10;
	v13 =	vand.u32 $0x3800, v13;
	v11 =	vor.u32 v11, v19  }
0x144: {  	v10 =	vor.u32 v10, v13;
	v13 =	vld [tilespmem:s2+$0x0];
	v19 =	vor.u32 v1, v11  }
0x145: {  	v24 =	vld [tilespmem:s2+$0xFFFFFF80];
	v25 =	vor.u32 v1, v10;
	[tilespmem:v21+s20+$0x0] =	vst.idx.msk $0xffff, v12  }
0x146: {  	v21 =	vld [tilespmem:s0+$0x20];
	[tilespmem:v16+s20+$0x0] =	vst.idx.msk $0xffff, v17;
	v17 =	vor.u32 v3, v8  }
0x147: {  	[tilespmem:v20+s20+$0x0] =	vst.idx.msk $0xffff, v18;
	v16 =	vor.u32 v5, v15;
	v12 =	vld [tilespmem:s8+$0xFFFFFFC0]  }
0x148: {  	s7 =	simm.s32 $0x1F80;
	v20 =	vor.u32 v3, v9;
	v18 =	vld [tilespmem:s0+$0xFFFFFFA0];
	[tilespmem:v22+s20+$0x0] =	vst.idx.msk $0xffff, v23  }
0x149: {  	v31 =	vld [tilespmem:s7+$0xFFFFFF80];
	[tilespmem:v19+s20+$0x0] =	vst.idx.msk $0xffff, v13  }
0x14a: {  	v13 =	vld [tilespmem:s8+$0x40];
	v19 =	vor.u32 v5, v14;
	[tilespmem:v25+s20+$0x0] =	vst.idx.msk $0xffff, v24  }
0x14b: {  	v26 =	vor.u32 v4, v8;
	v23 =	vor.u32 v2, v11;
	v22 =	vld [tilespmem:s2+$0x10];
	[tilespmem:v17+s20+$0x0] =	vst.idx.msk $0xffff, v21  }
0x14c: {  	v28 =	vor.u32 v4, v9;
	v24 =	vld [tilespmem:s2+$0xFFFFFF90];
	[tilespmem:v16+s20+$0x0] =	vst.idx.msk $0xffff, v12;
	v16 =	vor.u32 v2, v10  }
0x14d: {  	s30 =	simm.s32 $0xD;
	s31 =	simm.s32 $0xF;
	v27 =	vor.u32 v3, v11;
	v21 =	vor.u32 v6, v15;
	[tilespmem:v20+s20+$0x0] =	vst.idx.msk $0xffff, v18;
	v17 =	vld [tilespmem:s8+$0xFFFFFFD0]  }
0x14e: {  	v25 =	vor.u32 v6, v14;
	v18 =	vmov s31;
	v12 =	vmov s30;
	v29 =	vld [tilespmem:s0+$0xFFFFFFB0]  }
0x14f: {  	v20 =	vld [tilespmem:s0+$0x30];
	[tilespmem:v19+s20+$0x0] =	vst.idx.msk $0xffff, v13;
	v13 =	vshll.u32 v12, $0x8;
	v19 =	vshll.u32 v18, $0x8;
	v18 =	vshll.u32 v18, $0x7  }
0x150: {  	v12 =	vshll.u32 v12, $0x7;
	[tilespmem:v23+s20+$0x0] =	vst.idx.msk $0xffff, v22;
	v22 =	vld [tilespmem:s8+$0x50];
	v19 =	vand.u32 $0x7FFFF800, v19;
	v18 =	vand.u32 $0x380, v18  }
0x151: {  	v30 =	vand.u32 $0x280, v12;
	v13 =	vand.u32 $0x3800, v13;
	v23 =	vld [tilespmem:s2+$0x20];
	v12 =	vor.u32 v18, v19;
	[tilespmem:v16+s20+$0x0] =	vst.idx.msk $0xffff, v24  }
0x152: {  	v13 =	vor.u32 v30, v13;
	v19 =	vor.u32 v1, v12;
	[tilespmem:v21+s20+$0x0] =	vst.idx.msk $0xffff, v17;
	v17 =	vld [tilespmem:s7+$0x0]  }
0x153: {  	[tilespmem:v28+s20+$0x0] =	vst.idx.msk $0xffff, v29;
	v21 =	vor.u32 v1, v13;
	v18 =	vld [tilespmem:s2+$0xFFFFFFA0]  }
0x154: {  	v29 =	vor.u32 v5, v9;
	[tilespmem:v26+s20+$0x0] =	vst.idx.msk $0xffff, v20;
	v28 =	vld [tilespmem:s0+$0xFFFFFFC0]  }
0x155: {  	v32 =	vor.u32 v7, v15;
	v63 =	vld [tilespmem:s8+$0xFFFFFFE0];
	[tilespmem:v25+s20+$0x0] =	vst.idx.msk $0xffff, v22  }
0x156: {  	v24 =	vor.u32 v3, v10;
	v22 =	vld [tilespmem:s0+$0x40];
	[tilespmem:v27+s20+$0x0] =	vst.idx.msk $0xffff, v23  }
0x157: {  	v15 =	vld [tilespmem:s8+$0x60];
	v23 =	vor.u32 v5, v8;
	[tilespmem:v19+s20+$0x0] =	vst.idx.msk $0xffff, v17  }
0x158: {  	v16 =	vor.u32 v2, v13;
	v27 =	vor.u32 v2, v12;
	[tilespmem:v21+s20+$0x0] =	vst.idx.msk $0xffff, v31;
	v26 =	vld [tilespmem:s7+$0x10]  }
0x159: {  	v19 =	vor.u32 v7, v14;
	[tilespmem:v29+s20+$0x0] =	vst.idx.msk $0xffff, v28;
	v14 =	vor.u32 v6, v8;
	v25 =	vld [tilespmem:s7+$0xFFFFFF90]  }
0x15a: {  	s11 =	simm.s32 $0x1F80;
	s10 =	simm.s32 $0x11;
	s8 =	simm.s32 $0x6;
	v17 =	vor.u32 v4, v11;
	v21 =	vor.u32 v6, v9;
	v20 =	vld [tilespmem:s0+$0xFFFFFFD0];
	[tilespmem:v32+s20+$0x0] =	vst.idx.msk $0xffff, v63  }
.LBB2_10:
0x15b: {  	v28 =	vmov s10;
	s12 =	sadd.s32 $0x2, s10;
	s8 =	sadd.s32 $0x2, s8;
	v29 =	vor.u32 v3, v12;
	[tilespmem:v24+s20+$0x0] =	vst.idx.msk $0xffff, v18;
	v24 =	vor.u32 v4, v10;
	v30 =	vld [tilespmem:s2+$0x30]  }
0x15c: {  	v18 =	vshll.u32 v28, $0x8;
	v28 =	vshll.u32 v28, $0x7;
	v31 =	vmov s12;
	p0 =	slt.u32 s8, $0x1A;
	v32 =	vld [tilespmem:s2+$0xFFFFFFB0];
	[tilespmem:v23+s20+$0x0] =	vst.idx.msk $0xffff, v22  }
0x15d: {  	v22 =	vand.u32 $0x280, v28;
	v23 =	vshll.u32 v31, $0x8;
	v28 =	vshll.u32 v31, $0x7;
	[tilespmem:v27+s20+$0x0] =	vst.idx.msk $0xffff, v26;
	v26 =	vld [tilespmem:s0+$0x50]  }
0x15e: {  	s11 =	sadd.s32 $0x100, s11;
	v18 =	vand.u32 $0x3800, v18;
	v23 =	vand.u32 $0x7FFFF800, v23;
	v27 =	vand.u32 $0x380, v28;
	v28 =	vld [tilespmem:s7+$0x20];
	[tilespmem:v19+s20+$0x0] =	vst.idx.msk $0xffff, v15  }
0x15f: {  	v15 =	vor.u32 v22, v18;
	v19 =	vld [tilespmem:s11+$0xFFFFFF80];
	v31 =	vor.u32 v27, v23;
	[tilespmem:v21+s20+$0x0] =	vst.idx.msk $0xffff, v20  }
0x160: {  	v20 =	vld [tilespmem:s11+$0x0];
	v21 =	vor.u32 v1, v31;
	[tilespmem:v16+s20+$0x0] =	vst.idx.msk $0xffff, v25;
	v16 =	vor.u32 v2, v15  }
0x161: {  	v25 =	vor.u32 v1, v15;
	v18 =	vld [tilespmem:s7+$0xFFFFFFA0];
	[tilespmem:v24+s20+$0x0] =	vst.idx.msk $0xffff, v32  }
0x162: {  	v33 =	vor.u32 v5, v10;
	v32 =	vld [tilespmem:s2+$0xFFFFFFC0];
	[tilespmem:v14+s20+$0x0] =	vst.idx.msk $0xffff, v26  }
0x163: {  	[tilespmem:v29+s20+$0x0] =	vst.idx.msk $0xffff, v28;
	v28 =	vld [tilespmem:s0+$0xFFFFFFE0];
	v29 =	vor.u32 v7, v9;
	v9 =	vmovc v10;
	v10 =	vmov v13;
	v13 =	vmov v15  }
.Ltmp4:
0x164: {  	v24 =	vor.u32 v3, v10;
	[tilespmem:v17+s20+$0x0] =	vst.idx.msk $0xffff, v30;
	v15 =	vld [tilespmem:s0+$0x60];
	s0 =	smov.u32 s2;
	s2 =	smov.u32 s7;
	(pc) =	sbr.rel @p0 .LBB2_10-.Ltmp4, $4  }
0x165: {  	v23 =	vor.u32 v5, v11;
	s7 =	smov.u32 s11;
	[tilespmem:v21+s20+$0x0] =	vst.idx.msk $0xffff, v20;
	v22 =	vld [tilespmem:s0+$0x40]  }
0x166: {  	v27 =	vor.u32 v2, v31;
	[tilespmem:v25+s20+$0x0] =	vst.idx.msk $0xffff, v19;
	v26 =	vld [tilespmem:s11+$0x10];
	v19 =	vor.u32 v7, v8;
	v8 =	vmov v11  }
0x167: {  	v11 =	vmov v12;
	v12 =	vmov v31;
	v25 =	vld [tilespmem:s11+$0xFFFFFF90];
	[tilespmem:v33+s20+$0x0] =	vst.idx.msk $0xffff, v32;
	v14 =	vor.u32 v6, v8  }
0x168: {  	s10 =	sadd.s32 $0x4, s10;
	v21 =	vor.u32 v6, v9;
	v17 =	vor.u32 v4, v11;
	v20 =	vld [tilespmem:s0+$0xFFFFFFD0];
	[tilespmem:v29+s20+$0x0] =	vst.idx.msk $0xffff, v28  }
0x169: {  	_ =	sdelay $0x3  }
0x16a: {  	[tilespmem:v27+s20+$0x0] =	vst.idx.msk $0xffff, v26  }
0x16b: {  	v26 =	vor.u32 v3, v12;
	[tilespmem:v16+s20+$0x0] =	vst.idx.msk $0xffff, v25;
	v27 =	vld [tilespmem:s7+$0x20]  }
0x16c: {  	v25 =	vor.u32 v3, v13;
	v16 =	vld [tilespmem:s7+$0xFFFFFFA0];
	_ =	sdelay $0x2  }
0x16d: {  	[tilespmem:v24+s20+$0x0] =	vst.idx.msk $0xffff, v18;
	v28 =	vld [tilespmem:s2+$0x30]  }
0x16e: {  	v18 =	vor.u32 v4, v10;
	v24 =	vld [tilespmem:s2+$0xFFFFFFB0];
	[tilespmem:v26+s20+$0x0] =	vst.idx.msk $0xffff, v27  }
0x16f: {  	v26 =	vor.u32 v4, v12;
	[tilespmem:v25+s20+$0x0] =	vst.idx.msk $0xffff, v16;
	v27 =	vld [tilespmem:s7+$0x30]  }
0x170: {  	[tilespmem:v19+s20+$0x0] =	vst.idx.msk $0xffff, v15;
	v16 =	vor.u32 v4, v13;
	v25 =	vld [tilespmem:s7+$0xFFFFFFB0]  }
0x171: {  	[tilespmem:v23+s20+$0x0] =	vst.idx.msk $0xffff, v22  }
0x172: {  	v15 =	vld [tilespmem:s0+$0x50];
	[tilespmem:v17+s20+$0x0] =	vst.idx.msk $0xffff, v28  }
0x173: {  	v28 =	vor.u32 v5, v11;
	[tilespmem:v18+s20+$0x0] =	vst.idx.msk $0xffff, v24;
	v17 =	vld [tilespmem:s2+$0x40]  }
0x174: {  	v24 =	vor.u32 v5, v10;
	v18 =	vld [tilespmem:s2+$0xFFFFFFC0];
	[tilespmem:v26+s20+$0x0] =	vst.idx.msk $0xffff, v27  }
0x175: {  	v23 =	vor.u32 v5, v12;
	[tilespmem:v16+s20+$0x0] =	vst.idx.msk $0xffff, v25;
	v22 =	vld [tilespmem:s7+$0x40]  }
0x176: {  	[tilespmem:v21+s20+$0x0] =	vst.idx.msk $0xffff, v20;
	v25 =	vor.u32 v5, v13;
	v16 =	vld [tilespmem:s7+$0xFFFFFFC0]  }
0x177: {  	[tilespmem:v14+s20+$0x0] =	vst.idx.msk $0xffff, v15  }
0x178: {  	v9 =	vor.u32 v7, v9;
	v14 =	vld [tilespmem:s0+$0xFFFFFFE0];
	[tilespmem:v28+s20+$0x0] =	vst.idx.msk $0xffff, v17  }
0x179: {  	v17 =	vor.u32 v6, v11;
	[tilespmem:v24+s20+$0x0] =	vst.idx.msk $0xffff, v18;
	v24 =	vld [tilespmem:s2+$0x50]  }
0x17a: {  	v19 =	vor.u32 v6, v10;
	v18 =	vld [tilespmem:s2+$0xFFFFFFD0];
	[tilespmem:v23+s20+$0x0] =	vst.idx.msk $0xffff, v22  }
0x17b: {  	v20 =	vor.u32 v6, v12;
	[tilespmem:v25+s20+$0x0] =	vst.idx.msk $0xffff, v16;
	v21 =	vld [tilespmem:s7+$0x50]  }
0x17c: {  	v25 =	vor.u32 v6, v13;
	v16 =	vld [tilespmem:s7+$0xFFFFFFD0]  }
0x17d: {  	[tilespmem:v9+s20+$0x0] =	vst.idx.msk $0xffff, v14  }
0x17e: {  	v8 =	vor.u32 v7, v8;
	v15 =	vld [tilespmem:s0+$0x60];
	[tilespmem:v17+s20+$0x0] =	vst.idx.msk $0xffff, v24  }
0x17f: {  	v11 =	vor.u32 v7, v11;
	[tilespmem:v19+s20+$0x0] =	vst.idx.msk $0xffff, v18;
	v18 =	vld [tilespmem:s2+$0x60]  }
0x180: {  	v10 =	vor.u32 v7, v10;
	v17 =	vld [tilespmem:s2+$0xFFFFFFE0];
	[tilespmem:v20+s20+$0x0] =	vst.idx.msk $0xffff, v21  }
0x181: {  	v12 =	vor.u32 v7, v12;
	[tilespmem:v25+s20+$0x0] =	vst.idx.msk $0xffff, v16;
	v9 =	vld [tilespmem:s7+$0x60]  }
0x182: {  	v13 =	vor.u32 v7, v13;
	v16 =	vld [tilespmem:s7+$0xFFFFFFE0]  }
0x183: {  	[tilespmem:v8+s20+$0x0] =	vst.idx.msk $0xffff, v15  }
0x184: {  	[tilespmem:v11+s20+$0x0] =	vst.idx.msk $0xffff, v18  }
0x185: {  	s8 =	simm.s32 $0x39;
	[tilespmem:v10+s20+$0x0] =	vst.idx.msk $0xffff, v17  }
0x186: {  	v8 =	vmov s8;
	[tilespmem:v12+s20+$0x0] =	vst.idx.msk $0xffff, v9  }
0x187: {  	s11 =	simm.s32 $0x3B;
	v9 =	vshll.u32 v8, $0x8;
	v8 =	vshll.u32 v8, $0x7;
	[tilespmem:v13+s20+$0x0] =	vst.idx.msk $0xffff, v16  }
0x188: {  	s8 =	simm.s32 $0x2AE0;
	v10 =	vmov s11;
	v8 =	vand.u32 $0x280, v8;
	v9 =	vand.u32 $0x7800, v9;
	s10 =	rddreg [dreg:$0x7]  }
0x189: {  	v15 =	vor.u32 v8, v9;
	v8 =	vshll.u32 v10, $0x8;
	v9 =	vshll.u32 v10, $0x7;
	[hbm4b:s10+s5] =	stream.linear.scatter [tilespmem:s20], [sflag:$0x5], $0x3800, $0x38;
	[tilespmem:$0x11800] =	vst v63  }
0x18a: {  	v11 =	vor.u32 v1, v15;
	v8 =	vand.u32 $0x7FFFF800, v8;
	v9 =	vand.u32 $0x380, v9;
	v10 =	vld [tilespmem:s8+$0xFFFFFF20]  }
0x18b: {  	v14 =	vor.u32 v9, v8  }
0x18c: {  	v8 =	vld [tilespmem:s8+$0xFFFFFFA0];
	v9 =	vor.u32 v1, v14;
	_ =	sdelay $0x2  }
0x18d: {  	s13 =	simm.s32 $0x3F;
	[tilespmem:v11+s20+$0x0] =	vst.idx.msk $0xffff, v10  }
0x18e: {  	s12 =	simm.s32 $0x3D;
	v16 =	vmov s13;
	v10 =	vor.u32 v2, v15;
	v11 =	vld [tilespmem:s8+$0xFFFFFF30]  }
0x18f: {  	v17 =	vshll.u32 v16, $0x8;
	v16 =	vshll.u32 v16, $0x7;
	[tilespmem:v9+s20+$0x0] =	vst.idx.msk $0xffff, v8;
	v8 =	vmov s12  }
0x190: {  	v13 =	vor.u32 v2, v14;
	v12 =	vld [tilespmem:s8+$0xFFFFFFB0];
	v9 =	vshll.u32 v8, $0x8;
	v8 =	vshll.u32 v8, $0x7  }
0x191: {  	v16 =	vand.u32 $0x380, v16;
	v18 =	vand.u32 $0x280, v8;
	v8 =	vand.u32 $0x7FFFF800, v17  }
0x192: {  	s0 =	simm.s32 $0x2BE0;
	v8 =	vor.u32 v16, v8  }
0x193: {  	v9 =	vand.u32 $0x7800, v9;
	v16 =	vld [tilespmem:s0+$0xFFFFFFA0];
	v17 =	vor.u32 v1, v8;
	[tilespmem:v10+s20+$0x0] =	vst.idx.msk $0xffff, v11  }
0x194: {  	v9 =	vor.u32 v18, v9;
	v11 =	vor.u32 v3, v15;
	v10 =	vld [tilespmem:s8+$0xFFFFFF40]  }
0x195: {  	[tilespmem:v13+s20+$0x0] =	vst.idx.msk $0xffff, v12;
	v12 =	vld [tilespmem:s0+$0xFFFFFF20];
	v13 =	vor.u32 v1, v9;
	_ =	sdelay $0x1  }
0x196: {  	v18 =	vor.u32 v3, v14;
	v19 =	vld [tilespmem:s8+$0xFFFFFFC0]  }
0x197: {  	v22 =	vor.u32 v4, v14;
	[tilespmem:v17+s20+$0x0] =	vst.idx.msk $0xffff, v16  }
0x198: {  	s15 =	simm.s32 $0x41;
	s29 =	simm.s32 $0x43;
	v20 =	vor.u32 v2, v9;
	v21 =	vor.u32 v2, v8;
	[tilespmem:v11+s20+$0x0] =	vst.idx.msk $0xffff, v10  }
0x199: {  	v16 =	vor.u32 v4, v15;
	v10 =	vmov s15;
	v11 =	vmov s29;
	[tilespmem:v13+s20+$0x0] =	vst.idx.msk $0xffff, v12;
	v12 =	vld [tilespmem:s0+$0xFFFFFFB0]  }
0x19a: {  	v17 =	vld [tilespmem:s8+$0xFFFFFF50];
	v13 =	vshll.u32 v10, $0x8;
	v23 =	vshll.u32 v11, $0x8;
	v11 =	vshll.u32 v11, $0x7  }
0x19b: {  	[tilespmem:v18+s20+$0x0] =	vst.idx.msk $0xffff, v19;
	v18 =	vld [tilespmem:s0+$0xFFFFFF30];
	v10 =	vshll.u32 v10, $0x7;
	v19 =	vand.u32 $0x7FFFF800, v23;
	v11 =	vand.u32 $0x380, v11  }
0x19c: {  	s2 =	simm.s32 $0x2CE0;
	v23 =	vld [tilespmem:s8+$0xFFFFFFD0];
	v10 =	vand.u32 $0x280, v10;
	v13 =	vand.u32 $0x7800, v13;
	v11 =	vor.u32 v11, v19  }
0x19d: {  	v10 =	vor.u32 v10, v13;
	v13 =	vld [tilespmem:s2+$0xFFFFFFA0];
	v19 =	vor.u32 v1, v11  }
0x19e: {  	v24 =	vld [tilespmem:s2+$0xFFFFFF20];
	v25 =	vor.u32 v1, v10;
	[tilespmem:v21+s20+$0x0] =	vst.idx.msk $0xffff, v12  }
0x19f: {  	[tilespmem:v16+s20+$0x0] =	vst.idx.msk $0xffff, v17;
	v17 =	vor.u32 v3, v8;
	v21 =	vld [tilespmem:s0+$0xFFFFFFC0]  }
0x1a0: {  	v16 =	vor.u32 v5, v15;
	[tilespmem:v20+s20+$0x0] =	vst.idx.msk $0xffff, v18;
	v12 =	vld [tilespmem:s8+$0xFFFFFF60]  }
0x1a1: {  	s7 =	simm.s32 $0x2DE0;
	v20 =	vor.u32 v3, v9;
	v18 =	vld [tilespmem:s0+$0xFFFFFF40];
	[tilespmem:v22+s20+$0x0] =	vst.idx.msk $0xffff, v23  }
0x1a2: {  	v31 =	vld [tilespmem:s7+$0xFFFFFF20];
	[tilespmem:v19+s20+$0x0] =	vst.idx.msk $0xffff, v13  }
0x1a3: {  	v13 =	vld [tilespmem:s8+$0xFFFFFFE0];
	v19 =	vor.u32 v5, v14;
	[tilespmem:v25+s20+$0x0] =	vst.idx.msk $0xffff, v24  }
0x1a4: {  	v26 =	vor.u32 v4, v8;
	v23 =	vor.u32 v2, v11;
	v22 =	vld [tilespmem:s2+$0xFFFFFFB0];
	[tilespmem:v17+s20+$0x0] =	vst.idx.msk $0xffff, v21  }
0x1a5: {  	v28 =	vor.u32 v4, v9;
	v24 =	vld [tilespmem:s2+$0xFFFFFF30];
	[tilespmem:v16+s20+$0x0] =	vst.idx.msk $0xffff, v12;
	v16 =	vor.u32 v2, v10  }
0x1a6: {  	s30 =	simm.s32 $0x45;
	s31 =	simm.s32 $0x47;
	v27 =	vor.u32 v3, v11;
	v21 =	vor.u32 v6, v15;
	[tilespmem:v20+s20+$0x0] =	vst.idx.msk $0xffff, v18;
	v17 =	vld [tilespmem:s8+$0xFFFFFF70]  }
0x1a7: {  	v25 =	vor.u32 v6, v14;
	v12 =	vmov s30;
	v18 =	vmov s31;
	v29 =	vld [tilespmem:s0+$0xFFFFFF50]  }
0x1a8: {  	v20 =	vld [tilespmem:s0+$0xFFFFFFD0];
	[tilespmem:v19+s20+$0x0] =	vst.idx.msk $0xffff, v13;
	v13 =	vshll.u32 v12, $0x8;
	v19 =	vshll.u32 v18, $0x8;
	v18 =	vshll.u32 v18, $0x7  }
0x1a9: {  	v12 =	vshll.u32 v12, $0x7;
	[tilespmem:v23+s20+$0x0] =	vst.idx.msk $0xffff, v22;
	v22 =	vld [tilespmem:s8+$0xFFFFFFF0];
	v19 =	vand.u32 $0x7FFFF800, v19;
	v18 =	vand.u32 $0x380, v18  }
0x1aa: {  	v30 =	vand.u32 $0x280, v12;
	v13 =	vand.u32 $0x7800, v13;
	v23 =	vld [tilespmem:s2+$0xFFFFFFC0];
	v12 =	vor.u32 v18, v19;
	[tilespmem:v16+s20+$0x0] =	vst.idx.msk $0xffff, v24  }
0x1ab: {  	v13 =	vor.u32 v30, v13;
	v19 =	vor.u32 v1, v12;
	[tilespmem:v21+s20+$0x0] =	vst.idx.msk $0xffff, v17;
	v17 =	vld [tilespmem:s7+$0xFFFFFFA0]  }
0x1ac: {  	v21 =	vor.u32 v1, v13;
	v18 =	vld [tilespmem:s2+$0xFFFFFF40];
	[tilespmem:v28+s20+$0x0] =	vst.idx.msk $0xffff, v29  }
0x1ad: {  	[tilespmem:v26+s20+$0x0] =	vst.idx.msk $0xffff, v20;
	v29 =	vor.u32 v5, v9;
	v28 =	vld [tilespmem:s0+$0xFFFFFF60]  }
0x1ae: {  	v32 =	vor.u32 v7, v15;
	v63 =	vld [tilespmem:s8+$0xFFFFFF80];
	[tilespmem:v25+s20+$0x0] =	vst.idx.msk $0xffff, v22  }
0x1af: {  	v24 =	vor.u32 v3, v10;
	v22 =	vld [tilespmem:s0+$0xFFFFFFE0];
	[tilespmem:v27+s20+$0x0] =	vst.idx.msk $0xffff, v23  }
0x1b0: {  	v15 =	vld [tilespmem:s8+$0x0];
	v23 =	vor.u32 v5, v8;
	[tilespmem:v19+s20+$0x0] =	vst.idx.msk $0xffff, v17  }
0x1b1: {  	v16 =	vor.u32 v2, v13;
	v27 =	vor.u32 v2, v12;
	[tilespmem:v21+s20+$0x0] =	vst.idx.msk $0xffff, v31;
	v26 =	vld [tilespmem:s7+$0xFFFFFFB0]  }
0x1b2: {  	v19 =	vor.u32 v7, v14;
	v14 =	vor.u32 v6, v8;
	v25 =	vld [tilespmem:s7+$0xFFFFFF30];
	[tilespmem:v29+s20+$0x0] =	vst.idx.msk $0xffff, v28  }
0x1b3: {  	s11 =	simm.s32 $0x2DE0;
	s10 =	simm.s32 $0x49;
	s8 =	simm.s32 $0x22;
	v17 =	vor.u32 v4, v11;
	v21 =	vor.u32 v6, v9;
	[tilespmem:v32+s20+$0x0] =	vst.idx.msk $0xffff, v63;
	v20 =	vld [tilespmem:s0+$0xFFFFFF70]  }
.LBB2_12:
0x1b4: {  	v28 =	vmov s10;
	s12 =	sadd.s32 $0x2, s10;
	s8 =	sadd.s32 $0x2, s8;
	v29 =	vor.u32 v3, v12;
	[tilespmem:v24+s20+$0x0] =	vst.idx.msk $0xffff, v18;
	v24 =	vor.u32 v4, v10;
	v30 =	vld [tilespmem:s2+$0xFFFFFFD0]  }
0x1b5: {  	v18 =	vshll.u32 v28, $0x8;
	v28 =	vshll.u32 v28, $0x7;
	v31 =	vmov s12;
	p0 =	slt.u32 s8, $0x36;
	v32 =	vld [tilespmem:s2+$0xFFFFFF50];
	[tilespmem:v23+s20+$0x0] =	vst.idx.msk $0xffff, v22  }
0x1b6: {  	v22 =	vand.u32 $0x280, v28;
	v23 =	vshll.u32 v31, $0x8;
	v28 =	vshll.u32 v31, $0x7;
	[tilespmem:v27+s20+$0x0] =	vst.idx.msk $0xffff, v26;
	v26 =	vld [tilespmem:s0+$0xFFFFFFF0]  }
0x1b7: {  	s11 =	sadd.s32 $0x100, s11;
	v18 =	vand.u32 $0x7800, v18;
	v23 =	vand.u32 $0x7FFFF800, v23;
	v27 =	vand.u32 $0x380, v28;
	v28 =	vld [tilespmem:s7+$0xFFFFFFC0];
	[tilespmem:v19+s20+$0x0] =	vst.idx.msk $0xffff, v15  }
0x1b8: {  	v15 =	vor.u32 v22, v18;
	v19 =	vld [tilespmem:s11+$0xFFFFFF20];
	v31 =	vor.u32 v27, v23;
	[tilespmem:v21+s20+$0x0] =	vst.idx.msk $0xffff, v20  }
0x1b9: {  	v20 =	vld [tilespmem:s11+$0xFFFFFFA0];
	v21 =	vor.u32 v1, v31;
	[tilespmem:v16+s20+$0x0] =	vst.idx.msk $0xffff, v25;
	v16 =	vor.u32 v2, v15  }
0x1ba: {  	v25 =	vor.u32 v1, v15;
	v18 =	vld [tilespmem:s7+$0xFFFFFF40];
	[tilespmem:v24+s20+$0x0] =	vst.idx.msk $0xffff, v32  }
0x1bb: {  	v33 =	vor.u32 v5, v10;
	v32 =	vld [tilespmem:s2+$0xFFFFFF60];
	[tilespmem:v14+s20+$0x0] =	vst.idx.msk $0xffff, v26  }
0x1bc: {  	[tilespmem:v29+s20+$0x0] =	vst.idx.msk $0xffff, v28;
	v28 =	vld [tilespmem:s0+$0xFFFFFF80];
	v29 =	vor.u32 v7, v9;
	v9 =	vmovc v10;
	v10 =	vmov v13;
	v13 =	vmov v15  }
.Ltmp5:
0x1bd: {  	v24 =	vor.u32 v3, v10;
	[tilespmem:v17+s20+$0x0] =	vst.idx.msk $0xffff, v30;
	v15 =	vld [tilespmem:s0+$0x0];
	s0 =	smov.u32 s2;
	s2 =	smov.u32 s7;
	(pc) =	sbr.rel @p0 .LBB2_12-.Ltmp5, $4  }
0x1be: {  	v23 =	vor.u32 v5, v11;
	s7 =	smov.u32 s11;
	[tilespmem:v21+s20+$0x0] =	vst.idx.msk $0xffff, v20;
	v22 =	vld [tilespmem:s0+$0xFFFFFFE0]  }
0x1bf: {  	v27 =	vor.u32 v2, v31;
	[tilespmem:v25+s20+$0x0] =	vst.idx.msk $0xffff, v19;
	v26 =	vld [tilespmem:s11+$0xFFFFFFB0];
	v19 =	vor.u32 v7, v8;
	v8 =	vmov v11  }
0x1c0: {  	v11 =	vmov v12;
	v12 =	vmov v31;
	v25 =	vld [tilespmem:s11+$0xFFFFFF30];
	[tilespmem:v33+s20+$0x0] =	vst.idx.msk $0xffff, v32;
	v14 =	vor.u32 v6, v8  }
0x1c1: {  	s10 =	sadd.s32 $0x4, s10;
	v21 =	vor.u32 v6, v9;
	v17 =	vor.u32 v4, v11;
	v20 =	vld [tilespmem:s0+$0xFFFFFF70];
	[tilespmem:v29+s20+$0x0] =	vst.idx.msk $0xffff, v28  }
0x1c2: {  	_ =	sdelay $0x3  }
0x1c3: {  	[tilespmem:v27+s20+$0x0] =	vst.idx.msk $0xffff, v26  }
0x1c4: {  	v40 =	vor.u32 v3, v12;
	[tilespmem:v16+s20+$0x0] =	vst.idx.msk $0xffff, v25;
	v27 =	vld [tilespmem:s7+$0xFFFFFFC0]  }
0x1c5: {  	v39 =	vor.u32 v3, v13;
	v16 =	vld [tilespmem:s7+$0xFFFFFF40];
	_ =	sdelay $0x2  }
0x1c6: {  	[tilespmem:v24+s20+$0x0] =	vst.idx.msk $0xffff, v18;
	v28 =	vld [tilespmem:s2+$0xFFFFFFD0]  }
0x1c7: {  	v41 =	vor.u32 v4, v10;
	v24 =	vld [tilespmem:s2+$0xFFFFFF50];
	[tilespmem:v40+s20+$0x0] =	vst.idx.msk $0xffff, v27  }
0x1c8: {  	v43 =	vor.u32 v4, v12;
	[tilespmem:v39+s20+$0x0] =	vst.idx.msk $0xffff, v16;
	v27 =	vld [tilespmem:s7+$0xFFFFFFD0]  }
0x1c9: {  	v42 =	vor.u32 v4, v13;
	v25 =	vld [tilespmem:s7+$0xFFFFFF50];
	_ =	sdelay $0x1  }
0x1ca: {  	[tilespmem:v17+s20+$0x0] =	vst.idx.msk $0xffff, v28  }
0x1cb: {  	v45 =	vor.u32 v5, v11;
	[tilespmem:v41+s20+$0x0] =	vst.idx.msk $0xffff, v24;
	v17 =	vld [tilespmem:s2+$0xFFFFFFE0]  }
0x1cc: {  	v44 =	vor.u32 v5, v10;
	v18 =	vld [tilespmem:s2+$0xFFFFFF60];
	[tilespmem:v43+s20+$0x0] =	vst.idx.msk $0xffff, v27  }
0x1cd: {  	v48 =	vor.u32 v5, v12;
	[tilespmem:v42+s20+$0x0] =	vst.idx.msk $0xffff, v25;
	v47 =	vld [tilespmem:s7+$0xFFFFFFE0]  }
0x1ce: {  	v46 =	vor.u32 v5, v13;
	[tilespmem:v19+s20+$0x0] =	vst.idx.msk $0xffff, v15;
	v16 =	vld [tilespmem:s7+$0xFFFFFF60]  }
0x1cf: {  	[tilespmem:v23+s20+$0x0] =	vst.idx.msk $0xffff, v22  }
0x1d0: {  	v49 =	vld [tilespmem:s0+$0xFFFFFFF0];
	[tilespmem:v45+s20+$0x0] =	vst.idx.msk $0xffff, v17  }
0x1d1: {  	v51 =	vor.u32 v6, v11;
	[tilespmem:v44+s20+$0x0] =	vst.idx.msk $0xffff, v18;
	v52 =	vld [tilespmem:s2+$0xFFFFFFF0]  }
0x1d2: {  	v50 =	vor.u32 v6, v10;
	v18 =	vld [tilespmem:s2+$0xFFFFFF70];
	[tilespmem:v48+s20+$0x0] =	vst.idx.msk $0xffff, v47  }
0x1d3: {  	v54 =	vor.u32 v6, v12;
	[tilespmem:v46+s20+$0x0] =	vst.idx.msk $0xffff, v16;
	v55 =	vld [tilespmem:s7+$0xFFFFFFF0]  }
0x1d4: {  	v53 =	vor.u32 v6, v13;
	[tilespmem:v21+s20+$0x0] =	vst.idx.msk $0xffff, v20;
	v16 =	vld [tilespmem:s7+$0xFFFFFF70]  }
0x1d5: {  	v9 =	vor.u32 v7, v9;
	v56 =	vld [tilespmem:s0+$0xFFFFFF80];
	[tilespmem:v14+s20+$0x0] =	vst.idx.msk $0xffff, v49  }
0x1d6: {  	v8 =	vor.u32 v7, v8;
	v15 =	vld [tilespmem:s0+$0x0];
	[tilespmem:v51+s20+$0x0] =	vst.idx.msk $0xffff, v52  }
0x1d7: {  	v60 =	vor.u32 v7, v11;
	[tilespmem:v50+s20+$0x0] =	vst.idx.msk $0xffff, v18;
	v59 =	vld [tilespmem:s2+$0x0]  }
0x1d8: {  	v58 =	vor.u32 v7, v10;
	v57 =	vld [tilespmem:s2+$0xFFFFFF80];
	[tilespmem:v54+s20+$0x0] =	vst.idx.msk $0xffff, v55  }
0x1d9: {  	v63 =	vor.u32 v7, v12;
	[tilespmem:v53+s20+$0x0] =	vst.idx.msk $0xffff, v16;
	v62 =	vld [tilespmem:s7+$0x0]  }
0x1da: {  	v61 =	vor.u32 v7, v13;
	[tilespmem:v9+s20+$0x0] =	vst.idx.msk $0xffff, v56;
	v16 =	vld [tilespmem:s7+$0xFFFFFF80]  }
0x1db: {  	[tilespmem:v8+s20+$0x0] =	vst.idx.msk $0xffff, v15  }
0x1dc: {  	[tilespmem:v60+s20+$0x0] =	vst.idx.msk $0xffff, v59  }
0x1dd: {  	[tilespmem:v58+s20+$0x0] =	vst.idx.msk $0xffff, v57  }
0x1de: {  	[tilespmem:v63+s20+$0x0] =	vst.idx.msk $0xffff, v62  }
0x1df: {  	[tilespmem:v61+s20+$0x0] =	vst.idx.msk $0xffff, v16  }
0x1e0: {  	s29 =	simm.s32 $0x1;
	s31 =	rddreg [dreg:$0x8]  }
0x1e1: {  	[hbm4b:s31+s5] =	stream.linear.scatter [tilespmem:s21], [sflag:$0x6], $0x3800, $0x38;
	[tilespmem:$0x11800] =	vst v63  }
.LBB2_14:
0x1e2: {  	s2 =	sshll.u32 s29, $0x1  }
0x1e3: {  	s0 =	sadd.s32 s1, s2  }
0x1e4: {  	s7 =	sadd.s32 $0x1, s0  }
0x1e5: {  	s8 =	sshrl.u32 s7, $0x1  }
0x1e6: {  	s10 =	smulhi.u32 $0x2AAAAAAB, s8;
	_ =	sdelay $0x1  }
0x1e7: {  	s7 =	smulhi.u32 $0x2AAAAAAB, s7;
	s10 =	sshrl.u32 s10, $0x4  }
0x1e8: {  	s10 =	smul.u32 $0x60, s10  }
0x1e9: {  	s31 =	sshrl.u32 s7, $0x5  }
0x1ea: {  	s7 =	smul.u32 $0x150000, s31;
	s30 =	ssub.s32 s8, s10  }
0x1eb: {  	s8 =	smul.u32 $0x3800, s30;
	_ =	sdelay $0x1  }
0x1ec: {  	s7 =	sadd.s32 s7, s8  }
0x1ed: {  	s7 =	sadd.s32 $0x1C00, s7  }
0x1ee: {  	s7 =	sshrl.u32 s7, $0x3  }
0x1ef: {  	s7 =	sadd.s32 s3, s7  }
0x1f0: {  	[tilespmem:s16], [sflag:$0x2] =	stream.linear.gather [hbm4b:s7+s5], $0x1C00, $0x38;
	[tilespmem:$0x11800] =	vst v63  }
0x1f1: {  	_ =	swait.ge [sflag:s28], $0x1C00  }
0x1f2: {  	v8 =	vmov s28;
	[sflag:s28] =	ssyncset.done $0x0  }
0x1f3: {  	s13 =	simm.s32 $0x3;
	v9 =	vshll.u32 v8, $0x8;
	v8 =	vshll.u32 v8, $0x7;
	[sflag:s28] =	ssyncadd.s32 $0xFFFFE400  }
0x1f4: {  	v10 =	vmov s13;
	v8 =	vand.u32 $0x280, v8;
	v9 =	vand.u32 $0x3800, v9;
	_ =	swait.ge [sflag:s22], $0x3800  }
0x1f5: {  	v15 =	vor.u32 v8, v9;
	v8 =	vshll.u32 v10, $0x8;
	v9 =	vshll.u32 v10, $0x7;
	[sflag:s22] =	ssyncset.done $0x0  }
0x1f6: {  	s11 =	simm.s32 $0x80;
	v8 =	vand.u32 $0x7FFFF800, v8;
	v9 =	vand.u32 $0x380, v9;
	[sflag:s22] =	ssyncadd.s32 $0xFFFFC800  }
0x1f7: {  	v11 =	vor.u32 v1, v15;
	v14 =	vor.u32 v9, v8;
	v10 =	vld [tilespmem:s11+$0xFFFFFF80]  }
0x1f8: {  	v9 =	vor.u32 v1, v14;
	v8 =	vld [tilespmem:s11+$0x0];
	_ =	sdelay $0x3  }
0x1f9: {  	s8 =	simm.s32 $0x7;
	[tilespmem:v11+s17+$0x0] =	vst.idx.msk $0xffff, v10  }
0x1fa: {  	s15 =	simm.s32 $0x5;
	v16 =	vmov s8;
	v10 =	vor.u32 v2, v15;
	[tilespmem:v9+s17+$0x0] =	vst.idx.msk $0xffff, v8;
	v11 =	vld [tilespmem:s11+$0xFFFFFF90]  }
0x1fb: {  	v13 =	vor.u32 v2, v14;
	v17 =	vshll.u32 v16, $0x8;
	v8 =	vmov s15;
	v12 =	vld [tilespmem:s11+$0x10]  }
0x1fc: {  	v16 =	vshll.u32 v16, $0x7;
	v9 =	vshll.u32 v8, $0x8;
	v8 =	vshll.u32 v8, $0x7  }
0x1fd: {  	v16 =	vand.u32 $0x380, v16;
	v18 =	vand.u32 $0x280, v8;
	v8 =	vand.u32 $0x7FFFF800, v17  }
0x1fe: {  	s7 =	simm.s32 $0x180;
	v9 =	vand.u32 $0x3800, v9;
	v8 =	vor.u32 v16, v8  }
0x1ff: {  	v9 =	vor.u32 v18, v9;
	v16 =	vld [tilespmem:s7+$0x0];
	v17 =	vor.u32 v1, v8;
	[tilespmem:v10+s17+$0x0] =	vst.idx.msk $0xffff, v11  }
0x200: {  	[tilespmem:v13+s17+$0x0] =	vst.idx.msk $0xffff, v12;
	v12 =	vld [tilespmem:s7+$0xFFFFFF80];
	v13 =	vor.u32 v1, v9  }
0x201: {  	v11 =	vor.u32 v3, v15;
	v10 =	vld [tilespmem:s11+$0xFFFFFFA0];
	_ =	sdelay $0x1  }
0x202: {  	v18 =	vor.u32 v3, v14;
	v19 =	vld [tilespmem:s11+$0x20]  }
0x203: {  	v22 =	vor.u32 v4, v14;
	[tilespmem:v17+s17+$0x0] =	vst.idx.msk $0xffff, v16  }
0x204: {  	s12 =	simm.s32 $0xB;
	s10 =	simm.s32 $0x9;
	v20 =	vor.u32 v2, v9;
	v21 =	vor.u32 v2, v8;
	[tilespmem:v13+s17+$0x0] =	vst.idx.msk $0xffff, v12  }
0x205: {  	v16 =	vor.u32 v4, v15;
	v12 =	vld [tilespmem:s7+$0x10];
	[tilespmem:v11+s17+$0x0] =	vst.idx.msk $0xffff, v10;
	v10 =	vmov s10;
	v11 =	vmov s12  }
0x206: {  	v17 =	vld [tilespmem:s11+$0xFFFFFFB0];
	v13 =	vshll.u32 v10, $0x8;
	v23 =	vshll.u32 v11, $0x8;
	v11 =	vshll.u32 v11, $0x7  }
0x207: {  	[tilespmem:v18+s17+$0x0] =	vst.idx.msk $0xffff, v19;
	v18 =	vld [tilespmem:s7+$0xFFFFFF90];
	v10 =	vshll.u32 v10, $0x7;
	v19 =	vand.u32 $0x7FFFF800, v23;
	v11 =	vand.u32 $0x380, v11  }
0x208: {  	s8 =	simm.s32 $0x280;
	v23 =	vld [tilespmem:s11+$0x30];
	v10 =	vand.u32 $0x280, v10;
	v13 =	vand.u32 $0x3800, v13;
	v11 =	vor.u32 v11, v19  }
0x209: {  	v10 =	vor.u32 v10, v13;
	v13 =	vld [tilespmem:s8+$0x0];
	v19 =	vor.u32 v1, v11  }
0x20a: {  	v24 =	vld [tilespmem:s8+$0xFFFFFF80];
	v25 =	vor.u32 v1, v10;
	[tilespmem:v21+s17+$0x0] =	vst.idx.msk $0xffff, v12  }
0x20b: {  	v21 =	vld [tilespmem:s7+$0x20];
	[tilespmem:v16+s17+$0x0] =	vst.idx.msk $0xffff, v17;
	v17 =	vor.u32 v3, v8  }
0x20c: {  	[tilespmem:v20+s17+$0x0] =	vst.idx.msk $0xffff, v18;
	v16 =	vor.u32 v5, v15;
	v12 =	vld [tilespmem:s11+$0xFFFFFFC0]  }
0x20d: {  	v20 =	vor.u32 v3, v9;
	v18 =	vld [tilespmem:s7+$0xFFFFFFA0];
	[tilespmem:v22+s17+$0x0] =	vst.idx.msk $0xffff, v23  }
0x20e: {  	[tilespmem:v19+s17+$0x0] =	vst.idx.msk $0xffff, v13;
	v13 =	vld [tilespmem:s11+$0x40];
	v19 =	vor.u32 v5, v14  }
0x20f: {  	s10 =	simm.s32 $0x380;
	v23 =	vor.u32 v2, v11;
	[tilespmem:v25+s17+$0x0] =	vst.idx.msk $0xffff, v24;
	v22 =	vld [tilespmem:s8+$0x10]  }
0x210: {  	v31 =	vld [tilespmem:s10+$0xFFFFFF80];
	[tilespmem:v17+s17+$0x0] =	vst.idx.msk $0xffff, v21  }
0x211: {  	s15 =	simm.s32 $0xF;
	v26 =	vor.u32 v4, v8;
	v24 =	vld [tilespmem:s8+$0xFFFFFF90];
	[tilespmem:v16+s17+$0x0] =	vst.idx.msk $0xffff, v12;
	v16 =	vor.u32 v2, v10  }
0x212: {  	s13 =	simm.s32 $0xD;
	v28 =	vmov s15;
	v27 =	vor.u32 v4, v9;
	v21 =	vor.u32 v6, v15;
	[tilespmem:v20+s17+$0x0] =	vst.idx.msk $0xffff, v18;
	v17 =	vld [tilespmem:s11+$0xFFFFFFD0]  }
0x213: {  	v25 =	vor.u32 v6, v14;
	v20 =	vor.u32 v3, v11;
	v12 =	vmov s13;
	v29 =	vld [tilespmem:s7+$0xFFFFFFB0];
	[tilespmem:v19+s17+$0x0] =	vst.idx.msk $0xffff, v13  }
0x214: {  	s12 =	sshrl.u32 s0, $0x1;
	v13 =	vshll.u32 v12, $0x8;
	v19 =	vshll.u32 v28, $0x8;
	v28 =	vshll.u32 v28, $0x7;
	[tilespmem:v23+s17+$0x0] =	vst.idx.msk $0xffff, v22;
	v22 =	vld [tilespmem:s11+$0x50]  }
0x215: {  	s13 =	smulhi.u32 $0x2AAAAAAB, s12;
	v12 =	vshll.u32 v12, $0x7;
	v19 =	vand.u32 $0x7FFFF800, v19;
	v23 =	vand.u32 $0x380, v28;
	v28 =	vld [tilespmem:s8+$0x20]  }
0x216: {  	v18 =	vld [tilespmem:s7+$0x30];
	v30 =	vand.u32 $0x280, v12;
	v13 =	vand.u32 $0x3800, v13;
	v12 =	vor.u32 v23, v19;
	[tilespmem:v16+s17+$0x0] =	vst.idx.msk $0xffff, v24  }
0x217: {  	s0 =	smulhi.u32 $0x2AAAAAAB, s0;
	s13 =	sshrl.u32 s13, $0x4;
	v13 =	vor.u32 v30, v13;
	v19 =	vld [tilespmem:s10+$0x0];
	[tilespmem:v21+s17+$0x0] =	vst.idx.msk $0xffff, v17;
	v21 =	vor.u32 v1, v12  }
0x218: {  	s13 =	smul.u32 $0x60, s13;
	v30 =	vor.u32 v1, v13;
	[tilespmem:v27+s17+$0x0] =	vst.idx.msk $0xffff, v29;
	v17 =	vld [tilespmem:s8+$0xFFFFFFA0]  }
0x219: {  	v32 =	vor.u32 v5, v9;
	s0 =	sshrl.u32 s0, $0x5;
	v29 =	vld [tilespmem:s7+$0xFFFFFFC0];
	[tilespmem:v25+s17+$0x0] =	vst.idx.msk $0xffff, v22  }
0x21a: {  	v33 =	vor.u32 v7, v15;
	s0 =	smul.u32 $0x540000, s0;
	s12 =	ssub.s32 s12, s13;
	[tilespmem:v20+s17+$0x0] =	vst.idx.msk $0xffff, v28;
	v28 =	vld [tilespmem:s11+$0xFFFFFFE0]  }
0x21b: {  	[tilespmem:v26+s17+$0x0] =	vst.idx.msk $0xffff, v18;
	v24 =	vor.u32 v3, v10;
	s12 =	smul.u32 $0xE000, s12;
	v15 =	vld [tilespmem:s11+$0x60]  }
0x21c: {  	v23 =	vor.u32 v5, v8;
	[tilespmem:v21+s17+$0x0] =	vst.idx.msk $0xffff, v19;
	v21 =	vld [tilespmem:s7+$0x40]  }
0x21d: {  	v16 =	vor.u32 v2, v13;
	v27 =	vor.u32 v2, v12;
	s0 =	sadd.s32 s0, s12;
	[tilespmem:v30+s17+$0x0] =	vst.idx.msk $0xffff, v31;
	v26 =	vld [tilespmem:s10+$0x10]  }
0x21e: {  	v18 =	vor.u32 v4, v11;
	s13 =	simm.s32 $0x380;
	s0 =	sshrl.u32 s0, $0x3;
	v19 =	vor.u32 v7, v14;
	v25 =	vld [tilespmem:s10+$0xFFFFFF90];
	[tilespmem:v32+s17+$0x0] =	vst.idx.msk $0xffff, v29  }
0x21f: {  	s12 =	simm.s32 $0x11;
	v22 =	vor.u32 v6, v9;
	s11 =	simm.s32 $0x6;
	s0 =	sadd.s32 s4, s0;
	v14 =	vor.u32 v6, v8;
	v20 =	vld [tilespmem:s7+$0xFFFFFFD0];
	[tilespmem:v33+s17+$0x0] =	vst.idx.msk $0xffff, v28  }
.LBB2_15:
0x220: {  	v28 =	vmov s12;
	s15 =	sadd.s32 $0x2, s12;
	s11 =	sadd.s32 $0x2, s11;
	v29 =	vor.u32 v3, v12;
	[tilespmem:v24+s17+$0x0] =	vst.idx.msk $0xffff, v17;
	v24 =	vor.u32 v4, v10;
	v30 =	vld [tilespmem:s8+$0x30]  }
0x221: {  	v17 =	vshll.u32 v28, $0x8;
	v28 =	vshll.u32 v28, $0x7;
	v31 =	vmov s15;
	p0 =	slt.u32 s11, $0x1A;
	v32 =	vld [tilespmem:s8+$0xFFFFFFB0];
	[tilespmem:v23+s17+$0x0] =	vst.idx.msk $0xffff, v21  }
0x222: {  	v21 =	vand.u32 $0x280, v28;
	v23 =	vshll.u32 v31, $0x8;
	v28 =	vshll.u32 v31, $0x7;
	[tilespmem:v27+s17+$0x0] =	vst.idx.msk $0xffff, v26;
	v26 =	vld [tilespmem:s7+$0x50]  }
0x223: {  	s13 =	sadd.s32 $0x100, s13;
	v17 =	vand.u32 $0x3800, v17;
	v23 =	vand.u32 $0x7FFFF800, v23;
	v27 =	vand.u32 $0x380, v28;
	v28 =	vld [tilespmem:s10+$0x20];
	[tilespmem:v19+s17+$0x0] =	vst.idx.msk $0xffff, v15  }
0x224: {  	v15 =	vor.u32 v21, v17;
	v19 =	vld [tilespmem:s13+$0xFFFFFF80];
	v31 =	vor.u32 v27, v23;
	[tilespmem:v22+s17+$0x0] =	vst.idx.msk $0xffff, v20  }
0x225: {  	v20 =	vld [tilespmem:s13+$0x0];
	v21 =	vor.u32 v1, v31;
	[tilespmem:v16+s17+$0x0] =	vst.idx.msk $0xffff, v25;
	v16 =	vor.u32 v2, v15  }
0x226: {  	v22 =	vor.u32 v1, v15;
	v17 =	vld [tilespmem:s10+$0xFFFFFFA0];
	[tilespmem:v24+s17+$0x0] =	vst.idx.msk $0xffff, v32  }
0x227: {  	v33 =	vor.u32 v5, v10;
	v32 =	vld [tilespmem:s8+$0xFFFFFFC0];
	[tilespmem:v14+s17+$0x0] =	vst.idx.msk $0xffff, v26  }
0x228: {  	[tilespmem:v29+s17+$0x0] =	vst.idx.msk $0xffff, v28;
	v28 =	vld [tilespmem:s7+$0xFFFFFFE0];
	v29 =	vor.u32 v7, v9;
	v9 =	vmovc v10;
	v10 =	vmov v13;
	v13 =	vmov v15  }
.Ltmp6:
0x229: {  	v24 =	vor.u32 v3, v10;
	[tilespmem:v18+s17+$0x0] =	vst.idx.msk $0xffff, v30;
	v15 =	vld [tilespmem:s7+$0x60];
	s7 =	smov.u32 s8;
	s8 =	smov.u32 s10;
	(pc) =	sbr.rel @p0 .LBB2_15-.Ltmp6, $4  }
0x22a: {  	v23 =	vor.u32 v5, v11;
	s10 =	smov.u32 s13;
	[tilespmem:v21+s17+$0x0] =	vst.idx.msk $0xffff, v20;
	v21 =	vld [tilespmem:s7+$0x40]  }
0x22b: {  	v27 =	vor.u32 v2, v31;
	[tilespmem:v22+s17+$0x0] =	vst.idx.msk $0xffff, v19;
	v26 =	vld [tilespmem:s13+$0x10];
	v19 =	vor.u32 v7, v8;
	v8 =	vmov v11  }
0x22c: {  	v11 =	vmov v12;
	v12 =	vmov v31;
	v25 =	vld [tilespmem:s13+$0xFFFFFF90];
	[tilespmem:v33+s17+$0x0] =	vst.idx.msk $0xffff, v32;
	v14 =	vor.u32 v6, v8  }
0x22d: {  	s12 =	sadd.s32 $0x4, s12;
	v22 =	vor.u32 v6, v9;
	v18 =	vor.u32 v4, v11;
	v20 =	vld [tilespmem:s7+$0xFFFFFFD0];
	[tilespmem:v29+s17+$0x0] =	vst.idx.msk $0xffff, v28  }
0x22e: {  	_ =	sdelay $0x3  }
0x22f: {  	[tilespmem:v27+s17+$0x0] =	vst.idx.msk $0xffff, v26  }
0x230: {  	v26 =	vor.u32 v3, v12;
	[tilespmem:v16+s17+$0x0] =	vst.idx.msk $0xffff, v25;
	v27 =	vld [tilespmem:s10+$0x20]  }
0x231: {  	v25 =	vor.u32 v3, v13;
	v16 =	vld [tilespmem:s10+$0xFFFFFFA0];
	_ =	sdelay $0x2  }
0x232: {  	[tilespmem:v24+s17+$0x0] =	vst.idx.msk $0xffff, v17;
	v28 =	vld [tilespmem:s8+$0x30]  }
0x233: {  	v17 =	vor.u32 v4, v10;
	v24 =	vld [tilespmem:s8+$0xFFFFFFB0];
	[tilespmem:v26+s17+$0x0] =	vst.idx.msk $0xffff, v27  }
0x234: {  	v26 =	vor.u32 v4, v12;
	[tilespmem:v25+s17+$0x0] =	vst.idx.msk $0xffff, v16;
	v27 =	vld [tilespmem:s10+$0x30]  }
0x235: {  	[tilespmem:v19+s17+$0x0] =	vst.idx.msk $0xffff, v15;
	v16 =	vor.u32 v4, v13;
	v25 =	vld [tilespmem:s10+$0xFFFFFFB0]  }
0x236: {  	[tilespmem:v23+s17+$0x0] =	vst.idx.msk $0xffff, v21  }
0x237: {  	v15 =	vld [tilespmem:s7+$0x50];
	[tilespmem:v18+s17+$0x0] =	vst.idx.msk $0xffff, v28  }
0x238: {  	v28 =	vor.u32 v5, v11;
	[tilespmem:v17+s17+$0x0] =	vst.idx.msk $0xffff, v24;
	v18 =	vld [tilespmem:s8+$0x40]  }
0x239: {  	v24 =	vor.u32 v5, v10;
	v17 =	vld [tilespmem:s8+$0xFFFFFFC0];
	[tilespmem:v26+s17+$0x0] =	vst.idx.msk $0xffff, v27  }
0x23a: {  	v23 =	vor.u32 v5, v12;
	[tilespmem:v16+s17+$0x0] =	vst.idx.msk $0xffff, v25;
	v21 =	vld [tilespmem:s10+$0x40]  }
0x23b: {  	[tilespmem:v22+s17+$0x0] =	vst.idx.msk $0xffff, v20;
	v25 =	vor.u32 v5, v13;
	v16 =	vld [tilespmem:s10+$0xFFFFFFC0]  }
0x23c: {  	[tilespmem:v14+s17+$0x0] =	vst.idx.msk $0xffff, v15  }
0x23d: {  	v9 =	vor.u32 v7, v9;
	v14 =	vld [tilespmem:s7+$0xFFFFFFE0];
	[tilespmem:v28+s17+$0x0] =	vst.idx.msk $0xffff, v18  }
0x23e: {  	v18 =	vor.u32 v6, v11;
	[tilespmem:v24+s17+$0x0] =	vst.idx.msk $0xffff, v17;
	v24 =	vld [tilespmem:s8+$0x50]  }
0x23f: {  	v19 =	vor.u32 v6, v10;
	v17 =	vld [tilespmem:s8+$0xFFFFFFD0];
	[tilespmem:v23+s17+$0x0] =	vst.idx.msk $0xffff, v21  }
0x240: {  	v20 =	vor.u32 v6, v12;
	[tilespmem:v25+s17+$0x0] =	vst.idx.msk $0xffff, v16;
	v21 =	vld [tilespmem:s10+$0x50]  }
0x241: {  	v25 =	vor.u32 v6, v13;
	v16 =	vld [tilespmem:s10+$0xFFFFFFD0]  }
0x242: {  	[tilespmem:v9+s17+$0x0] =	vst.idx.msk $0xffff, v14  }
0x243: {  	v8 =	vor.u32 v7, v8;
	v15 =	vld [tilespmem:s7+$0x60];
	[tilespmem:v18+s17+$0x0] =	vst.idx.msk $0xffff, v24  }
0x244: {  	v11 =	vor.u32 v7, v11;
	[tilespmem:v19+s17+$0x0] =	vst.idx.msk $0xffff, v17;
	v18 =	vld [tilespmem:s8+$0x60]  }
0x245: {  	v10 =	vor.u32 v7, v10;
	v17 =	vld [tilespmem:s8+$0xFFFFFFE0];
	[tilespmem:v20+s17+$0x0] =	vst.idx.msk $0xffff, v21  }
0x246: {  	v12 =	vor.u32 v7, v12;
	[tilespmem:v25+s17+$0x0] =	vst.idx.msk $0xffff, v16;
	v9 =	vld [tilespmem:s10+$0x60]  }
0x247: {  	v13 =	vor.u32 v7, v13;
	v16 =	vld [tilespmem:s10+$0xFFFFFFE0]  }
0x248: {  	[tilespmem:v8+s17+$0x0] =	vst.idx.msk $0xffff, v15  }
0x249: {  	[tilespmem:v11+s17+$0x0] =	vst.idx.msk $0xffff, v18  }
0x24a: {  	[tilespmem:v10+s17+$0x0] =	vst.idx.msk $0xffff, v17  }
0x24b: {  	s12 =	simm.s32 $0x39;
	[tilespmem:v12+s17+$0x0] =	vst.idx.msk $0xffff, v9  }
0x24c: {  	s13 =	simm.s32 $0x3B;
	v8 =	vmov s12;
	[tilespmem:v13+s17+$0x0] =	vst.idx.msk $0xffff, v16  }
0x24d: {  	v9 =	vshll.u32 v8, $0x8;
	v8 =	vshll.u32 v8, $0x7;
	[hbm4b:s0+s5] =	stream.linear.scatter [tilespmem:s17], [sflag:$0x3], $0x3800, $0x38;
	[tilespmem:$0x11800] =	vst v63  }
0x24e: {  	v10 =	vmov s13;
	v8 =	vand.u32 $0x280, v8;
	v9 =	vand.u32 $0x7800, v9;
	_ =	swait.ge [sflag:s23], $0x3800  }
0x24f: {  	v15 =	vor.u32 v8, v9;
	v8 =	vshll.u32 v10, $0x8;
	v9 =	vshll.u32 v10, $0x7;
	[sflag:s23] =	ssyncset.done $0x0  }
0x250: {  	s11 =	simm.s32 $0xEE0;
	v8 =	vand.u32 $0x7FFFF800, v8;
	v9 =	vand.u32 $0x380, v9;
	[sflag:s23] =	ssyncadd.s32 $0xFFFFC800  }
0x251: {  	v11 =	vor.u32 v1, v15;
	v14 =	vor.u32 v9, v8;
	v10 =	vld [tilespmem:s11+$0xFFFFFF20]  }
0x252: {  	v9 =	vor.u32 v1, v14;
	v8 =	vld [tilespmem:s11+$0xFFFFFFA0];
	_ =	sdelay $0x3  }
0x253: {  	s8 =	simm.s32 $0x3F;
	[tilespmem:v11+s17+$0x0] =	vst.idx.msk $0xffff, v10  }
0x254: {  	s15 =	simm.s32 $0x3D;
	v16 =	vmov s8;
	v10 =	vor.u32 v2, v15;
	[tilespmem:v9+s17+$0x0] =	vst.idx.msk $0xffff, v8;
	v11 =	vld [tilespmem:s11+$0xFFFFFF30]  }
0x255: {  	v17 =	vshll.u32 v16, $0x8;
	v13 =	vor.u32 v2, v14;
	v8 =	vmov s15;
	v12 =	vld [tilespmem:s11+$0xFFFFFFB0]  }
0x256: {  	v16 =	vshll.u32 v16, $0x7;
	v9 =	vshll.u32 v8, $0x8;
	v8 =	vshll.u32 v8, $0x7  }
0x257: {  	v16 =	vand.u32 $0x380, v16;
	v18 =	vand.u32 $0x280, v8;
	v8 =	vand.u32 $0x7FFFF800, v17  }
0x258: {  	s7 =	simm.s32 $0xFE0;
	v9 =	vand.u32 $0x7800, v9;
	v8 =	vor.u32 v16, v8  }
0x259: {  	v9 =	vor.u32 v18, v9;
	v16 =	vld [tilespmem:s7+$0xFFFFFFA0];
	v17 =	vor.u32 v1, v8;
	[tilespmem:v10+s17+$0x0] =	vst.idx.msk $0xffff, v11  }
0x25a: {  	[tilespmem:v13+s17+$0x0] =	vst.idx.msk $0xffff, v12;
	v12 =	vld [tilespmem:s7+$0xFFFFFF20];
	v13 =	vor.u32 v1, v9  }
0x25b: {  	v11 =	vor.u32 v3, v15;
	v10 =	vld [tilespmem:s11+$0xFFFFFF40];
	_ =	sdelay $0x1  }
0x25c: {  	v18 =	vor.u32 v3, v14;
	v19 =	vld [tilespmem:s11+$0xFFFFFFC0]  }
0x25d: {  	v22 =	vor.u32 v4, v14;
	[tilespmem:v17+s17+$0x0] =	vst.idx.msk $0xffff, v16  }
0x25e: {  	s12 =	simm.s32 $0x43;
	s10 =	simm.s32 $0x41;
	v20 =	vor.u32 v2, v9;
	v21 =	vor.u32 v2, v8;
	[tilespmem:v13+s17+$0x0] =	vst.idx.msk $0xffff, v12  }
0x25f: {  	v16 =	vor.u32 v4, v15;
	v12 =	vld [tilespmem:s7+$0xFFFFFFB0];
	[tilespmem:v11+s17+$0x0] =	vst.idx.msk $0xffff, v10;
	v10 =	vmov s10;
	v11 =	vmov s12  }
0x260: {  	v17 =	vld [tilespmem:s11+$0xFFFFFF50];
	v13 =	vshll.u32 v10, $0x8;
	v23 =	vshll.u32 v11, $0x8;
	v11 =	vshll.u32 v11, $0x7  }
0x261: {  	[tilespmem:v18+s17+$0x0] =	vst.idx.msk $0xffff, v19;
	v18 =	vld [tilespmem:s7+$0xFFFFFF30];
	v10 =	vshll.u32 v10, $0x7;
	v19 =	vand.u32 $0x7FFFF800, v23;
	v11 =	vand.u32 $0x380, v11  }
0x262: {  	s8 =	simm.s32 $0x10E0;
	v23 =	vld [tilespmem:s11+$0xFFFFFFD0];
	v10 =	vand.u32 $0x280, v10;
	v13 =	vand.u32 $0x7800, v13;
	v11 =	vor.u32 v11, v19  }
0x263: {  	v10 =	vor.u32 v10, v13;
	v13 =	vld [tilespmem:s8+$0xFFFFFFA0];
	v19 =	vor.u32 v1, v11  }
0x264: {  	v24 =	vld [tilespmem:s8+$0xFFFFFF20];
	v25 =	vor.u32 v1, v10;
	[tilespmem:v21+s17+$0x0] =	vst.idx.msk $0xffff, v12  }
0x265: {  	v21 =	vld [tilespmem:s7+$0xFFFFFFC0];
	[tilespmem:v16+s17+$0x0] =	vst.idx.msk $0xffff, v17;
	v17 =	vor.u32 v3, v8  }
0x266: {  	[tilespmem:v20+s17+$0x0] =	vst.idx.msk $0xffff, v18;
	v16 =	vor.u32 v5, v15;
	v12 =	vld [tilespmem:s11+$0xFFFFFF60]  }
0x267: {  	v20 =	vor.u32 v3, v9;
	v18 =	vld [tilespmem:s7+$0xFFFFFF40];
	[tilespmem:v22+s17+$0x0] =	vst.idx.msk $0xffff, v23  }
0x268: {  	[tilespmem:v19+s17+$0x0] =	vst.idx.msk $0xffff, v13;
	v13 =	vld [tilespmem:s11+$0xFFFFFFE0];
	v19 =	vor.u32 v5, v14  }
0x269: {  	s10 =	simm.s32 $0x11E0;
	v23 =	vor.u32 v2, v11;
	[tilespmem:v25+s17+$0x0] =	vst.idx.msk $0xffff, v24;
	v22 =	vld [tilespmem:s8+$0xFFFFFFB0]  }
0x26a: {  	v31 =	vld [tilespmem:s10+$0xFFFFFF20];
	[tilespmem:v17+s17+$0x0] =	vst.idx.msk $0xffff, v21  }
0x26b: {  	s15 =	simm.s32 $0x47;
	v26 =	vor.u32 v4, v8;
	v24 =	vld [tilespmem:s8+$0xFFFFFF30];
	[tilespmem:v16+s17+$0x0] =	vst.idx.msk $0xffff, v12;
	v16 =	vor.u32 v2, v10  }
0x26c: {  	s13 =	simm.s32 $0x45;
	v28 =	vmov s15;
	v27 =	vor.u32 v4, v9;
	v21 =	vor.u32 v6, v15;
	[tilespmem:v20+s17+$0x0] =	vst.idx.msk $0xffff, v18;
	v17 =	vld [tilespmem:s11+$0xFFFFFF70]  }
0x26d: {  	v25 =	vor.u32 v6, v14;
	v20 =	vor.u32 v3, v11;
	v12 =	vmov s13;
	v29 =	vld [tilespmem:s7+$0xFFFFFF50];
	[tilespmem:v19+s17+$0x0] =	vst.idx.msk $0xffff, v13  }
0x26e: {  	v13 =	vshll.u32 v12, $0x8;
	v19 =	vshll.u32 v28, $0x8;
	v28 =	vshll.u32 v28, $0x7;
	[tilespmem:v23+s17+$0x0] =	vst.idx.msk $0xffff, v22;
	v22 =	vld [tilespmem:s11+$0xFFFFFFF0]  }
0x26f: {  	v12 =	vshll.u32 v12, $0x7;
	v19 =	vand.u32 $0x7FFFF800, v19;
	v23 =	vand.u32 $0x380, v28;
	v28 =	vld [tilespmem:s8+$0xFFFFFFC0]  }
0x270: {  	v18 =	vld [tilespmem:s7+$0xFFFFFFD0];
	v30 =	vand.u32 $0x280, v12;
	v13 =	vand.u32 $0x7800, v13;
	v12 =	vor.u32 v23, v19;
	[tilespmem:v16+s17+$0x0] =	vst.idx.msk $0xffff, v24  }
0x271: {  	v13 =	vor.u32 v30, v13;
	v19 =	vld [tilespmem:s10+$0xFFFFFFA0];
	[tilespmem:v21+s17+$0x0] =	vst.idx.msk $0xffff, v17;
	v21 =	vor.u32 v1, v12  }
0x272: {  	v30 =	vor.u32 v1, v13;
	[tilespmem:v27+s17+$0x0] =	vst.idx.msk $0xffff, v29;
	v17 =	vld [tilespmem:s8+$0xFFFFFF40]  }
0x273: {  	v32 =	vor.u32 v5, v9;
	v29 =	vld [tilespmem:s7+$0xFFFFFF60];
	[tilespmem:v25+s17+$0x0] =	vst.idx.msk $0xffff, v22  }
0x274: {  	v33 =	vor.u32 v7, v15;
	[tilespmem:v20+s17+$0x0] =	vst.idx.msk $0xffff, v28;
	v28 =	vld [tilespmem:s11+$0xFFFFFF80]  }
0x275: {  	[tilespmem:v26+s17+$0x0] =	vst.idx.msk $0xffff, v18;
	v24 =	vor.u32 v3, v10;
	v15 =	vld [tilespmem:s11+$0x0]  }
0x276: {  	v23 =	vor.u32 v5, v8;
	[tilespmem:v21+s17+$0x0] =	vst.idx.msk $0xffff, v19;
	v21 =	vld [tilespmem:s7+$0xFFFFFFE0]  }
0x277: {  	v16 =	vor.u32 v2, v13;
	v27 =	vor.u32 v2, v12;
	[tilespmem:v30+s17+$0x0] =	vst.idx.msk $0xffff, v31;
	v26 =	vld [tilespmem:s10+$0xFFFFFFB0]  }
0x278: {  	s0 =	sadd.s32 $0x700, s0;
	v18 =	vor.u32 v4, v11;
	v19 =	vor.u32 v7, v14;
	v25 =	vld [tilespmem:s10+$0xFFFFFF30];
	[tilespmem:v32+s17+$0x0] =	vst.idx.msk $0xffff, v29  }
0x279: {  	s12 =	simm.s32 $0x49;
	s13 =	simm.s32 $0x11E0;
	v22 =	vor.u32 v6, v9;
	s11 =	simm.s32 $0x22;
	v14 =	vor.u32 v6, v8;
	v20 =	vld [tilespmem:s7+$0xFFFFFF70];
	[tilespmem:v33+s17+$0x0] =	vst.idx.msk $0xffff, v28  }
.LBB2_17:
0x27a: {  	v28 =	vmov s12;
	s15 =	sadd.s32 $0x2, s12;
	s11 =	sadd.s32 $0x2, s11;
	v29 =	vor.u32 v3, v12;
	[tilespmem:v24+s17+$0x0] =	vst.idx.msk $0xffff, v17;
	v24 =	vor.u32 v4, v10;
	v30 =	vld [tilespmem:s8+$0xFFFFFFD0]  }
0x27b: {  	v17 =	vshll.u32 v28, $0x8;
	v28 =	vshll.u32 v28, $0x7;
	v31 =	vmov s15;
	p0 =	slt.u32 s11, $0x36;
	v32 =	vld [tilespmem:s8+$0xFFFFFF50];
	[tilespmem:v23+s17+$0x0] =	vst.idx.msk $0xffff, v21  }
0x27c: {  	v21 =	vand.u32 $0x280, v28;
	v23 =	vshll.u32 v31, $0x8;
	v28 =	vshll.u32 v31, $0x7;
	[tilespmem:v27+s17+$0x0] =	vst.idx.msk $0xffff, v26;
	v26 =	vld [tilespmem:s7+$0xFFFFFFF0]  }
0x27d: {  	s13 =	sadd.s32 $0x100, s13;
	v17 =	vand.u32 $0x7800, v17;
	v23 =	vand.u32 $0x7FFFF800, v23;
	v27 =	vand.u32 $0x380, v28;
	v28 =	vld [tilespmem:s10+$0xFFFFFFC0];
	[tilespmem:v19+s17+$0x0] =	vst.idx.msk $0xffff, v15  }
0x27e: {  	v15 =	vor.u32 v21, v17;
	v19 =	vld [tilespmem:s13+$0xFFFFFF20];
	v31 =	vor.u32 v27, v23;
	[tilespmem:v22+s17+$0x0] =	vst.idx.msk $0xffff, v20  }
0x27f: {  	v20 =	vld [tilespmem:s13+$0xFFFFFFA0];
	v21 =	vor.u32 v1, v31;
	[tilespmem:v16+s17+$0x0] =	vst.idx.msk $0xffff, v25;
	v16 =	vor.u32 v2, v15  }
0x280: {  	v22 =	vor.u32 v1, v15;
	v17 =	vld [tilespmem:s10+$0xFFFFFF40];
	[tilespmem:v24+s17+$0x0] =	vst.idx.msk $0xffff, v32  }
0x281: {  	v33 =	vor.u32 v5, v10;
	v32 =	vld [tilespmem:s8+$0xFFFFFF60];
	[tilespmem:v14+s17+$0x0] =	vst.idx.msk $0xffff, v26  }
0x282: {  	[tilespmem:v29+s17+$0x0] =	vst.idx.msk $0xffff, v28;
	v28 =	vld [tilespmem:s7+$0xFFFFFF80];
	v29 =	vor.u32 v7, v9;
	v9 =	vmovc v10;
	v10 =	vmov v13;
	v13 =	vmov v15  }
.Ltmp7:
0x283: {  	v24 =	vor.u32 v3, v10;
	[tilespmem:v18+s17+$0x0] =	vst.idx.msk $0xffff, v30;
	v15 =	vld [tilespmem:s7+$0x0];
	s7 =	smov.u32 s8;
	s8 =	smov.u32 s10;
	(pc) =	sbr.rel @p0 .LBB2_17-.Ltmp7, $4  }
0x284: {  	v23 =	vor.u32 v5, v11;
	s10 =	smov.u32 s13;
	[tilespmem:v21+s17+$0x0] =	vst.idx.msk $0xffff, v20;
	v21 =	vld [tilespmem:s7+$0xFFFFFFE0]  }
0x285: {  	v27 =	vor.u32 v2, v31;
	[tilespmem:v22+s17+$0x0] =	vst.idx.msk $0xffff, v19;
	v26 =	vld [tilespmem:s13+$0xFFFFFFB0];
	v19 =	vor.u32 v7, v8;
	v8 =	vmov v11  }
0x286: {  	v11 =	vmov v12;
	v12 =	vmov v31;
	v25 =	vld [tilespmem:s13+$0xFFFFFF30];
	[tilespmem:v33+s17+$0x0] =	vst.idx.msk $0xffff, v32;
	v14 =	vor.u32 v6, v8  }
0x287: {  	s12 =	sadd.s32 $0x4, s12;
	v22 =	vor.u32 v6, v9;
	v18 =	vor.u32 v4, v11;
	v20 =	vld [tilespmem:s7+$0xFFFFFF70];
	[tilespmem:v29+s17+$0x0] =	vst.idx.msk $0xffff, v28  }
0x288: {  	_ =	sdelay $0x3  }
0x289: {  	[tilespmem:v27+s17+$0x0] =	vst.idx.msk $0xffff, v26  }
0x28a: {  	v26 =	vor.u32 v3, v12;
	[tilespmem:v16+s17+$0x0] =	vst.idx.msk $0xffff, v25;
	v27 =	vld [tilespmem:s10+$0xFFFFFFC0]  }
0x28b: {  	v25 =	vor.u32 v3, v13;
	v16 =	vld [tilespmem:s10+$0xFFFFFF40];
	_ =	sdelay $0x2  }
0x28c: {  	[tilespmem:v24+s17+$0x0] =	vst.idx.msk $0xffff, v17;
	v28 =	vld [tilespmem:s8+$0xFFFFFFD0]  }
0x28d: {  	v17 =	vor.u32 v4, v10;
	v24 =	vld [tilespmem:s8+$0xFFFFFF50];
	[tilespmem:v26+s17+$0x0] =	vst.idx.msk $0xffff, v27  }
0x28e: {  	v26 =	vor.u32 v4, v12;
	[tilespmem:v25+s17+$0x0] =	vst.idx.msk $0xffff, v16;
	v27 =	vld [tilespmem:s10+$0xFFFFFFD0]  }
0x28f: {  	[tilespmem:v19+s17+$0x0] =	vst.idx.msk $0xffff, v15;
	v16 =	vor.u32 v4, v13;
	v25 =	vld [tilespmem:s10+$0xFFFFFF50]  }
0x290: {  	[tilespmem:v23+s17+$0x0] =	vst.idx.msk $0xffff, v21  }
0x291: {  	v15 =	vld [tilespmem:s7+$0xFFFFFFF0];
	[tilespmem:v18+s17+$0x0] =	vst.idx.msk $0xffff, v28  }
0x292: {  	v28 =	vor.u32 v5, v11;
	[tilespmem:v17+s17+$0x0] =	vst.idx.msk $0xffff, v24;
	v18 =	vld [tilespmem:s8+$0xFFFFFFE0]  }
0x293: {  	v24 =	vor.u32 v5, v10;
	v17 =	vld [tilespmem:s8+$0xFFFFFF60];
	[tilespmem:v26+s17+$0x0] =	vst.idx.msk $0xffff, v27  }
0x294: {  	v23 =	vor.u32 v5, v12;
	[tilespmem:v16+s17+$0x0] =	vst.idx.msk $0xffff, v25;
	v21 =	vld [tilespmem:s10+$0xFFFFFFE0]  }
0x295: {  	[tilespmem:v22+s17+$0x0] =	vst.idx.msk $0xffff, v20;
	v25 =	vor.u32 v5, v13;
	v16 =	vld [tilespmem:s10+$0xFFFFFF60]  }
0x296: {  	[tilespmem:v14+s17+$0x0] =	vst.idx.msk $0xffff, v15  }
0x297: {  	v9 =	vor.u32 v7, v9;
	v14 =	vld [tilespmem:s7+$0xFFFFFF80];
	[tilespmem:v28+s17+$0x0] =	vst.idx.msk $0xffff, v18  }
0x298: {  	v18 =	vor.u32 v6, v11;
	[tilespmem:v24+s17+$0x0] =	vst.idx.msk $0xffff, v17;
	v24 =	vld [tilespmem:s8+$0xFFFFFFF0]  }
0x299: {  	v19 =	vor.u32 v6, v10;
	v17 =	vld [tilespmem:s8+$0xFFFFFF70];
	[tilespmem:v23+s17+$0x0] =	vst.idx.msk $0xffff, v21  }
0x29a: {  	v20 =	vor.u32 v6, v12;
	[tilespmem:v25+s17+$0x0] =	vst.idx.msk $0xffff, v16;
	v21 =	vld [tilespmem:s10+$0xFFFFFFF0]  }
0x29b: {  	v25 =	vor.u32 v6, v13;
	v16 =	vld [tilespmem:s10+$0xFFFFFF70]  }
0x29c: {  	[tilespmem:v9+s17+$0x0] =	vst.idx.msk $0xffff, v14  }
0x29d: {  	v8 =	vor.u32 v7, v8;
	v15 =	vld [tilespmem:s7+$0x0];
	[tilespmem:v18+s17+$0x0] =	vst.idx.msk $0xffff, v24  }
0x29e: {  	v11 =	vor.u32 v7, v11;
	[tilespmem:v19+s17+$0x0] =	vst.idx.msk $0xffff, v17;
	v18 =	vld [tilespmem:s8+$0x0]  }
0x29f: {  	v10 =	vor.u32 v7, v10;
	v17 =	vld [tilespmem:s8+$0xFFFFFF80];
	[tilespmem:v20+s17+$0x0] =	vst.idx.msk $0xffff, v21  }
0x2a0: {  	v12 =	vor.u32 v7, v12;
	[tilespmem:v25+s17+$0x0] =	vst.idx.msk $0xffff, v16;
	v9 =	vld [tilespmem:s10+$0x0]  }
0x2a1: {  	v13 =	vor.u32 v7, v13;
	v16 =	vld [tilespmem:s10+$0xFFFFFF80];
	s10 =	smin.u32 s2, $0x2D  }
0x2a2: {  	[tilespmem:v8+s17+$0x0] =	vst.idx.msk $0xffff, v15;
	s2 =	sadd.s32 s10, s14  }
0x2a3: {  	[tilespmem:v11+s17+$0x0] =	vst.idx.msk $0xffff, v18;
	s11 =	sshrl.u32 s2, $0x1  }
0x2a4: {  	[tilespmem:v10+s17+$0x0] =	vst.idx.msk $0xffff, v17;
	s12 =	smulhi.u32 $0x2AAAAAB, s11  }
0x2a5: {  	s2 =	smulhi.u32 $0x1555556, s2;
	[tilespmem:v12+s17+$0x0] =	vst.idx.msk $0xffff, v9  }
0x2a6: {  	[tilespmem:v13+s17+$0x0] =	vst.idx.msk $0xffff, v16;
	s8 =	smul.u32 $0x60, s12  }
0x2a7: {  	[hbm4b:s0+s5] =	stream.linear.scatter [tilespmem:s18], [sflag:$0x4], $0x3800, $0x38;
	[tilespmem:$0x11800] =	vst v63  }
0x2a8: {  	s2 =	smul.u32 $0x150000, s2;
	s0 =	sand.u32 $0x1, s10  }
0x2a9: {  	s7 =	ssub.s32 s11, s8;
	p0 =	seq.s32 s0, $0x1;
	s0 =	simm.s32 $0x1C00  }
0x2aa: {  	s7 =	smul.u32 $0x3800, s7;
	s0 =	simm.s32 @!p0 $0x0  }
0x2ab: {  	s0 =	sor.u32 s0, s2  }
0x2ac: {  	s0 =	sadd.s32 s7, s0  }
0x2ad: {  	s0 =	sshrl.u32 s0, $0x3  }
0x2ae: {  	s0 =	sadd.s32 s3, s0  }
0x2af: {  	[tilespmem:s5], [sflag:$0x1] =	stream.linear.gather [hbm4b:s0+s5], $0x1C00, $0x38;
	[tilespmem:$0x11800] =	vst v63  }
0x2b0: {  	s13 =	simm.s32 $0x1;
	_ =	swait.ge [sflag:s19], $0x1C00  }
0x2b1: {  	v8 =	vmov s13;
	[sflag:s19] =	ssyncset.done $0x0  }
0x2b2: {  	s15 =	simm.s32 $0x3;
	v9 =	vshll.u32 v8, $0x8;
	v8 =	vshll.u32 v8, $0x7;
	[sflag:s19] =	ssyncadd.s32 $0xFFFFE400  }
0x2b3: {  	v10 =	vmov s15;
	v8 =	vand.u32 $0x280, v8;
	v9 =	vand.u32 $0x3800, v9;
	_ =	swait.ge [sflag:s24], $0x3800  }
0x2b4: {  	v15 =	vor.u32 v8, v9;
	v8 =	vshll.u32 v10, $0x8;
	v9 =	vshll.u32 v10, $0x7;
	[sflag:s24] =	ssyncset.done $0x0  }
0x2b5: {  	v8 =	vand.u32 $0x7FFFF800, v8;
	v9 =	vand.u32 $0x380, v9;
	s2 =	simm.s32 $0x1C80;
	[sflag:s24] =	ssyncadd.s32 $0xFFFFC800  }
0x2b6: {  	v11 =	vor.u32 v1, v15;
	v14 =	vor.u32 v9, v8;
	v10 =	vld [tilespmem:s2+$0xFFFFFF80]  }
0x2b7: {  	v9 =	vor.u32 v1, v14;
	v8 =	vld [tilespmem:s2+$0x0];
	_ =	sdelay $0x3  }
0x2b8: {  	s8 =	simm.s32 $0x7;
	[tilespmem:v11+s20+$0x0] =	vst.idx.msk $0xffff, v10  }
0x2b9: {  	v16 =	vmov s8;
	s7 =	simm.s32 $0x5;
	v10 =	vor.u32 v2, v15;
	[tilespmem:v9+s20+$0x0] =	vst.idx.msk $0xffff, v8;
	v11 =	vld [tilespmem:s2+$0xFFFFFF90]  }
0x2ba: {  	v13 =	vor.u32 v2, v14;
	v17 =	vshll.u32 v16, $0x8;
	v8 =	vmov s7;
	v12 =	vld [tilespmem:s2+$0x10]  }
0x2bb: {  	v16 =	vshll.u32 v16, $0x7;
	v9 =	vshll.u32 v8, $0x8;
	v8 =	vshll.u32 v8, $0x7  }
0x2bc: {  	v16 =	vand.u32 $0x380, v16;
	v18 =	vand.u32 $0x280, v8;
	v8 =	vand.u32 $0x7FFFF800, v17  }
0x2bd: {  	s0 =	simm.s32 $0x1D80;
	v9 =	vand.u32 $0x3800, v9;
	v8 =	vor.u32 v16, v8  }
0x2be: {  	v9 =	vor.u32 v18, v9;
	v16 =	vld [tilespmem:s0+$0x0];
	v17 =	vor.u32 v1, v8;
	[tilespmem:v10+s20+$0x0] =	vst.idx.msk $0xffff, v11  }
0x2bf: {  	[tilespmem:v13+s20+$0x0] =	vst.idx.msk $0xffff, v12;
	v12 =	vld [tilespmem:s0+$0xFFFFFF80];
	v13 =	vor.u32 v1, v9  }
0x2c0: {  	v11 =	vor.u32 v3, v15;
	v10 =	vld [tilespmem:s2+$0xFFFFFFA0];
	_ =	sdelay $0x1  }
0x2c1: {  	v18 =	vor.u32 v3, v14;
	v19 =	vld [tilespmem:s2+$0x20]  }
0x2c2: {  	v22 =	vor.u32 v4, v14;
	[tilespmem:v17+s20+$0x0] =	vst.idx.msk $0xffff, v16  }
0x2c3: {  	s10 =	simm.s32 $0x9;
	s11 =	simm.s32 $0xB;
	v20 =	vor.u32 v2, v9;
	v21 =	vor.u32 v2, v8;
	[tilespmem:v13+s20+$0x0] =	vst.idx.msk $0xffff, v12  }
0x2c4: {  	v16 =	vor.u32 v4, v15;
	v12 =	vld [tilespmem:s0+$0x10];
	[tilespmem:v11+s20+$0x0] =	vst.idx.msk $0xffff, v10;
	v10 =	vmov s10;
	v11 =	vmov s11  }
0x2c5: {  	v17 =	vld [tilespmem:s2+$0xFFFFFFB0];
	v13 =	vshll.u32 v10, $0x8;
	v23 =	vshll.u32 v11, $0x8;
	v11 =	vshll.u32 v11, $0x7  }
0x2c6: {  	[tilespmem:v18+s20+$0x0] =	vst.idx.msk $0xffff, v19;
	v18 =	vld [tilespmem:s0+$0xFFFFFF90];
	v10 =	vshll.u32 v10, $0x7;
	v19 =	vand.u32 $0x7FFFF800, v23;
	v11 =	vand.u32 $0x380, v11  }
0x2c7: {  	s7 =	simm.s32 $0x1E80;
	v23 =	vld [tilespmem:s2+$0x30];
	v10 =	vand.u32 $0x280, v10;
	v13 =	vand.u32 $0x3800, v13;
	v11 =	vor.u32 v11, v19  }
0x2c8: {  	v10 =	vor.u32 v10, v13;
	v13 =	vld [tilespmem:s7+$0x0];
	v19 =	vor.u32 v1, v11  }
0x2c9: {  	v24 =	vld [tilespmem:s7+$0xFFFFFF80];
	v25 =	vor.u32 v1, v10;
	[tilespmem:v21+s20+$0x0] =	vst.idx.msk $0xffff, v12  }
0x2ca: {  	v21 =	vld [tilespmem:s0+$0x20];
	[tilespmem:v16+s20+$0x0] =	vst.idx.msk $0xffff, v17;
	v17 =	vor.u32 v3, v8  }
0x2cb: {  	[tilespmem:v20+s20+$0x0] =	vst.idx.msk $0xffff, v18;
	v16 =	vor.u32 v5, v15;
	v12 =	vld [tilespmem:s2+$0xFFFFFFC0]  }
0x2cc: {  	v20 =	vor.u32 v3, v9;
	v18 =	vld [tilespmem:s0+$0xFFFFFFA0];
	[tilespmem:v22+s20+$0x0] =	vst.idx.msk $0xffff, v23  }
0x2cd: {  	[tilespmem:v19+s20+$0x0] =	vst.idx.msk $0xffff, v13;
	v13 =	vld [tilespmem:s2+$0x40];
	v19 =	vor.u32 v5, v14  }
0x2ce: {  	s8 =	simm.s32 $0x1F80;
	v23 =	vor.u32 v2, v11;
	[tilespmem:v25+s20+$0x0] =	vst.idx.msk $0xffff, v24;
	v22 =	vld [tilespmem:s7+$0x10]  }
0x2cf: {  	v31 =	vld [tilespmem:s8+$0xFFFFFF80];
	[tilespmem:v17+s20+$0x0] =	vst.idx.msk $0xffff, v21  }
0x2d0: {  	s13 =	simm.s32 $0xF;
	v26 =	vor.u32 v4, v8;
	v24 =	vld [tilespmem:s7+$0xFFFFFF90];
	[tilespmem:v16+s20+$0x0] =	vst.idx.msk $0xffff, v12;
	v16 =	vor.u32 v2, v10  }
0x2d1: {  	v28 =	vmov s13;
	s12 =	simm.s32 $0xD;
	v27 =	vor.u32 v4, v9;
	v21 =	vor.u32 v6, v15;
	[tilespmem:v20+s20+$0x0] =	vst.idx.msk $0xffff, v18;
	v17 =	vld [tilespmem:s2+$0xFFFFFFD0]  }
0x2d2: {  	v25 =	vor.u32 v6, v14;
	v20 =	vor.u32 v3, v11;
	v12 =	vmov s12;
	v29 =	vld [tilespmem:s0+$0xFFFFFFB0];
	[tilespmem:v19+s20+$0x0] =	vst.idx.msk $0xffff, v13  }
0x2d3: {  	v13 =	vshll.u32 v12, $0x8;
	v19 =	vshll.u32 v28, $0x8;
	v28 =	vshll.u32 v28, $0x7;
	[tilespmem:v23+s20+$0x0] =	vst.idx.msk $0xffff, v22;
	v22 =	vld [tilespmem:s2+$0x50]  }
0x2d4: {  	v12 =	vshll.u32 v12, $0x7;
	v19 =	vand.u32 $0x7FFFF800, v19;
	v23 =	vand.u32 $0x380, v28;
	v28 =	vld [tilespmem:s7+$0x20]  }
0x2d5: {  	v18 =	vld [tilespmem:s0+$0x30];
	v30 =	vand.u32 $0x280, v12;
	v13 =	vand.u32 $0x3800, v13;
	v12 =	vor.u32 v23, v19;
	[tilespmem:v16+s20+$0x0] =	vst.idx.msk $0xffff, v24  }
0x2d6: {  	v13 =	vor.u32 v30, v13;
	v19 =	vld [tilespmem:s8+$0x0];
	[tilespmem:v21+s20+$0x0] =	vst.idx.msk $0xffff, v17;
	v21 =	vor.u32 v1, v12  }
0x2d7: {  	v30 =	vor.u32 v1, v13;
	[tilespmem:v27+s20+$0x0] =	vst.idx.msk $0xffff, v29;
	v17 =	vld [tilespmem:s7+$0xFFFFFFA0]  }
0x2d8: {  	s15 =	smul.u32 $0x540000, s31;
	v32 =	vor.u32 v5, v9;
	v29 =	vld [tilespmem:s0+$0xFFFFFFC0];
	[tilespmem:v25+s20+$0x0] =	vst.idx.msk $0xffff, v22  }
0x2d9: {  	v33 =	vor.u32 v7, v15;
	s11 =	smul.u32 $0xE000, s30;
	[tilespmem:v20+s20+$0x0] =	vst.idx.msk $0xffff, v28;
	v28 =	vld [tilespmem:s2+$0xFFFFFFE0]  }
0x2da: {  	[tilespmem:v26+s20+$0x0] =	vst.idx.msk $0xffff, v18;
	v24 =	vor.u32 v3, v10;
	v15 =	vld [tilespmem:s2+$0x60]  }
0x2db: {  	s10 =	sadd.s32 s15, s11;
	v23 =	vor.u32 v5, v8;
	[tilespmem:v21+s20+$0x0] =	vst.idx.msk $0xffff, v19;
	v21 =	vld [tilespmem:s0+$0x40]  }
0x2dc: {  	s31 =	sshrl.u32 s10, $0x3;
	v16 =	vor.u32 v2, v13;
	v27 =	vor.u32 v2, v12;
	[tilespmem:v30+s20+$0x0] =	vst.idx.msk $0xffff, v31;
	v26 =	vld [tilespmem:s8+$0x10]  }
0x2dd: {  	s13 =	simm.s32 $0x1F80;
	v18 =	vor.u32 v4, v11;
	s2 =	sadd.s32 s4, s31;
	v19 =	vor.u32 v7, v14;
	v25 =	vld [tilespmem:s8+$0xFFFFFF90];
	[tilespmem:v32+s20+$0x0] =	vst.idx.msk $0xffff, v29  }
0x2de: {  	s11 =	simm.s32 $0x6;
	s12 =	simm.s32 $0x11;
	v22 =	vor.u32 v6, v9;
	s10 =	sadd.s32 $0xE00, s2;
	v14 =	vor.u32 v6, v8;
	v20 =	vld [tilespmem:s0+$0xFFFFFFD0];
	[tilespmem:v33+s20+$0x0] =	vst.idx.msk $0xffff, v28  }
.LBB2_19:
0x2df: {  	v28 =	vmov s12;
	s15 =	sadd.s32 $0x2, s12;
	s11 =	sadd.s32 $0x2, s11;
	v29 =	vor.u32 v3, v12;
	[tilespmem:v24+s20+$0x0] =	vst.idx.msk $0xffff, v17;
	v24 =	vor.u32 v4, v10;
	v30 =	vld [tilespmem:s7+$0x30]  }
0x2e0: {  	v17 =	vshll.u32 v28, $0x8;
	v28 =	vshll.u32 v28, $0x7;
	v31 =	vmov s15;
	p0 =	slt.u32 s11, $0x1A;
	v32 =	vld [tilespmem:s7+$0xFFFFFFB0];
	[tilespmem:v23+s20+$0x0] =	vst.idx.msk $0xffff, v21  }
0x2e1: {  	v21 =	vand.u32 $0x280, v28;
	v23 =	vshll.u32 v31, $0x8;
	v28 =	vshll.u32 v31, $0x7;
	[tilespmem:v27+s20+$0x0] =	vst.idx.msk $0xffff, v26;
	v26 =	vld [tilespmem:s0+$0x50]  }
0x2e2: {  	s13 =	sadd.s32 $0x100, s13;
	v17 =	vand.u32 $0x3800, v17;
	v23 =	vand.u32 $0x7FFFF800, v23;
	v27 =	vand.u32 $0x380, v28;
	v28 =	vld [tilespmem:s8+$0x20];
	[tilespmem:v19+s20+$0x0] =	vst.idx.msk $0xffff, v15  }
0x2e3: {  	v15 =	vor.u32 v21, v17;
	v19 =	vld [tilespmem:s13+$0xFFFFFF80];
	v31 =	vor.u32 v27, v23;
	[tilespmem:v22+s20+$0x0] =	vst.idx.msk $0xffff, v20  }
0x2e4: {  	v20 =	vld [tilespmem:s13+$0x0];
	v21 =	vor.u32 v1, v31;
	[tilespmem:v16+s20+$0x0] =	vst.idx.msk $0xffff, v25;
	v16 =	vor.u32 v2, v15  }
0x2e5: {  	v22 =	vor.u32 v1, v15;
	v17 =	vld [tilespmem:s8+$0xFFFFFFA0];
	[tilespmem:v24+s20+$0x0] =	vst.idx.msk $0xffff, v32  }
0x2e6: {  	v33 =	vor.u32 v5, v10;
	v32 =	vld [tilespmem:s7+$0xFFFFFFC0];
	[tilespmem:v14+s20+$0x0] =	vst.idx.msk $0xffff, v26  }
0x2e7: {  	[tilespmem:v29+s20+$0x0] =	vst.idx.msk $0xffff, v28;
	v28 =	vld [tilespmem:s0+$0xFFFFFFE0];
	v29 =	vor.u32 v7, v9;
	v9 =	vmovc v10;
	v10 =	vmov v13;
	v13 =	vmov v15  }
.Ltmp8:
0x2e8: {  	v24 =	vor.u32 v3, v10;
	[tilespmem:v18+s20+$0x0] =	vst.idx.msk $0xffff, v30;
	v15 =	vld [tilespmem:s0+$0x60];
	s0 =	smov.u32 s7;
	s7 =	smov.u32 s8;
	(pc) =	sbr.rel @p0 .LBB2_19-.Ltmp8, $4  }
0x2e9: {  	v23 =	vor.u32 v5, v11;
	s8 =	smov.u32 s13;
	[tilespmem:v21+s20+$0x0] =	vst.idx.msk $0xffff, v20;
	v21 =	vld [tilespmem:s0+$0x40]  }
0x2ea: {  	v27 =	vor.u32 v2, v31;
	[tilespmem:v22+s20+$0x0] =	vst.idx.msk $0xffff, v19;
	v26 =	vld [tilespmem:s13+$0x10];
	v19 =	vor.u32 v7, v8;
	v8 =	vmov v11  }
0x2eb: {  	v11 =	vmov v12;
	v12 =	vmov v31;
	v25 =	vld [tilespmem:s13+$0xFFFFFF90];
	[tilespmem:v33+s20+$0x0] =	vst.idx.msk $0xffff, v32;
	v14 =	vor.u32 v6, v8  }
0x2ec: {  	s12 =	sadd.s32 $0x4, s12;
	v22 =	vor.u32 v6, v9;
	v18 =	vor.u32 v4, v11;
	v20 =	vld [tilespmem:s0+$0xFFFFFFD0];
	[tilespmem:v29+s20+$0x0] =	vst.idx.msk $0xffff, v28  }
0x2ed: {  	_ =	sdelay $0x3  }
0x2ee: {  	[tilespmem:v27+s20+$0x0] =	vst.idx.msk $0xffff, v26  }
0x2ef: {  	v26 =	vor.u32 v3, v12;
	[tilespmem:v16+s20+$0x0] =	vst.idx.msk $0xffff, v25;
	v27 =	vld [tilespmem:s8+$0x20]  }
0x2f0: {  	v25 =	vor.u32 v3, v13;
	v16 =	vld [tilespmem:s8+$0xFFFFFFA0];
	_ =	sdelay $0x2  }
0x2f1: {  	[tilespmem:v24+s20+$0x0] =	vst.idx.msk $0xffff, v17;
	v28 =	vld [tilespmem:s7+$0x30]  }
0x2f2: {  	v17 =	vor.u32 v4, v10;
	v24 =	vld [tilespmem:s7+$0xFFFFFFB0];
	[tilespmem:v26+s20+$0x0] =	vst.idx.msk $0xffff, v27  }
0x2f3: {  	v26 =	vor.u32 v4, v12;
	[tilespmem:v25+s20+$0x0] =	vst.idx.msk $0xffff, v16;
	v27 =	vld [tilespmem:s8+$0x30]  }
0x2f4: {  	[tilespmem:v19+s20+$0x0] =	vst.idx.msk $0xffff, v15;
	v16 =	vor.u32 v4, v13;
	v25 =	vld [tilespmem:s8+$0xFFFFFFB0]  }
0x2f5: {  	[tilespmem:v23+s20+$0x0] =	vst.idx.msk $0xffff, v21  }
0x2f6: {  	v15 =	vld [tilespmem:s0+$0x50];
	[tilespmem:v18+s20+$0x0] =	vst.idx.msk $0xffff, v28  }
0x2f7: {  	v28 =	vor.u32 v5, v11;
	[tilespmem:v17+s20+$0x0] =	vst.idx.msk $0xffff, v24;
	v18 =	vld [tilespmem:s7+$0x40]  }
0x2f8: {  	v24 =	vor.u32 v5, v10;
	v17 =	vld [tilespmem:s7+$0xFFFFFFC0];
	[tilespmem:v26+s20+$0x0] =	vst.idx.msk $0xffff, v27  }
0x2f9: {  	v23 =	vor.u32 v5, v12;
	[tilespmem:v16+s20+$0x0] =	vst.idx.msk $0xffff, v25;
	v21 =	vld [tilespmem:s8+$0x40]  }
0x2fa: {  	[tilespmem:v22+s20+$0x0] =	vst.idx.msk $0xffff, v20;
	v25 =	vor.u32 v5, v13;
	v16 =	vld [tilespmem:s8+$0xFFFFFFC0]  }
0x2fb: {  	[tilespmem:v14+s20+$0x0] =	vst.idx.msk $0xffff, v15  }
0x2fc: {  	v9 =	vor.u32 v7, v9;
	v14 =	vld [tilespmem:s0+$0xFFFFFFE0];
	[tilespmem:v28+s20+$0x0] =	vst.idx.msk $0xffff, v18  }
0x2fd: {  	v18 =	vor.u32 v6, v11;
	[tilespmem:v24+s20+$0x0] =	vst.idx.msk $0xffff, v17;
	v24 =	vld [tilespmem:s7+$0x50]  }
0x2fe: {  	v19 =	vor.u32 v6, v10;
	v17 =	vld [tilespmem:s7+$0xFFFFFFD0];
	[tilespmem:v23+s20+$0x0] =	vst.idx.msk $0xffff, v21  }
0x2ff: {  	v20 =	vor.u32 v6, v12;
	[tilespmem:v25+s20+$0x0] =	vst.idx.msk $0xffff, v16;
	v21 =	vld [tilespmem:s8+$0x50]  }
0x300: {  	v25 =	vor.u32 v6, v13;
	v16 =	vld [tilespmem:s8+$0xFFFFFFD0]  }
0x301: {  	[tilespmem:v9+s20+$0x0] =	vst.idx.msk $0xffff, v14  }
0x302: {  	v8 =	vor.u32 v7, v8;
	v15 =	vld [tilespmem:s0+$0x60];
	[tilespmem:v18+s20+$0x0] =	vst.idx.msk $0xffff, v24  }
0x303: {  	v11 =	vor.u32 v7, v11;
	[tilespmem:v19+s20+$0x0] =	vst.idx.msk $0xffff, v17;
	v18 =	vld [tilespmem:s7+$0x60]  }
0x304: {  	v10 =	vor.u32 v7, v10;
	v17 =	vld [tilespmem:s7+$0xFFFFFFE0];
	[tilespmem:v20+s20+$0x0] =	vst.idx.msk $0xffff, v21  }
0x305: {  	v12 =	vor.u32 v7, v12;
	[tilespmem:v25+s20+$0x0] =	vst.idx.msk $0xffff, v16;
	v9 =	vld [tilespmem:s8+$0x60]  }
0x306: {  	v13 =	vor.u32 v7, v13;
	v16 =	vld [tilespmem:s8+$0xFFFFFFE0]  }
0x307: {  	[tilespmem:v8+s20+$0x0] =	vst.idx.msk $0xffff, v15  }
0x308: {  	[tilespmem:v11+s20+$0x0] =	vst.idx.msk $0xffff, v18  }
0x309: {  	[tilespmem:v10+s20+$0x0] =	vst.idx.msk $0xffff, v17  }
0x30a: {  	s7 =	simm.s32 $0x39;
	[tilespmem:v12+s20+$0x0] =	vst.idx.msk $0xffff, v9  }
0x30b: {  	v8 =	vmov s7;
	s8 =	simm.s32 $0x3B;
	[tilespmem:v13+s20+$0x0] =	vst.idx.msk $0xffff, v16  }
0x30c: {  	v9 =	vshll.u32 v8, $0x8;
	v8 =	vshll.u32 v8, $0x7;
	[hbm4b:s10+s5] =	stream.linear.scatter [tilespmem:s20], [sflag:$0x5], $0x3800, $0x38;
	[tilespmem:$0x11800] =	vst v63  }
0x30d: {  	v10 =	vmov s8;
	v8 =	vand.u32 $0x280, v8;
	v9 =	vand.u32 $0x7800, v9;
	_ =	swait.ge [sflag:s25], $0x3800  }
0x30e: {  	v15 =	vor.u32 v8, v9;
	v8 =	vshll.u32 v10, $0x8;
	v9 =	vshll.u32 v10, $0x7;
	[sflag:s25] =	ssyncset.done $0x0  }
0x30f: {  	s10 =	simm.s32 $0x2AE0;
	v8 =	vand.u32 $0x7FFFF800, v8;
	v9 =	vand.u32 $0x380, v9;
	[sflag:s25] =	ssyncadd.s32 $0xFFFFC800  }
0x310: {  	v11 =	vor.u32 v1, v15;
	v14 =	vor.u32 v9, v8;
	v10 =	vld [tilespmem:s10+$0xFFFFFF20]  }
0x311: {  	v9 =	vor.u32 v1, v14;
	v8 =	vld [tilespmem:s10+$0xFFFFFFA0];
	_ =	sdelay $0x3  }
0x312: {  	s12 =	simm.s32 $0x3F;
	[tilespmem:v11+s20+$0x0] =	vst.idx.msk $0xffff, v10  }
0x313: {  	s11 =	simm.s32 $0x3D;
	v16 =	vmov s12;
	v10 =	vor.u32 v2, v15;
	[tilespmem:v9+s20+$0x0] =	vst.idx.msk $0xffff, v8;
	v11 =	vld [tilespmem:s10+$0xFFFFFF30]  }
0x314: {  	v17 =	vshll.u32 v16, $0x8;
	v13 =	vor.u32 v2, v14;
	v8 =	vmov s11;
	v12 =	vld [tilespmem:s10+$0xFFFFFFB0]  }
0x315: {  	v16 =	vshll.u32 v16, $0x7;
	v9 =	vshll.u32 v8, $0x8;
	v8 =	vshll.u32 v8, $0x7  }
0x316: {  	v16 =	vand.u32 $0x380, v16;
	v18 =	vand.u32 $0x280, v8;
	v8 =	vand.u32 $0x7FFFF800, v17  }
0x317: {  	s0 =	simm.s32 $0x2BE0;
	v9 =	vand.u32 $0x7800, v9;
	v8 =	vor.u32 v16, v8  }
0x318: {  	v9 =	vor.u32 v18, v9;
	v16 =	vld [tilespmem:s0+$0xFFFFFFA0];
	v17 =	vor.u32 v1, v8;
	[tilespmem:v10+s20+$0x0] =	vst.idx.msk $0xffff, v11  }
0x319: {  	[tilespmem:v13+s20+$0x0] =	vst.idx.msk $0xffff, v12;
	v12 =	vld [tilespmem:s0+$0xFFFFFF20];
	v13 =	vor.u32 v1, v9  }
0x31a: {  	v11 =	vor.u32 v3, v15;
	v10 =	vld [tilespmem:s10+$0xFFFFFF40];
	_ =	sdelay $0x1  }
0x31b: {  	v18 =	vor.u32 v3, v14;
	v19 =	vld [tilespmem:s10+$0xFFFFFFC0]  }
0x31c: {  	v22 =	vor.u32 v4, v14;
	[tilespmem:v17+s20+$0x0] =	vst.idx.msk $0xffff, v16  }
0x31d: {  	s13 =	simm.s32 $0x41;
	s15 =	simm.s32 $0x43;
	v20 =	vor.u32 v2, v9;
	v21 =	vor.u32 v2, v8;
	[tilespmem:v13+s20+$0x0] =	vst.idx.msk $0xffff, v12  }
0x31e: {  	v16 =	vor.u32 v4, v15;
	v12 =	vld [tilespmem:s0+$0xFFFFFFB0];
	[tilespmem:v11+s20+$0x0] =	vst.idx.msk $0xffff, v10;
	v10 =	vmov s13;
	v11 =	vmov s15  }
0x31f: {  	v17 =	vld [tilespmem:s10+$0xFFFFFF50];
	v13 =	vshll.u32 v10, $0x8;
	v23 =	vshll.u32 v11, $0x8;
	v11 =	vshll.u32 v11, $0x7  }
0x320: {  	[tilespmem:v18+s20+$0x0] =	vst.idx.msk $0xffff, v19;
	v18 =	vld [tilespmem:s0+$0xFFFFFF30];
	v10 =	vshll.u32 v10, $0x7;
	v19 =	vand.u32 $0x7FFFF800, v23;
	v11 =	vand.u32 $0x380, v11  }
0x321: {  	s7 =	simm.s32 $0x2CE0;
	v23 =	vld [tilespmem:s10+$0xFFFFFFD0];
	v10 =	vand.u32 $0x280, v10;
	v13 =	vand.u32 $0x7800, v13;
	v11 =	vor.u32 v11, v19  }
0x322: {  	v10 =	vor.u32 v10, v13;
	v13 =	vld [tilespmem:s7+$0xFFFFFFA0];
	v19 =	vor.u32 v1, v11  }
0x323: {  	v24 =	vld [tilespmem:s7+$0xFFFFFF20];
	v25 =	vor.u32 v1, v10;
	[tilespmem:v21+s20+$0x0] =	vst.idx.msk $0xffff, v12  }
0x324: {  	v21 =	vld [tilespmem:s0+$0xFFFFFFC0];
	[tilespmem:v16+s20+$0x0] =	vst.idx.msk $0xffff, v17;
	v17 =	vor.u32 v3, v8  }
0x325: {  	[tilespmem:v20+s20+$0x0] =	vst.idx.msk $0xffff, v18;
	v16 =	vor.u32 v5, v15;
	v12 =	vld [tilespmem:s10+$0xFFFFFF60]  }
0x326: {  	v20 =	vor.u32 v3, v9;
	v18 =	vld [tilespmem:s0+$0xFFFFFF40];
	[tilespmem:v22+s20+$0x0] =	vst.idx.msk $0xffff, v23  }
0x327: {  	[tilespmem:v19+s20+$0x0] =	vst.idx.msk $0xffff, v13;
	v13 =	vld [tilespmem:s10+$0xFFFFFFE0];
	v19 =	vor.u32 v5, v14  }
0x328: {  	s8 =	simm.s32 $0x2DE0;
	v23 =	vor.u32 v2, v11;
	[tilespmem:v25+s20+$0x0] =	vst.idx.msk $0xffff, v24;
	v22 =	vld [tilespmem:s7+$0xFFFFFFB0]  }
0x329: {  	v31 =	vld [tilespmem:s8+$0xFFFFFF20];
	[tilespmem:v17+s20+$0x0] =	vst.idx.msk $0xffff, v21  }
0x32a: {  	s31 =	simm.s32 $0x47;
	v26 =	vor.u32 v4, v8;
	v24 =	vld [tilespmem:s7+$0xFFFFFF30];
	[tilespmem:v16+s20+$0x0] =	vst.idx.msk $0xffff, v12;
	v16 =	vor.u32 v2, v10  }
0x32b: {  	s30 =	simm.s32 $0x45;
	v28 =	vmov s31;
	v27 =	vor.u32 v4, v9;
	v21 =	vor.u32 v6, v15;
	[tilespmem:v20+s20+$0x0] =	vst.idx.msk $0xffff, v18;
	v17 =	vld [tilespmem:s10+$0xFFFFFF70]  }
0x32c: {  	v25 =	vor.u32 v6, v14;
	v20 =	vor.u32 v3, v11;
	v12 =	vmov s30;
	v29 =	vld [tilespmem:s0+$0xFFFFFF50];
	[tilespmem:v19+s20+$0x0] =	vst.idx.msk $0xffff, v13  }
0x32d: {  	v13 =	vshll.u32 v12, $0x8;
	v19 =	vshll.u32 v28, $0x8;
	v28 =	vshll.u32 v28, $0x7;
	[tilespmem:v23+s20+$0x0] =	vst.idx.msk $0xffff, v22;
	v22 =	vld [tilespmem:s10+$0xFFFFFFF0]  }
0x32e: {  	v12 =	vshll.u32 v12, $0x7;
	v19 =	vand.u32 $0x7FFFF800, v19;
	v23 =	vand.u32 $0x380, v28;
	v28 =	vld [tilespmem:s7+$0xFFFFFFC0]  }
0x32f: {  	v18 =	vld [tilespmem:s0+$0xFFFFFFD0];
	v30 =	vand.u32 $0x280, v12;
	v13 =	vand.u32 $0x7800, v13;
	v12 =	vor.u32 v23, v19;
	[tilespmem:v16+s20+$0x0] =	vst.idx.msk $0xffff, v24  }
0x330: {  	v13 =	vor.u32 v30, v13;
	v19 =	vld [tilespmem:s8+$0xFFFFFFA0];
	[tilespmem:v21+s20+$0x0] =	vst.idx.msk $0xffff, v17;
	v21 =	vor.u32 v1, v12  }
0x331: {  	v30 =	vor.u32 v1, v13;
	[tilespmem:v27+s20+$0x0] =	vst.idx.msk $0xffff, v29;
	v17 =	vld [tilespmem:s7+$0xFFFFFF40]  }
0x332: {  	v32 =	vor.u32 v5, v9;
	v29 =	vld [tilespmem:s0+$0xFFFFFF60];
	[tilespmem:v25+s20+$0x0] =	vst.idx.msk $0xffff, v22  }
0x333: {  	v33 =	vor.u32 v7, v15;
	[tilespmem:v20+s20+$0x0] =	vst.idx.msk $0xffff, v28;
	v28 =	vld [tilespmem:s10+$0xFFFFFF80]  }
0x334: {  	[tilespmem:v26+s20+$0x0] =	vst.idx.msk $0xffff, v18;
	v24 =	vor.u32 v3, v10;
	v15 =	vld [tilespmem:s10+$0x0]  }
0x335: {  	v23 =	vor.u32 v5, v8;
	[tilespmem:v21+s20+$0x0] =	vst.idx.msk $0xffff, v19;
	v21 =	vld [tilespmem:s0+$0xFFFFFFE0]  }
0x336: {  	v16 =	vor.u32 v2, v13;
	v27 =	vor.u32 v2, v12;
	[tilespmem:v30+s20+$0x0] =	vst.idx.msk $0xffff, v31;
	v26 =	vld [tilespmem:s8+$0xFFFFFFB0]  }
0x337: {  	s2 =	sadd.s32 $0x1500, s2;
	v18 =	vor.u32 v4, v11;
	v19 =	vor.u32 v7, v14;
	v25 =	vld [tilespmem:s8+$0xFFFFFF30];
	[tilespmem:v32+s20+$0x0] =	vst.idx.msk $0xffff, v29  }
0x338: {  	s12 =	simm.s32 $0x2DE0;
	s11 =	simm.s32 $0x49;
	v22 =	vor.u32 v6, v9;
	s10 =	simm.s32 $0x22;
	v14 =	vor.u32 v6, v8;
	v20 =	vld [tilespmem:s0+$0xFFFFFF70];
	[tilespmem:v33+s20+$0x0] =	vst.idx.msk $0xffff, v28  }
.LBB2_21:
0x339: {  	v28 =	vmov s11;
	s13 =	sadd.s32 $0x2, s11;
	s10 =	sadd.s32 $0x2, s10;
	v29 =	vor.u32 v3, v12;
	[tilespmem:v24+s20+$0x0] =	vst.idx.msk $0xffff, v17;
	v24 =	vor.u32 v4, v10;
	v30 =	vld [tilespmem:s7+$0xFFFFFFD0]  }
0x33a: {  	v17 =	vshll.u32 v28, $0x8;
	v28 =	vshll.u32 v28, $0x7;
	v31 =	vmov s13;
	p0 =	slt.u32 s10, $0x36;
	v32 =	vld [tilespmem:s7+$0xFFFFFF50];
	[tilespmem:v23+s20+$0x0] =	vst.idx.msk $0xffff, v21  }
0x33b: {  	v21 =	vand.u32 $0x280, v28;
	v23 =	vshll.u32 v31, $0x8;
	v28 =	vshll.u32 v31, $0x7;
	[tilespmem:v27+s20+$0x0] =	vst.idx.msk $0xffff, v26;
	v26 =	vld [tilespmem:s0+$0xFFFFFFF0]  }
0x33c: {  	s12 =	sadd.s32 $0x100, s12;
	v17 =	vand.u32 $0x7800, v17;
	v23 =	vand.u32 $0x7FFFF800, v23;
	v27 =	vand.u32 $0x380, v28;
	v28 =	vld [tilespmem:s8+$0xFFFFFFC0];
	[tilespmem:v19+s20+$0x0] =	vst.idx.msk $0xffff, v15  }
0x33d: {  	v15 =	vor.u32 v21, v17;
	v19 =	vld [tilespmem:s12+$0xFFFFFF20];
	v31 =	vor.u32 v27, v23;
	[tilespmem:v22+s20+$0x0] =	vst.idx.msk $0xffff, v20  }
0x33e: {  	v20 =	vld [tilespmem:s12+$0xFFFFFFA0];
	v21 =	vor.u32 v1, v31;
	[tilespmem:v16+s20+$0x0] =	vst.idx.msk $0xffff, v25;
	v16 =	vor.u32 v2, v15  }
0x33f: {  	v22 =	vor.u32 v1, v15;
	v17 =	vld [tilespmem:s8+$0xFFFFFF40];
	[tilespmem:v24+s20+$0x0] =	vst.idx.msk $0xffff, v32  }
0x340: {  	v33 =	vor.u32 v5, v10;
	v32 =	vld [tilespmem:s7+$0xFFFFFF60];
	[tilespmem:v14+s20+$0x0] =	vst.idx.msk $0xffff, v26  }
0x341: {  	[tilespmem:v29+s20+$0x0] =	vst.idx.msk $0xffff, v28;
	v28 =	vld [tilespmem:s0+$0xFFFFFF80];
	v29 =	vor.u32 v7, v9;
	v9 =	vmovc v10;
	v10 =	vmov v13;
	v13 =	vmov v15  }
.Ltmp9:
0x342: {  	v24 =	vor.u32 v3, v10;
	[tilespmem:v18+s20+$0x0] =	vst.idx.msk $0xffff, v30;
	v15 =	vld [tilespmem:s0+$0x0];
	s0 =	smov.u32 s7;
	s7 =	smov.u32 s8;
	(pc) =	sbr.rel @p0 .LBB2_21-.Ltmp9, $4  }
0x343: {  	v23 =	vor.u32 v5, v11;
	s8 =	smov.u32 s12;
	[tilespmem:v21+s20+$0x0] =	vst.idx.msk $0xffff, v20;
	v21 =	vld [tilespmem:s0+$0xFFFFFFE0]  }
0x344: {  	v27 =	vor.u32 v2, v31;
	[tilespmem:v22+s20+$0x0] =	vst.idx.msk $0xffff, v19;
	v26 =	vld [tilespmem:s12+$0xFFFFFFB0];
	v19 =	vor.u32 v7, v8;
	v8 =	vmov v11  }
0x345: {  	v11 =	vmov v12;
	v12 =	vmov v31;
	v25 =	vld [tilespmem:s12+$0xFFFFFF30];
	[tilespmem:v33+s20+$0x0] =	vst.idx.msk $0xffff, v32;
	v14 =	vor.u32 v6, v8  }
0x346: {  	s11 =	sadd.s32 $0x4, s11;
	v22 =	vor.u32 v6, v9;
	v18 =	vor.u32 v4, v11;
	v20 =	vld [tilespmem:s0+$0xFFFFFF70];
	[tilespmem:v29+s20+$0x0] =	vst.idx.msk $0xffff, v28  }
0x347: {  	_ =	sdelay $0x3  }
0x348: {  	[tilespmem:v27+s20+$0x0] =	vst.idx.msk $0xffff, v26  }
0x349: {  	v43 =	vor.u32 v3, v12;
	[tilespmem:v16+s20+$0x0] =	vst.idx.msk $0xffff, v25;
	v27 =	vld [tilespmem:s8+$0xFFFFFFC0]  }
0x34a: {  	v42 =	vor.u32 v3, v13;
	v16 =	vld [tilespmem:s8+$0xFFFFFF40];
	_ =	sdelay $0x2  }
0x34b: {  	[tilespmem:v24+s20+$0x0] =	vst.idx.msk $0xffff, v17;
	v28 =	vld [tilespmem:s7+$0xFFFFFFD0]  }
0x34c: {  	v44 =	vor.u32 v4, v10;
	v24 =	vld [tilespmem:s7+$0xFFFFFF50];
	[tilespmem:v43+s20+$0x0] =	vst.idx.msk $0xffff, v27  }
0x34d: {  	v46 =	vor.u32 v4, v12;
	[tilespmem:v42+s20+$0x0] =	vst.idx.msk $0xffff, v16;
	v27 =	vld [tilespmem:s8+$0xFFFFFFD0]  }
0x34e: {  	v45 =	vor.u32 v4, v13;
	v25 =	vld [tilespmem:s8+$0xFFFFFF50];
	_ =	sdelay $0x1  }
0x34f: {  	[tilespmem:v18+s20+$0x0] =	vst.idx.msk $0xffff, v28  }
0x350: {  	v48 =	vor.u32 v5, v11;
	[tilespmem:v44+s20+$0x0] =	vst.idx.msk $0xffff, v24;
	v18 =	vld [tilespmem:s7+$0xFFFFFFE0]  }
0x351: {  	v47 =	vor.u32 v5, v10;
	v17 =	vld [tilespmem:s7+$0xFFFFFF60];
	[tilespmem:v46+s20+$0x0] =	vst.idx.msk $0xffff, v27  }
0x352: {  	v51 =	vor.u32 v5, v12;
	[tilespmem:v45+s20+$0x0] =	vst.idx.msk $0xffff, v25;
	v50 =	vld [tilespmem:s8+$0xFFFFFFE0]  }
0x353: {  	v49 =	vor.u32 v5, v13;
	[tilespmem:v19+s20+$0x0] =	vst.idx.msk $0xffff, v15;
	v16 =	vld [tilespmem:s8+$0xFFFFFF60]  }
0x354: {  	[tilespmem:v23+s20+$0x0] =	vst.idx.msk $0xffff, v21  }
0x355: {  	v52 =	vld [tilespmem:s0+$0xFFFFFFF0];
	[tilespmem:v48+s20+$0x0] =	vst.idx.msk $0xffff, v18  }
0x356: {  	v54 =	vor.u32 v6, v11;
	[tilespmem:v47+s20+$0x0] =	vst.idx.msk $0xffff, v17;
	v55 =	vld [tilespmem:s7+$0xFFFFFFF0]  }
0x357: {  	v53 =	vor.u32 v6, v10;
	v17 =	vld [tilespmem:s7+$0xFFFFFF70];
	[tilespmem:v51+s20+$0x0] =	vst.idx.msk $0xffff, v50  }
0x358: {  	v57 =	vor.u32 v6, v12;
	[tilespmem:v49+s20+$0x0] =	vst.idx.msk $0xffff, v16;
	v21 =	vld [tilespmem:s8+$0xFFFFFFF0]  }
0x359: {  	v56 =	vor.u32 v6, v13;
	[tilespmem:v22+s20+$0x0] =	vst.idx.msk $0xffff, v20;
	v16 =	vld [tilespmem:s8+$0xFFFFFF70]  }
0x35a: {  	v9 =	vor.u32 v7, v9;
	v58 =	vld [tilespmem:s0+$0xFFFFFF80];
	[tilespmem:v14+s20+$0x0] =	vst.idx.msk $0xffff, v52  }
0x35b: {  	v8 =	vor.u32 v7, v8;
	v15 =	vld [tilespmem:s0+$0x0];
	[tilespmem:v54+s20+$0x0] =	vst.idx.msk $0xffff, v55  }
0x35c: {  	v60 =	vor.u32 v7, v11;
	[tilespmem:v53+s20+$0x0] =	vst.idx.msk $0xffff, v17;
	v18 =	vld [tilespmem:s7+$0x0]  }
0x35d: {  	v59 =	vor.u32 v7, v10;
	v17 =	vld [tilespmem:s7+$0xFFFFFF80];
	[tilespmem:v57+s20+$0x0] =	vst.idx.msk $0xffff, v21  }
0x35e: {  	v63 =	vor.u32 v7, v12;
	[tilespmem:v56+s20+$0x0] =	vst.idx.msk $0xffff, v16;
	v62 =	vld [tilespmem:s8+$0x0]  }
0x35f: {  	v61 =	vor.u32 v7, v13;
	s29 =	sadd.s32 $0x1, s29;
	[tilespmem:v9+s20+$0x0] =	vst.idx.msk $0xffff, v58;
	v16 =	vld [tilespmem:s8+$0xFFFFFF80]  }
0x360: {  	p0 =	sne.s32 s29, $0x18;
	[tilespmem:v8+s20+$0x0] =	vst.idx.msk $0xffff, v15  }
.Ltmp10:
0x361: {  	[tilespmem:v60+s20+$0x0] =	vst.idx.msk $0xffff, v18;
	(pc) =	sbr.rel @p0 .LBB2_14-.Ltmp10, $4  }
0x362: {  	[tilespmem:v59+s20+$0x0] =	vst.idx.msk $0xffff, v17  }
0x363: {  	[tilespmem:v63+s20+$0x0] =	vst.idx.msk $0xffff, v62  }
0x364: {  	[tilespmem:v61+s20+$0x0] =	vst.idx.msk $0xffff, v16  }
0x365: {  	[hbm4b:s2+s5] =	stream.linear.scatter [tilespmem:s21], [sflag:$0x6], $0x3800, $0x38;
	[tilespmem:$0x11800] =	vst v63  }
0x366: {  	_ =	swait.ge [sflag:s6], $0x1C00  }
0x367: {  	[sflag:s6] =	ssyncset.done $0x0  }
0x368: {  	[sflag:s6] =	ssyncadd.s32 $0xFFFFE400  }
0x369: {  	_ =	swait.ge [sflag:s22], $0x3800  }
0x36a: {  	[sflag:s22] =	ssyncset.done $0x0  }
0x36b: {  	[sflag:s22] =	ssyncadd.s32 $0xFFFFC800  }
0x36c: {  	_ =	swait.ge [sflag:s23], $0x3800  }
0x36d: {  	[sflag:s23] =	ssyncset.done $0x0  }
0x36e: {  	[sflag:s23] =	ssyncadd.s32 $0xFFFFC800  }
0x36f: {  	_ =	swait.ge [sflag:s24], $0x3800  }
0x370: {  	[sflag:s24] =	ssyncset.done $0x0  }
0x371: {  	[sflag:s24] =	ssyncadd.s32 $0xFFFFC800  }
0x372: {  	_ =	swait.ge [sflag:s25], $0x3800  }
0x373: {  	s26 =	sadd.s32 $0x1, s26;
	s0 =	rddreg [dreg:$0x9]  }
0x374: {  	p0 =	sne.s32 s26, s0  }
.Ltmp11:
0x375: {  	_ = 	snop;
	(pc) =	sbr.rel @p0 .LBB2_1-.Ltmp11, $3  }
0x376: {  	_ =	sdelay $0x1  }
0x377: {  	[sflag:s25] =	ssyncset.done $0x0  }
0x378: {  	[sflag:s25] =	ssyncadd.s32 $0xFFFFC800  }
0x379: {  	_ =	sfence.sel $0x180000  }
0x37a: {  	[bflag:$0x0] =	sbarrier.arrive $0xFFFF  }
0x37b: {  	_ =	strace $0x90000047  }
0x37c: {  	s0 =	stileid.u32;
	[bflag:$0x2] =	sbarrier.arrive $0xFFFF  }
0x37d: {  	p0 =	sne.s32 s0, $0x0;
	s0 =	rddreg [dreg:$0x2]  }
0x37e: {  	s0 =	sadd.s32 @!p0 $0x100000, s0  }
0x37f: {  	[sflag:s0] =	ssyncadd.tile.s32 @!p0 $0x1;
	_ =	shalt  }
.Lfunc_end2:
_tile_overlayer_lowered:
.L_overlay_start_2:
0x380: {  	(tag) =	ssettag $0x2  }
0x381: {  	s0 =	rddreg [dreg:$0x0];
	s2 =	stileid.u32  }
0x382: {  	s1 =	rddreg [dreg:$0x1];
	p0 =	sne.s32 s2, $0x0  }
0x383: {  	s3 =	rddreg [dreg:$0x2];
	[bflag:$0x3] =	sbarrier.arrive $0xFFFF;
	s2 =	simm.s32 @!p0 $0x1C07  }
0x384: {  	[timem:s3], [sflag:s2] =	dma.local @!p0 [hbm:s0], s1  }
0x385: {  	s0 =	simm.s32 @!p0 $0x7  }
0x386: {  	_ =	swait.ge @!p0 [sflag:s0], s1  }
0x387: {  	s1 =	ssub.s32 @!p0 $0x0, s1;
	[sflag:s0] =	ssyncset.done @!p0 $0x0  }
0x388: {  	[sflag:s0] =	ssyncadd.s32 @!p0 s1  }
0x389: {  	[bflag:$0x3] =	sbarrier.arrive $0xFFFF  }
0x38a: {  	_ =	shalt  }

</sc_bundles>
